<compile_context>
chip_gen: v7x
topology: tpu7x:2x2x1
jax: 0.10.2.dev20260603
libtpu: 0.0.44.dev20260713+nightly
codegen_flags: <defaults>
</compile_context>

<pallas_src>
import functools

import jax
import jax.numpy as jnp
from jax import lax
from jax.experimental import pallas as pl
from jax.experimental.pallas import tpu as pltpu
from jax.experimental.pallas import tpu_sc as plsc

N_NODES = 100000
HIDDEN = 128
NUM_GRAPHS = 512
NW = 32
CHUNK = 3136
TAIL = N_NODES - (NW - 1) * CHUNK
CGRP = HIDDEN // 16
CNT_BASE = NUM_GRAPHS
DUMP_SEG = 576
SEGT = 592


def _sc_partials():
    mesh = plsc.VectorSubcoreMesh(core_axis_name="c", subcore_axis_name="s")

    @functools.partial(
        pl.kernel,
        mesh=mesh,
        out_type=jax.ShapeDtypeStruct((NW, SEGT, HIDDEN), jnp.float32),
        scratch_types=[
            pltpu.VMEM((CHUNK,), jnp.float32),
            pltpu.VMEM((CHUNK,), jnp.int32),
            pltpu.VMEM((SEGT, HIDDEN), jnp.float32),
            pltpu.VMEM((HIDDEN,), jnp.float32),
            pltpu.VMEM((HIDDEN,), jnp.float32),
            pltpu.SemaphoreType.DMA,
            pltpu.SemaphoreType.DMA,
        ],
    )
    def k(x_hbm, seg_hbm, w_hbm, b_hbm, psum_hbm,
          x_v, seg_v, acc_v, w_v, b_v, semx, sems):
        wid = lax.axis_index("s") * 2 + lax.axis_index("c")
        base = wid * CHUNK
        is_tail = wid == NW - 1
        zero16 = jnp.zeros((16,), jnp.float32)

        def zero_acc():
            def zbody(r, carry):
                for j in range(CGRP):
                    acc_v[r, pl.ds(16 * j, 16)] = zero16
                return carry
            lax.fori_loop(0, SEGT, zbody, 0)

        @pl.when(jnp.logical_not(is_tail))
        def _():
            cx = pltpu.async_copy(x_hbm.at[pl.ds(base, CHUNK)], x_v, semx)
            cs = pltpu.async_copy(seg_hbm.at[pl.ds(base, CHUNK)], seg_v, sems)
            zero_acc()
            cx.wait()
            cs.wait()

        @pl.when(is_tail)
        def _():
            cx = pltpu.async_copy(
                x_hbm.at[pl.ds(base, TAIL)], x_v.at[pl.ds(0, TAIL)], semx)
            cs = pltpu.async_copy(
                seg_hbm.at[pl.ds(base, TAIL)], seg_v.at[pl.ds(0, TAIL)], sems)
            zero_acc()
            cx.wait()
            cs.wait()
            dump16 = jnp.full((16,), DUMP_SEG, jnp.int32)
            for t in range(TAIL, CHUNK, 16):
                x_v[pl.ds(t, 16)] = zero16
                seg_v[pl.ds(t, 16)] = dump16

        pltpu.sync_copy(w_hbm, w_v)
        pltpu.sync_copy(b_hbm, b_v)

        w_regs = [w_v[pl.ds(16 * j, 16)] for j in range(CGRP)]
        b_regs = [b_v[pl.ds(16 * j, 16)] for j in range(CGRP)]
        csix = jnp.full((16,), 0.0625, jnp.float32)

        @plsc.parallel_loop(0, CHUNK // 16, 1, unroll=4)
        def gbody(g):
            x16 = x_v[pl.ds(g * 16, 16)]
            s16 = seg_v[pl.ds(g * 16, 16)]
            for lane in range(16):
                xi = x16[lane]
                si = s16[lane]
                for j in range(CGRP):
                    h = jnp.maximum(xi * w_regs[j] + b_regs[j], 0.0)
                    plsc.addupdate(acc_v.at[si, pl.ds(16 * j, 16)], h)
                plsc.addupdate(
                    acc_v.at[CNT_BASE + (si >> 3), pl.ds((si & 7) * 16, 16)],
                    csix)

        pltpu.sync_copy(acc_v, psum_hbm.at[wid])

    return k


def _combine(psum):
    def body(ps_ref, out_ref, acc):
        i = pl.program_id(0)

        @pl.when(i == 0)
        def _():
            acc[...] = ps_ref[0]

        @pl.when(i > 0)
        def _():
            acc[...] += ps_ref[0]

        @pl.when(i == NW - 1)
        def _():
            s = acc[...]
            sums = s[:NUM_GRAPHS]
            craw = s[CNT_BASE:CNT_BASE + NUM_GRAPHS // 8]
            rep = jnp.broadcast_to(
                craw[:, None, :], (NUM_GRAPHS // 8, 8, HIDDEN)
            ).reshape(NUM_GRAPHS, HIDDEN)
            lane_grp = lax.broadcasted_iota(
                jnp.int32, (NUM_GRAPHS, HIDDEN), 1) // 16
            seg_grp = lax.broadcasted_iota(
                jnp.int32, (NUM_GRAPHS, HIDDEN), 0) % 8
            cnt = jnp.sum(
                jnp.where(lane_grp == seg_grp, rep, 0.0), axis=1,
                keepdims=True)
            out_ref[...] = sums / jnp.maximum(cnt, 1.0)

    return pl.pallas_call(
        body,
        grid=(NW,),
        in_specs=[pl.BlockSpec((1, SEGT, HIDDEN), lambda i: (i, 0, 0))],
        out_specs=pl.BlockSpec((NUM_GRAPHS, HIDDEN), lambda i: (0, 0)),
        scratch_shapes=[pltpu.VMEM((SEGT, HIDDEN), jnp.float32)],
        out_shape=jax.ShapeDtypeStruct((NUM_GRAPHS, HIDDEN), jnp.float32),
    )(psum)


def kernel(x, edge_index, batch, W, b):
    del edge_index
    x_flat = x.reshape(N_NODES)
    seg = batch.astype(jnp.int32)
    w_flat = W.reshape(HIDDEN)
    b_flat = b.reshape(HIDDEN)
    psum = _sc_partials()(x_flat, seg, w_flat, b_flat)
    return _combine(psum)

# --- scband reference (transcript-rebuilt; emitter-appended) ---
"""Pipeline reference for scband-gcn-73821897884304 (READ-ONLY COPY).

The authoritative reference and input builder live on the scoring server;
editing this copy changes nothing except your own understanding.
"""

import jax, jax.numpy as jnp
import numpy as np

N_NODES = 100000
N_EDGES = 3200000
HIDDEN = 128
NUM_GRAPHS = 512

def setup_inputs(seed: int = 0) -> dict:
    key = jax.random.key(seed)
    k_x, k_e, k_b, k_w, k_bias = jax.random.split(key, 5)
    x = jax.random.normal(k_x, (N_NODES, 1), dtype=jnp.float32)
    edge_index = jax.random.randint(k_e, (2, N_EDGES), 0, N_NODES, dtype=jnp.int64)
    batch = jnp.sort(jax.random.randint(k_b, (N_NODES,), 0, NUM_GRAPHS, dtype=jnp.int64))
    # Learned params for nn.Linear(1, hidden_channels)
    W = jax.random.normal(k_w, (1, HIDDEN), dtype=jnp.float32) * (1.0 / np.sqrt(1.0))
    b = jax.random.normal(k_bias, (HIDDEN,), dtype=jnp.float32) * 0.01
    return {"x": x, "edge_index": edge_index, "batch": batch, "W": W, "b": b}

def reference(x, edge_index, batch, W, b):
    # x = self.conv1(x)  -> Linear(1, hidden)
    h = x @ W + b
    # x = F.relu(x)
    h = jax.nn.relu(h)
    # x = global_mean_pool(x, batch)
    sums = jax.ops.segment_sum(h, batch, num_segments=NUM_GRAPHS)
    counts = jax.ops.segment_sum(jnp.ones((h.shape[0],), dtype=h.dtype), batch, num_segments=NUM_GRAPHS)
    counts = jnp.maximum(counts, 1.0)
    pooled = sums / counts[:, None]
    return pooled

if __name__ == "__main__":
    import jax
    _d = setup_inputs()
    print(jax.jit(kernel)(*tuple(_d.values())))

</pallas_src>

<mosaic_0001>
#map = affine_map<(d0, d1) -> (0)>
#map1 = affine_map<(d0, d1) -> (0, 0, 0)>
module attributes {stable_mosaic.version = 14 : i64} {
  func.func @k(%arg0: i32, %arg1: i32, %arg2: memref<100000xf32, #tpu.memory_space<hbm>>, %arg3: memref<100000xi32, #tpu.memory_space<hbm>>, %arg4: memref<128xf32, #tpu.memory_space<hbm>>, %arg5: memref<128xf32, #tpu.memory_space<hbm>>, %arg6: memref<32x592x128xf32, #tpu.memory_space<hbm>>, %arg7: memref<3136xf32, #tpu.memory_space<vmem>>, %arg8: memref<3136xi32, #tpu.memory_space<vmem>>, %arg9: memref<592x128xf32, #tpu.memory_space<vmem>>, %arg10: memref<128xf32, #tpu.memory_space<vmem>>, %arg11: memref<128xf32, #tpu.memory_space<vmem>>, %arg12: memref<!tpu.dma_semaphore, #tpu.memory_space<semaphore_mem>>, %arg13: memref<!tpu.dma_semaphore, #tpu.memory_space<semaphore_mem>>) attributes {dimension_semantics = [#tpu.dimension_semantics<core_parallel>, #tpu.dimension_semantics<subcore_parallel>], iteration_bounds = array<i64: 2, 16>, scalar_prefetch = 0 : i64, scratch_operands = 7 : i64, tpu.core_type = #tpu.core_type<sc_vector_subcore>, window_params = [{transform_indices = #map}, {transform_indices = #map}, {transform_indices = #map}, {transform_indices = #map}, {transform_indices = #map1}]} {
    %mul3A = arith.constant 2 : i32
    %mul3A_0 = arith.muli %arg1, %mul3A : i32
    %add3A = arith.addi %mul3A_0, %arg0 : i32
    %mul3A_1 = arith.constant 3136 : i32
    %mul3A_2 = arith.muli %add3A, %mul3A_1 : i32
    %eq3A = arith.constant 31 : i32
    %eq3A_3 = arith.cmpi eq, %add3A, %eq3A : i32
    %broadcast_in_dim3A = arith.constant 0.000000e+00 : f32
    %broadcast_in_dim3A_4 = vector.broadcast %broadcast_in_dim3A : f32 to vector<16xf32>
    %not3A = arith.constant true
    %not3A_5 = arith.xori %eq3A_3, %not3A : i1
    %convert_element_type3A = arith.extui %not3A_5 : i1 to i32
    %cond3A = arith.constant 0 : i32
    %cond3A_6 = arith.cmpi ne, %convert_element_type3A, %cond3A : i32
    scf.if %cond3A_6 {
      %dma_start3A = tpu.memref_slice %arg2[%mul3A_2] : memref<100000xf32, #tpu.memory_space<hbm>> -> memref<3136xf32, #tpu.memory_space<hbm>>
      %dma_start3A_61 = tpu.memref_slice %arg2[%mul3A_2] : memref<100000xf32, #tpu.memory_space<hbm>> -> memref<3136xf32, #tpu.memory_space<hbm>>
      tpu.enqueue_dma source(%dma_start3A_61 : memref<3136xf32, #tpu.memory_space<hbm>>) target(%arg7 : memref<3136xf32, #tpu.memory_space<vmem>>) target_semaphore(%arg12 : memref<!tpu.dma_semaphore, #tpu.memory_space<semaphore_mem>>)
      %dma_start3A_62 = tpu.memref_slice %arg3[%mul3A_2] : memref<100000xi32, #tpu.memory_space<hbm>> -> memref<3136xi32, #tpu.memory_space<hbm>>
      %dma_start3A_63 = tpu.memref_slice %arg3[%mul3A_2] : memref<100000xi32, #tpu.memory_space<hbm>> -> memref<3136xi32, #tpu.memory_space<hbm>>
      tpu.enqueue_dma source(%dma_start3A_63 : memref<3136xi32, #tpu.memory_space<hbm>>) target(%arg8 : memref<3136xi32, #tpu.memory_space<vmem>>) target_semaphore(%arg13 : memref<!tpu.dma_semaphore, #tpu.memory_space<semaphore_mem>>)
      %scan3A = arith.constant 0 : i32
      %scan3A_64 = arith.constant 0 : i32
      %scan3A_65 = arith.constant 592 : i32
      %scan3A_66 = arith.addi %scan3A_64, %scan3A_65 : i32
      %scan3A_67 = arith.constant 1 : i32
      scf.for %scan3A_72 = %scan3A_64 to %scan3A_66 step %scan3A_67  : i32 {
        %swap3A = arith.index_cast %scan3A_72 : i32 to index
        %swap3A_73 = arith.constant 0 : index
        %swap3A_74 = tpu.vector_load %arg9[%swap3A, %swap3A_73] {strides = array<i32>} : memref<592x128xf32, #tpu.memory_space<vmem>>, vector<1x16xf32>,
        %swap3A_75 = vector.shape_cast %swap3A_74 : vector<1x16xf32> to vector<16xf32>
        %swap3A_76 = vector.shape_cast %broadcast_in_dim3A_4 : vector<16xf32> to vector<1x16xf32>
        tpu.vector_store %arg9[%swap3A, %swap3A_73], %swap3A_76 {strides = array<i32>} : memref<592x128xf32, #tpu.memory_space<vmem>>, vector<1x16xf32>,
        %swap3A_77 = arith.index_cast %scan3A_72 : i32 to index
        %swap3A_78 = arith.constant 16 : index
        %swap3A_79 = tpu.vector_load %arg9[%swap3A_77, %swap3A_78] {strides = array<i32>} : memref<592x128xf32, #tpu.memory_space<vmem>>, vector<1x16xf32>,
        %swap3A_80 = vector.shape_cast %swap3A_79 : vector<1x16xf32> to vector<16xf32>
        %swap3A_81 = vector.shape_cast %broadcast_in_dim3A_4 : vector<16xf32> to vector<1x16xf32>
        tpu.vector_store %arg9[%swap3A_77, %swap3A_78], %swap3A_81 {strides = array<i32>} : memref<592x128xf32, #tpu.memory_space<vmem>>, vector<1x16xf32>,
        %swap3A_82 = arith.index_cast %scan3A_72 : i32 to index
        %swap3A_83 = arith.constant 32 : index
        %swap3A_84 = tpu.vector_load %arg9[%swap3A_82, %swap3A_83] {strides = array<i32>} : memref<592x128xf32, #tpu.memory_space<vmem>>, vector<1x16xf32>,
        %swap3A_85 = vector.shape_cast %swap3A_84 : vector<1x16xf32> to vector<16xf32>
        %swap3A_86 = vector.shape_cast %broadcast_in_dim3A_4 : vector<16xf32> to vector<1x16xf32>
        tpu.vector_store %arg9[%swap3A_82, %swap3A_83], %swap3A_86 {strides = array<i32>} : memref<592x128xf32, #tpu.memory_space<vmem>>, vector<1x16xf32>,
        %swap3A_87 = arith.index_cast %scan3A_72 : i32 to index
        %swap3A_88 = arith.constant 48 : index
        %swap3A_89 = tpu.vector_load %arg9[%swap3A_87, %swap3A_88] {strides = array<i32>} : memref<592x128xf32, #tpu.memory_space<vmem>>, vector<1x16xf32>,
        %swap3A_90 = vector.shape_cast %swap3A_89 : vector<1x16xf32> to vector<16xf32>
        %swap3A_91 = vector.shape_cast %broadcast_in_dim3A_4 : vector<16xf32> to vector<1x16xf32>
        tpu.vector_store %arg9[%swap3A_87, %swap3A_88], %swap3A_91 {strides = array<i32>} : memref<592x128xf32, #tpu.memory_space<vmem>>, vector<1x16xf32>,
        %swap3A_92 = arith.index_cast %scan3A_72 : i32 to index
        %swap3A_93 = arith.constant 64 : index
        %swap3A_94 = tpu.vector_load %arg9[%swap3A_92, %swap3A_93] {strides = array<i32>} : memref<592x128xf32, #tpu.memory_space<vmem>>, vector<1x16xf32>,
        %swap3A_95 = vector.shape_cast %swap3A_94 : vector<1x16xf32> to vector<16xf32>
        %swap3A_96 = vector.shape_cast %broadcast_in_dim3A_4 : vector<16xf32> to vector<1x16xf32>
        tpu.vector_store %arg9[%swap3A_92, %swap3A_93], %swap3A_96 {strides = array<i32>} : memref<592x128xf32, #tpu.memory_space<vmem>>, vector<1x16xf32>,
        %swap3A_97 = arith.index_cast %scan3A_72 : i32 to index
        %swap3A_98 = arith.constant 80 : index
        %swap3A_99 = tpu.vector_load %arg9[%swap3A_97, %swap3A_98] {strides = array<i32>} : memref<592x128xf32, #tpu.memory_space<vmem>>, vector<1x16xf32>,
        %swap3A_100 = vector.shape_cast %swap3A_99 : vector<1x16xf32> to vector<16xf32>
        %swap3A_101 = vector.shape_cast %broadcast_in_dim3A_4 : vector<16xf32> to vector<1x16xf32>
        tpu.vector_store %arg9[%swap3A_97, %swap3A_98], %swap3A_101 {strides = array<i32>} : memref<592x128xf32, #tpu.memory_space<vmem>>, vector<1x16xf32>,
        %swap3A_102 = arith.index_cast %scan3A_72 : i32 to index
        %swap3A_103 = arith.constant 96 : index
        %swap3A_104 = tpu.vector_load %arg9[%swap3A_102, %swap3A_103] {strides = array<i32>} : memref<592x128xf32, #tpu.memory_space<vmem>>, vector<1x16xf32>,
        %swap3A_105 = vector.shape_cast %swap3A_104 : vector<1x16xf32> to vector<16xf32>
        %swap3A_106 = vector.shape_cast %broadcast_in_dim3A_4 : vector<16xf32> to vector<1x16xf32>
        tpu.vector_store %arg9[%swap3A_102, %swap3A_103], %swap3A_106 {strides = array<i32>} : memref<592x128xf32, #tpu.memory_space<vmem>>, vector<1x16xf32>,
        %swap3A_107 = arith.index_cast %scan3A_72 : i32 to index
        %swap3A_108 = arith.constant 112 : index
        %swap3A_109 = tpu.vector_load %arg9[%swap3A_107, %swap3A_108] {strides = array<i32>} : memref<592x128xf32, #tpu.memory_space<vmem>>, vector<1x16xf32>,
        %swap3A_110 = vector.shape_cast %swap3A_109 : vector<1x16xf32> to vector<16xf32>
        %swap3A_111 = vector.shape_cast %broadcast_in_dim3A_4 : vector<16xf32> to vector<1x16xf32>
        tpu.vector_store %arg9[%swap3A_107, %swap3A_108], %swap3A_111 {strides = array<i32>} : memref<592x128xf32, #tpu.memory_space<vmem>>, vector<1x16xf32>,
      }
      %scan3A_68 = arith.constant 592 : i32
      %dma_wait3A = tpu.memref_slice %arg2[%mul3A_2] : memref<100000xf32, #tpu.memory_space<hbm>> -> memref<3136xf32, #tpu.memory_space<hbm>>
      %dma_wait3A_69 = tpu.memref_slice %arg2[%mul3A_2] : memref<100000xf32, #tpu.memory_space<hbm>> -> memref<3136xf32, #tpu.memory_space<hbm>>
      tpu.wait_dma2 semaphore(%arg12 : memref<!tpu.dma_semaphore, #tpu.memory_space<semaphore_mem>>) src(%dma_wait3A_69 : memref<3136xf32, #tpu.memory_space<hbm>>) dst(%arg7 : memref<3136xf32, #tpu.memory_space<vmem>>)
      %dma_wait3A_70 = tpu.memref_slice %arg3[%mul3A_2] : memref<100000xi32, #tpu.memory_space<hbm>> -> memref<3136xi32, #tpu.memory_space<hbm>>
      %dma_wait3A_71 = tpu.memref_slice %arg3[%mul3A_2] : memref<100000xi32, #tpu.memory_space<hbm>> -> memref<3136xi32, #tpu.memory_space<hbm>>
      tpu.wait_dma2 semaphore(%arg13 : memref<!tpu.dma_semaphore, #tpu.memory_space<semaphore_mem>>) src(%dma_wait3A_71 : memref<3136xi32, #tpu.memory_space<hbm>>) dst(%arg8 : memref<3136xi32, #tpu.memory_space<vmem>>)
    } else {
    }
    %convert_element_type3A_7 = arith.extui %eq3A_3 : i1 to i32
    %cond3A_8 = arith.constant 0 : i32
    %cond3A_9 = arith.cmpi ne, %convert_element_type3A_7, %cond3A_8 : i32
    scf.if %cond3A_9 {
      %dma_start3A = arith.constant 0 : i32
      %dma_start3A_61 = tpu.memref_slice %arg7[%dma_start3A] : memref<3136xf32, #tpu.memory_space<vmem>> -> memref<2784xf32, #tpu.memory_space<vmem>>
      %dma_start3A_62 = tpu.memref_slice %arg2[%mul3A_2] : memref<100000xf32, #tpu.memory_space<hbm>> -> memref<2784xf32, #tpu.memory_space<hbm>>
      %dma_start3A_63 = arith.constant 0 : i32
      %dma_start3A_64 = tpu.memref_slice %arg7[%dma_start3A_63] : memref<3136xf32, #tpu.memory_space<vmem>> -> memref<2784xf32, #tpu.memory_space<vmem>>
      %dma_start3A_65 = tpu.memref_slice %arg2[%mul3A_2] : memref<100000xf32, #tpu.memory_space<hbm>> -> memref<2784xf32, #tpu.memory_space<hbm>>
      tpu.enqueue_dma source(%dma_start3A_65 : memref<2784xf32, #tpu.memory_space<hbm>>) target(%dma_start3A_64 : memref<2784xf32, #tpu.memory_space<vmem>>) target_semaphore(%arg12 : memref<!tpu.dma_semaphore, #tpu.memory_space<semaphore_mem>>)
      %dma_start3A_66 = arith.constant 0 : i32
      %dma_start3A_67 = tpu.memref_slice %arg8[%dma_start3A_66] : memref<3136xi32, #tpu.memory_space<vmem>> -> memref<2784xi32, #tpu.memory_space<vmem>>
      %dma_start3A_68 = tpu.memref_slice %arg3[%mul3A_2] : memref<100000xi32, #tpu.memory_space<hbm>> -> memref<2784xi32, #tpu.memory_space<hbm>>
      %dma_start3A_69 = arith.constant 0 : i32
      %dma_start3A_70 = tpu.memref_slice %arg8[%dma_start3A_69] : memref<3136xi32, #tpu.memory_space<vmem>> -> memref<2784xi32, #tpu.memory_space<vmem>>
      %dma_start3A_71 = tpu.memref_slice %arg3[%mul3A_2] : memref<100000xi32, #tpu.memory_space<hbm>> -> memref<2784xi32, #tpu.memory_space<hbm>>
      tpu.enqueue_dma source(%dma_start3A_71 : memref<2784xi32, #tpu.memory_space<hbm>>) target(%dma_start3A_70 : memref<2784xi32, #tpu.memory_space<vmem>>) target_semaphore(%arg13 : memref<!tpu.dma_semaphore, #tpu.memory_space<semaphore_mem>>)
      %scan3A = arith.constant 0 : i32
      %scan3A_72 = arith.constant 0 : i32
      %scan3A_73 = arith.constant 592 : i32
      %scan3A_74 = arith.addi %scan3A_72, %scan3A_73 : i32
      %scan3A_75 = arith.constant 1 : i32
      scf.for %scan3A_265 = %scan3A_72 to %scan3A_74 step %scan3A_75  : i32 {
        %swap3A_266 = arith.index_cast %scan3A_265 : i32 to index
        %swap3A_267 = arith.constant 0 : index
        %swap3A_268 = tpu.vector_load %arg9[%swap3A_266, %swap3A_267] {strides = array<i32>} : memref<592x128xf32, #tpu.memory_space<vmem>>, vector<1x16xf32>,
        %swap3A_269 = vector.shape_cast %swap3A_268 : vector<1x16xf32> to vector<16xf32>
        %swap3A_270 = vector.shape_cast %broadcast_in_dim3A_4 : vector<16xf32> to vector<1x16xf32>
        tpu.vector_store %arg9[%swap3A_266, %swap3A_267], %swap3A_270 {strides = array<i32>} : memref<592x128xf32, #tpu.memory_space<vmem>>, vector<1x16xf32>,
        %swap3A_271 = arith.index_cast %scan3A_265 : i32 to index
        %swap3A_272 = arith.constant 16 : index
        %swap3A_273 = tpu.vector_load %arg9[%swap3A_271, %swap3A_272] {strides = array<i32>} : memref<592x128xf32, #tpu.memory_space<vmem>>, vector<1x16xf32>,
        %swap3A_274 = vector.shape_cast %swap3A_273 : vector<1x16xf32> to vector<16xf32>
        %swap3A_275 = vector.shape_cast %broadcast_in_dim3A_4 : vector<16xf32> to vector<1x16xf32>
        tpu.vector_store %arg9[%swap3A_271, %swap3A_272], %swap3A_275 {strides = array<i32>} : memref<592x128xf32, #tpu.memory_space<vmem>>, vector<1x16xf32>,
        %swap3A_276 = arith.index_cast %scan3A_265 : i32 to index
        %swap3A_277 = arith.constant 32 : index
        %swap3A_278 = tpu.vector_load %arg9[%swap3A_276, %swap3A_277] {strides = array<i32>} : memref<592x128xf32, #tpu.memory_space<vmem>>, vector<1x16xf32>,
        %swap3A_279 = vector.shape_cast %swap3A_278 : vector<1x16xf32> to vector<16xf32>
        %swap3A_280 = vector.shape_cast %broadcast_in_dim3A_4 : vector<16xf32> to vector<1x16xf32>
        tpu.vector_store %arg9[%swap3A_276, %swap3A_277], %swap3A_280 {strides = array<i32>} : memref<592x128xf32, #tpu.memory_space<vmem>>, vector<1x16xf32>,
        %swap3A_281 = arith.index_cast %scan3A_265 : i32 to index
        %swap3A_282 = arith.constant 48 : index
        %swap3A_283 = tpu.vector_load %arg9[%swap3A_281, %swap3A_282] {strides = array<i32>} : memref<592x128xf32, #tpu.memory_space<vmem>>, vector<1x16xf32>,
        %swap3A_284 = vector.shape_cast %swap3A_283 : vector<1x16xf32> to vector<16xf32>
        %swap3A_285 = vector.shape_cast %broadcast_in_dim3A_4 : vector<16xf32> to vector<1x16xf32>
        tpu.vector_store %arg9[%swap3A_281, %swap3A_282], %swap3A_285 {strides = array<i32>} : memref<592x128xf32, #tpu.memory_space<vmem>>, vector<1x16xf32>,
        %swap3A_286 = arith.index_cast %scan3A_265 : i32 to index
        %swap3A_287 = arith.constant 64 : index
        %swap3A_288 = tpu.vector_load %arg9[%swap3A_286, %swap3A_287] {strides = array<i32>} : memref<592x128xf32, #tpu.memory_space<vmem>>, vector<1x16xf32>,
        %swap3A_289 = vector.shape_cast %swap3A_288 : vector<1x16xf32> to vector<16xf32>
        %swap3A_290 = vector.shape_cast %broadcast_in_dim3A_4 : vector<16xf32> to vector<1x16xf32>
        tpu.vector_store %arg9[%swap3A_286, %swap3A_287], %swap3A_290 {strides = array<i32>} : memref<592x128xf32, #tpu.memory_space<vmem>>, vector<1x16xf32>,
        %swap3A_291 = arith.index_cast %scan3A_265 : i32 to index
        %swap3A_292 = arith.constant 80 : index
        %swap3A_293 = tpu.vector_load %arg9[%swap3A_291, %swap3A_292] {strides = array<i32>} : memref<592x128xf32, #tpu.memory_space<vmem>>, vector<1x16xf32>,
        %swap3A_294 = vector.shape_cast %swap3A_293 : vector<1x16xf32> to vector<16xf32>
        %swap3A_295 = vector.shape_cast %broadcast_in_dim3A_4 : vector<16xf32> to vector<1x16xf32>
        tpu.vector_store %arg9[%swap3A_291, %swap3A_292], %swap3A_295 {strides = array<i32>} : memref<592x128xf32, #tpu.memory_space<vmem>>, vector<1x16xf32>,
        %swap3A_296 = arith.index_cast %scan3A_265 : i32 to index
        %swap3A_297 = arith.constant 96 : index
        %swap3A_298 = tpu.vector_load %arg9[%swap3A_296, %swap3A_297] {strides = array<i32>} : memref<592x128xf32, #tpu.memory_space<vmem>>, vector<1x16xf32>,
        %swap3A_299 = vector.shape_cast %swap3A_298 : vector<1x16xf32> to vector<16xf32>
        %swap3A_300 = vector.shape_cast %broadcast_in_dim3A_4 : vector<16xf32> to vector<1x16xf32>
        tpu.vector_store %arg9[%swap3A_296, %swap3A_297], %swap3A_300 {strides = array<i32>} : memref<592x128xf32, #tpu.memory_space<vmem>>, vector<1x16xf32>,
        %swap3A_301 = arith.index_cast %scan3A_265 : i32 to index
        %swap3A_302 = arith.constant 112 : index
        %swap3A_303 = tpu.vector_load %arg9[%swap3A_301, %swap3A_302] {strides = array<i32>} : memref<592x128xf32, #tpu.memory_space<vmem>>, vector<1x16xf32>,
        %swap3A_304 = vector.shape_cast %swap3A_303 : vector<1x16xf32> to vector<16xf32>
        %swap3A_305 = vector.shape_cast %broadcast_in_dim3A_4 : vector<16xf32> to vector<1x16xf32>
        tpu.vector_store %arg9[%swap3A_301, %swap3A_302], %swap3A_305 {strides = array<i32>} : memref<592x128xf32, #tpu.memory_space<vmem>>, vector<1x16xf32>,
      }
      %scan3A_76 = arith.constant 592 : i32
      %dma_wait3A = arith.constant 0 : i32
      %dma_wait3A_77 = tpu.memref_slice %arg7[%dma_wait3A] : memref<3136xf32, #tpu.memory_space<vmem>> -> memref<2784xf32, #tpu.memory_space<vmem>>
      %dma_wait3A_78 = tpu.memref_slice %arg2[%mul3A_2] : memref<100000xf32, #tpu.memory_space<hbm>> -> memref<2784xf32, #tpu.memory_space<hbm>>
      %dma_wait3A_79 = arith.constant 0 : i32
      %dma_wait3A_80 = tpu.memref_slice %arg7[%dma_wait3A_79] : memref<3136xf32, #tpu.memory_space<vmem>> -> memref<2784xf32, #tpu.memory_space<vmem>>
      %dma_wait3A_81 = tpu.memref_slice %arg2[%mul3A_2] : memref<100000xf32, #tpu.memory_space<hbm>> -> memref<2784xf32, #tpu.memory_space<hbm>>
      tpu.wait_dma2 semaphore(%arg12 : memref<!tpu.dma_semaphore, #tpu.memory_space<semaphore_mem>>) src(%dma_wait3A_81 : memref<2784xf32, #tpu.memory_space<hbm>>) dst(%dma_wait3A_80 : memref<2784xf32, #tpu.memory_space<vmem>>)
      %dma_wait3A_82 = arith.constant 0 : i32
      %dma_wait3A_83 = tpu.memref_slice %arg8[%dma_wait3A_82] : memref<3136xi32, #tpu.memory_space<vmem>> -> memref<2784xi32, #tpu.memory_space<vmem>>
      %dma_wait3A_84 = tpu.memref_slice %arg3[%mul3A_2] : memref<100000xi32, #tpu.memory_space<hbm>> -> memref<2784xi32, #tpu.memory_space<hbm>>
      %dma_wait3A_85 = arith.constant 0 : i32
      %dma_wait3A_86 = tpu.memref_slice %arg8[%dma_wait3A_85] : memref<3136xi32, #tpu.memory_space<vmem>> -> memref<2784xi32, #tpu.memory_space<vmem>>
      %dma_wait3A_87 = tpu.memref_slice %arg3[%mul3A_2] : memref<100000xi32, #tpu.memory_space<hbm>> -> memref<2784xi32, #tpu.memory_space<hbm>>
      tpu.wait_dma2 semaphore(%arg13 : memref<!tpu.dma_semaphore, #tpu.memory_space<semaphore_mem>>) src(%dma_wait3A_87 : memref<2784xi32, #tpu.memory_space<hbm>>) dst(%dma_wait3A_86 : memref<2784xi32, #tpu.memory_space<vmem>>)
      %broadcast_in_dim3A_88 = arith.constant 576 : i32
      %broadcast_in_dim3A_89 = vector.broadcast %broadcast_in_dim3A_88 : i32 to vector<16xi32>
      %swap3A = arith.constant 2784 : index
      %swap3A_90 = tpu.vector_load %arg7[%swap3A] {strides = array<i32>} : memref<3136xf32, #tpu.memory_space<vmem>>, vector<16xf32>,
      %swap3A_91 = vector.shape_cast %swap3A_90 : vector<16xf32> to vector<16xf32>
      %swap3A_92 = vector.shape_cast %broadcast_in_dim3A_4 : vector<16xf32> to vector<16xf32>
      tpu.vector_store %arg7[%swap3A], %swap3A_92 {strides = array<i32>} : memref<3136xf32, #tpu.memory_space<vmem>>, vector<16xf32>,
      %swap3A_93 = arith.constant 2784 : index
      %swap3A_94 = tpu.vector_load %arg8[%swap3A_93] {strides = array<i32>} : memref<3136xi32, #tpu.memory_space<vmem>>, vector<16xi32>,
      %swap3A_95 = vector.shape_cast %swap3A_94 : vector<16xi32> to vector<16xi32>
      %swap3A_96 = vector.shape_cast %broadcast_in_dim3A_89 : vector<16xi32> to vector<16xi32>
      tpu.vector_store %arg8[%swap3A_93], %swap3A_96 {strides = array<i32>} : memref<3136xi32, #tpu.memory_space<vmem>>, vector<16xi32>,
      %swap3A_97 = arith.constant 2800 : index
      %swap3A_98 = tpu.vector_load %arg7[%swap3A_97] {strides = array<i32>} : memref<3136xf32, #tpu.memory_space<vmem>>, vector<16xf32>,
      %swap3A_99 = vector.shape_cast %swap3A_98 : vector<16xf32> to vector<16xf32>
      %swap3A_100 = vector.shape_cast %broadcast_in_dim3A_4 : vector<16xf32> to vector<16xf32>
      tpu.vector_store %arg7[%swap3A_97], %swap3A_100 {strides = array<i32>} : memref<3136xf32, #tpu.memory_space<vmem>>, vector<16xf32>,
      %swap3A_101 = arith.constant 2800 : index
      %swap3A_102 = tpu.vector_load %arg8[%swap3A_101] {strides = array<i32>} : memref<3136xi32, #tpu.memory_space<vmem>>, vector<16xi32>,
      %swap3A_103 = vector.shape_cast %swap3A_102 : vector<16xi32> to vector<16xi32>
      %swap3A_104 = vector.shape_cast %broadcast_in_dim3A_89 : vector<16xi32> to vector<16xi32>
      tpu.vector_store %arg8[%swap3A_101], %swap3A_104 {strides = array<i32>} : memref<3136xi32, #tpu.memory_space<vmem>>, vector<16xi32>,
      %swap3A_105 = arith.constant 2816 : index
      %swap3A_106 = tpu.vector_load %arg7[%swap3A_105] {strides = array<i32>} : memref<3136xf32, #tpu.memory_space<vmem>>, vector<16xf32>,
      %swap3A_107 = vector.shape_cast %swap3A_106 : vector<16xf32> to vector<16xf32>
      %swap3A_108 = vector.shape_cast %broadcast_in_dim3A_4 : vector<16xf32> to vector<16xf32>
      tpu.vector_store %arg7[%swap3A_105], %swap3A_108 {strides = array<i32>} : memref<3136xf32, #tpu.memory_space<vmem>>, vector<16xf32>,
      %swap3A_109 = arith.constant 2816 : index
      %swap3A_110 = tpu.vector_load %arg8[%swap3A_109] {strides = array<i32>} : memref<3136xi32, #tpu.memory_space<vmem>>, vector<16xi32>,
      %swap3A_111 = vector.shape_cast %swap3A_110 : vector<16xi32> to vector<16xi32>
      %swap3A_112 = vector.shape_cast %broadcast_in_dim3A_89 : vector<16xi32> to vector<16xi32>
      tpu.vector_store %arg8[%swap3A_109], %swap3A_112 {strides = array<i32>} : memref<3136xi32, #tpu.memory_space<vmem>>, vector<16xi32>,
      %swap3A_113 = arith.constant 2832 : index
      %swap3A_114 = tpu.vector_load %arg7[%swap3A_113] {strides = array<i32>} : memref<3136xf32, #tpu.memory_space<vmem>>, vector<16xf32>,
      %swap3A_115 = vector.shape_cast %swap3A_114 : vector<16xf32> to vector<16xf32>
      %swap3A_116 = vector.shape_cast %broadcast_in_dim3A_4 : vector<16xf32> to vector<16xf32>
      tpu.vector_store %arg7[%swap3A_113], %swap3A_116 {strides = array<i32>} : memref<3136xf32, #tpu.memory_space<vmem>>, vector<16xf32>,
      %swap3A_117 = arith.constant 2832 : index
      %swap3A_118 = tpu.vector_load %arg8[%swap3A_117] {strides = array<i32>} : memref<3136xi32, #tpu.memory_space<vmem>>, vector<16xi32>,
      %swap3A_119 = vector.shape_cast %swap3A_118 : vector<16xi32> to vector<16xi32>
      %swap3A_120 = vector.shape_cast %broadcast_in_dim3A_89 : vector<16xi32> to vector<16xi32>
      tpu.vector_store %arg8[%swap3A_117], %swap3A_120 {strides = array<i32>} : memref<3136xi32, #tpu.memory_space<vmem>>, vector<16xi32>,
      %swap3A_121 = arith.constant 2848 : index
      %swap3A_122 = tpu.vector_load %arg7[%swap3A_121] {strides = array<i32>} : memref<3136xf32, #tpu.memory_space<vmem>>, vector<16xf32>,
      %swap3A_123 = vector.shape_cast %swap3A_122 : vector<16xf32> to vector<16xf32>
      %swap3A_124 = vector.shape_cast %broadcast_in_dim3A_4 : vector<16xf32> to vector<16xf32>
      tpu.vector_store %arg7[%swap3A_121], %swap3A_124 {strides = array<i32>} : memref<3136xf32, #tpu.memory_space<vmem>>, vector<16xf32>,
      %swap3A_125 = arith.constant 2848 : index
      %swap3A_126 = tpu.vector_load %arg8[%swap3A_125] {strides = array<i32>} : memref<3136xi32, #tpu.memory_space<vmem>>, vector<16xi32>,
      %swap3A_127 = vector.shape_cast %swap3A_126 : vector<16xi32> to vector<16xi32>
      %swap3A_128 = vector.shape_cast %broadcast_in_dim3A_89 : vector<16xi32> to vector<16xi32>
      tpu.vector_store %arg8[%swap3A_125], %swap3A_128 {strides = array<i32>} : memref<3136xi32, #tpu.memory_space<vmem>>, vector<16xi32>,
      %swap3A_129 = arith.constant 2864 : index
      %swap3A_130 = tpu.vector_load %arg7[%swap3A_129] {strides = array<i32>} : memref<3136xf32, #tpu.memory_space<vmem>>, vector<16xf32>,
      %swap3A_131 = vector.shape_cast %swap3A_130 : vector<16xf32> to vector<16xf32>
      %swap3A_132 = vector.shape_cast %broadcast_in_dim3A_4 : vector<16xf32> to vector<16xf32>
      tpu.vector_store %arg7[%swap3A_129], %swap3A_132 {strides = array<i32>} : memref<3136xf32, #tpu.memory_space<vmem>>, vector<16xf32>,
      %swap3A_133 = arith.constant 2864 : index
      %swap3A_134 = tpu.vector_load %arg8[%swap3A_133] {strides = array<i32>} : memref<3136xi32, #tpu.memory_space<vmem>>, vector<16xi32>,
      %swap3A_135 = vector.shape_cast %swap3A_134 : vector<16xi32> to vector<16xi32>
      %swap3A_136 = vector.shape_cast %broadcast_in_dim3A_89 : vector<16xi32> to vector<16xi32>
      tpu.vector_store %arg8[%swap3A_133], %swap3A_136 {strides = array<i32>} : memref<3136xi32, #tpu.memory_space<vmem>>, vector<16xi32>,
      %swap3A_137 = arith.constant 2880 : index
      %swap3A_138 = tpu.vector_load %arg7[%swap3A_137] {strides = array<i32>} : memref<3136xf32, #tpu.memory_space<vmem>>, vector<16xf32>,
      %swap3A_139 = vector.shape_cast %swap3A_138 : vector<16xf32> to vector<16xf32>
      %swap3A_140 = vector.shape_cast %broadcast_in_dim3A_4 : vector<16xf32> to vector<16xf32>
      tpu.vector_store %arg7[%swap3A_137], %swap3A_140 {strides = array<i32>} : memref<3136xf32, #tpu.memory_space<vmem>>, vector<16xf32>,
      %swap3A_141 = arith.constant 2880 : index
      %swap3A_142 = tpu.vector_load %arg8[%swap3A_141] {strides = array<i32>} : memref<3136xi32, #tpu.memory_space<vmem>>, vector<16xi32>,
      %swap3A_143 = vector.shape_cast %swap3A_142 : vector<16xi32> to vector<16xi32>
      %swap3A_144 = vector.shape_cast %broadcast_in_dim3A_89 : vector<16xi32> to vector<16xi32>
      tpu.vector_store %arg8[%swap3A_141], %swap3A_144 {strides = array<i32>} : memref<3136xi32, #tpu.memory_space<vmem>>, vector<16xi32>,
      %swap3A_145 = arith.constant 2896 : index
      %swap3A_146 = tpu.vector_load %arg7[%swap3A_145] {strides = array<i32>} : memref<3136xf32, #tpu.memory_space<vmem>>, vector<16xf32>,
      %swap3A_147 = vector.shape_cast %swap3A_146 : vector<16xf32> to vector<16xf32>
      %swap3A_148 = vector.shape_cast %broadcast_in_dim3A_4 : vector<16xf32> to vector<16xf32>
      tpu.vector_store %arg7[%swap3A_145], %swap3A_148 {strides = array<i32>} : memref<3136xf32, #tpu.memory_space<vmem>>, vector<16xf32>,
      %swap3A_149 = arith.constant 2896 : index
      %swap3A_150 = tpu.vector_load %arg8[%swap3A_149] {strides = array<i32>} : memref<3136xi32, #tpu.memory_space<vmem>>, vector<16xi32>,
      %swap3A_151 = vector.shape_cast %swap3A_150 : vector<16xi32> to vector<16xi32>
      %swap3A_152 = vector.shape_cast %broadcast_in_dim3A_89 : vector<16xi32> to vector<16xi32>
      tpu.vector_store %arg8[%swap3A_149], %swap3A_152 {strides = array<i32>} : memref<3136xi32, #tpu.memory_space<vmem>>, vector<16xi32>,
      %swap3A_153 = arith.constant 2912 : index
      %swap3A_154 = tpu.vector_load %arg7[%swap3A_153] {strides = array<i32>} : memref<3136xf32, #tpu.memory_space<vmem>>, vector<16xf32>,
      %swap3A_155 = vector.shape_cast %swap3A_154 : vector<16xf32> to vector<16xf32>
      %swap3A_156 = vector.shape_cast %broadcast_in_dim3A_4 : vector<16xf32> to vector<16xf32>
      tpu.vector_store %arg7[%swap3A_153], %swap3A_156 {strides = array<i32>} : memref<3136xf32, #tpu.memory_space<vmem>>, vector<16xf32>,
      %swap3A_157 = arith.constant 2912 : index
      %swap3A_158 = tpu.vector_load %arg8[%swap3A_157] {strides = array<i32>} : memref<3136xi32, #tpu.memory_space<vmem>>, vector<16xi32>,
      %swap3A_159 = vector.shape_cast %swap3A_158 : vector<16xi32> to vector<16xi32>
      %swap3A_160 = vector.shape_cast %broadcast_in_dim3A_89 : vector<16xi32> to vector<16xi32>
      tpu.vector_store %arg8[%swap3A_157], %swap3A_160 {strides = array<i32>} : memref<3136xi32, #tpu.memory_space<vmem>>, vector<16xi32>,
      %swap3A_161 = arith.constant 2928 : index
      %swap3A_162 = tpu.vector_load %arg7[%swap3A_161] {strides = array<i32>} : memref<3136xf32, #tpu.memory_space<vmem>>, vector<16xf32>,
      %swap3A_163 = vector.shape_cast %swap3A_162 : vector<16xf32> to vector<16xf32>
      %swap3A_164 = vector.shape_cast %broadcast_in_dim3A_4 : vector<16xf32> to vector<16xf32>
      tpu.vector_store %arg7[%swap3A_161], %swap3A_164 {strides = array<i32>} : memref<3136xf32, #tpu.memory_space<vmem>>, vector<16xf32>,
      %swap3A_165 = arith.constant 2928 : index
      %swap3A_166 = tpu.vector_load %arg8[%swap3A_165] {strides = array<i32>} : memref<3136xi32, #tpu.memory_space<vmem>>, vector<16xi32>,
      %swap3A_167 = vector.shape_cast %swap3A_166 : vector<16xi32> to vector<16xi32>
      %swap3A_168 = vector.shape_cast %broadcast_in_dim3A_89 : vector<16xi32> to vector<16xi32>
      tpu.vector_store %arg8[%swap3A_165], %swap3A_168 {strides = array<i32>} : memref<3136xi32, #tpu.memory_space<vmem>>, vector<16xi32>,
      %swap3A_169 = arith.constant 2944 : index
      %swap3A_170 = tpu.vector_load %arg7[%swap3A_169] {strides = array<i32>} : memref<3136xf32, #tpu.memory_space<vmem>>, vector<16xf32>,
      %swap3A_171 = vector.shape_cast %swap3A_170 : vector<16xf32> to vector<16xf32>
      %swap3A_172 = vector.shape_cast %broadcast_in_dim3A_4 : vector<16xf32> to vector<16xf32>
      tpu.vector_store %arg7[%swap3A_169], %swap3A_172 {strides = array<i32>} : memref<3136xf32, #tpu.memory_space<vmem>>, vector<16xf32>,
      %swap3A_173 = arith.constant 2944 : index
      %swap3A_174 = tpu.vector_load %arg8[%swap3A_173] {strides = array<i32>} : memref<3136xi32, #tpu.memory_space<vmem>>, vector<16xi32>,
      %swap3A_175 = vector.shape_cast %swap3A_174 : vector<16xi32> to vector<16xi32>
      %swap3A_176 = vector.shape_cast %broadcast_in_dim3A_89 : vector<16xi32> to vector<16xi32>
      tpu.vector_store %arg8[%swap3A_173], %swap3A_176 {strides = array<i32>} : memref<3136xi32, #tpu.memory_space<vmem>>, vector<16xi32>,
      %swap3A_177 = arith.constant 2960 : index
      %swap3A_178 = tpu.vector_load %arg7[%swap3A_177] {strides = array<i32>} : memref<3136xf32, #tpu.memory_space<vmem>>, vector<16xf32>,
      %swap3A_179 = vector.shape_cast %swap3A_178 : vector<16xf32> to vector<16xf32>
      %swap3A_180 = vector.shape_cast %broadcast_in_dim3A_4 : vector<16xf32> to vector<16xf32>
      tpu.vector_store %arg7[%swap3A_177], %swap3A_180 {strides = array<i32>} : memref<3136xf32, #tpu.memory_space<vmem>>, vector<16xf32>,
      %swap3A_181 = arith.constant 2960 : index
      %swap3A_182 = tpu.vector_load %arg8[%swap3A_181] {strides = array<i32>} : memref<3136xi32, #tpu.memory_space<vmem>>, vector<16xi32>,
      %swap3A_183 = vector.shape_cast %swap3A_182 : vector<16xi32> to vector<16xi32>
      %swap3A_184 = vector.shape_cast %broadcast_in_dim3A_89 : vector<16xi32> to vector<16xi32>
      tpu.vector_store %arg8[%swap3A_181], %swap3A_184 {strides = array<i32>} : memref<3136xi32, #tpu.memory_space<vmem>>, vector<16xi32>,
      %swap3A_185 = arith.constant 2976 : index
      %swap3A_186 = tpu.vector_load %arg7[%swap3A_185] {strides = array<i32>} : memref<3136xf32, #tpu.memory_space<vmem>>, vector<16xf32>,
      %swap3A_187 = vector.shape_cast %swap3A_186 : vector<16xf32> to vector<16xf32>
      %swap3A_188 = vector.shape_cast %broadcast_in_dim3A_4 : vector<16xf32> to vector<16xf32>
      tpu.vector_store %arg7[%swap3A_185], %swap3A_188 {strides = array<i32>} : memref<3136xf32, #tpu.memory_space<vmem>>, vector<16xf32>,
      %swap3A_189 = arith.constant 2976 : index
      %swap3A_190 = tpu.vector_load %arg8[%swap3A_189] {strides = array<i32>} : memref<3136xi32, #tpu.memory_space<vmem>>, vector<16xi32>,
      %swap3A_191 = vector.shape_cast %swap3A_190 : vector<16xi32> to vector<16xi32>
      %swap3A_192 = vector.shape_cast %broadcast_in_dim3A_89 : vector<16xi32> to vector<16xi32>
      tpu.vector_store %arg8[%swap3A_189], %swap3A_192 {strides = array<i32>} : memref<3136xi32, #tpu.memory_space<vmem>>, vector<16xi32>,
      %swap3A_193 = arith.constant 2992 : index
      %swap3A_194 = tpu.vector_load %arg7[%swap3A_193] {strides = array<i32>} : memref<3136xf32, #tpu.memory_space<vmem>>, vector<16xf32>,
      %swap3A_195 = vector.shape_cast %swap3A_194 : vector<16xf32> to vector<16xf32>
      %swap3A_196 = vector.shape_cast %broadcast_in_dim3A_4 : vector<16xf32> to vector<16xf32>
      tpu.vector_store %arg7[%swap3A_193], %swap3A_196 {strides = array<i32>} : memref<3136xf32, #tpu.memory_space<vmem>>, vector<16xf32>,
      %swap3A_197 = arith.constant 2992 : index
      %swap3A_198 = tpu.vector_load %arg8[%swap3A_197] {strides = array<i32>} : memref<3136xi32, #tpu.memory_space<vmem>>, vector<16xi32>,
      %swap3A_199 = vector.shape_cast %swap3A_198 : vector<16xi32> to vector<16xi32>
      %swap3A_200 = vector.shape_cast %broadcast_in_dim3A_89 : vector<16xi32> to vector<16xi32>
      tpu.vector_store %arg8[%swap3A_197], %swap3A_200 {strides = array<i32>} : memref<3136xi32, #tpu.memory_space<vmem>>, vector<16xi32>,
      %swap3A_201 = arith.constant 3008 : index
      %swap3A_202 = tpu.vector_load %arg7[%swap3A_201] {strides = array<i32>} : memref<3136xf32, #tpu.memory_space<vmem>>, vector<16xf32>,
      %swap3A_203 = vector.shape_cast %swap3A_202 : vector<16xf32> to vector<16xf32>
      %swap3A_204 = vector.shape_cast %broadcast_in_dim3A_4 : vector<16xf32> to vector<16xf32>
      tpu.vector_store %arg7[%swap3A_201], %swap3A_204 {strides = array<i32>} : memref<3136xf32, #tpu.memory_space<vmem>>, vector<16xf32>,
      %swap3A_205 = arith.constant 3008 : index
      %swap3A_206 = tpu.vector_load %arg8[%swap3A_205] {strides = array<i32>} : memref<3136xi32, #tpu.memory_space<vmem>>, vector<16xi32>,
      %swap3A_207 = vector.shape_cast %swap3A_206 : vector<16xi32> to vector<16xi32>
      %swap3A_208 = vector.shape_cast %broadcast_in_dim3A_89 : vector<16xi32> to vector<16xi32>
      tpu.vector_store %arg8[%swap3A_205], %swap3A_208 {strides = array<i32>} : memref<3136xi32, #tpu.memory_space<vmem>>, vector<16xi32>,
      %swap3A_209 = arith.constant 3024 : index
      %swap3A_210 = tpu.vector_load %arg7[%swap3A_209] {strides = array<i32>} : memref<3136xf32, #tpu.memory_space<vmem>>, vector<16xf32>,
      %swap3A_211 = vector.shape_cast %swap3A_210 : vector<16xf32> to vector<16xf32>
      %swap3A_212 = vector.shape_cast %broadcast_in_dim3A_4 : vector<16xf32> to vector<16xf32>
      tpu.vector_store %arg7[%swap3A_209], %swap3A_212 {strides = array<i32>} : memref<3136xf32, #tpu.memory_space<vmem>>, vector<16xf32>,
      %swap3A_213 = arith.constant 3024 : index
      %swap3A_214 = tpu.vector_load %arg8[%swap3A_213] {strides = array<i32>} : memref<3136xi32, #tpu.memory_space<vmem>>, vector<16xi32>,
      %swap3A_215 = vector.shape_cast %swap3A_214 : vector<16xi32> to vector<16xi32>
      %swap3A_216 = vector.shape_cast %broadcast_in_dim3A_89 : vector<16xi32> to vector<16xi32>
      tpu.vector_store %arg8[%swap3A_213], %swap3A_216 {strides = array<i32>} : memref<3136xi32, #tpu.memory_space<vmem>>, vector<16xi32>,
      %swap3A_217 = arith.constant 3040 : index
      %swap3A_218 = tpu.vector_load %arg7[%swap3A_217] {strides = array<i32>} : memref<3136xf32, #tpu.memory_space<vmem>>, vector<16xf32>,
      %swap3A_219 = vector.shape_cast %swap3A_218 : vector<16xf32> to vector<16xf32>
      %swap3A_220 = vector.shape_cast %broadcast_in_dim3A_4 : vector<16xf32> to vector<16xf32>
      tpu.vector_store %arg7[%swap3A_217], %swap3A_220 {strides = array<i32>} : memref<3136xf32, #tpu.memory_space<vmem>>, vector<16xf32>,
      %swap3A_221 = arith.constant 3040 : index
      %swap3A_222 = tpu.vector_load %arg8[%swap3A_221] {strides = array<i32>} : memref<3136xi32, #tpu.memory_space<vmem>>, vector<16xi32>,
      %swap3A_223 = vector.shape_cast %swap3A_222 : vector<16xi32> to vector<16xi32>
      %swap3A_224 = vector.shape_cast %broadcast_in_dim3A_89 : vector<16xi32> to vector<16xi32>
      tpu.vector_store %arg8[%swap3A_221], %swap3A_224 {strides = array<i32>} : memref<3136xi32, #tpu.memory_space<vmem>>, vector<16xi32>,
      %swap3A_225 = arith.constant 3056 : index
      %swap3A_226 = tpu.vector_load %arg7[%swap3A_225] {strides = array<i32>} : memref<3136xf32, #tpu.memory_space<vmem>>, vector<16xf32>,
      %swap3A_227 = vector.shape_cast %swap3A_226 : vector<16xf32> to vector<16xf32>
      %swap3A_228 = vector.shape_cast %broadcast_in_dim3A_4 : vector<16xf32> to vector<16xf32>
      tpu.vector_store %arg7[%swap3A_225], %swap3A_228 {strides = array<i32>} : memref<3136xf32, #tpu.memory_space<vmem>>, vector<16xf32>,
      %swap3A_229 = arith.constant 3056 : index
      %swap3A_230 = tpu.vector_load %arg8[%swap3A_229] {strides = array<i32>} : memref<3136xi32, #tpu.memory_space<vmem>>, vector<16xi32>,
      %swap3A_231 = vector.shape_cast %swap3A_230 : vector<16xi32> to vector<16xi32>
      %swap3A_232 = vector.shape_cast %broadcast_in_dim3A_89 : vector<16xi32> to vector<16xi32>
      tpu.vector_store %arg8[%swap3A_229], %swap3A_232 {strides = array<i32>} : memref<3136xi32, #tpu.memory_space<vmem>>, vector<16xi32>,
      %swap3A_233 = arith.constant 3072 : index
      %swap3A_234 = tpu.vector_load %arg7[%swap3A_233] {strides = array<i32>} : memref<3136xf32, #tpu.memory_space<vmem>>, vector<16xf32>,
      %swap3A_235 = vector.shape_cast %swap3A_234 : vector<16xf32> to vector<16xf32>
      %swap3A_236 = vector.shape_cast %broadcast_in_dim3A_4 : vector<16xf32> to vector<16xf32>
      tpu.vector_store %arg7[%swap3A_233], %swap3A_236 {strides = array<i32>} : memref<3136xf32, #tpu.memory_space<vmem>>, vector<16xf32>,
      %swap3A_237 = arith.constant 3072 : index
      %swap3A_238 = tpu.vector_load %arg8[%swap3A_237] {strides = array<i32>} : memref<3136xi32, #tpu.memory_space<vmem>>, vector<16xi32>,
      %swap3A_239 = vector.shape_cast %swap3A_238 : vector<16xi32> to vector<16xi32>
      %swap3A_240 = vector.shape_cast %broadcast_in_dim3A_89 : vector<16xi32> to vector<16xi32>
      tpu.vector_store %arg8[%swap3A_237], %swap3A_240 {strides = array<i32>} : memref<3136xi32, #tpu.memory_space<vmem>>, vector<16xi32>,
      %swap3A_241 = arith.constant 3088 : index
      %swap3A_242 = tpu.vector_load %arg7[%swap3A_241] {strides = array<i32>} : memref<3136xf32, #tpu.memory_space<vmem>>, vector<16xf32>,
      %swap3A_243 = vector.shape_cast %swap3A_242 : vector<16xf32> to vector<16xf32>
      %swap3A_244 = vector.shape_cast %broadcast_in_dim3A_4 : vector<16xf32> to vector<16xf32>
      tpu.vector_store %arg7[%swap3A_241], %swap3A_244 {strides = array<i32>} : memref<3136xf32, #tpu.memory_space<vmem>>, vector<16xf32>,
      %swap3A_245 = arith.constant 3088 : index
      %swap3A_246 = tpu.vector_load %arg8[%swap3A_245] {strides = array<i32>} : memref<3136xi32, #tpu.memory_space<vmem>>, vector<16xi32>,
      %swap3A_247 = vector.shape_cast %swap3A_246 : vector<16xi32> to vector<16xi32>
      %swap3A_248 = vector.shape_cast %broadcast_in_dim3A_89 : vector<16xi32> to vector<16xi32>
      tpu.vector_store %arg8[%swap3A_245], %swap3A_248 {strides = array<i32>} : memref<3136xi32, #tpu.memory_space<vmem>>, vector<16xi32>,
      %swap3A_249 = arith.constant 3104 : index
      %swap3A_250 = tpu.vector_load %arg7[%swap3A_249] {strides = array<i32>} : memref<3136xf32, #tpu.memory_space<vmem>>, vector<16xf32>,
      %swap3A_251 = vector.shape_cast %swap3A_250 : vector<16xf32> to vector<16xf32>
      %swap3A_252 = vector.shape_cast %broadcast_in_dim3A_4 : vector<16xf32> to vector<16xf32>
      tpu.vector_store %arg7[%swap3A_249], %swap3A_252 {strides = array<i32>} : memref<3136xf32, #tpu.memory_space<vmem>>, vector<16xf32>,
      %swap3A_253 = arith.constant 3104 : index
      %swap3A_254 = tpu.vector_load %arg8[%swap3A_253] {strides = array<i32>} : memref<3136xi32, #tpu.memory_space<vmem>>, vector<16xi32>,
      %swap3A_255 = vector.shape_cast %swap3A_254 : vector<16xi32> to vector<16xi32>
      %swap3A_256 = vector.shape_cast %broadcast_in_dim3A_89 : vector<16xi32> to vector<16xi32>
      tpu.vector_store %arg8[%swap3A_253], %swap3A_256 {strides = array<i32>} : memref<3136xi32, #tpu.memory_space<vmem>>, vector<16xi32>,
      %swap3A_257 = arith.constant 3120 : index
      %swap3A_258 = tpu.vector_load %arg7[%swap3A_257] {strides = array<i32>} : memref<3136xf32, #tpu.memory_space<vmem>>, vector<16xf32>,
      %swap3A_259 = vector.shape_cast %swap3A_258 : vector<16xf32> to vector<16xf32>
      %swap3A_260 = vector.shape_cast %broadcast_in_dim3A_4 : vector<16xf32> to vector<16xf32>
      tpu.vector_store %arg7[%swap3A_257], %swap3A_260 {strides = array<i32>} : memref<3136xf32, #tpu.memory_space<vmem>>, vector<16xf32>,
      %swap3A_261 = arith.constant 3120 : index
      %swap3A_262 = tpu.vector_load %arg8[%swap3A_261] {strides = array<i32>} : memref<3136xi32, #tpu.memory_space<vmem>>, vector<16xi32>,
      %swap3A_263 = vector.shape_cast %swap3A_262 : vector<16xi32> to vector<16xi32>
      %swap3A_264 = vector.shape_cast %broadcast_in_dim3A_89 : vector<16xi32> to vector<16xi32>
      tpu.vector_store %arg8[%swap3A_261], %swap3A_264 {strides = array<i32>} : memref<3136xi32, #tpu.memory_space<vmem>>, vector<16xi32>,
    } else {
    }
    "tpu.region"() ({
      %run_scoped3A = tpu.sem_alloc : memref<!tpu.dma_semaphore, #tpu.memory_space<semaphore_mem>>
      tpu.enqueue_dma source(%arg4 : memref<128xf32, #tpu.memory_space<hbm>>) target(%arg10 : memref<128xf32, #tpu.memory_space<vmem>>) target_semaphore(%run_scoped3A : memref<!tpu.dma_semaphore, #tpu.memory_space<semaphore_mem>>)
      tpu.wait_dma2 semaphore(%run_scoped3A : memref<!tpu.dma_semaphore, #tpu.memory_space<semaphore_mem>>) src(%arg4 : memref<128xf32, #tpu.memory_space<hbm>>) dst(%arg10 : memref<128xf32, #tpu.memory_space<vmem>>)
      tpu.yield
    }) : () -> ()
    "tpu.region"() ({
      %run_scoped3A = tpu.sem_alloc : memref<!tpu.dma_semaphore, #tpu.memory_space<semaphore_mem>>
      tpu.enqueue_dma source(%arg5 : memref<128xf32, #tpu.memory_space<hbm>>) target(%arg11 : memref<128xf32, #tpu.memory_space<vmem>>) target_semaphore(%run_scoped3A : memref<!tpu.dma_semaphore, #tpu.memory_space<semaphore_mem>>)
      tpu.wait_dma2 semaphore(%run_scoped3A : memref<!tpu.dma_semaphore, #tpu.memory_space<semaphore_mem>>) src(%arg5 : memref<128xf32, #tpu.memory_space<hbm>>) dst(%arg11 : memref<128xf32, #tpu.memory_space<vmem>>)
      tpu.yield
    }) : () -> ()
    %get3A = arith.constant 0 : index
    %get3A_10 = tpu.vector_load %arg10[%get3A] {strides = array<i32>} : memref<128xf32, #tpu.memory_space<vmem>>, vector<16xf32>,
    %get3A_11 = vector.shape_cast %get3A_10 : vector<16xf32> to vector<16xf32>
    %get3A_12 = arith.constant 16 : index
    %get3A_13 = tpu.vector_load %arg10[%get3A_12] {strides = array<i32>} : memref<128xf32, #tpu.memory_space<vmem>>, vector<16xf32>,
    %get3A_14 = vector.shape_cast %get3A_13 : vector<16xf32> to vector<16xf32>
    %get3A_15 = arith.constant 32 : index
    %get3A_16 = tpu.vector_load %arg10[%get3A_15] {strides = array<i32>} : memref<128xf32, #tpu.memory_space<vmem>>, vector<16xf32>,
    %get3A_17 = vector.shape_cast %get3A_16 : vector<16xf32> to vector<16xf32>
    %get3A_18 = arith.constant 48 : index
    %get3A_19 = tpu.vector_load %arg10[%get3A_18] {strides = array<i32>} : memref<128xf32, #tpu.memory_space<vmem>>, vector<16xf32>,
    %get3A_20 = vector.shape_cast %get3A_19 : vector<16xf32> to vector<16xf32>
    %get3A_21 = arith.constant 64 : index
    %get3A_22 = tpu.vector_load %arg10[%get3A_21] {strides = array<i32>} : memref<128xf32, #tpu.memory_space<vmem>>, vector<16xf32>,
    %get3A_23 = vector.shape_cast %get3A_22 : vector<16xf32> to vector<16xf32>
    %get3A_24 = arith.constant 80 : index
    %get3A_25 = tpu.vector_load %arg10[%get3A_24] {strides = array<i32>} : memref<128xf32, #tpu.memory_space<vmem>>, vector<16xf32>,
    %get3A_26 = vector.shape_cast %get3A_25 : vector<16xf32> to vector<16xf32>
    %get3A_27 = arith.constant 96 : index
    %get3A_28 = tpu.vector_load %arg10[%get3A_27] {strides = array<i32>} : memref<128xf32, #tpu.memory_space<vmem>>, vector<16xf32>,
    %get3A_29 = vector.shape_cast %get3A_28 : vector<16xf32> to vector<16xf32>
    %get3A_30 = arith.constant 112 : index
    %get3A_31 = tpu.vector_load %arg10[%get3A_30] {strides = array<i32>} : memref<128xf32, #tpu.memory_space<vmem>>, vector<16xf32>,
    %get3A_32 = vector.shape_cast %get3A_31 : vector<16xf32> to vector<16xf32>
    %get3A_33 = arith.constant 0 : index
    %get3A_34 = tpu.vector_load %arg11[%get3A_33] {strides = array<i32>} : memref<128xf32, #tpu.memory_space<vmem>>, vector<16xf32>,
    %get3A_35 = vector.shape_cast %get3A_34 : vector<16xf32> to vector<16xf32>
    %get3A_36 = arith.constant 16 : index
    %get3A_37 = tpu.vector_load %arg11[%get3A_36] {strides = array<i32>} : memref<128xf32, #tpu.memory_space<vmem>>, vector<16xf32>,
    %get3A_38 = vector.shape_cast %get3A_37 : vector<16xf32> to vector<16xf32>
    %get3A_39 = arith.constant 32 : index
    %get3A_40 = tpu.vector_load %arg11[%get3A_39] {strides = array<i32>} : memref<128xf32, #tpu.memory_space<vmem>>, vector<16xf32>,
    %get3A_41 = vector.shape_cast %get3A_40 : vector<16xf32> to vector<16xf32>
    %get3A_42 = arith.constant 48 : index
    %get3A_43 = tpu.vector_load %arg11[%get3A_42] {strides = array<i32>} : memref<128xf32, #tpu.memory_space<vmem>>, vector<16xf32>,
    %get3A_44 = vector.shape_cast %get3A_43 : vector<16xf32> to vector<16xf32>
    %get3A_45 = arith.constant 64 : index
    %get3A_46 = tpu.vector_load %arg11[%get3A_45] {strides = array<i32>} : memref<128xf32, #tpu.memory_space<vmem>>, vector<16xf32>,
    %get3A_47 = vector.shape_cast %get3A_46 : vector<16xf32> to vector<16xf32>
    %get3A_48 = arith.constant 80 : index
    %get3A_49 = tpu.vector_load %arg11[%get3A_48] {strides = array<i32>} : memref<128xf32, #tpu.memory_space<vmem>>, vector<16xf32>,
    %get3A_50 = vector.shape_cast %get3A_49 : vector<16xf32> to vector<16xf32>
    %get3A_51 = arith.constant 96 : index
    %get3A_52 = tpu.vector_load %arg11[%get3A_51] {strides = array<i32>} : memref<128xf32, #tpu.memory_space<vmem>>, vector<16xf32>,
    %get3A_53 = vector.shape_cast %get3A_52 : vector<16xf32> to vector<16xf32>
    %get3A_54 = arith.constant 112 : index
    %get3A_55 = tpu.vector_load %arg11[%get3A_54] {strides = array<i32>} : memref<128xf32, #tpu.memory_space<vmem>>, vector<16xf32>,
    %get3A_56 = vector.shape_cast %get3A_55 : vector<16xf32> to vector<16xf32>
    %broadcast_in_dim3A_57 = arith.constant 6.250000e-02 : f32
    %broadcast_in_dim3A_58 = vector.broadcast %broadcast_in_dim3A_57 : f32 to vector<16xf32>
    %parallel_loop3A = arith.constant 0 : i32
    %parallel_loop3A_59 = arith.constant 196 : i32
    %parallel_loop3A_60 = arith.constant 1 : i32
    scf.for %parallel_loop3A_61 = %parallel_loop3A to %parallel_loop3A_59 step %parallel_loop3A_60  : i32 {
      %parallel_loop3A_62 = arith.constant 16 : i32
      %parallel_loop3A_63 = arith.muli %parallel_loop3A_61, %parallel_loop3A_62 : i32
      %parallel_loop3A_64 = arith.index_cast %parallel_loop3A_63 : i32 to index
      %parallel_loop3A_65 = tpu.vector_load %arg7[%parallel_loop3A_64] {strides = array<i32>} : memref<3136xf32, #tpu.memory_space<vmem>>, vector<16xf32>,
      %parallel_loop3A_66 = vector.shape_cast %parallel_loop3A_65 : vector<16xf32> to vector<16xf32>
      %parallel_loop3A_67 = arith.constant 16 : i32
      %parallel_loop3A_68 = arith.muli %parallel_loop3A_61, %parallel_loop3A_67 : i32
      %parallel_loop3A_69 = arith.index_cast %parallel_loop3A_68 : i32 to index
      %parallel_loop3A_70 = tpu.vector_load %arg8[%parallel_loop3A_69] {strides = array<i32>} : memref<3136xi32, #tpu.memory_space<vmem>>, vector<16xi32>,
      %parallel_loop3A_71 = vector.shape_cast %parallel_loop3A_70 : vector<16xi32> to vector<16xi32>
      %parallel_loop3A_72 = vector.extract_strided_slice %parallel_loop3A_66 {offsets = [0], sizes = [1], strides = [1]} : vector<16xf32> to vector<1xf32>
      %parallel_loop3A_73 = vector.extract %parallel_loop3A_72[0] : f32 from vector<1xf32>
      %parallel_loop3A_74 = vector.extract_strided_slice %parallel_loop3A_71 {offsets = [0], sizes = [1], strides = [1]} : vector<16xi32> to vector<1xi32>
      %parallel_loop3A_75 = vector.extract %parallel_loop3A_74[0] : i32 from vector<1xi32>
      %parallel_loop3A_76 = vector.broadcast %parallel_loop3A_73 : f32 to vector<16xf32>
      %parallel_loop3A_77 = arith.mulf %parallel_loop3A_76, %get3A_11 : vector<16xf32>
      %parallel_loop3A_78 = arith.addf %parallel_loop3A_77, %get3A_35 : vector<16xf32>
      %parallel_loop3A_79 = arith.constant 0.000000e+00 : f32
      %parallel_loop3A_80 = vector.broadcast %parallel_loop3A_79 : f32 to vector<16xf32>
      %parallel_loop3A_81 = arith.maximumf %parallel_loop3A_78, %parallel_loop3A_80 : vector<16xf32>
      %parallel_loop3A_82 = arith.index_cast %parallel_loop3A_75 : i32 to index
      %parallel_loop3A_83 = arith.constant 0 : index
      %parallel_loop3A_84 = tpu.vector_load %arg9[%parallel_loop3A_82, %parallel_loop3A_83] {strides = array<i32>} : memref<592x128xf32, #tpu.memory_space<vmem>>, vector<1x16xf32>,
      %parallel_loop3A_85 = vector.shape_cast %parallel_loop3A_84 : vector<1x16xf32> to vector<16xf32>
      %parallel_loop3A_86 = vector.shape_cast %parallel_loop3A_81 : vector<16xf32> to vector<1x16xf32>
      tpu.vector_store %arg9[%parallel_loop3A_82, %parallel_loop3A_83], %parallel_loop3A_86 {add = true, strides = array<i32>} : memref<592x128xf32, #tpu.memory_space<vmem>>, vector<1x16xf32>,
      %parallel_loop3A_87 = vector.broadcast %parallel_loop3A_73 : f32 to vector<16xf32>
      %parallel_loop3A_88 = arith.mulf %parallel_loop3A_87, %get3A_14 : vector<16xf32>
      %parallel_loop3A_89 = arith.addf %parallel_loop3A_88, %get3A_38 : vector<16xf32>
      %parallel_loop3A_90 = arith.constant 0.000000e+00 : f32
      %parallel_loop3A_91 = vector.broadcast %parallel_loop3A_90 : f32 to vector<16xf32>
      %parallel_loop3A_92 = arith.maximumf %parallel_loop3A_89, %parallel_loop3A_91 : vector<16xf32>
      %parallel_loop3A_93 = arith.index_cast %parallel_loop3A_75 : i32 to index
      %parallel_loop3A_94 = arith.constant 16 : index
      %parallel_loop3A_95 = tpu.vector_load %arg9[%parallel_loop3A_93, %parallel_loop3A_94] {strides = array<i32>} : memref<592x128xf32, #tpu.memory_space<vmem>>, vector<1x16xf32>,
      %parallel_loop3A_96 = vector.shape_cast %parallel_loop3A_95 : vector<1x16xf32> to vector<16xf32>
      %parallel_loop3A_97 = vector.shape_cast %parallel_loop3A_92 : vector<16xf32> to vector<1x16xf32>
      tpu.vector_store %arg9[%parallel_loop3A_93, %parallel_loop3A_94], %parallel_loop3A_97 {add = true, strides = array<i32>} : memref<592x128xf32, #tpu.memory_space<vmem>>, vector<1x16xf32>,
      %parallel_loop3A_98 = vector.broadcast %parallel_loop3A_73 : f32 to vector<16xf32>
      %parallel_loop3A_99 = arith.mulf %parallel_loop3A_98, %get3A_17 : vector<16xf32>
      %parallel_loop3A_100 = arith.addf %parallel_loop3A_99, %get3A_41 : vector<16xf32>
      %parallel_loop3A_101 = arith.constant 0.000000e+00 : f32
      %parallel_loop3A_102 = vector.broadcast %parallel_loop3A_101 : f32 to vector<16xf32>
      %parallel_loop3A_103 = arith.maximumf %parallel_loop3A_100, %parallel_loop3A_102 : vector<16xf32>
      %parallel_loop3A_104 = arith.index_cast %parallel_loop3A_75 : i32 to index
      %parallel_loop3A_105 = arith.constant 32 : index
      %parallel_loop3A_106 = tpu.vector_load %arg9[%parallel_loop3A_104, %parallel_loop3A_105] {strides = array<i32>} : memref<592x128xf32, #tpu.memory_space<vmem>>, vector<1x16xf32>,
      %parallel_loop3A_107 = vector.shape_cast %parallel_loop3A_106 : vector<1x16xf32> to vector<16xf32>
      %parallel_loop3A_108 = vector.shape_cast %parallel_loop3A_103 : vector<16xf32> to vector<1x16xf32>
      tpu.vector_store %arg9[%parallel_loop3A_104, %parallel_loop3A_105], %parallel_loop3A_108 {add = true, strides = array<i32>} : memref<592x128xf32, #tpu.memory_space<vmem>>, vector<1x16xf32>,
      %parallel_loop3A_109 = vector.broadcast %parallel_loop3A_73 : f32 to vector<16xf32>
      %parallel_loop3A_110 = arith.mulf %parallel_loop3A_109, %get3A_20 : vector<16xf32>
      %parallel_loop3A_111 = arith.addf %parallel_loop3A_110, %get3A_44 : vector<16xf32>
      %parallel_loop3A_112 = arith.constant 0.000000e+00 : f32
      %parallel_loop3A_113 = vector.broadcast %parallel_loop3A_112 : f32 to vector<16xf32>
      %parallel_loop3A_114 = arith.maximumf %parallel_loop3A_111, %parallel_loop3A_113 : vector<16xf32>
      %parallel_loop3A_115 = arith.index_cast %parallel_loop3A_75 : i32 to index
      %parallel_loop3A_116 = arith.constant 48 : index
      %parallel_loop3A_117 = tpu.vector_load %arg9[%parallel_loop3A_115, %parallel_loop3A_116] {strides = array<i32>} : memref<592x128xf32, #tpu.memory_space<vmem>>, vector<1x16xf32>,
      %parallel_loop3A_118 = vector.shape_cast %parallel_loop3A_117 : vector<1x16xf32> to vector<16xf32>
      %parallel_loop3A_119 = vector.shape_cast %parallel_loop3A_114 : vector<16xf32> to vector<1x16xf32>
      tpu.vector_store %arg9[%parallel_loop3A_115, %parallel_loop3A_116], %parallel_loop3A_119 {add = true, strides = array<i32>} : memref<592x128xf32, #tpu.memory_space<vmem>>, vector<1x16xf32>,
      %parallel_loop3A_120 = vector.broadcast %parallel_loop3A_73 : f32 to vector<16xf32>
      %parallel_loop3A_121 = arith.mulf %parallel_loop3A_120, %get3A_23 : vector<16xf32>
      %parallel_loop3A_122 = arith.addf %parallel_loop3A_121, %get3A_47 : vector<16xf32>
      %parallel_loop3A_123 = arith.constant 0.000000e+00 : f32
      %parallel_loop3A_124 = vector.broadcast %parallel_loop3A_123 : f32 to vector<16xf32>
      %parallel_loop3A_125 = arith.maximumf %parallel_loop3A_122, %parallel_loop3A_124 : vector<16xf32>
      %parallel_loop3A_126 = arith.index_cast %parallel_loop3A_75 : i32 to index
      %parallel_loop3A_127 = arith.constant 64 : index
      %parallel_loop3A_128 = tpu.vector_load %arg9[%parallel_loop3A_126, %parallel_loop3A_127] {strides = array<i32>} : memref<592x128xf32, #tpu.memory_space<vmem>>, vector<1x16xf32>,
      %parallel_loop3A_129 = vector.shape_cast %parallel_loop3A_128 : vector<1x16xf32> to vector<16xf32>
      %parallel_loop3A_130 = vector.shape_cast %parallel_loop3A_125 : vector<16xf32> to vector<1x16xf32>
      tpu.vector_store %arg9[%parallel_loop3A_126, %parallel_loop3A_127], %parallel_loop3A_130 {add = true, strides = array<i32>} : memref<592x128xf32, #tpu.memory_space<vmem>>, vector<1x16xf32>,
      %parallel_loop3A_131 = vector.broadcast %parallel_loop3A_73 : f32 to vector<16xf32>
      %parallel_loop3A_132 = arith.mulf %parallel_loop3A_131, %get3A_26 : vector<16xf32>
      %parallel_loop3A_133 = arith.addf %parallel_loop3A_132, %get3A_50 : vector<16xf32>
      %parallel_loop3A_134 = arith.constant 0.000000e+00 : f32
      %parallel_loop3A_135 = vector.broadcast %parallel_loop3A_134 : f32 to vector<16xf32>
      %parallel_loop3A_136 = arith.maximumf %parallel_loop3A_133, %parallel_loop3A_135 : vector<16xf32>
      %parallel_loop3A_137 = arith.index_cast %parallel_loop3A_75 : i32 to index
      %parallel_loop3A_138 = arith.constant 80 : index
      %parallel_loop3A_139 = tpu.vector_load %arg9[%parallel_loop3A_137, %parallel_loop3A_138] {strides = array<i32>} : memref<592x128xf32, #tpu.memory_space<vmem>>, vector<1x16xf32>,
      %parallel_loop3A_140 = vector.shape_cast %parallel_loop3A_139 : vector<1x16xf32> to vector<16xf32>
      %parallel_loop3A_141 = vector.shape_cast %parallel_loop3A_136 : vector<16xf32> to vector<1x16xf32>
      tpu.vector_store %arg9[%parallel_loop3A_137, %parallel_loop3A_138], %parallel_loop3A_141 {add = true, strides = array<i32>} : memref<592x128xf32, #tpu.memory_space<vmem>>, vector<1x16xf32>,
      %parallel_loop3A_142 = vector.broadcast %parallel_loop3A_73 : f32 to vector<16xf32>
      %parallel_loop3A_143 = arith.mulf %parallel_loop3A_142, %get3A_29 : vector<16xf32>
      %parallel_loop3A_144 = arith.addf %parallel_loop3A_143, %get3A_53 : vector<16xf32>
      %parallel_loop3A_145 = arith.constant 0.000000e+00 : f32
      %parallel_loop3A_146 = vector.broadcast %parallel_loop3A_145 : f32 to vector<16xf32>
      %parallel_loop3A_147 = arith.maximumf %parallel_loop3A_144, %parallel_loop3A_146 : vector<16xf32>
      %parallel_loop3A_148 = arith.index_cast %parallel_loop3A_75 : i32 to index
      %parallel_loop3A_149 = arith.constant 96 : index
      %parallel_loop3A_150 = tpu.vector_load %arg9[%parallel_loop3A_148, %parallel_loop3A_149] {strides = array<i32>} : memref<592x128xf32, #tpu.memory_space<vmem>>, vector<1x16xf32>,
      %parallel_loop3A_151 = vector.shape_cast %parallel_loop3A_150 : vector<1x16xf32> to vector<16xf32>
      %parallel_loop3A_152 = vector.shape_cast %parallel_loop3A_147 : vector<16xf32> to vector<1x16xf32>
      tpu.vector_store %arg9[%parallel_loop3A_148, %parallel_loop3A_149], %parallel_loop3A_152 {add = true, strides = array<i32>} : memref<592x128xf32, #tpu.memory_space<vmem>>, vector<1x16xf32>,
      %parallel_loop3A_153 = vector.broadcast %parallel_loop3A_73 : f32 to vector<16xf32>
      %parallel_loop3A_154 = arith.mulf %parallel_loop3A_153, %get3A_32 : vector<16xf32>
      %parallel_loop3A_155 = arith.addf %parallel_loop3A_154, %get3A_56 : vector<16xf32>
      %parallel_loop3A_156 = arith.constant 0.000000e+00 : f32
      %parallel_loop3A_157 = vector.broadcast %parallel_loop3A_156 : f32 to vector<16xf32>
      %parallel_loop3A_158 = arith.maximumf %parallel_loop3A_155, %parallel_loop3A_157 : vector<16xf32>
      %parallel_loop3A_159 = arith.index_cast %parallel_loop3A_75 : i32 to index
      %parallel_loop3A_160 = arith.constant 112 : index
      %parallel_loop3A_161 = tpu.vector_load %arg9[%parallel_loop3A_159, %parallel_loop3A_160] {strides = array<i32>} : memref<592x128xf32, #tpu.memory_space<vmem>>, vector<1x16xf32>,
      %parallel_loop3A_162 = vector.shape_cast %parallel_loop3A_161 : vector<1x16xf32> to vector<16xf32>
      %parallel_loop3A_163 = vector.shape_cast %parallel_loop3A_158 : vector<16xf32> to vector<1x16xf32>
      tpu.vector_store %arg9[%parallel_loop3A_159, %parallel_loop3A_160], %parallel_loop3A_163 {add = true, strides = array<i32>} : memref<592x128xf32, #tpu.memory_space<vmem>>, vector<1x16xf32>,
      %parallel_loop3A_164 = arith.constant 3 : i32
      %parallel_loop3A_165 = arith.shrsi %parallel_loop3A_75, %parallel_loop3A_164 : i32
      %parallel_loop3A_166 = arith.constant 512 : i32
      %parallel_loop3A_167 = arith.addi %parallel_loop3A_166, %parallel_loop3A_165 : i32
      %parallel_loop3A_168 = arith.constant 7 : i32
      %parallel_loop3A_169 = arith.andi %parallel_loop3A_75, %parallel_loop3A_168 : i32
      %parallel_loop3A_170 = arith.constant 16 : i32
      %parallel_loop3A_171 = arith.muli %parallel_loop3A_169, %parallel_loop3A_170 : i32
      %parallel_loop3A_172 = arith.index_cast %parallel_loop3A_167 : i32 to index
      %parallel_loop3A_173 = arith.index_cast %parallel_loop3A_171 : i32 to index
      %parallel_loop3A_174 = tpu.vector_load %arg9[%parallel_loop3A_172, %parallel_loop3A_173] {strides = array<i32>} : memref<592x128xf32, #tpu.memory_space<vmem>>, vector<1x16xf32>,
      %parallel_loop3A_175 = vector.shape_cast %parallel_loop3A_174 : vector<1x16xf32> to vector<16xf32>
      %parallel_loop3A_176 = vector.shape_cast %broadcast_in_dim3A_58 : vector<16xf32> to vector<1x16xf32>
      tpu.vector_store %arg9[%parallel_loop3A_172, %parallel_loop3A_173], %parallel_loop3A_176 {add = true, strides = array<i32>} : memref<592x128xf32, #tpu.memory_space<vmem>>, vector<1x16xf32>,
      %parallel_loop3A_177 = vector.extract_strided_slice %parallel_loop3A_66 {offsets = [1], sizes = [1], strides = [1]} : vector<16xf32> to vector<1xf32>
      %parallel_loop3A_178 = vector.extract %parallel_loop3A_177[0] : f32 from vector<1xf32>
      %parallel_loop3A_179 = vector.extract_strided_slice %parallel_loop3A_71 {offsets = [1], sizes = [1], strides = [1]} : vector<16xi32> to vector<1xi32>
      %parallel_loop3A_180 = vector.extract %parallel_loop3A_179[0] : i32 from vector<1xi32>
      %parallel_loop3A_181 = vector.broadcast %parallel_loop3A_178 : f32 to vector<16xf32>
      %parallel_loop3A_182 = arith.mulf %parallel_loop3A_181, %get3A_11 : vector<16xf32>
      %parallel_loop3A_183 = arith.addf %parallel_loop3A_182, %get3A_35 : vector<16xf32>
      %parallel_loop3A_184 = arith.constant 0.000000e+00 : f32
      %parallel_loop3A_185 = vector.broadcast %parallel_loop3A_184 : f32 to vector<16xf32>
      %parallel_loop3A_186 = arith.maximumf %parallel_loop3A_183, %parallel_loop3A_185 : vector<16xf32>
      %parallel_loop3A_187 = arith.index_cast %parallel_loop3A_180 : i32 to index
      %parallel_loop3A_188 = arith.constant 0 : index
      %parallel_loop3A_189 = tpu.vector_load %arg9[%parallel_loop3A_187, %parallel_loop3A_188] {strides = array<i32>} : memref<592x128xf32, #tpu.memory_space<vmem>>, vector<1x16xf32>,
      %parallel_loop3A_190 = vector.shape_cast %parallel_loop3A_189 : vector<1x16xf32> to vector<16xf32>
      %parallel_loop3A_191 = vector.shape_cast %parallel_loop3A_186 : vector<16xf32> to vector<1x16xf32>
      tpu.vector_store %arg9[%parallel_loop3A_187, %parallel_loop3A_188], %parallel_loop3A_191 {add = true, strides = array<i32>} : memref<592x128xf32, #tpu.memory_space<vmem>>, vector<1x16xf32>,
      %parallel_loop3A_192 = vector.broadcast %parallel_loop3A_178 : f32 to vector<16xf32>
      %parallel_loop3A_193 = arith.mulf %parallel_loop3A_192, %get3A_14 : vector<16xf32>
      %parallel_loop3A_194 = arith.addf %parallel_loop3A_193, %get3A_38 : vector<16xf32>
      %parallel_loop3A_195 = arith.constant 0.000000e+00 : f32
      %parallel_loop3A_196 = vector.broadcast %parallel_loop3A_195 : f32 to vector<16xf32>
      %parallel_loop3A_197 = arith.maximumf %parallel_loop3A_194, %parallel_loop3A_196 : vector<16xf32>
      %parallel_loop3A_198 = arith.index_cast %parallel_loop3A_180 : i32 to index
      %parallel_loop3A_199 = arith.constant 16 : index
      %parallel_loop3A_200 = tpu.vector_load %arg9[%parallel_loop3A_198, %parallel_loop3A_199] {strides = array<i32>} : memref<592x128xf32, #tpu.memory_space<vmem>>, vector<1x16xf32>,
      %parallel_loop3A_201 = vector.shape_cast %parallel_loop3A_200 : vector<1x16xf32> to vector<16xf32>
      %parallel_loop3A_202 = vector.shape_cast %parallel_loop3A_197 : vector<16xf32> to vector<1x16xf32>
      tpu.vector_store %arg9[%parallel_loop3A_198, %parallel_loop3A_199], %parallel_loop3A_202 {add = true, strides = array<i32>} : memref<592x128xf32, #tpu.memory_space<vmem>>, vector<1x16xf32>,
      %parallel_loop3A_203 = vector.broadcast %parallel_loop3A_178 : f32 to vector<16xf32>
      %parallel_loop3A_204 = arith.mulf %parallel_loop3A_203, %get3A_17 : vector<16xf32>
      %parallel_loop3A_205 = arith.addf %parallel_loop3A_204, %get3A_41 : vector<16xf32>
      %parallel_loop3A_206 = arith.constant 0.000000e+00 : f32
      %parallel_loop3A_207 = vector.broadcast %parallel_loop3A_206 : f32 to vector<16xf32>
      %parallel_loop3A_208 = arith.maximumf %parallel_loop3A_205, %parallel_loop3A_207 : vector<16xf32>
      %parallel_loop3A_209 = arith.index_cast %parallel_loop3A_180 : i32 to index
      %parallel_loop3A_210 = arith.constant 32 : index
      %parallel_loop3A_211 = tpu.vector_load %arg9[%parallel_loop3A_209, %parallel_loop3A_210] {strides = array<i32>} : memref<592x128xf32, #tpu.memory_space<vmem>>, vector<1x16xf32>,
      %parallel_loop3A_212 = vector.shape_cast %parallel_loop3A_211 : vector<1x16xf32> to vector<16xf32>
      %parallel_loop3A_213 = vector.shape_cast %parallel_loop3A_208 : vector<16xf32> to vector<1x16xf32>
      tpu.vector_store %arg9[%parallel_loop3A_209, %parallel_loop3A_210], %parallel_loop3A_213 {add = true, strides = array<i32>} : memref<592x128xf32, #tpu.memory_space<vmem>>, vector<1x16xf32>,
      %parallel_loop3A_214 = vector.broadcast %parallel_loop3A_178 : f32 to vector<16xf32>
      %parallel_loop3A_215 = arith.mulf %parallel_loop3A_214, %get3A_20 : vector<16xf32>
      %parallel_loop3A_216 = arith.addf %parallel_loop3A_215, %get3A_44 : vector<16xf32>
      %parallel_loop3A_217 = arith.constant 0.000000e+00 : f32
      %parallel_loop3A_218 = vector.broadcast %parallel_loop3A_217 : f32 to vector<16xf32>
      %parallel_loop3A_219 = arith.maximumf %parallel_loop3A_216, %parallel_loop3A_218 : vector<16xf32>
      %parallel_loop3A_220 = arith.index_cast %parallel_loop3A_180 : i32 to index
      %parallel_loop3A_221 = arith.constant 48 : index
      %parallel_loop3A_222 = tpu.vector_load %arg9[%parallel_loop3A_220, %parallel_loop3A_221] {strides = array<i32>} : memref<592x128xf32, #tpu.memory_space<vmem>>, vector<1x16xf32>,
      %parallel_loop3A_223 = vector.shape_cast %parallel_loop3A_222 : vector<1x16xf32> to vector<16xf32>
      %parallel_loop3A_224 = vector.shape_cast %parallel_loop3A_219 : vector<16xf32> to vector<1x16xf32>
      tpu.vector_store %arg9[%parallel_loop3A_220, %parallel_loop3A_221], %parallel_loop3A_224 {add = true, strides = array<i32>} : memref<592x128xf32, #tpu.memory_space<vmem>>, vector<1x16xf32>,
      %parallel_loop3A_225 = vector.broadcast %parallel_loop3A_178 : f32 to vector<16xf32>
      %parallel_loop3A_226 = arith.mulf %parallel_loop3A_225, %get3A_23 : vector<16xf32>
      %parallel_loop3A_227 = arith.addf %parallel_loop3A_226, %get3A_47 : vector<16xf32>
      %parallel_loop3A_228 = arith.constant 0.000000e+00 : f32
      %parallel_loop3A_229 = vector.broadcast %parallel_loop3A_228 : f32 to vector<16xf32>
      %parallel_loop3A_230 = arith.maximumf %parallel_loop3A_227, %parallel_loop3A_229 : vector<16xf32>
      %parallel_loop3A_231 = arith.index_cast %parallel_loop3A_180 : i32 to index
      %parallel_loop3A_232 = arith.constant 64 : index
      %parallel_loop3A_233 = tpu.vector_load %arg9[%parallel_loop3A_231, %parallel_loop3A_232] {strides = array<i32>} : memref<592x128xf32, #tpu.memory_space<vmem>>, vector<1x16xf32>,
      %parallel_loop3A_234 = vector.shape_cast %parallel_loop3A_233 : vector<1x16xf32> to vector<16xf32>
      %parallel_loop3A_235 = vector.shape_cast %parallel_loop3A_230 : vector<16xf32> to vector<1x16xf32>
      tpu.vector_store %arg9[%parallel_loop3A_231, %parallel_loop3A_232], %parallel_loop3A_235 {add = true, strides = array<i32>} : memref<592x128xf32, #tpu.memory_space<vmem>>, vector<1x16xf32>,
      %parallel_loop3A_236 = vector.broadcast %parallel_loop3A_178 : f32 to vector<16xf32>
      %parallel_loop3A_237 = arith.mulf %parallel_loop3A_236, %get3A_26 : vector<16xf32>
      %parallel_loop3A_238 = arith.addf %parallel_loop3A_237, %get3A_50 : vector<16xf32>
      %parallel_loop3A_239 = arith.constant 0.000000e+00 : f32
      %parallel_loop3A_240 = vector.broadcast %parallel_loop3A_239 : f32 to vector<16xf32>
      %parallel_loop3A_241 = arith.maximumf %parallel_loop3A_238, %parallel_loop3A_240 : vector<16xf32>
      %parallel_loop3A_242 = arith.index_cast %parallel_loop3A_180 : i32 to index
      %parallel_loop3A_243 = arith.constant 80 : index
      %parallel_loop3A_244 = tpu.vector_load %arg9[%parallel_loop3A_242, %parallel_loop3A_243] {strides = array<i32>} : memref<592x128xf32, #tpu.memory_space<vmem>>, vector<1x16xf32>,
      %parallel_loop3A_245 = vector.shape_cast %parallel_loop3A_244 : vector<1x16xf32> to vector<16xf32>
      %parallel_loop3A_246 = vector.shape_cast %parallel_loop3A_241 : vector<16xf32> to vector<1x16xf32>
      tpu.vector_store %arg9[%parallel_loop3A_242, %parallel_loop3A_243], %parallel_loop3A_246 {add = true, strides = array<i32>} : memref<592x128xf32, #tpu.memory_space<vmem>>, vector<1x16xf32>,
      %parallel_loop3A_247 = vector.broadcast %parallel_loop3A_178 : f32 to vector<16xf32>
      %parallel_loop3A_248 = arith.mulf %parallel_loop3A_247, %get3A_29 : vector<16xf32>
      %parallel_loop3A_249 = arith.addf %parallel_loop3A_248, %get3A_53 : vector<16xf32>
      %parallel_loop3A_250 = arith.constant 0.000000e+00 : f32
      %parallel_loop3A_251 = vector.broadcast %parallel_loop3A_250 : f32 to vector<16xf32>
      %parallel_loop3A_252 = arith.maximumf %parallel_loop3A_249, %parallel_loop3A_251 : vector<16xf32>
      %parallel_loop3A_253 = arith.index_cast %parallel_loop3A_180 : i32 to index
      %parallel_loop3A_254 = arith.constant 96 : index
      %parallel_loop3A_255 = tpu.vector_load %arg9[%parallel_loop3A_253, %parallel_loop3A_254] {strides = array<i32>} : memref<592x128xf32, #tpu.memory_space<vmem>>, vector<1x16xf32>,
      %parallel_loop3A_256 = vector.shape_cast %parallel_loop3A_255 : vector<1x16xf32> to vector<16xf32>
      %parallel_loop3A_257 = vector.shape_cast %parallel_loop3A_252 : vector<16xf32> to vector<1x16xf32>
      tpu.vector_store %arg9[%parallel_loop3A_253, %parallel_loop3A_254], %parallel_loop3A_257 {add = true, strides = array<i32>} : memref<592x128xf32, #tpu.memory_space<vmem>>, vector<1x16xf32>,
      %parallel_loop3A_258 = vector.broadcast %parallel_loop3A_178 : f32 to vector<16xf32>
      %parallel_loop3A_259 = arith.mulf %parallel_loop3A_258, %get3A_32 : vector<16xf32>
      %parallel_loop3A_260 = arith.addf %parallel_loop3A_259, %get3A_56 : vector<16xf32>
      %parallel_loop3A_261 = arith.constant 0.000000e+00 : f32
      %parallel_loop3A_262 = vector.broadcast %parallel_loop3A_261 : f32 to vector<16xf32>
      %parallel_loop3A_263 = arith.maximumf %parallel_loop3A_260, %parallel_loop3A_262 : vector<16xf32>
      %parallel_loop3A_264 = arith.index_cast %parallel_loop3A_180 : i32 to index
      %parallel_loop3A_265 = arith.constant 112 : index
      %parallel_loop3A_266 = tpu.vector_load %arg9[%parallel_loop3A_264, %parallel_loop3A_265] {strides = array<i32>} : memref<592x128xf32, #tpu.memory_space<vmem>>, vector<1x16xf32>,
      %parallel_loop3A_267 = vector.shape_cast %parallel_loop3A_266 : vector<1x16xf32> to vector<16xf32>
      %parallel_loop3A_268 = vector.shape_cast %parallel_loop3A_263 : vector<16xf32> to vector<1x16xf32>
      tpu.vector_store %arg9[%parallel_loop3A_264, %parallel_loop3A_265], %parallel_loop3A_268 {add = true, strides = array<i32>} : memref<592x128xf32, #tpu.memory_space<vmem>>, vector<1x16xf32>,
      %parallel_loop3A_269 = arith.constant 3 : i32
      %parallel_loop3A_270 = arith.shrsi %parallel_loop3A_180, %parallel_loop3A_269 : i32
      %parallel_loop3A_271 = arith.constant 512 : i32
      %parallel_loop3A_272 = arith.addi %parallel_loop3A_271, %parallel_loop3A_270 : i32
      %parallel_loop3A_273 = arith.constant 7 : i32
      %parallel_loop3A_274 = arith.andi %parallel_loop3A_180, %parallel_loop3A_273 : i32
      %parallel_loop3A_275 = arith.constant 16 : i32
      %parallel_loop3A_276 = arith.muli %parallel_loop3A_274, %parallel_loop3A_275 : i32
      %parallel_loop3A_277 = arith.index_cast %parallel_loop3A_272 : i32 to index
      %parallel_loop3A_278 = arith.index_cast %parallel_loop3A_276 : i32 to index
      %parallel_loop3A_279 = tpu.vector_load %arg9[%parallel_loop3A_277, %parallel_loop3A_278] {strides = array<i32>} : memref<592x128xf32, #tpu.memory_space<vmem>>, vector<1x16xf32>,
      %parallel_loop3A_280 = vector.shape_cast %parallel_loop3A_279 : vector<1x16xf32> to vector<16xf32>
      %parallel_loop3A_281 = vector.shape_cast %broadcast_in_dim3A_58 : vector<16xf32> to vector<1x16xf32>
      tpu.vector_store %arg9[%parallel_loop3A_277, %parallel_loop3A_278], %parallel_loop3A_281 {add = true, strides = array<i32>} : memref<592x128xf32, #tpu.memory_space<vmem>>, vector<1x16xf32>,
      %parallel_loop3A_282 = vector.extract_strided_slice %parallel_loop3A_66 {offsets = [2], sizes = [1], strides = [1]} : vector<16xf32> to vector<1xf32>
      %parallel_loop3A_283 = vector.extract %parallel_loop3A_282[0] : f32 from vector<1xf32>
      %parallel_loop3A_284 = vector.extract_strided_slice %parallel_loop3A_71 {offsets = [2], sizes = [1], strides = [1]} : vector<16xi32> to vector<1xi32>
      %parallel_loop3A_285 = vector.extract %parallel_loop3A_284[0] : i32 from vector<1xi32>
      %parallel_loop3A_286 = vector.broadcast %parallel_loop3A_283 : f32 to vector<16xf32>
      %parallel_loop3A_287 = arith.mulf %parallel_loop3A_286, %get3A_11 : vector<16xf32>
      %parallel_loop3A_288 = arith.addf %parallel_loop3A_287, %get3A_35 : vector<16xf32>
      %parallel_loop3A_289 = arith.constant 0.000000e+00 : f32
      %parallel_loop3A_290 = vector.broadcast %parallel_loop3A_289 : f32 to vector<16xf32>
      %parallel_loop3A_291 = arith.maximumf %parallel_loop3A_288, %parallel_loop3A_290 : vector<16xf32>
      %parallel_loop3A_292 = arith.index_cast %parallel_loop3A_285 : i32 to index
      %parallel_loop3A_293 = arith.constant 0 : index
      %parallel_loop3A_294 = tpu.vector_load %arg9[%parallel_loop3A_292, %parallel_loop3A_293] {strides = array<i32>} : memref<592x128xf32, #tpu.memory_space<vmem>>, vector<1x16xf32>,
      %parallel_loop3A_295 = vector.shape_cast %parallel_loop3A_294 : vector<1x16xf32> to vector<16xf32>
      %parallel_loop3A_296 = vector.shape_cast %parallel_loop3A_291 : vector<16xf32> to vector<1x16xf32>
      tpu.vector_store %arg9[%parallel_loop3A_292, %parallel_loop3A_293], %parallel_loop3A_296 {add = true, strides = array<i32>} : memref<592x128xf32, #tpu.memory_space<vmem>>, vector<1x16xf32>,
      %parallel_loop3A_297 = vector.broadcast %parallel_loop3A_283 : f32 to vector<16xf32>
      %parallel_loop3A_298 = arith.mulf %parallel_loop3A_297, %get3A_14 : vector<16xf32>
      %parallel_loop3A_299 = arith.addf %parallel_loop3A_298, %get3A_38 : vector<16xf32>
      %parallel_loop3A_300 = arith.constant 0.000000e+00 : f32
      %parallel_loop3A_301 = vector.broadcast %parallel_loop3A_300 : f32 to vector<16xf32>
      %parallel_loop3A_302 = arith.maximumf %parallel_loop3A_299, %parallel_loop3A_301 : vector<16xf32>
      %parallel_loop3A_303 = arith.index_cast %parallel_loop3A_285 : i32 to index
      %parallel_loop3A_304 = arith.constant 16 : index
      %parallel_loop3A_305 = tpu.vector_load %arg9[%parallel_loop3A_303, %parallel_loop3A_304] {strides = array<i32>} : memref<592x128xf32, #tpu.memory_space<vmem>>, vector<1x16xf32>,
      %parallel_loop3A_306 = vector.shape_cast %parallel_loop3A_305 : vector<1x16xf32> to vector<16xf32>
      %parallel_loop3A_307 = vector.shape_cast %parallel_loop3A_302 : vector<16xf32> to vector<1x16xf32>
      tpu.vector_store %arg9[%parallel_loop3A_303, %parallel_loop3A_304], %parallel_loop3A_307 {add = true, strides = array<i32>} : memref<592x128xf32, #tpu.memory_space<vmem>>, vector<1x16xf32>,
      %parallel_loop3A_308 = vector.broadcast %parallel_loop3A_283 : f32 to vector<16xf32>
      %parallel_loop3A_309 = arith.mulf %parallel_loop3A_308, %get3A_17 : vector<16xf32>
      %parallel_loop3A_310 = arith.addf %parallel_loop3A_309, %get3A_41 : vector<16xf32>
      %parallel_loop3A_311 = arith.constant 0.000000e+00 : f32
      %parallel_loop3A_312 = vector.broadcast %parallel_loop3A_311 : f32 to vector<16xf32>
      %parallel_loop3A_313 = arith.maximumf %parallel_loop3A_310, %parallel_loop3A_312 : vector<16xf32>
      %parallel_loop3A_314 = arith.index_cast %parallel_loop3A_285 : i32 to index
      %parallel_loop3A_315 = arith.constant 32 : index
      %parallel_loop3A_316 = tpu.vector_load %arg9[%parallel_loop3A_314, %parallel_loop3A_315] {strides = array<i32>} : memref<592x128xf32, #tpu.memory_space<vmem>>, vector<1x16xf32>,
      %parallel_loop3A_317 = vector.shape_cast %parallel_loop3A_316 : vector<1x16xf32> to vector<16xf32>
      %parallel_loop3A_318 = vector.shape_cast %parallel_loop3A_313 : vector<16xf32> to vector<1x16xf32>
      tpu.vector_store %arg9[%parallel_loop3A_314, %parallel_loop3A_315], %parallel_loop3A_318 {add = true, strides = array<i32>} : memref<592x128xf32, #tpu.memory_space<vmem>>, vector<1x16xf32>,
      %parallel_loop3A_319 = vector.broadcast %parallel_loop3A_283 : f32 to vector<16xf32>
      %parallel_loop3A_320 = arith.mulf %parallel_loop3A_319, %get3A_20 : vector<16xf32>
      %parallel_loop3A_321 = arith.addf %parallel_loop3A_320, %get3A_44 : vector<16xf32>
      %parallel_loop3A_322 = arith.constant 0.000000e+00 : f32
      %parallel_loop3A_323 = vector.broadcast %parallel_loop3A_322 : f32 to vector<16xf32>
      %parallel_loop3A_324 = arith.maximumf %parallel_loop3A_321, %parallel_loop3A_323 : vector<16xf32>
      %parallel_loop3A_325 = arith.index_cast %parallel_loop3A_285 : i32 to index
      %parallel_loop3A_326 = arith.constant 48 : index
      %parallel_loop3A_327 = tpu.vector_load %arg9[%parallel_loop3A_325, %parallel_loop3A_326] {strides = array<i32>} : memref<592x128xf32, #tpu.memory_space<vmem>>, vector<1x16xf32>,
      %parallel_loop3A_328 = vector.shape_cast %parallel_loop3A_327 : vector<1x16xf32> to vector<16xf32>
      %parallel_loop3A_329 = vector.shape_cast %parallel_loop3A_324 : vector<16xf32> to vector<1x16xf32>
      tpu.vector_store %arg9[%parallel_loop3A_325, %parallel_loop3A_326], %parallel_loop3A_329 {add = true, strides = array<i32>} : memref<592x128xf32, #tpu.memory_space<vmem>>, vector<1x16xf32>,
      %parallel_loop3A_330 = vector.broadcast %parallel_loop3A_283 : f32 to vector<16xf32>
      %parallel_loop3A_331 = arith.mulf %parallel_loop3A_330, %get3A_23 : vector<16xf32>
      %parallel_loop3A_332 = arith.addf %parallel_loop3A_331, %get3A_47 : vector<16xf32>
      %parallel_loop3A_333 = arith.constant 0.000000e+00 : f32
      %parallel_loop3A_334 = vector.broadcast %parallel_loop3A_333 : f32 to vector<16xf32>
      %parallel_loop3A_335 = arith.maximumf %parallel_loop3A_332, %parallel_loop3A_334 : vector<16xf32>
      %parallel_loop3A_336 = arith.index_cast %parallel_loop3A_285 : i32 to index
      %parallel_loop3A_337 = arith.constant 64 : index
      %parallel_loop3A_338 = tpu.vector_load %arg9[%parallel_loop3A_336, %parallel_loop3A_337] {strides = array<i32>} : memref<592x128xf32, #tpu.memory_space<vmem>>, vector<1x16xf32>,
      %parallel_loop3A_339 = vector.shape_cast %parallel_loop3A_338 : vector<1x16xf32> to vector<16xf32>
      %parallel_loop3A_340 = vector.shape_cast %parallel_loop3A_335 : vector<16xf32> to vector<1x16xf32>
      tpu.vector_store %arg9[%parallel_loop3A_336, %parallel_loop3A_337], %parallel_loop3A_340 {add = true, strides = array<i32>} : memref<592x128xf32, #tpu.memory_space<vmem>>, vector<1x16xf32>,
      %parallel_loop3A_341 = vector.broadcast %parallel_loop3A_283 : f32 to vector<16xf32>
      %parallel_loop3A_342 = arith.mulf %parallel_loop3A_341, %get3A_26 : vector<16xf32>
      %parallel_loop3A_343 = arith.addf %parallel_loop3A_342, %get3A_50 : vector<16xf32>
      %parallel_loop3A_344 = arith.constant 0.000000e+00 : f32
      %parallel_loop3A_345 = vector.broadcast %parallel_loop3A_344 : f32 to vector<16xf32>
      %parallel_loop3A_346 = arith.maximumf %parallel_loop3A_343, %parallel_loop3A_345 : vector<16xf32>
      %parallel_loop3A_347 = arith.index_cast %parallel_loop3A_285 : i32 to index
      %parallel_loop3A_348 = arith.constant 80 : index
      %parallel_loop3A_349 = tpu.vector_load %arg9[%parallel_loop3A_347, %parallel_loop3A_348] {strides = array<i32>} : memref<592x128xf32, #tpu.memory_space<vmem>>, vector<1x16xf32>,
      %parallel_loop3A_350 = vector.shape_cast %parallel_loop3A_349 : vector<1x16xf32> to vector<16xf32>
      %parallel_loop3A_351 = vector.shape_cast %parallel_loop3A_346 : vector<16xf32> to vector<1x16xf32>
      tpu.vector_store %arg9[%parallel_loop3A_347, %parallel_loop3A_348], %parallel_loop3A_351 {add = true, strides = array<i32>} : memref<592x128xf32, #tpu.memory_space<vmem>>, vector<1x16xf32>,
      %parallel_loop3A_352 = vector.broadcast %parallel_loop3A_283 : f32 to vector<16xf32>
      %parallel_loop3A_353 = arith.mulf %parallel_loop3A_352, %get3A_29 : vector<16xf32>
      %parallel_loop3A_354 = arith.addf %parallel_loop3A_353, %get3A_53 : vector<16xf32>
      %parallel_loop3A_355 = arith.constant 0.000000e+00 : f32
      %parallel_loop3A_356 = vector.broadcast %parallel_loop3A_355 : f32 to vector<16xf32>
      %parallel_loop3A_357 = arith.maximumf %parallel_loop3A_354, %parallel_loop3A_356 : vector<16xf32>
      %parallel_loop3A_358 = arith.index_cast %parallel_loop3A_285 : i32 to index
      %parallel_loop3A_359 = arith.constant 96 : index
      %parallel_loop3A_360 = tpu.vector_load %arg9[%parallel_loop3A_358, %parallel_loop3A_359] {strides = array<i32>} : memref<592x128xf32, #tpu.memory_space<vmem>>, vector<1x16xf32>,
      %parallel_loop3A_361 = vector.shape_cast %parallel_loop3A_360 : vector<1x16xf32> to vector<16xf32>
      %parallel_loop3A_362 = vector.shape_cast %parallel_loop3A_357 : vector<16xf32> to vector<1x16xf32>
      tpu.vector_store %arg9[%parallel_loop3A_358, %parallel_loop3A_359], %parallel_loop3A_362 {add = true, strides = array<i32>} : memref<592x128xf32, #tpu.memory_space<vmem>>, vector<1x16xf32>,
      %parallel_loop3A_363 = vector.broadcast %parallel_loop3A_283 : f32 to vector<16xf32>
      %parallel_loop3A_364 = arith.mulf %parallel_loop3A_363, %get3A_32 : vector<16xf32>
      %parallel_loop3A_365 = arith.addf %parallel_loop3A_364, %get3A_56 : vector<16xf32>
      %parallel_loop3A_366 = arith.constant 0.000000e+00 : f32
      %parallel_loop3A_367 = vector.broadcast %parallel_loop3A_366 : f32 to vector<16xf32>
      %parallel_loop3A_368 = arith.maximumf %parallel_loop3A_365, %parallel_loop3A_367 : vector<16xf32>
      %parallel_loop3A_369 = arith.index_cast %parallel_loop3A_285 : i32 to index
      %parallel_loop3A_370 = arith.constant 112 : index
      %parallel_loop3A_371 = tpu.vector_load %arg9[%parallel_loop3A_369, %parallel_loop3A_370] {strides = array<i32>} : memref<592x128xf32, #tpu.memory_space<vmem>>, vector<1x16xf32>,
      %parallel_loop3A_372 = vector.shape_cast %parallel_loop3A_371 : vector<1x16xf32> to vector<16xf32>
      %parallel_loop3A_373 = vector.shape_cast %parallel_loop3A_368 : vector<16xf32> to vector<1x16xf32>
      tpu.vector_store %arg9[%parallel_loop3A_369, %parallel_loop3A_370], %parallel_loop3A_373 {add = true, strides = array<i32>} : memref<592x128xf32, #tpu.memory_space<vmem>>, vector<1x16xf32>,
      %parallel_loop3A_374 = arith.constant 3 : i32
      %parallel_loop3A_375 = arith.shrsi %parallel_loop3A_285, %parallel_loop3A_374 : i32
      %parallel_loop3A_376 = arith.constant 512 : i32
      %parallel_loop3A_377 = arith.addi %parallel_loop3A_376, %parallel_loop3A_375 : i32
      %parallel_loop3A_378 = arith.constant 7 : i32
      %parallel_loop3A_379 = arith.andi %parallel_loop3A_285, %parallel_loop3A_378 : i32
      %parallel_loop3A_380 = arith.constant 16 : i32
      %parallel_loop3A_381 = arith.muli %parallel_loop3A_379, %parallel_loop3A_380 : i32
      %parallel_loop3A_382 = arith.index_cast %parallel_loop3A_377 : i32 to index
      %parallel_loop3A_383 = arith.index_cast %parallel_loop3A_381 : i32 to index
      %parallel_loop3A_384 = tpu.vector_load %arg9[%parallel_loop3A_382, %parallel_loop3A_383] {strides = array<i32>} : memref<592x128xf32, #tpu.memory_space<vmem>>, vector<1x16xf32>,
      %parallel_loop3A_385 = vector.shape_cast %parallel_loop3A_384 : vector<1x16xf32> to vector<16xf32>
      %parallel_loop3A_386 = vector.shape_cast %broadcast_in_dim3A_58 : vector<16xf32> to vector<1x16xf32>
      tpu.vector_store %arg9[%parallel_loop3A_382, %parallel_loop3A_383], %parallel_loop3A_386 {add = true, strides = array<i32>} : memref<592x128xf32, #tpu.memory_space<vmem>>, vector<1x16xf32>,
      %parallel_loop3A_387 = vector.extract_strided_slice %parallel_loop3A_66 {offsets = [3], sizes = [1], strides = [1]} : vector<16xf32> to vector<1xf32>
      %parallel_loop3A_388 = vector.extract %parallel_loop3A_387[0] : f32 from vector<1xf32>
      %parallel_loop3A_389 = vector.extract_strided_slice %parallel_loop3A_71 {offsets = [3], sizes = [1], strides = [1]} : vector<16xi32> to vector<1xi32>
      %parallel_loop3A_390 = vector.extract %parallel_loop3A_389[0] : i32 from vector<1xi32>
      %parallel_loop3A_391 = vector.broadcast %parallel_loop3A_388 : f32 to vector<16xf32>
      %parallel_loop3A_392 = arith.mulf %parallel_loop3A_391, %get3A_11 : vector<16xf32>
      %parallel_loop3A_393 = arith.addf %parallel_loop3A_392, %get3A_35 : vector<16xf32>
      %parallel_loop3A_394 = arith.constant 0.000000e+00 : f32
      %parallel_loop3A_395 = vector.broadcast %parallel_loop3A_394 : f32 to vector<16xf32>
      %parallel_loop3A_396 = arith.maximumf %parallel_loop3A_393, %parallel_loop3A_395 : vector<16xf32>
      %parallel_loop3A_397 = arith.index_cast %parallel_loop3A_390 : i32 to index
      %parallel_loop3A_398 = arith.constant 0 : index
      %parallel_loop3A_399 = tpu.vector_load %arg9[%parallel_loop3A_397, %parallel_loop3A_398] {strides = array<i32>} : memref<592x128xf32, #tpu.memory_space<vmem>>, vector<1x16xf32>,
      %parallel_loop3A_400 = vector.shape_cast %parallel_loop3A_399 : vector<1x16xf32> to vector<16xf32>
      %parallel_loop3A_401 = vector.shape_cast %parallel_loop3A_396 : vector<16xf32> to vector<1x16xf32>
      tpu.vector_store %arg9[%parallel_loop3A_397, %parallel_loop3A_398], %parallel_loop3A_401 {add = true, strides = array<i32>} : memref<592x128xf32, #tpu.memory_space<vmem>>, vector<1x16xf32>,
      %parallel_loop3A_402 = vector.broadcast %parallel_loop3A_388 : f32 to vector<16xf32>
      %parallel_loop3A_403 = arith.mulf %parallel_loop3A_402, %get3A_14 : vector<16xf32>
      %parallel_loop3A_404 = arith.addf %parallel_loop3A_403, %get3A_38 : vector<16xf32>
      %parallel_loop3A_405 = arith.constant 0.000000e+00 : f32
      %parallel_loop3A_406 = vector.broadcast %parallel_loop3A_405 : f32 to vector<16xf32>
      %parallel_loop3A_407 = arith.maximumf %parallel_loop3A_404, %parallel_loop3A_406 : vector<16xf32>
      %parallel_loop3A_408 = arith.index_cast %parallel_loop3A_390 : i32 to index
      %parallel_loop3A_409 = arith.constant 16 : index
      %parallel_loop3A_410 = tpu.vector_load %arg9[%parallel_loop3A_408, %parallel_loop3A_409] {strides = array<i32>} : memref<592x128xf32, #tpu.memory_space<vmem>>, vector<1x16xf32>,
      %parallel_loop3A_411 = vector.shape_cast %parallel_loop3A_410 : vector<1x16xf32> to vector<16xf32>
      %parallel_loop3A_412 = vector.shape_cast %parallel_loop3A_407 : vector<16xf32> to vector<1x16xf32>
      tpu.vector_store %arg9[%parallel_loop3A_408, %parallel_loop3A_409], %parallel_loop3A_412 {add = true, strides = array<i32>} : memref<592x128xf32, #tpu.memory_space<vmem>>, vector<1x16xf32>,
      %parallel_loop3A_413 = vector.broadcast %parallel_loop3A_388 : f32 to vector<16xf32>
      %parallel_loop3A_414 = arith.mulf %parallel_loop3A_413, %get3A_17 : vector<16xf32>
      %parallel_loop3A_415 = arith.addf %parallel_loop3A_414, %get3A_41 : vector<16xf32>
      %parallel_loop3A_416 = arith.constant 0.000000e+00 : f32
      %parallel_loop3A_417 = vector.broadcast %parallel_loop3A_416 : f32 to vector<16xf32>
      %parallel_loop3A_418 = arith.maximumf %parallel_loop3A_415, %parallel_loop3A_417 : vector<16xf32>
      %parallel_loop3A_419 = arith.index_cast %parallel_loop3A_390 : i32 to index
      %parallel_loop3A_420 = arith.constant 32 : index
      %parallel_loop3A_421 = tpu.vector_load %arg9[%parallel_loop3A_419, %parallel_loop3A_420] {strides = array<i32>} : memref<592x128xf32, #tpu.memory_space<vmem>>, vector<1x16xf32>,
      %parallel_loop3A_422 = vector.shape_cast %parallel_loop3A_421 : vector<1x16xf32> to vector<16xf32>
      %parallel_loop3A_423 = vector.shape_cast %parallel_loop3A_418 : vector<16xf32> to vector<1x16xf32>
      tpu.vector_store %arg9[%parallel_loop3A_419, %parallel_loop3A_420], %parallel_loop3A_423 {add = true, strides = array<i32>} : memref<592x128xf32, #tpu.memory_space<vmem>>, vector<1x16xf32>,
      %parallel_loop3A_424 = vector.broadcast %parallel_loop3A_388 : f32 to vector<16xf32>
      %parallel_loop3A_425 = arith.mulf %parallel_loop3A_424, %get3A_20 : vector<16xf32>
      %parallel_loop3A_426 = arith.addf %parallel_loop3A_425, %get3A_44 : vector<16xf32>
      %parallel_loop3A_427 = arith.constant 0.000000e+00 : f32
      %parallel_loop3A_428 = vector.broadcast %parallel_loop3A_427 : f32 to vector<16xf32>
      %parallel_loop3A_429 = arith.maximumf %parallel_loop3A_426, %parallel_loop3A_428 : vector<16xf32>
      %parallel_loop3A_430 = arith.index_cast %parallel_loop3A_390 : i32 to index
      %parallel_loop3A_431 = arith.constant 48 : index
      %parallel_loop3A_432 = tpu.vector_load %arg9[%parallel_loop3A_430, %parallel_loop3A_431] {strides = array<i32>} : memref<592x128xf32, #tpu.memory_space<vmem>>, vector<1x16xf32>,
      %parallel_loop3A_433 = vector.shape_cast %parallel_loop3A_432 : vector<1x16xf32> to vector<16xf32>
      %parallel_loop3A_434 = vector.shape_cast %parallel_loop3A_429 : vector<16xf32> to vector<1x16xf32>
      tpu.vector_store %arg9[%parallel_loop3A_430, %parallel_loop3A_431], %parallel_loop3A_434 {add = true, strides = array<i32>} : memref<592x128xf32, #tpu.memory_space<vmem>>, vector<1x16xf32>,
      %parallel_loop3A_435 = vector.broadcast %parallel_loop3A_388 : f32 to vector<16xf32>
      %parallel_loop3A_436 = arith.mulf %parallel_loop3A_435, %get3A_23 : vector<16xf32>
      %parallel_loop3A_437 = arith.addf %parallel_loop3A_436, %get3A_47 : vector<16xf32>
      %parallel_loop3A_438 = arith.constant 0.000000e+00 : f32
      %parallel_loop3A_439 = vector.broadcast %parallel_loop3A_438 : f32 to vector<16xf32>
      %parallel_loop3A_440 = arith.maximumf %parallel_loop3A_437, %parallel_loop3A_439 : vector<16xf32>
      %parallel_loop3A_441 = arith.index_cast %parallel_loop3A_390 : i32 to index
      %parallel_loop3A_442 = arith.constant 64 : index
      %parallel_loop3A_443 = tpu.vector_load %arg9[%parallel_loop3A_441, %parallel_loop3A_442] {strides = array<i32>} : memref<592x128xf32, #tpu.memory_space<vmem>>, vector<1x16xf32>,
      %parallel_loop3A_444 = vector.shape_cast %parallel_loop3A_443 : vector<1x16xf32> to vector<16xf32>
      %parallel_loop3A_445 = vector.shape_cast %parallel_loop3A_440 : vector<16xf32> to vector<1x16xf32>
      tpu.vector_store %arg9[%parallel_loop3A_441, %parallel_loop3A_442], %parallel_loop3A_445 {add = true, strides = array<i32>} : memref<592x128xf32, #tpu.memory_space<vmem>>, vector<1x16xf32>,
      %parallel_loop3A_446 = vector.broadcast %parallel_loop3A_388 : f32 to vector<16xf32>
      %parallel_loop3A_447 = arith.mulf %parallel_loop3A_446, %get3A_26 : vector<16xf32>
      %parallel_loop3A_448 = arith.addf %parallel_loop3A_447, %get3A_50 : vector<16xf32>
      %parallel_loop3A_449 = arith.constant 0.000000e+00 : f32
      %parallel_loop3A_450 = vector.broadcast %parallel_loop3A_449 : f32 to vector<16xf32>
      %parallel_loop3A_451 = arith.maximumf %parallel_loop3A_448, %parallel_loop3A_450 : vector<16xf32>
      %parallel_loop3A_452 = arith.index_cast %parallel_loop3A_390 : i32 to index
      %parallel_loop3A_453 = arith.constant 80 : index
      %parallel_loop3A_454 = tpu.vector_load %arg9[%parallel_loop3A_452, %parallel_loop3A_453] {strides = array<i32>} : memref<592x128xf32, #tpu.memory_space<vmem>>, vector<1x16xf32>,
      %parallel_loop3A_455 = vector.shape_cast %parallel_loop3A_454 : vector<1x16xf32> to vector<16xf32>
      %parallel_loop3A_456 = vector.shape_cast %parallel_loop3A_451 : vector<16xf32> to vector<1x16xf32>
      tpu.vector_store %arg9[%parallel_loop3A_452, %parallel_loop3A_453], %parallel_loop3A_456 {add = true, strides = array<i32>} : memref<592x128xf32, #tpu.memory_space<vmem>>, vector<1x16xf32>,
      %parallel_loop3A_457 = vector.broadcast %parallel_loop3A_388 : f32 to vector<16xf32>
      %parallel_loop3A_458 = arith.mulf %parallel_loop3A_457, %get3A_29 : vector<16xf32>
      %parallel_loop3A_459 = arith.addf %parallel_loop3A_458, %get3A_53 : vector<16xf32>
      %parallel_loop3A_460 = arith.constant 0.000000e+00 : f32
      %parallel_loop3A_461 = vector.broadcast %parallel_loop3A_460 : f32 to vector<16xf32>
      %parallel_loop3A_462 = arith.maximumf %parallel_loop3A_459, %parallel_loop3A_461 : vector<16xf32>
      %parallel_loop3A_463 = arith.index_cast %parallel_loop3A_390 : i32 to index
      %parallel_loop3A_464 = arith.constant 96 : index
      %parallel_loop3A_465 = tpu.vector_load %arg9[%parallel_loop3A_463, %parallel_loop3A_464] {strides = array<i32>} : memref<592x128xf32, #tpu.memory_space<vmem>>, vector<1x16xf32>,
      %parallel_loop3A_466 = vector.shape_cast %parallel_loop3A_465 : vector<1x16xf32> to vector<16xf32>
      %parallel_loop3A_467 = vector.shape_cast %parallel_loop3A_462 : vector<16xf32> to vector<1x16xf32>
      tpu.vector_store %arg9[%parallel_loop3A_463, %parallel_loop3A_464], %parallel_loop3A_467 {add = true, strides = array<i32>} : memref<592x128xf32, #tpu.memory_space<vmem>>, vector<1x16xf32>,
      %parallel_loop3A_468 = vector.broadcast %parallel_loop3A_388 : f32 to vector<16xf32>
      %parallel_loop3A_469 = arith.mulf %parallel_loop3A_468, %get3A_32 : vector<16xf32>
      %parallel_loop3A_470 = arith.addf %parallel_loop3A_469, %get3A_56 : vector<16xf32>
      %parallel_loop3A_471 = arith.constant 0.000000e+00 : f32
      %parallel_loop3A_472 = vector.broadcast %parallel_loop3A_471 : f32 to vector<16xf32>
      %parallel_loop3A_473 = arith.maximumf %parallel_loop3A_470, %parallel_loop3A_472 : vector<16xf32>
      %parallel_loop3A_474 = arith.index_cast %parallel_loop3A_390 : i32 to index
      %parallel_loop3A_475 = arith.constant 112 : index
      %parallel_loop3A_476 = tpu.vector_load %arg9[%parallel_loop3A_474, %parallel_loop3A_475] {strides = array<i32>} : memref<592x128xf32, #tpu.memory_space<vmem>>, vector<1x16xf32>,
      %parallel_loop3A_477 = vector.shape_cast %parallel_loop3A_476 : vector<1x16xf32> to vector<16xf32>
      %parallel_loop3A_478 = vector.shape_cast %parallel_loop3A_473 : vector<16xf32> to vector<1x16xf32>
      tpu.vector_store %arg9[%parallel_loop3A_474, %parallel_loop3A_475], %parallel_loop3A_478 {add = true, strides = array<i32>} : memref<592x128xf32, #tpu.memory_space<vmem>>, vector<1x16xf32>,
      %parallel_loop3A_479 = arith.constant 3 : i32
      %parallel_loop3A_480 = arith.shrsi %parallel_loop3A_390, %parallel_loop3A_479 : i32
      %parallel_loop3A_481 = arith.constant 512 : i32
      %parallel_loop3A_482 = arith.addi %parallel_loop3A_481, %parallel_loop3A_480 : i32
      %parallel_loop3A_483 = arith.constant 7 : i32
      %parallel_loop3A_484 = arith.andi %parallel_loop3A_390, %parallel_loop3A_483 : i32
      %parallel_loop3A_485 = arith.constant 16 : i32
      %parallel_loop3A_486 = arith.muli %parallel_loop3A_484, %parallel_loop3A_485 : i32
      %parallel_loop3A_487 = arith.index_cast %parallel_loop3A_482 : i32 to index
      %parallel_loop3A_488 = arith.index_cast %parallel_loop3A_486 : i32 to index
      %parallel_loop3A_489 = tpu.vector_load %arg9[%parallel_loop3A_487, %parallel_loop3A_488] {strides = array<i32>} : memref<592x128xf32, #tpu.memory_space<vmem>>, vector<1x16xf32>,
      %parallel_loop3A_490 = vector.shape_cast %parallel_loop3A_489 : vector<1x16xf32> to vector<16xf32>
      %parallel_loop3A_491 = vector.shape_cast %broadcast_in_dim3A_58 : vector<16xf32> to vector<1x16xf32>
      tpu.vector_store %arg9[%parallel_loop3A_487, %parallel_loop3A_488], %parallel_loop3A_491 {add = true, strides = array<i32>} : memref<592x128xf32, #tpu.memory_space<vmem>>, vector<1x16xf32>,
      %parallel_loop3A_492 = vector.extract_strided_slice %parallel_loop3A_66 {offsets = [4], sizes = [1], strides = [1]} : vector<16xf32> to vector<1xf32>
      %parallel_loop3A_493 = vector.extract %parallel_loop3A_492[0] : f32 from vector<1xf32>
      %parallel_loop3A_494 = vector.extract_strided_slice %parallel_loop3A_71 {offsets = [4], sizes = [1], strides = [1]} : vector<16xi32> to vector<1xi32>
      %parallel_loop3A_495 = vector.extract %parallel_loop3A_494[0] : i32 from vector<1xi32>
      %parallel_loop3A_496 = vector.broadcast %parallel_loop3A_493 : f32 to vector<16xf32>
      %parallel_loop3A_497 = arith.mulf %parallel_loop3A_496, %get3A_11 : vector<16xf32>
      %parallel_loop3A_498 = arith.addf %parallel_loop3A_497, %get3A_35 : vector<16xf32>
      %parallel_loop3A_499 = arith.constant 0.000000e+00 : f32
      %parallel_loop3A_500 = vector.broadcast %parallel_loop3A_499 : f32 to vector<16xf32>
      %parallel_loop3A_501 = arith.maximumf %parallel_loop3A_498, %parallel_loop3A_500 : vector<16xf32>
      %parallel_loop3A_502 = arith.index_cast %parallel_loop3A_495 : i32 to index
      %parallel_loop3A_503 = arith.constant 0 : index
      %parallel_loop3A_504 = tpu.vector_load %arg9[%parallel_loop3A_502, %parallel_loop3A_503] {strides = array<i32>} : memref<592x128xf32, #tpu.memory_space<vmem>>, vector<1x16xf32>,
      %parallel_loop3A_505 = vector.shape_cast %parallel_loop3A_504 : vector<1x16xf32> to vector<16xf32>
      %parallel_loop3A_506 = vector.shape_cast %parallel_loop3A_501 : vector<16xf32> to vector<1x16xf32>
      tpu.vector_store %arg9[%parallel_loop3A_502, %parallel_loop3A_503], %parallel_loop3A_506 {add = true, strides = array<i32>} : memref<592x128xf32, #tpu.memory_space<vmem>>, vector<1x16xf32>,
      %parallel_loop3A_507 = vector.broadcast %parallel_loop3A_493 : f32 to vector<16xf32>
      %parallel_loop3A_508 = arith.mulf %parallel_loop3A_507, %get3A_14 : vector<16xf32>
      %parallel_loop3A_509 = arith.addf %parallel_loop3A_508, %get3A_38 : vector<16xf32>
      %parallel_loop3A_510 = arith.constant 0.000000e+00 : f32
      %parallel_loop3A_511 = vector.broadcast %parallel_loop3A_510 : f32 to vector<16xf32>
      %parallel_loop3A_512 = arith.maximumf %parallel_loop3A_509, %parallel_loop3A_511 : vector<16xf32>
      %parallel_loop3A_513 = arith.index_cast %parallel_loop3A_495 : i32 to index
      %parallel_loop3A_514 = arith.constant 16 : index
      %parallel_loop3A_515 = tpu.vector_load %arg9[%parallel_loop3A_513, %parallel_loop3A_514] {strides = array<i32>} : memref<592x128xf32, #tpu.memory_space<vmem>>, vector<1x16xf32>,
      %parallel_loop3A_516 = vector.shape_cast %parallel_loop3A_515 : vector<1x16xf32> to vector<16xf32>
      %parallel_loop3A_517 = vector.shape_cast %parallel_loop3A_512 : vector<16xf32> to vector<1x16xf32>
      tpu.vector_store %arg9[%parallel_loop3A_513, %parallel_loop3A_514], %parallel_loop3A_517 {add = true, strides = array<i32>} : memref<592x128xf32, #tpu.memory_space<vmem>>, vector<1x16xf32>,
      %parallel_loop3A_518 = vector.broadcast %parallel_loop3A_493 : f32 to vector<16xf32>
      %parallel_loop3A_519 = arith.mulf %parallel_loop3A_518, %get3A_17 : vector<16xf32>
      %parallel_loop3A_520 = arith.addf %parallel_loop3A_519, %get3A_41 : vector<16xf32>
      %parallel_loop3A_521 = arith.constant 0.000000e+00 : f32
      %parallel_loop3A_522 = vector.broadcast %parallel_loop3A_521 : f32 to vector<16xf32>
      %parallel_loop3A_523 = arith.maximumf %parallel_loop3A_520, %parallel_loop3A_522 : vector<16xf32>
      %parallel_loop3A_524 = arith.index_cast %parallel_loop3A_495 : i32 to index
      %parallel_loop3A_525 = arith.constant 32 : index
      %parallel_loop3A_526 = tpu.vector_load %arg9[%parallel_loop3A_524, %parallel_loop3A_525] {strides = array<i32>} : memref<592x128xf32, #tpu.memory_space<vmem>>, vector<1x16xf32>,
      %parallel_loop3A_527 = vector.shape_cast %parallel_loop3A_526 : vector<1x16xf32> to vector<16xf32>
      %parallel_loop3A_528 = vector.shape_cast %parallel_loop3A_523 : vector<16xf32> to vector<1x16xf32>
      tpu.vector_store %arg9[%parallel_loop3A_524, %parallel_loop3A_525], %parallel_loop3A_528 {add = true, strides = array<i32>} : memref<592x128xf32, #tpu.memory_space<vmem>>, vector<1x16xf32>,
      %parallel_loop3A_529 = vector.broadcast %parallel_loop3A_493 : f32 to vector<16xf32>
      %parallel_loop3A_530 = arith.mulf %parallel_loop3A_529, %get3A_20 : vector<16xf32>
      %parallel_loop3A_531 = arith.addf %parallel_loop3A_530, %get3A_44 : vector<16xf32>
      %parallel_loop3A_532 = arith.constant 0.000000e+00 : f32
      %parallel_loop3A_533 = vector.broadcast %parallel_loop3A_532 : f32 to vector<16xf32>
      %parallel_loop3A_534 = arith.maximumf %parallel_loop3A_531, %parallel_loop3A_533 : vector<16xf32>
      %parallel_loop3A_535 = arith.index_cast %parallel_loop3A_495 : i32 to index
      %parallel_loop3A_536 = arith.constant 48 : index
      %parallel_loop3A_537 = tpu.vector_load %arg9[%parallel_loop3A_535, %parallel_loop3A_536] {strides = array<i32>} : memref<592x128xf32, #tpu.memory_space<vmem>>, vector<1x16xf32>,
      %parallel_loop3A_538 = vector.shape_cast %parallel_loop3A_537 : vector<1x16xf32> to vector<16xf32>
      %parallel_loop3A_539 = vector.shape_cast %parallel_loop3A_534 : vector<16xf32> to vector<1x16xf32>
      tpu.vector_store %arg9[%parallel_loop3A_535, %parallel_loop3A_536], %parallel_loop3A_539 {add = true, strides = array<i32>} : memref<592x128xf32, #tpu.memory_space<vmem>>, vector<1x16xf32>,
      %parallel_loop3A_540 = vector.broadcast %parallel_loop3A_493 : f32 to vector<16xf32>
      %parallel_loop3A_541 = arith.mulf %parallel_loop3A_540, %get3A_23 : vector<16xf32>
      %parallel_loop3A_542 = arith.addf %parallel_loop3A_541, %get3A_47 : vector<16xf32>
      %parallel_loop3A_543 = arith.constant 0.000000e+00 : f32
      %parallel_loop3A_544 = vector.broadcast %parallel_loop3A_543 : f32 to vector<16xf32>
      %parallel_loop3A_545 = arith.maximumf %parallel_loop3A_542, %parallel_loop3A_544 : vector<16xf32>
      %parallel_loop3A_546 = arith.index_cast %parallel_loop3A_495 : i32 to index
      %parallel_loop3A_547 = arith.constant 64 : index
      %parallel_loop3A_548 = tpu.vector_load %arg9[%parallel_loop3A_546, %parallel_loop3A_547] {strides = array<i32>} : memref<592x128xf32, #tpu.memory_space<vmem>>, vector<1x16xf32>,
      %parallel_loop3A_549 = vector.shape_cast %parallel_loop3A_548 : vector<1x16xf32> to vector<16xf32>
      %parallel_loop3A_550 = vector.shape_cast %parallel_loop3A_545 : vector<16xf32> to vector<1x16xf32>
      tpu.vector_store %arg9[%parallel_loop3A_546, %parallel_loop3A_547], %parallel_loop3A_550 {add = true, strides = array<i32>} : memref<592x128xf32, #tpu.memory_space<vmem>>, vector<1x16xf32>,
      %parallel_loop3A_551 = vector.broadcast %parallel_loop3A_493 : f32 to vector<16xf32>
      %parallel_loop3A_552 = arith.mulf %parallel_loop3A_551, %get3A_26 : vector<16xf32>
      %parallel_loop3A_553 = arith.addf %parallel_loop3A_552, %get3A_50 : vector<16xf32>
      %parallel_loop3A_554 = arith.constant 0.000000e+00 : f32
      %parallel_loop3A_555 = vector.broadcast %parallel_loop3A_554 : f32 to vector<16xf32>
      %parallel_loop3A_556 = arith.maximumf %parallel_loop3A_553, %parallel_loop3A_555 : vector<16xf32>
      %parallel_loop3A_557 = arith.index_cast %parallel_loop3A_495 : i32 to index
      %parallel_loop3A_558 = arith.constant 80 : index
      %parallel_loop3A_559 = tpu.vector_load %arg9[%parallel_loop3A_557, %parallel_loop3A_558] {strides = array<i32>} : memref<592x128xf32, #tpu.memory_space<vmem>>, vector<1x16xf32>,
      %parallel_loop3A_560 = vector.shape_cast %parallel_loop3A_559 : vector<1x16xf32> to vector<16xf32>
      %parallel_loop3A_561 = vector.shape_cast %parallel_loop3A_556 : vector<16xf32> to vector<1x16xf32>
      tpu.vector_store %arg9[%parallel_loop3A_557, %parallel_loop3A_558], %parallel_loop3A_561 {add = true, strides = array<i32>} : memref<592x128xf32, #tpu.memory_space<vmem>>, vector<1x16xf32>,
      %parallel_loop3A_562 = vector.broadcast %parallel_loop3A_493 : f32 to vector<16xf32>
      %parallel_loop3A_563 = arith.mulf %parallel_loop3A_562, %get3A_29 : vector<16xf32>
      %parallel_loop3A_564 = arith.addf %parallel_loop3A_563, %get3A_53 : vector<16xf32>
      %parallel_loop3A_565 = arith.constant 0.000000e+00 : f32
      %parallel_loop3A_566 = vector.broadcast %parallel_loop3A_565 : f32 to vector<16xf32>
      %parallel_loop3A_567 = arith.maximumf %parallel_loop3A_564, %parallel_loop3A_566 : vector<16xf32>
      %parallel_loop3A_568 = arith.index_cast %parallel_loop3A_495 : i32 to index
      %parallel_loop3A_569 = arith.constant 96 : index
      %parallel_loop3A_570 = tpu.vector_load %arg9[%parallel_loop3A_568, %parallel_loop3A_569] {strides = array<i32>} : memref<592x128xf32, #tpu.memory_space<vmem>>, vector<1x16xf32>,
      %parallel_loop3A_571 = vector.shape_cast %parallel_loop3A_570 : vector<1x16xf32> to vector<16xf32>
      %parallel_loop3A_572 = vector.shape_cast %parallel_loop3A_567 : vector<16xf32> to vector<1x16xf32>
      tpu.vector_store %arg9[%parallel_loop3A_568, %parallel_loop3A_569], %parallel_loop3A_572 {add = true, strides = array<i32>} : memref<592x128xf32, #tpu.memory_space<vmem>>, vector<1x16xf32>,
      %parallel_loop3A_573 = vector.broadcast %parallel_loop3A_493 : f32 to vector<16xf32>
      %parallel_loop3A_574 = arith.mulf %parallel_loop3A_573, %get3A_32 : vector<16xf32>
      %parallel_loop3A_575 = arith.addf %parallel_loop3A_574, %get3A_56 : vector<16xf32>
      %parallel_loop3A_576 = arith.constant 0.000000e+00 : f32
      %parallel_loop3A_577 = vector.broadcast %parallel_loop3A_576 : f32 to vector<16xf32>
      %parallel_loop3A_578 = arith.maximumf %parallel_loop3A_575, %parallel_loop3A_577 : vector<16xf32>
      %parallel_loop3A_579 = arith.index_cast %parallel_loop3A_495 : i32 to index
      %parallel_loop3A_580 = arith.constant 112 : index
      %parallel_loop3A_581 = tpu.vector_load %arg9[%parallel_loop3A_579, %parallel_loop3A_580] {strides = array<i32>} : memref<592x128xf32, #tpu.memory_space<vmem>>, vector<1x16xf32>,
      %parallel_loop3A_582 = vector.shape_cast %parallel_loop3A_581 : vector<1x16xf32> to vector<16xf32>
      %parallel_loop3A_583 = vector.shape_cast %parallel_loop3A_578 : vector<16xf32> to vector<1x16xf32>
      tpu.vector_store %arg9[%parallel_loop3A_579, %parallel_loop3A_580], %parallel_loop3A_583 {add = true, strides = array<i32>} : memref<592x128xf32, #tpu.memory_space<vmem>>, vector<1x16xf32>,
      %parallel_loop3A_584 = arith.constant 3 : i32
      %parallel_loop3A_585 = arith.shrsi %parallel_loop3A_495, %parallel_loop3A_584 : i32
      %parallel_loop3A_586 = arith.constant 512 : i32
      %parallel_loop3A_587 = arith.addi %parallel_loop3A_586, %parallel_loop3A_585 : i32
      %parallel_loop3A_588 = arith.constant 7 : i32
      %parallel_loop3A_589 = arith.andi %parallel_loop3A_495, %parallel_loop3A_588 : i32
      %parallel_loop3A_590 = arith.constant 16 : i32
      %parallel_loop3A_591 = arith.muli %parallel_loop3A_589, %parallel_loop3A_590 : i32
      %parallel_loop3A_592 = arith.index_cast %parallel_loop3A_587 : i32 to index
      %parallel_loop3A_593 = arith.index_cast %parallel_loop3A_591 : i32 to index
      %parallel_loop3A_594 = tpu.vector_load %arg9[%parallel_loop3A_592, %parallel_loop3A_593] {strides = array<i32>} : memref<592x128xf32, #tpu.memory_space<vmem>>, vector<1x16xf32>,
      %parallel_loop3A_595 = vector.shape_cast %parallel_loop3A_594 : vector<1x16xf32> to vector<16xf32>
      %parallel_loop3A_596 = vector.shape_cast %broadcast_in_dim3A_58 : vector<16xf32> to vector<1x16xf32>
      tpu.vector_store %arg9[%parallel_loop3A_592, %parallel_loop3A_593], %parallel_loop3A_596 {add = true, strides = array<i32>} : memref<592x128xf32, #tpu.memory_space<vmem>>, vector<1x16xf32>,
      %parallel_loop3A_597 = vector.extract_strided_slice %parallel_loop3A_66 {offsets = [5], sizes = [1], strides = [1]} : vector<16xf32> to vector<1xf32>
      %parallel_loop3A_598 = vector.extract %parallel_loop3A_597[0] : f32 from vector<1xf32>
      %parallel_loop3A_599 = vector.extract_strided_slice %parallel_loop3A_71 {offsets = [5], sizes = [1], strides = [1]} : vector<16xi32> to vector<1xi32>
      %parallel_loop3A_600 = vector.extract %parallel_loop3A_599[0] : i32 from vector<1xi32>
      %parallel_loop3A_601 = vector.broadcast %parallel_loop3A_598 : f32 to vector<16xf32>
      %parallel_loop3A_602 = arith.mulf %parallel_loop3A_601, %get3A_11 : vector<16xf32>
      %parallel_loop3A_603 = arith.addf %parallel_loop3A_602, %get3A_35 : vector<16xf32>
      %parallel_loop3A_604 = arith.constant 0.000000e+00 : f32
      %parallel_loop3A_605 = vector.broadcast %parallel_loop3A_604 : f32 to vector<16xf32>
      %parallel_loop3A_606 = arith.maximumf %parallel_loop3A_603, %parallel_loop3A_605 : vector<16xf32>
      %parallel_loop3A_607 = arith.index_cast %parallel_loop3A_600 : i32 to index
      %parallel_loop3A_608 = arith.constant 0 : index
      %parallel_loop3A_609 = tpu.vector_load %arg9[%parallel_loop3A_607, %parallel_loop3A_608] {strides = array<i32>} : memref<592x128xf32, #tpu.memory_space<vmem>>, vector<1x16xf32>,
      %parallel_loop3A_610 = vector.shape_cast %parallel_loop3A_609 : vector<1x16xf32> to vector<16xf32>
      %parallel_loop3A_611 = vector.shape_cast %parallel_loop3A_606 : vector<16xf32> to vector<1x16xf32>
      tpu.vector_store %arg9[%parallel_loop3A_607, %parallel_loop3A_608], %parallel_loop3A_611 {add = true, strides = array<i32>} : memref<592x128xf32, #tpu.memory_space<vmem>>, vector<1x16xf32>,
      %parallel_loop3A_612 = vector.broadcast %parallel_loop3A_598 : f32 to vector<16xf32>
      %parallel_loop3A_613 = arith.mulf %parallel_loop3A_612, %get3A_14 : vector<16xf32>
      %parallel_loop3A_614 = arith.addf %parallel_loop3A_613, %get3A_38 : vector<16xf32>
      %parallel_loop3A_615 = arith.constant 0.000000e+00 : f32
      %parallel_loop3A_616 = vector.broadcast %parallel_loop3A_615 : f32 to vector<16xf32>
      %parallel_loop3A_617 = arith.maximumf %parallel_loop3A_614, %parallel_loop3A_616 : vector<16xf32>
      %parallel_loop3A_618 = arith.index_cast %parallel_loop3A_600 : i32 to index
      %parallel_loop3A_619 = arith.constant 16 : index
      %parallel_loop3A_620 = tpu.vector_load %arg9[%parallel_loop3A_618, %parallel_loop3A_619] {strides = array<i32>} : memref<592x128xf32, #tpu.memory_space<vmem>>, vector<1x16xf32>,
      %parallel_loop3A_621 = vector.shape_cast %parallel_loop3A_620 : vector<1x16xf32> to vector<16xf32>
      %parallel_loop3A_622 = vector.shape_cast %parallel_loop3A_617 : vector<16xf32> to vector<1x16xf32>
      tpu.vector_store %arg9[%parallel_loop3A_618, %parallel_loop3A_619], %parallel_loop3A_622 {add = true, strides = array<i32>} : memref<592x128xf32, #tpu.memory_space<vmem>>, vector<1x16xf32>,
      %parallel_loop3A_623 = vector.broadcast %parallel_loop3A_598 : f32 to vector<16xf32>
      %parallel_loop3A_624 = arith.mulf %parallel_loop3A_623, %get3A_17 : vector<16xf32>
      %parallel_loop3A_625 = arith.addf %parallel_loop3A_624, %get3A_41 : vector<16xf32>
      %parallel_loop3A_626 = arith.constant 0.000000e+00 : f32
      %parallel_loop3A_627 = vector.broadcast %parallel_loop3A_626 : f32 to vector<16xf32>
      %parallel_loop3A_628 = arith.maximumf %parallel_loop3A_625, %parallel_loop3A_627 : vector<16xf32>
      %parallel_loop3A_629 = arith.index_cast %parallel_loop3A_600 : i32 to index
      %parallel_loop3A_630 = arith.constant 32 : index
      %parallel_loop3A_631 = tpu.vector_load %arg9[%parallel_loop3A_629, %parallel_loop3A_630] {strides = array<i32>} : memref<592x128xf32, #tpu.memory_space<vmem>>, vector<1x16xf32>,
      %parallel_loop3A_632 = vector.shape_cast %parallel_loop3A_631 : vector<1x16xf32> to vector<16xf32>
      %parallel_loop3A_633 = vector.shape_cast %parallel_loop3A_628 : vector<16xf32> to vector<1x16xf32>
      tpu.vector_store %arg9[%parallel_loop3A_629, %parallel_loop3A_630], %parallel_loop3A_633 {add = true, strides = array<i32>} : memref<592x128xf32, #tpu.memory_space<vmem>>, vector<1x16xf32>,
      %parallel_loop3A_634 = vector.broadcast %parallel_loop3A_598 : f32 to vector<16xf32>
      %parallel_loop3A_635 = arith.mulf %parallel_loop3A_634, %get3A_20 : vector<16xf32>
      %parallel_loop3A_636 = arith.addf %parallel_loop3A_635, %get3A_44 : vector<16xf32>
      %parallel_loop3A_637 = arith.constant 0.000000e+00 : f32
      %parallel_loop3A_638 = vector.broadcast %parallel_loop3A_637 : f32 to vector<16xf32>
      %parallel_loop3A_639 = arith.maximumf %parallel_loop3A_636, %parallel_loop3A_638 : vector<16xf32>
      %parallel_loop3A_640 = arith.index_cast %parallel_loop3A_600 : i32 to index
      %parallel_loop3A_641 = arith.constant 48 : index
      %parallel_loop3A_642 = tpu.vector_load %arg9[%parallel_loop3A_640, %parallel_loop3A_641] {strides = array<i32>} : memref<592x128xf32, #tpu.memory_space<vmem>>, vector<1x16xf32>,
      %parallel_loop3A_643 = vector.shape_cast %parallel_loop3A_642 : vector<1x16xf32> to vector<16xf32>
      %parallel_loop3A_644 = vector.shape_cast %parallel_loop3A_639 : vector<16xf32> to vector<1x16xf32>
      tpu.vector_store %arg9[%parallel_loop3A_640, %parallel_loop3A_641], %parallel_loop3A_644 {add = true, strides = array<i32>} : memref<592x128xf32, #tpu.memory_space<vmem>>, vector<1x16xf32>,
      %parallel_loop3A_645 = vector.broadcast %parallel_loop3A_598 : f32 to vector<16xf32>
      %parallel_loop3A_646 = arith.mulf %parallel_loop3A_645, %get3A_23 : vector<16xf32>
      %parallel_loop3A_647 = arith.addf %parallel_loop3A_646, %get3A_47 : vector<16xf32>
      %parallel_loop3A_648 = arith.constant 0.000000e+00 : f32
      %parallel_loop3A_649 = vector.broadcast %parallel_loop3A_648 : f32 to vector<16xf32>
      %parallel_loop3A_650 = arith.maximumf %parallel_loop3A_647, %parallel_loop3A_649 : vector<16xf32>
      %parallel_loop3A_651 = arith.index_cast %parallel_loop3A_600 : i32 to index
      %parallel_loop3A_652 = arith.constant 64 : index
      %parallel_loop3A_653 = tpu.vector_load %arg9[%parallel_loop3A_651, %parallel_loop3A_652] {strides = array<i32>} : memref<592x128xf32, #tpu.memory_space<vmem>>, vector<1x16xf32>,
      %parallel_loop3A_654 = vector.shape_cast %parallel_loop3A_653 : vector<1x16xf32> to vector<16xf32>
      %parallel_loop3A_655 = vector.shape_cast %parallel_loop3A_650 : vector<16xf32> to vector<1x16xf32>
      tpu.vector_store %arg9[%parallel_loop3A_651, %parallel_loop3A_652], %parallel_loop3A_655 {add = true, strides = array<i32>} : memref<592x128xf32, #tpu.memory_space<vmem>>, vector<1x16xf32>,
      %parallel_loop3A_656 = vector.broadcast %parallel_loop3A_598 : f32 to vector<16xf32>
      %parallel_loop3A_657 = arith.mulf %parallel_loop3A_656, %get3A_26 : vector<16xf32>
      %parallel_loop3A_658 = arith.addf %parallel_loop3A_657, %get3A_50 : vector<16xf32>
      %parallel_loop3A_659 = arith.constant 0.000000e+00 : f32
      %parallel_loop3A_660 = vector.broadcast %parallel_loop3A_659 : f32 to vector<16xf32>
      %parallel_loop3A_661 = arith.maximumf %parallel_loop3A_658, %parallel_loop3A_660 : vector<16xf32>
      %parallel_loop3A_662 = arith.index_cast %parallel_loop3A_600 : i32 to index
      %parallel_loop3A_663 = arith.constant 80 : index
      %parallel_loop3A_664 = tpu.vector_load %arg9[%parallel_loop3A_662, %parallel_loop3A_663] {strides = array<i32>} : memref<592x128xf32, #tpu.memory_space<vmem>>, vector<1x16xf32>,
      %parallel_loop3A_665 = vector.shape_cast %parallel_loop3A_664 : vector<1x16xf32> to vector<16xf32>
      %parallel_loop3A_666 = vector.shape_cast %parallel_loop3A_661 : vector<16xf32> to vector<1x16xf32>
      tpu.vector_store %arg9[%parallel_loop3A_662, %parallel_loop3A_663], %parallel_loop3A_666 {add = true, strides = array<i32>} : memref<592x128xf32, #tpu.memory_space<vmem>>, vector<1x16xf32>,
      %parallel_loop3A_667 = vector.broadcast %parallel_loop3A_598 : f32 to vector<16xf32>
      %parallel_loop3A_668 = arith.mulf %parallel_loop3A_667, %get3A_29 : vector<16xf32>
      %parallel_loop3A_669 = arith.addf %parallel_loop3A_668, %get3A_53 : vector<16xf32>
      %parallel_loop3A_670 = arith.constant 0.000000e+00 : f32
      %parallel_loop3A_671 = vector.broadcast %parallel_loop3A_670 : f32 to vector<16xf32>
      %parallel_loop3A_672 = arith.maximumf %parallel_loop3A_669, %parallel_loop3A_671 : vector<16xf32>
      %parallel_loop3A_673 = arith.index_cast %parallel_loop3A_600 : i32 to index
      %parallel_loop3A_674 = arith.constant 96 : index
      %parallel_loop3A_675 = tpu.vector_load %arg9[%parallel_loop3A_673, %parallel_loop3A_674] {strides = array<i32>} : memref<592x128xf32, #tpu.memory_space<vmem>>, vector<1x16xf32>,
      %parallel_loop3A_676 = vector.shape_cast %parallel_loop3A_675 : vector<1x16xf32> to vector<16xf32>
      %parallel_loop3A_677 = vector.shape_cast %parallel_loop3A_672 : vector<16xf32> to vector<1x16xf32>
      tpu.vector_store %arg9[%parallel_loop3A_673, %parallel_loop3A_674], %parallel_loop3A_677 {add = true, strides = array<i32>} : memref<592x128xf32, #tpu.memory_space<vmem>>, vector<1x16xf32>,
      %parallel_loop3A_678 = vector.broadcast %parallel_loop3A_598 : f32 to vector<16xf32>
      %parallel_loop3A_679 = arith.mulf %parallel_loop3A_678, %get3A_32 : vector<16xf32>
      %parallel_loop3A_680 = arith.addf %parallel_loop3A_679, %get3A_56 : vector<16xf32>
      %parallel_loop3A_681 = arith.constant 0.000000e+00 : f32
      %parallel_loop3A_682 = vector.broadcast %parallel_loop3A_681 : f32 to vector<16xf32>
      %parallel_loop3A_683 = arith.maximumf %parallel_loop3A_680, %parallel_loop3A_682 : vector<16xf32>
      %parallel_loop3A_684 = arith.index_cast %parallel_loop3A_600 : i32 to index
      %parallel_loop3A_685 = arith.constant 112 : index
      %parallel_loop3A_686 = tpu.vector_load %arg9[%parallel_loop3A_684, %parallel_loop3A_685] {strides = array<i32>} : memref<592x128xf32, #tpu.memory_space<vmem>>, vector<1x16xf32>,
      %parallel_loop3A_687 = vector.shape_cast %parallel_loop3A_686 : vector<1x16xf32> to vector<16xf32>
      %parallel_loop3A_688 = vector.shape_cast %parallel_loop3A_683 : vector<16xf32> to vector<1x16xf32>
      tpu.vector_store %arg9[%parallel_loop3A_684, %parallel_loop3A_685], %parallel_loop3A_688 {add = true, strides = array<i32>} : memref<592x128xf32, #tpu.memory_space<vmem>>, vector<1x16xf32>,
      %parallel_loop3A_689 = arith.constant 3 : i32
      %parallel_loop3A_690 = arith.shrsi %parallel_loop3A_600, %parallel_loop3A_689 : i32
      %parallel_loop3A_691 = arith.constant 512 : i32
      %parallel_loop3A_692 = arith.addi %parallel_loop3A_691, %parallel_loop3A_690 : i32
      %parallel_loop3A_693 = arith.constant 7 : i32
      %parallel_loop3A_694 = arith.andi %parallel_loop3A_600, %parallel_loop3A_693 : i32
      %parallel_loop3A_695 = arith.constant 16 : i32
      %parallel_loop3A_696 = arith.muli %parallel_loop3A_694, %parallel_loop3A_695 : i32
      %parallel_loop3A_697 = arith.index_cast %parallel_loop3A_692 : i32 to index
      %parallel_loop3A_698 = arith.index_cast %parallel_loop3A_696 : i32 to index
      %parallel_loop3A_699 = tpu.vector_load %arg9[%parallel_loop3A_697, %parallel_loop3A_698] {strides = array<i32>} : memref<592x128xf32, #tpu.memory_space<vmem>>, vector<1x16xf32>,
      %parallel_loop3A_700 = vector.shape_cast %parallel_loop3A_699 : vector<1x16xf32> to vector<16xf32>
      %parallel_loop3A_701 = vector.shape_cast %broadcast_in_dim3A_58 : vector<16xf32> to vector<1x16xf32>
      tpu.vector_store %arg9[%parallel_loop3A_697, %parallel_loop3A_698], %parallel_loop3A_701 {add = true, strides = array<i32>} : memref<592x128xf32, #tpu.memory_space<vmem>>, vector<1x16xf32>,
      %parallel_loop3A_702 = vector.extract_strided_slice %parallel_loop3A_66 {offsets = [6], sizes = [1], strides = [1]} : vector<16xf32> to vector<1xf32>
      %parallel_loop3A_703 = vector.extract %parallel_loop3A_702[0] : f32 from vector<1xf32>
      %parallel_loop3A_704 = vector.extract_strided_slice %parallel_loop3A_71 {offsets = [6], sizes = [1], strides = [1]} : vector<16xi32> to vector<1xi32>
      %parallel_loop3A_705 = vector.extract %parallel_loop3A_704[0] : i32 from vector<1xi32>
      %parallel_loop3A_706 = vector.broadcast %parallel_loop3A_703 : f32 to vector<16xf32>
      %parallel_loop3A_707 = arith.mulf %parallel_loop3A_706, %get3A_11 : vector<16xf32>
      %parallel_loop3A_708 = arith.addf %parallel_loop3A_707, %get3A_35 : vector<16xf32>
      %parallel_loop3A_709 = arith.constant 0.000000e+00 : f32
      %parallel_loop3A_710 = vector.broadcast %parallel_loop3A_709 : f32 to vector<16xf32>
      %parallel_loop3A_711 = arith.maximumf %parallel_loop3A_708, %parallel_loop3A_710 : vector<16xf32>
      %parallel_loop3A_712 = arith.index_cast %parallel_loop3A_705 : i32 to index
      %parallel_loop3A_713 = arith.constant 0 : index
      %parallel_loop3A_714 = tpu.vector_load %arg9[%parallel_loop3A_712, %parallel_loop3A_713] {strides = array<i32>} : memref<592x128xf32, #tpu.memory_space<vmem>>, vector<1x16xf32>,
      %parallel_loop3A_715 = vector.shape_cast %parallel_loop3A_714 : vector<1x16xf32> to vector<16xf32>
      %parallel_loop3A_716 = vector.shape_cast %parallel_loop3A_711 : vector<16xf32> to vector<1x16xf32>
      tpu.vector_store %arg9[%parallel_loop3A_712, %parallel_loop3A_713], %parallel_loop3A_716 {add = true, strides = array<i32>} : memref<592x128xf32, #tpu.memory_space<vmem>>, vector<1x16xf32>,
      %parallel_loop3A_717 = vector.broadcast %parallel_loop3A_703 : f32 to vector<16xf32>
      %parallel_loop3A_718 = arith.mulf %parallel_loop3A_717, %get3A_14 : vector<16xf32>
      %parallel_loop3A_719 = arith.addf %parallel_loop3A_718, %get3A_38 : vector<16xf32>
      %parallel_loop3A_720 = arith.constant 0.000000e+00 : f32
      %parallel_loop3A_721 = vector.broadcast %parallel_loop3A_720 : f32 to vector<16xf32>
      %parallel_loop3A_722 = arith.maximumf %parallel_loop3A_719, %parallel_loop3A_721 : vector<16xf32>
      %parallel_loop3A_723 = arith.index_cast %parallel_loop3A_705 : i32 to index
      %parallel_loop3A_724 = arith.constant 16 : index
      %parallel_loop3A_725 = tpu.vector_load %arg9[%parallel_loop3A_723, %parallel_loop3A_724] {strides = array<i32>} : memref<592x128xf32, #tpu.memory_space<vmem>>, vector<1x16xf32>,
      %parallel_loop3A_726 = vector.shape_cast %parallel_loop3A_725 : vector<1x16xf32> to vector<16xf32>
      %parallel_loop3A_727 = vector.shape_cast %parallel_loop3A_722 : vector<16xf32> to vector<1x16xf32>
      tpu.vector_store %arg9[%parallel_loop3A_723, %parallel_loop3A_724], %parallel_loop3A_727 {add = true, strides = array<i32>} : memref<592x128xf32, #tpu.memory_space<vmem>>, vector<1x16xf32>,
      %parallel_loop3A_728 = vector.broadcast %parallel_loop3A_703 : f32 to vector<16xf32>
      %parallel_loop3A_729 = arith.mulf %parallel_loop3A_728, %get3A_17 : vector<16xf32>
      %parallel_loop3A_730 = arith.addf %parallel_loop3A_729, %get3A_41 : vector<16xf32>
      %parallel_loop3A_731 = arith.constant 0.000000e+00 : f32
      %parallel_loop3A_732 = vector.broadcast %parallel_loop3A_731 : f32 to vector<16xf32>
      %parallel_loop3A_733 = arith.maximumf %parallel_loop3A_730, %parallel_loop3A_732 : vector<16xf32>
      %parallel_loop3A_734 = arith.index_cast %parallel_loop3A_705 : i32 to index
      %parallel_loop3A_735 = arith.constant 32 : index
      %parallel_loop3A_736 = tpu.vector_load %arg9[%parallel_loop3A_734, %parallel_loop3A_735] {strides = array<i32>} : memref<592x128xf32, #tpu.memory_space<vmem>>, vector<1x16xf32>,
      %parallel_loop3A_737 = vector.shape_cast %parallel_loop3A_736 : vector<1x16xf32> to vector<16xf32>
      %parallel_loop3A_738 = vector.shape_cast %parallel_loop3A_733 : vector<16xf32> to vector<1x16xf32>
      tpu.vector_store %arg9[%parallel_loop3A_734, %parallel_loop3A_735], %parallel_loop3A_738 {add = true, strides = array<i32>} : memref<592x128xf32, #tpu.memory_space<vmem>>, vector<1x16xf32>,
      %parallel_loop3A_739 = vector.broadcast %parallel_loop3A_703 : f32 to vector<16xf32>
      %parallel_loop3A_740 = arith.mulf %parallel_loop3A_739, %get3A_20 : vector<16xf32>
      %parallel_loop3A_741 = arith.addf %parallel_loop3A_740, %get3A_44 : vector<16xf32>
      %parallel_loop3A_742 = arith.constant 0.000000e+00 : f32
      %parallel_loop3A_743 = vector.broadcast %parallel_loop3A_742 : f32 to vector<16xf32>
      %parallel_loop3A_744 = arith.maximumf %parallel_loop3A_741, %parallel_loop3A_743 : vector<16xf32>
      %parallel_loop3A_745 = arith.index_cast %parallel_loop3A_705 : i32 to index
      %parallel_loop3A_746 = arith.constant 48 : index
      %parallel_loop3A_747 = tpu.vector_load %arg9[%parallel_loop3A_745, %parallel_loop3A_746] {strides = array<i32>} : memref<592x128xf32, #tpu.memory_space<vmem>>, vector<1x16xf32>,
      %parallel_loop3A_748 = vector.shape_cast %parallel_loop3A_747 : vector<1x16xf32> to vector<16xf32>
      %parallel_loop3A_749 = vector.shape_cast %parallel_loop3A_744 : vector<16xf32> to vector<1x16xf32>
      tpu.vector_store %arg9[%parallel_loop3A_745, %parallel_loop3A_746], %parallel_loop3A_749 {add = true, strides = array<i32>} : memref<592x128xf32, #tpu.memory_space<vmem>>, vector<1x16xf32>,
      %parallel_loop3A_750 = vector.broadcast %parallel_loop3A_703 : f32 to vector<16xf32>
      %parallel_loop3A_751 = arith.mulf %parallel_loop3A_750, %get3A_23 : vector<16xf32>
      %parallel_loop3A_752 = arith.addf %parallel_loop3A_751, %get3A_47 : vector<16xf32>
      %parallel_loop3A_753 = arith.constant 0.000000e+00 : f32
      %parallel_loop3A_754 = vector.broadcast %parallel_loop3A_753 : f32 to vector<16xf32>
      %parallel_loop3A_755 = arith.maximumf %parallel_loop3A_752, %parallel_loop3A_754 : vector<16xf32>
      %parallel_loop3A_756 = arith.index_cast %parallel_loop3A_705 : i32 to index
      %parallel_loop3A_757 = arith.constant 64 : index
      %parallel_loop3A_758 = tpu.vector_load %arg9[%parallel_loop3A_756, %parallel_loop3A_757] {strides = array<i32>} : memref<592x128xf32, #tpu.memory_space<vmem>>, vector<1x16xf32>,
      %parallel_loop3A_759 = vector.shape_cast %parallel_loop3A_758 : vector<1x16xf32> to vector<16xf32>
      %parallel_loop3A_760 = vector.shape_cast %parallel_loop3A_755 : vector<16xf32> to vector<1x16xf32>
      tpu.vector_store %arg9[%parallel_loop3A_756, %parallel_loop3A_757], %parallel_loop3A_760 {add = true, strides = array<i32>} : memref<592x128xf32, #tpu.memory_space<vmem>>, vector<1x16xf32>,
      %parallel_loop3A_761 = vector.broadcast %parallel_loop3A_703 : f32 to vector<16xf32>
      %parallel_loop3A_762 = arith.mulf %parallel_loop3A_761, %get3A_26 : vector<16xf32>
      %parallel_loop3A_763 = arith.addf %parallel_loop3A_762, %get3A_50 : vector<16xf32>
      %parallel_loop3A_764 = arith.constant 0.000000e+00 : f32
      %parallel_loop3A_765 = vector.broadcast %parallel_loop3A_764 : f32 to vector<16xf32>
      %parallel_loop3A_766 = arith.maximumf %parallel_loop3A_763, %parallel_loop3A_765 : vector<16xf32>
      %parallel_loop3A_767 = arith.index_cast %parallel_loop3A_705 : i32 to index
      %parallel_loop3A_768 = arith.constant 80 : index
      %parallel_loop3A_769 = tpu.vector_load %arg9[%parallel_loop3A_767, %parallel_loop3A_768] {strides = array<i32>} : memref<592x128xf32, #tpu.memory_space<vmem>>, vector<1x16xf32>,
      %parallel_loop3A_770 = vector.shape_cast %parallel_loop3A_769 : vector<1x16xf32> to vector<16xf32>
      %parallel_loop3A_771 = vector.shape_cast %parallel_loop3A_766 : vector<16xf32> to vector<1x16xf32>
      tpu.vector_store %arg9[%parallel_loop3A_767, %parallel_loop3A_768], %parallel_loop3A_771 {add = true, strides = array<i32>} : memref<592x128xf32, #tpu.memory_space<vmem>>, vector<1x16xf32>,
      %parallel_loop3A_772 = vector.broadcast %parallel_loop3A_703 : f32 to vector<16xf32>
      %parallel_loop3A_773 = arith.mulf %parallel_loop3A_772, %get3A_29 : vector<16xf32>
      %parallel_loop3A_774 = arith.addf %parallel_loop3A_773, %get3A_53 : vector<16xf32>
      %parallel_loop3A_775 = arith.constant 0.000000e+00 : f32
      %parallel_loop3A_776 = vector.broadcast %parallel_loop3A_775 : f32 to vector<16xf32>
      %parallel_loop3A_777 = arith.maximumf %parallel_loop3A_774, %parallel_loop3A_776 : vector<16xf32>
      %parallel_loop3A_778 = arith.index_cast %parallel_loop3A_705 : i32 to index
      %parallel_loop3A_779 = arith.constant 96 : index
      %parallel_loop3A_780 = tpu.vector_load %arg9[%parallel_loop3A_778, %parallel_loop3A_779] {strides = array<i32>} : memref<592x128xf32, #tpu.memory_space<vmem>>, vector<1x16xf32>,
      %parallel_loop3A_781 = vector.shape_cast %parallel_loop3A_780 : vector<1x16xf32> to vector<16xf32>
      %parallel_loop3A_782 = vector.shape_cast %parallel_loop3A_777 : vector<16xf32> to vector<1x16xf32>
      tpu.vector_store %arg9[%parallel_loop3A_778, %parallel_loop3A_779], %parallel_loop3A_782 {add = true, strides = array<i32>} : memref<592x128xf32, #tpu.memory_space<vmem>>, vector<1x16xf32>,
      %parallel_loop3A_783 = vector.broadcast %parallel_loop3A_703 : f32 to vector<16xf32>
      %parallel_loop3A_784 = arith.mulf %parallel_loop3A_783, %get3A_32 : vector<16xf32>
      %parallel_loop3A_785 = arith.addf %parallel_loop3A_784, %get3A_56 : vector<16xf32>
      %parallel_loop3A_786 = arith.constant 0.000000e+00 : f32
      %parallel_loop3A_787 = vector.broadcast %parallel_loop3A_786 : f32 to vector<16xf32>
      %parallel_loop3A_788 = arith.maximumf %parallel_loop3A_785, %parallel_loop3A_787 : vector<16xf32>
      %parallel_loop3A_789 = arith.index_cast %parallel_loop3A_705 : i32 to index
      %parallel_loop3A_790 = arith.constant 112 : index
      %parallel_loop3A_791 = tpu.vector_load %arg9[%parallel_loop3A_789, %parallel_loop3A_790] {strides = array<i32>} : memref<592x128xf32, #tpu.memory_space<vmem>>, vector<1x16xf32>,
      %parallel_loop3A_792 = vector.shape_cast %parallel_loop3A_791 : vector<1x16xf32> to vector<16xf32>
      %parallel_loop3A_793 = vector.shape_cast %parallel_loop3A_788 : vector<16xf32> to vector<1x16xf32>
      tpu.vector_store %arg9[%parallel_loop3A_789, %parallel_loop3A_790], %parallel_loop3A_793 {add = true, strides = array<i32>} : memref<592x128xf32, #tpu.memory_space<vmem>>, vector<1x16xf32>,
      %parallel_loop3A_794 = arith.constant 3 : i32
      %parallel_loop3A_795 = arith.shrsi %parallel_loop3A_705, %parallel_loop3A_794 : i32
      %parallel_loop3A_796 = arith.constant 512 : i32
      %parallel_loop3A_797 = arith.addi %parallel_loop3A_796, %parallel_loop3A_795 : i32
      %parallel_loop3A_798 = arith.constant 7 : i32
      %parallel_loop3A_799 = arith.andi %parallel_loop3A_705, %parallel_loop3A_798 : i32
      %parallel_loop3A_800 = arith.constant 16 : i32
      %parallel_loop3A_801 = arith.muli %parallel_loop3A_799, %parallel_loop3A_800 : i32
      %parallel_loop3A_802 = arith.index_cast %parallel_loop3A_797 : i32 to index
      %parallel_loop3A_803 = arith.index_cast %parallel_loop3A_801 : i32 to index
      %parallel_loop3A_804 = tpu.vector_load %arg9[%parallel_loop3A_802, %parallel_loop3A_803] {strides = array<i32>} : memref<592x128xf32, #tpu.memory_space<vmem>>, vector<1x16xf32>,
      %parallel_loop3A_805 = vector.shape_cast %parallel_loop3A_804 : vector<1x16xf32> to vector<16xf32>
      %parallel_loop3A_806 = vector.shape_cast %broadcast_in_dim3A_58 : vector<16xf32> to vector<1x16xf32>
      tpu.vector_store %arg9[%parallel_loop3A_802, %parallel_loop3A_803], %parallel_loop3A_806 {add = true, strides = array<i32>} : memref<592x128xf32, #tpu.memory_space<vmem>>, vector<1x16xf32>,
      %parallel_loop3A_807 = vector.extract_strided_slice %parallel_loop3A_66 {offsets = [7], sizes = [1], strides = [1]} : vector<16xf32> to vector<1xf32>
      %parallel_loop3A_808 = vector.extract %parallel_loop3A_807[0] : f32 from vector<1xf32>
      %parallel_loop3A_809 = vector.extract_strided_slice %parallel_loop3A_71 {offsets = [7], sizes = [1], strides = [1]} : vector<16xi32> to vector<1xi32>
      %parallel_loop3A_810 = vector.extract %parallel_loop3A_809[0] : i32 from vector<1xi32>
      %parallel_loop3A_811 = vector.broadcast %parallel_loop3A_808 : f32 to vector<16xf32>
      %parallel_loop3A_812 = arith.mulf %parallel_loop3A_811, %get3A_11 : vector<16xf32>
      %parallel_loop3A_813 = arith.addf %parallel_loop3A_812, %get3A_35 : vector<16xf32>
      %parallel_loop3A_814 = arith.constant 0.000000e+00 : f32
      %parallel_loop3A_815 = vector.broadcast %parallel_loop3A_814 : f32 to vector<16xf32>
      %parallel_loop3A_816 = arith.maximumf %parallel_loop3A_813, %parallel_loop3A_815 : vector<16xf32>
      %parallel_loop3A_817 = arith.index_cast %parallel_loop3A_810 : i32 to index
      %parallel_loop3A_818 = arith.constant 0 : index
      %parallel_loop3A_819 = tpu.vector_load %arg9[%parallel_loop3A_817, %parallel_loop3A_818] {strides = array<i32>} : memref<592x128xf32, #tpu.memory_space<vmem>>, vector<1x16xf32>,
      %parallel_loop3A_820 = vector.shape_cast %parallel_loop3A_819 : vector<1x16xf32> to vector<16xf32>
      %parallel_loop3A_821 = vector.shape_cast %parallel_loop3A_816 : vector<16xf32> to vector<1x16xf32>
      tpu.vector_store %arg9[%parallel_loop3A_817, %parallel_loop3A_818], %parallel_loop3A_821 {add = true, strides = array<i32>} : memref<592x128xf32, #tpu.memory_space<vmem>>, vector<1x16xf32>,
      %parallel_loop3A_822 = vector.broadcast %parallel_loop3A_808 : f32 to vector<16xf32>
      %parallel_loop3A_823 = arith.mulf %parallel_loop3A_822, %get3A_14 : vector<16xf32>
      %parallel_loop3A_824 = arith.addf %parallel_loop3A_823, %get3A_38 : vector<16xf32>
      %parallel_loop3A_825 = arith.constant 0.000000e+00 : f32
      %parallel_loop3A_826 = vector.broadcast %parallel_loop3A_825 : f32 to vector<16xf32>
      %parallel_loop3A_827 = arith.maximumf %parallel_loop3A_824, %parallel_loop3A_826 : vector<16xf32>
      %parallel_loop3A_828 = arith.index_cast %parallel_loop3A_810 : i32 to index
      %parallel_loop3A_829 = arith.constant 16 : index
      %parallel_loop3A_830 = tpu.vector_load %arg9[%parallel_loop3A_828, %parallel_loop3A_829] {strides = array<i32>} : memref<592x128xf32, #tpu.memory_space<vmem>>, vector<1x16xf32>,
      %parallel_loop3A_831 = vector.shape_cast %parallel_loop3A_830 : vector<1x16xf32> to vector<16xf32>
      %parallel_loop3A_832 = vector.shape_cast %parallel_loop3A_827 : vector<16xf32> to vector<1x16xf32>
      tpu.vector_store %arg9[%parallel_loop3A_828, %parallel_loop3A_829], %parallel_loop3A_832 {add = true, strides = array<i32>} : memref<592x128xf32, #tpu.memory_space<vmem>>, vector<1x16xf32>,
      %parallel_loop3A_833 = vector.broadcast %parallel_loop3A_808 : f32 to vector<16xf32>
      %parallel_loop3A_834 = arith.mulf %parallel_loop3A_833, %get3A_17 : vector<16xf32>
      %parallel_loop3A_835 = arith.addf %parallel_loop3A_834, %get3A_41 : vector<16xf32>
      %parallel_loop3A_836 = arith.constant 0.000000e+00 : f32
      %parallel_loop3A_837 = vector.broadcast %parallel_loop3A_836 : f32 to vector<16xf32>
      %parallel_loop3A_838 = arith.maximumf %parallel_loop3A_835, %parallel_loop3A_837 : vector<16xf32>
      %parallel_loop3A_839 = arith.index_cast %parallel_loop3A_810 : i32 to index
      %parallel_loop3A_840 = arith.constant 32 : index
      %parallel_loop3A_841 = tpu.vector_load %arg9[%parallel_loop3A_839, %parallel_loop3A_840] {strides = array<i32>} : memref<592x128xf32, #tpu.memory_space<vmem>>, vector<1x16xf32>,
      %parallel_loop3A_842 = vector.shape_cast %parallel_loop3A_841 : vector<1x16xf32> to vector<16xf32>
      %parallel_loop3A_843 = vector.shape_cast %parallel_loop3A_838 : vector<16xf32> to vector<1x16xf32>
      tpu.vector_store %arg9[%parallel_loop3A_839, %parallel_loop3A_840], %parallel_loop3A_843 {add = true, strides = array<i32>} : memref<592x128xf32, #tpu.memory_space<vmem>>, vector<1x16xf32>,
      %parallel_loop3A_844 = vector.broadcast %parallel_loop3A_808 : f32 to vector<16xf32>
      %parallel_loop3A_845 = arith.mulf %parallel_loop3A_844, %get3A_20 : vector<16xf32>
      %parallel_loop3A_846 = arith.addf %parallel_loop3A_845, %get3A_44 : vector<16xf32>
      %parallel_loop3A_847 = arith.constant 0.000000e+00 : f32
      %parallel_loop3A_848 = vector.broadcast %parallel_loop3A_847 : f32 to vector<16xf32>
      %parallel_loop3A_849 = arith.maximumf %parallel_loop3A_846, %parallel_loop3A_848 : vector<16xf32>
      %parallel_loop3A_850 = arith.index_cast %parallel_loop3A_810 : i32 to index
      %parallel_loop3A_851 = arith.constant 48 : index
      %parallel_loop3A_852 = tpu.vector_load %arg9[%parallel_loop3A_850, %parallel_loop3A_851] {strides = array<i32>} : memref<592x128xf32, #tpu.memory_space<vmem>>, vector<1x16xf32>,
      %parallel_loop3A_853 = vector.shape_cast %parallel_loop3A_852 : vector<1x16xf32> to vector<16xf32>
      %parallel_loop3A_854 = vector.shape_cast %parallel_loop3A_849 : vector<16xf32> to vector<1x16xf32>
      tpu.vector_store %arg9[%parallel_loop3A_850, %parallel_loop3A_851], %parallel_loop3A_854 {add = true, strides = array<i32>} : memref<592x128xf32, #tpu.memory_space<vmem>>, vector<1x16xf32>,
      %parallel_loop3A_855 = vector.broadcast %parallel_loop3A_808 : f32 to vector<16xf32>
      %parallel_loop3A_856 = arith.mulf %parallel_loop3A_855, %get3A_23 : vector<16xf32>
      %parallel_loop3A_857 = arith.addf %parallel_loop3A_856, %get3A_47 : vector<16xf32>
      %parallel_loop3A_858 = arith.constant 0.000000e+00 : f32
      %parallel_loop3A_859 = vector.broadcast %parallel_loop3A_858 : f32 to vector<16xf32>
      %parallel_loop3A_860 = arith.maximumf %parallel_loop3A_857, %parallel_loop3A_859 : vector<16xf32>
      %parallel_loop3A_861 = arith.index_cast %parallel_loop3A_810 : i32 to index
      %parallel_loop3A_862 = arith.constant 64 : index
      %parallel_loop3A_863 = tpu.vector_load %arg9[%parallel_loop3A_861, %parallel_loop3A_862] {strides = array<i32>} : memref<592x128xf32, #tpu.memory_space<vmem>>, vector<1x16xf32>,
      %parallel_loop3A_864 = vector.shape_cast %parallel_loop3A_863 : vector<1x16xf32> to vector<16xf32>
      %parallel_loop3A_865 = vector.shape_cast %parallel_loop3A_860 : vector<16xf32> to vector<1x16xf32>
      tpu.vector_store %arg9[%parallel_loop3A_861, %parallel_loop3A_862], %parallel_loop3A_865 {add = true, strides = array<i32>} : memref<592x128xf32, #tpu.memory_space<vmem>>, vector<1x16xf32>,
      %parallel_loop3A_866 = vector.broadcast %parallel_loop3A_808 : f32 to vector<16xf32>
      %parallel_loop3A_867 = arith.mulf %parallel_loop3A_866, %get3A_26 : vector<16xf32>
      %parallel_loop3A_868 = arith.addf %parallel_loop3A_867, %get3A_50 : vector<16xf32>
      %parallel_loop3A_869 = arith.constant 0.000000e+00 : f32
      %parallel_loop3A_870 = vector.broadcast %parallel_loop3A_869 : f32 to vector<16xf32>
      %parallel_loop3A_871 = arith.maximumf %parallel_loop3A_868, %parallel_loop3A_870 : vector<16xf32>
      %parallel_loop3A_872 = arith.index_cast %parallel_loop3A_810 : i32 to index
      %parallel_loop3A_873 = arith.constant 80 : index
      %parallel_loop3A_874 = tpu.vector_load %arg9[%parallel_loop3A_872, %parallel_loop3A_873] {strides = array<i32>} : memref<592x128xf32, #tpu.memory_space<vmem>>, vector<1x16xf32>,
      %parallel_loop3A_875 = vector.shape_cast %parallel_loop3A_874 : vector<1x16xf32> to vector<16xf32>
      %parallel_loop3A_876 = vector.shape_cast %parallel_loop3A_871 : vector<16xf32> to vector<1x16xf32>
      tpu.vector_store %arg9[%parallel_loop3A_872, %parallel_loop3A_873], %parallel_loop3A_876 {add = true, strides = array<i32>} : memref<592x128xf32, #tpu.memory_space<vmem>>, vector<1x16xf32>,
      %parallel_loop3A_877 = vector.broadcast %parallel_loop3A_808 : f32 to vector<16xf32>
      %parallel_loop3A_878 = arith.mulf %parallel_loop3A_877, %get3A_29 : vector<16xf32>
      %parallel_loop3A_879 = arith.addf %parallel_loop3A_878, %get3A_53 : vector<16xf32>
      %parallel_loop3A_880 = arith.constant 0.000000e+00 : f32
      %parallel_loop3A_881 = vector.broadcast %parallel_loop3A_880 : f32 to vector<16xf32>
      %parallel_loop3A_882 = arith.maximumf %parallel_loop3A_879, %parallel_loop3A_881 : vector<16xf32>
      %parallel_loop3A_883 = arith.index_cast %parallel_loop3A_810 : i32 to index
      %parallel_loop3A_884 = arith.constant 96 : index
      %parallel_loop3A_885 = tpu.vector_load %arg9[%parallel_loop3A_883, %parallel_loop3A_884] {strides = array<i32>} : memref<592x128xf32, #tpu.memory_space<vmem>>, vector<1x16xf32>,
      %parallel_loop3A_886 = vector.shape_cast %parallel_loop3A_885 : vector<1x16xf32> to vector<16xf32>
      %parallel_loop3A_887 = vector.shape_cast %parallel_loop3A_882 : vector<16xf32> to vector<1x16xf32>
      tpu.vector_store %arg9[%parallel_loop3A_883, %parallel_loop3A_884], %parallel_loop3A_887 {add = true, strides = array<i32>} : memref<592x128xf32, #tpu.memory_space<vmem>>, vector<1x16xf32>,
      %parallel_loop3A_888 = vector.broadcast %parallel_loop3A_808 : f32 to vector<16xf32>
      %parallel_loop3A_889 = arith.mulf %parallel_loop3A_888, %get3A_32 : vector<16xf32>
      %parallel_loop3A_890 = arith.addf %parallel_loop3A_889, %get3A_56 : vector<16xf32>
      %parallel_loop3A_891 = arith.constant 0.000000e+00 : f32
      %parallel_loop3A_892 = vector.broadcast %parallel_loop3A_891 : f32 to vector<16xf32>
      %parallel_loop3A_893 = arith.maximumf %parallel_loop3A_890, %parallel_loop3A_892 : vector<16xf32>
      %parallel_loop3A_894 = arith.index_cast %parallel_loop3A_810 : i32 to index
      %parallel_loop3A_895 = arith.constant 112 : index
      %parallel_loop3A_896 = tpu.vector_load %arg9[%parallel_loop3A_894, %parallel_loop3A_895] {strides = array<i32>} : memref<592x128xf32, #tpu.memory_space<vmem>>, vector<1x16xf32>,
      %parallel_loop3A_897 = vector.shape_cast %parallel_loop3A_896 : vector<1x16xf32> to vector<16xf32>
      %parallel_loop3A_898 = vector.shape_cast %parallel_loop3A_893 : vector<16xf32> to vector<1x16xf32>
      tpu.vector_store %arg9[%parallel_loop3A_894, %parallel_loop3A_895], %parallel_loop3A_898 {add = true, strides = array<i32>} : memref<592x128xf32, #tpu.memory_space<vmem>>, vector<1x16xf32>,
      %parallel_loop3A_899 = arith.constant 3 : i32
      %parallel_loop3A_900 = arith.shrsi %parallel_loop3A_810, %parallel_loop3A_899 : i32
      %parallel_loop3A_901 = arith.constant 512 : i32
      %parallel_loop3A_902 = arith.addi %parallel_loop3A_901, %parallel_loop3A_900 : i32
      %parallel_loop3A_903 = arith.constant 7 : i32
      %parallel_loop3A_904 = arith.andi %parallel_loop3A_810, %parallel_loop3A_903 : i32
      %parallel_loop3A_905 = arith.constant 16 : i32
      %parallel_loop3A_906 = arith.muli %parallel_loop3A_904, %parallel_loop3A_905 : i32
      %parallel_loop3A_907 = arith.index_cast %parallel_loop3A_902 : i32 to index
      %parallel_loop3A_908 = arith.index_cast %parallel_loop3A_906 : i32 to index
      %parallel_loop3A_909 = tpu.vector_load %arg9[%parallel_loop3A_907, %parallel_loop3A_908] {strides = array<i32>} : memref<592x128xf32, #tpu.memory_space<vmem>>, vector<1x16xf32>,
      %parallel_loop3A_910 = vector.shape_cast %parallel_loop3A_909 : vector<1x16xf32> to vector<16xf32>
      %parallel_loop3A_911 = vector.shape_cast %broadcast_in_dim3A_58 : vector<16xf32> to vector<1x16xf32>
      tpu.vector_store %arg9[%parallel_loop3A_907, %parallel_loop3A_908], %parallel_loop3A_911 {add = true, strides = array<i32>} : memref<592x128xf32, #tpu.memory_space<vmem>>, vector<1x16xf32>,
      %parallel_loop3A_912 = vector.extract_strided_slice %parallel_loop3A_66 {offsets = [8], sizes = [1], strides = [1]} : vector<16xf32> to vector<1xf32>
      %parallel_loop3A_913 = vector.extract %parallel_loop3A_912[0] : f32 from vector<1xf32>
      %parallel_loop3A_914 = vector.extract_strided_slice %parallel_loop3A_71 {offsets = [8], sizes = [1], strides = [1]} : vector<16xi32> to vector<1xi32>
      %parallel_loop3A_915 = vector.extract %parallel_loop3A_914[0] : i32 from vector<1xi32>
      %parallel_loop3A_916 = vector.broadcast %parallel_loop3A_913 : f32 to vector<16xf32>
      %parallel_loop3A_917 = arith.mulf %parallel_loop3A_916, %get3A_11 : vector<16xf32>
      %parallel_loop3A_918 = arith.addf %parallel_loop3A_917, %get3A_35 : vector<16xf32>
      %parallel_loop3A_919 = arith.constant 0.000000e+00 : f32
      %parallel_loop3A_920 = vector.broadcast %parallel_loop3A_919 : f32 to vector<16xf32>
      %parallel_loop3A_921 = arith.maximumf %parallel_loop3A_918, %parallel_loop3A_920 : vector<16xf32>
      %parallel_loop3A_922 = arith.index_cast %parallel_loop3A_915 : i32 to index
      %parallel_loop3A_923 = arith.constant 0 : index
      %parallel_loop3A_924 = tpu.vector_load %arg9[%parallel_loop3A_922, %parallel_loop3A_923] {strides = array<i32>} : memref<592x128xf32, #tpu.memory_space<vmem>>, vector<1x16xf32>,
      %parallel_loop3A_925 = vector.shape_cast %parallel_loop3A_924 : vector<1x16xf32> to vector<16xf32>
      %parallel_loop3A_926 = vector.shape_cast %parallel_loop3A_921 : vector<16xf32> to vector<1x16xf32>
      tpu.vector_store %arg9[%parallel_loop3A_922, %parallel_loop3A_923], %parallel_loop3A_926 {add = true, strides = array<i32>} : memref<592x128xf32, #tpu.memory_space<vmem>>, vector<1x16xf32>,
      %parallel_loop3A_927 = vector.broadcast %parallel_loop3A_913 : f32 to vector<16xf32>
      %parallel_loop3A_928 = arith.mulf %parallel_loop3A_927, %get3A_14 : vector<16xf32>
      %parallel_loop3A_929 = arith.addf %parallel_loop3A_928, %get3A_38 : vector<16xf32>
      %parallel_loop3A_930 = arith.constant 0.000000e+00 : f32
      %parallel_loop3A_931 = vector.broadcast %parallel_loop3A_930 : f32 to vector<16xf32>
      %parallel_loop3A_932 = arith.maximumf %parallel_loop3A_929, %parallel_loop3A_931 : vector<16xf32>
      %parallel_loop3A_933 = arith.index_cast %parallel_loop3A_915 : i32 to index
      %parallel_loop3A_934 = arith.constant 16 : index
      %parallel_loop3A_935 = tpu.vector_load %arg9[%parallel_loop3A_933, %parallel_loop3A_934] {strides = array<i32>} : memref<592x128xf32, #tpu.memory_space<vmem>>, vector<1x16xf32>,
      %parallel_loop3A_936 = vector.shape_cast %parallel_loop3A_935 : vector<1x16xf32> to vector<16xf32>
      %parallel_loop3A_937 = vector.shape_cast %parallel_loop3A_932 : vector<16xf32> to vector<1x16xf32>
      tpu.vector_store %arg9[%parallel_loop3A_933, %parallel_loop3A_934], %parallel_loop3A_937 {add = true, strides = array<i32>} : memref<592x128xf32, #tpu.memory_space<vmem>>, vector<1x16xf32>,
      %parallel_loop3A_938 = vector.broadcast %parallel_loop3A_913 : f32 to vector<16xf32>
      %parallel_loop3A_939 = arith.mulf %parallel_loop3A_938, %get3A_17 : vector<16xf32>
      %parallel_loop3A_940 = arith.addf %parallel_loop3A_939, %get3A_41 : vector<16xf32>
      %parallel_loop3A_941 = arith.constant 0.000000e+00 : f32
      %parallel_loop3A_942 = vector.broadcast %parallel_loop3A_941 : f32 to vector<16xf32>
      %parallel_loop3A_943 = arith.maximumf %parallel_loop3A_940, %parallel_loop3A_942 : vector<16xf32>
      %parallel_loop3A_944 = arith.index_cast %parallel_loop3A_915 : i32 to index
      %parallel_loop3A_945 = arith.constant 32 : index
      %parallel_loop3A_946 = tpu.vector_load %arg9[%parallel_loop3A_944, %parallel_loop3A_945] {strides = array<i32>} : memref<592x128xf32, #tpu.memory_space<vmem>>, vector<1x16xf32>,
      %parallel_loop3A_947 = vector.shape_cast %parallel_loop3A_946 : vector<1x16xf32> to vector<16xf32>
      %parallel_loop3A_948 = vector.shape_cast %parallel_loop3A_943 : vector<16xf32> to vector<1x16xf32>
      tpu.vector_store %arg9[%parallel_loop3A_944, %parallel_loop3A_945], %parallel_loop3A_948 {add = true, strides = array<i32>} : memref<592x128xf32, #tpu.memory_space<vmem>>, vector<1x16xf32>,
      %parallel_loop3A_949 = vector.broadcast %parallel_loop3A_913 : f32 to vector<16xf32>
      %parallel_loop3A_950 = arith.mulf %parallel_loop3A_949, %get3A_20 : vector<16xf32>
      %parallel_loop3A_951 = arith.addf %parallel_loop3A_950, %get3A_44 : vector<16xf32>
      %parallel_loop3A_952 = arith.constant 0.000000e+00 : f32
      %parallel_loop3A_953 = vector.broadcast %parallel_loop3A_952 : f32 to vector<16xf32>
      %parallel_loop3A_954 = arith.maximumf %parallel_loop3A_951, %parallel_loop3A_953 : vector<16xf32>
      %parallel_loop3A_955 = arith.index_cast %parallel_loop3A_915 : i32 to index
      %parallel_loop3A_956 = arith.constant 48 : index
      %parallel_loop3A_957 = tpu.vector_load %arg9[%parallel_loop3A_955, %parallel_loop3A_956] {strides = array<i32>} : memref<592x128xf32, #tpu.memory_space<vmem>>, vector<1x16xf32>,
      %parallel_loop3A_958 = vector.shape_cast %parallel_loop3A_957 : vector<1x16xf32> to vector<16xf32>
      %parallel_loop3A_959 = vector.shape_cast %parallel_loop3A_954 : vector<16xf32> to vector<1x16xf32>
      tpu.vector_store %arg9[%parallel_loop3A_955, %parallel_loop3A_956], %parallel_loop3A_959 {add = true, strides = array<i32>} : memref<592x128xf32, #tpu.memory_space<vmem>>, vector<1x16xf32>,
      %parallel_loop3A_960 = vector.broadcast %parallel_loop3A_913 : f32 to vector<16xf32>
      %parallel_loop3A_961 = arith.mulf %parallel_loop3A_960, %get3A_23 : vector<16xf32>
      %parallel_loop3A_962 = arith.addf %parallel_loop3A_961, %get3A_47 : vector<16xf32>
      %parallel_loop3A_963 = arith.constant 0.000000e+00 : f32
      %parallel_loop3A_964 = vector.broadcast %parallel_loop3A_963 : f32 to vector<16xf32>
      %parallel_loop3A_965 = arith.maximumf %parallel_loop3A_962, %parallel_loop3A_964 : vector<16xf32>
      %parallel_loop3A_966 = arith.index_cast %parallel_loop3A_915 : i32 to index
      %parallel_loop3A_967 = arith.constant 64 : index
      %parallel_loop3A_968 = tpu.vector_load %arg9[%parallel_loop3A_966, %parallel_loop3A_967] {strides = array<i32>} : memref<592x128xf32, #tpu.memory_space<vmem>>, vector<1x16xf32>,
      %parallel_loop3A_969 = vector.shape_cast %parallel_loop3A_968 : vector<1x16xf32> to vector<16xf32>
      %parallel_loop3A_970 = vector.shape_cast %parallel_loop3A_965 : vector<16xf32> to vector<1x16xf32>
      tpu.vector_store %arg9[%parallel_loop3A_966, %parallel_loop3A_967], %parallel_loop3A_970 {add = true, strides = array<i32>} : memref<592x128xf32, #tpu.memory_space<vmem>>, vector<1x16xf32>,
      %parallel_loop3A_971 = vector.broadcast %parallel_loop3A_913 : f32 to vector<16xf32>
      %parallel_loop3A_972 = arith.mulf %parallel_loop3A_971, %get3A_26 : vector<16xf32>
      %parallel_loop3A_973 = arith.addf %parallel_loop3A_972, %get3A_50 : vector<16xf32>
      %parallel_loop3A_974 = arith.constant 0.000000e+00 : f32
      %parallel_loop3A_975 = vector.broadcast %parallel_loop3A_974 : f32 to vector<16xf32>
      %parallel_loop3A_976 = arith.maximumf %parallel_loop3A_973, %parallel_loop3A_975 : vector<16xf32>
      %parallel_loop3A_977 = arith.index_cast %parallel_loop3A_915 : i32 to index
      %parallel_loop3A_978 = arith.constant 80 : index
      %parallel_loop3A_979 = tpu.vector_load %arg9[%parallel_loop3A_977, %parallel_loop3A_978] {strides = array<i32>} : memref<592x128xf32, #tpu.memory_space<vmem>>, vector<1x16xf32>,
      %parallel_loop3A_980 = vector.shape_cast %parallel_loop3A_979 : vector<1x16xf32> to vector<16xf32>
      %parallel_loop3A_981 = vector.shape_cast %parallel_loop3A_976 : vector<16xf32> to vector<1x16xf32>
      tpu.vector_store %arg9[%parallel_loop3A_977, %parallel_loop3A_978], %parallel_loop3A_981 {add = true, strides = array<i32>} : memref<592x128xf32, #tpu.memory_space<vmem>>, vector<1x16xf32>,
      %parallel_loop3A_982 = vector.broadcast %parallel_loop3A_913 : f32 to vector<16xf32>
      %parallel_loop3A_983 = arith.mulf %parallel_loop3A_982, %get3A_29 : vector<16xf32>
      %parallel_loop3A_984 = arith.addf %parallel_loop3A_983, %get3A_53 : vector<16xf32>
      %parallel_loop3A_985 = arith.constant 0.000000e+00 : f32
      %parallel_loop3A_986 = vector.broadcast %parallel_loop3A_985 : f32 to vector<16xf32>
      %parallel_loop3A_987 = arith.maximumf %parallel_loop3A_984, %parallel_loop3A_986 : vector<16xf32>
      %parallel_loop3A_988 = arith.index_cast %parallel_loop3A_915 : i32 to index
      %parallel_loop3A_989 = arith.constant 96 : index
      %parallel_loop3A_990 = tpu.vector_load %arg9[%parallel_loop3A_988, %parallel_loop3A_989] {strides = array<i32>} : memref<592x128xf32, #tpu.memory_space<vmem>>, vector<1x16xf32>,
      %parallel_loop3A_991 = vector.shape_cast %parallel_loop3A_990 : vector<1x16xf32> to vector<16xf32>
      %parallel_loop3A_992 = vector.shape_cast %parallel_loop3A_987 : vector<16xf32> to vector<1x16xf32>
      tpu.vector_store %arg9[%parallel_loop3A_988, %parallel_loop3A_989], %parallel_loop3A_992 {add = true, strides = array<i32>} : memref<592x128xf32, #tpu.memory_space<vmem>>, vector<1x16xf32>,
      %parallel_loop3A_993 = vector.broadcast %parallel_loop3A_913 : f32 to vector<16xf32>
      %parallel_loop3A_994 = arith.mulf %parallel_loop3A_993, %get3A_32 : vector<16xf32>
      %parallel_loop3A_995 = arith.addf %parallel_loop3A_994, %get3A_56 : vector<16xf32>
      %parallel_loop3A_996 = arith.constant 0.000000e+00 : f32
      %parallel_loop3A_997 = vector.broadcast %parallel_loop3A_996 : f32 to vector<16xf32>
      %parallel_loop3A_998 = arith.maximumf %parallel_loop3A_995, %parallel_loop3A_997 : vector<16xf32>
      %parallel_loop3A_999 = arith.index_cast %parallel_loop3A_915 : i32 to index
      %parallel_loop3A_1000 = arith.constant 112 : index
      %parallel_loop3A_1001 = tpu.vector_load %arg9[%parallel_loop3A_999, %parallel_loop3A_1000] {strides = array<i32>} : memref<592x128xf32, #tpu.memory_space<vmem>>, vector<1x16xf32>,
      %parallel_loop3A_1002 = vector.shape_cast %parallel_loop3A_1001 : vector<1x16xf32> to vector<16xf32>
      %parallel_loop3A_1003 = vector.shape_cast %parallel_loop3A_998 : vector<16xf32> to vector<1x16xf32>
      tpu.vector_store %arg9[%parallel_loop3A_999, %parallel_loop3A_1000], %parallel_loop3A_1003 {add = true, strides = array<i32>} : memref<592x128xf32, #tpu.memory_space<vmem>>, vector<1x16xf32>,
      %parallel_loop3A_1004 = arith.constant 3 : i32
      %parallel_loop3A_1005 = arith.shrsi %parallel_loop3A_915, %parallel_loop3A_1004 : i32
      %parallel_loop3A_1006 = arith.constant 512 : i32
      %parallel_loop3A_1007 = arith.addi %parallel_loop3A_1006, %parallel_loop3A_1005 : i32
      %parallel_loop3A_1008 = arith.constant 7 : i32
      %parallel_loop3A_1009 = arith.andi %parallel_loop3A_915, %parallel_loop3A_1008 : i32
      %parallel_loop3A_1010 = arith.constant 16 : i32
      %parallel_loop3A_1011 = arith.muli %parallel_loop3A_1009, %parallel_loop3A_1010 : i32
      %parallel_loop3A_1012 = arith.index_cast %parallel_loop3A_1007 : i32 to index
      %parallel_loop3A_1013 = arith.index_cast %parallel_loop3A_1011 : i32 to index
      %parallel_loop3A_1014 = tpu.vector_load %arg9[%parallel_loop3A_1012, %parallel_loop3A_1013] {strides = array<i32>} : memref<592x128xf32, #tpu.memory_space<vmem>>, vector<1x16xf32>,
      %parallel_loop3A_1015 = vector.shape_cast %parallel_loop3A_1014 : vector<1x16xf32> to vector<16xf32>
      %parallel_loop3A_1016 = vector.shape_cast %broadcast_in_dim3A_58 : vector<16xf32> to vector<1x16xf32>
      tpu.vector_store %arg9[%parallel_loop3A_1012, %parallel_loop3A_1013], %parallel_loop3A_1016 {add = true, strides = array<i32>} : memref<592x128xf32, #tpu.memory_space<vmem>>, vector<1x16xf32>,
      %parallel_loop3A_1017 = vector.extract_strided_slice %parallel_loop3A_66 {offsets = [9], sizes = [1], strides = [1]} : vector<16xf32> to vector<1xf32>
      %parallel_loop3A_1018 = vector.extract %parallel_loop3A_1017[0] : f32 from vector<1xf32>
      %parallel_loop3A_1019 = vector.extract_strided_slice %parallel_loop3A_71 {offsets = [9], sizes = [1], strides = [1]} : vector<16xi32> to vector<1xi32>
      %parallel_loop3A_1020 = vector.extract %parallel_loop3A_1019[0] : i32 from vector<1xi32>
      %parallel_loop3A_1021 = vector.broadcast %parallel_loop3A_1018 : f32 to vector<16xf32>
      %parallel_loop3A_1022 = arith.mulf %parallel_loop3A_1021, %get3A_11 : vector<16xf32>
      %parallel_loop3A_1023 = arith.addf %parallel_loop3A_1022, %get3A_35 : vector<16xf32>
      %parallel_loop3A_1024 = arith.constant 0.000000e+00 : f32
      %parallel_loop3A_1025 = vector.broadcast %parallel_loop3A_1024 : f32 to vector<16xf32>
      %parallel_loop3A_1026 = arith.maximumf %parallel_loop3A_1023, %parallel_loop3A_1025 : vector<16xf32>
      %parallel_loop3A_1027 = arith.index_cast %parallel_loop3A_1020 : i32 to index
      %parallel_loop3A_1028 = arith.constant 0 : index
      %parallel_loop3A_1029 = tpu.vector_load %arg9[%parallel_loop3A_1027, %parallel_loop3A_1028] {strides = array<i32>} : memref<592x128xf32, #tpu.memory_space<vmem>>, vector<1x16xf32>,
      %parallel_loop3A_1030 = vector.shape_cast %parallel_loop3A_1029 : vector<1x16xf32> to vector<16xf32>
      %parallel_loop3A_1031 = vector.shape_cast %parallel_loop3A_1026 : vector<16xf32> to vector<1x16xf32>
      tpu.vector_store %arg9[%parallel_loop3A_1027, %parallel_loop3A_1028], %parallel_loop3A_1031 {add = true, strides = array<i32>} : memref<592x128xf32, #tpu.memory_space<vmem>>, vector<1x16xf32>,
      %parallel_loop3A_1032 = vector.broadcast %parallel_loop3A_1018 : f32 to vector<16xf32>
      %parallel_loop3A_1033 = arith.mulf %parallel_loop3A_1032, %get3A_14 : vector<16xf32>
      %parallel_loop3A_1034 = arith.addf %parallel_loop3A_1033, %get3A_38 : vector<16xf32>
      %parallel_loop3A_1035 = arith.constant 0.000000e+00 : f32
      %parallel_loop3A_1036 = vector.broadcast %parallel_loop3A_1035 : f32 to vector<16xf32>
      %parallel_loop3A_1037 = arith.maximumf %parallel_loop3A_1034, %parallel_loop3A_1036 : vector<16xf32>
      %parallel_loop3A_1038 = arith.index_cast %parallel_loop3A_1020 : i32 to index
      %parallel_loop3A_1039 = arith.constant 16 : index
      %parallel_loop3A_1040 = tpu.vector_load %arg9[%parallel_loop3A_1038, %parallel_loop3A_1039] {strides = array<i32>} : memref<592x128xf32, #tpu.memory_space<vmem>>, vector<1x16xf32>,
      %parallel_loop3A_1041 = vector.shape_cast %parallel_loop3A_1040 : vector<1x16xf32> to vector<16xf32>
      %parallel_loop3A_1042 = vector.shape_cast %parallel_loop3A_1037 : vector<16xf32> to vector<1x16xf32>
      tpu.vector_store %arg9[%parallel_loop3A_1038, %parallel_loop3A_1039], %parallel_loop3A_1042 {add = true, strides = array<i32>} : memref<592x128xf32, #tpu.memory_space<vmem>>, vector<1x16xf32>,
      %parallel_loop3A_1043 = vector.broadcast %parallel_loop3A_1018 : f32 to vector<16xf32>
      %parallel_loop3A_1044 = arith.mulf %parallel_loop3A_1043, %get3A_17 : vector<16xf32>
      %parallel_loop3A_1045 = arith.addf %parallel_loop3A_1044, %get3A_41 : vector<16xf32>
      %parallel_loop3A_1046 = arith.constant 0.000000e+00 : f32
      %parallel_loop3A_1047 = vector.broadcast %parallel_loop3A_1046 : f32 to vector<16xf32>
      %parallel_loop3A_1048 = arith.maximumf %parallel_loop3A_1045, %parallel_loop3A_1047 : vector<16xf32>
      %parallel_loop3A_1049 = arith.index_cast %parallel_loop3A_1020 : i32 to index
      %parallel_loop3A_1050 = arith.constant 32 : index
      %parallel_loop3A_1051 = tpu.vector_load %arg9[%parallel_loop3A_1049, %parallel_loop3A_1050] {strides = array<i32>} : memref<592x128xf32, #tpu.memory_space<vmem>>, vector<1x16xf32>,
      %parallel_loop3A_1052 = vector.shape_cast %parallel_loop3A_1051 : vector<1x16xf32> to vector<16xf32>
      %parallel_loop3A_1053 = vector.shape_cast %parallel_loop3A_1048 : vector<16xf32> to vector<1x16xf32>
      tpu.vector_store %arg9[%parallel_loop3A_1049, %parallel_loop3A_1050], %parallel_loop3A_1053 {add = true, strides = array<i32>} : memref<592x128xf32, #tpu.memory_space<vmem>>, vector<1x16xf32>,
      %parallel_loop3A_1054 = vector.broadcast %parallel_loop3A_1018 : f32 to vector<16xf32>
      %parallel_loop3A_1055 = arith.mulf %parallel_loop3A_1054, %get3A_20 : vector<16xf32>
      %parallel_loop3A_1056 = arith.addf %parallel_loop3A_1055, %get3A_44 : vector<16xf32>
      %parallel_loop3A_1057 = arith.constant 0.000000e+00 : f32
      %parallel_loop3A_1058 = vector.broadcast %parallel_loop3A_1057 : f32 to vector<16xf32>
      %parallel_loop3A_1059 = arith.maximumf %parallel_loop3A_1056, %parallel_loop3A_1058 : vector<16xf32>
      %parallel_loop3A_1060 = arith.index_cast %parallel_loop3A_1020 : i32 to index
      %parallel_loop3A_1061 = arith.constant 48 : index
      %parallel_loop3A_1062 = tpu.vector_load %arg9[%parallel_loop3A_1060, %parallel_loop3A_1061] {strides = array<i32>} : memref<592x128xf32, #tpu.memory_space<vmem>>, vector<1x16xf32>,
      %parallel_loop3A_1063 = vector.shape_cast %parallel_loop3A_1062 : vector<1x16xf32> to vector<16xf32>
      %parallel_loop3A_1064 = vector.shape_cast %parallel_loop3A_1059 : vector<16xf32> to vector<1x16xf32>
      tpu.vector_store %arg9[%parallel_loop3A_1060, %parallel_loop3A_1061], %parallel_loop3A_1064 {add = true, strides = array<i32>} : memref<592x128xf32, #tpu.memory_space<vmem>>, vector<1x16xf32>,
      %parallel_loop3A_1065 = vector.broadcast %parallel_loop3A_1018 : f32 to vector<16xf32>
      %parallel_loop3A_1066 = arith.mulf %parallel_loop3A_1065, %get3A_23 : vector<16xf32>
      %parallel_loop3A_1067 = arith.addf %parallel_loop3A_1066, %get3A_47 : vector<16xf32>
      %parallel_loop3A_1068 = arith.constant 0.000000e+00 : f32
      %parallel_loop3A_1069 = vector.broadcast %parallel_loop3A_1068 : f32 to vector<16xf32>
      %parallel_loop3A_1070 = arith.maximumf %parallel_loop3A_1067, %parallel_loop3A_1069 : vector<16xf32>
      %parallel_loop3A_1071 = arith.index_cast %parallel_loop3A_1020 : i32 to index
      %parallel_loop3A_1072 = arith.constant 64 : index
      %parallel_loop3A_1073 = tpu.vector_load %arg9[%parallel_loop3A_1071, %parallel_loop3A_1072] {strides = array<i32>} : memref<592x128xf32, #tpu.memory_space<vmem>>, vector<1x16xf32>,
      %parallel_loop3A_1074 = vector.shape_cast %parallel_loop3A_1073 : vector<1x16xf32> to vector<16xf32>
      %parallel_loop3A_1075 = vector.shape_cast %parallel_loop3A_1070 : vector<16xf32> to vector<1x16xf32>
      tpu.vector_store %arg9[%parallel_loop3A_1071, %parallel_loop3A_1072], %parallel_loop3A_1075 {add = true, strides = array<i32>} : memref<592x128xf32, #tpu.memory_space<vmem>>, vector<1x16xf32>,
      %parallel_loop3A_1076 = vector.broadcast %parallel_loop3A_1018 : f32 to vector<16xf32>
      %parallel_loop3A_1077 = arith.mulf %parallel_loop3A_1076, %get3A_26 : vector<16xf32>
      %parallel_loop3A_1078 = arith.addf %parallel_loop3A_1077, %get3A_50 : vector<16xf32>
      %parallel_loop3A_1079 = arith.constant 0.000000e+00 : f32
      %parallel_loop3A_1080 = vector.broadcast %parallel_loop3A_1079 : f32 to vector<16xf32>
      %parallel_loop3A_1081 = arith.maximumf %parallel_loop3A_1078, %parallel_loop3A_1080 : vector<16xf32>
      %parallel_loop3A_1082 = arith.index_cast %parallel_loop3A_1020 : i32 to index
      %parallel_loop3A_1083 = arith.constant 80 : index
      %parallel_loop3A_1084 = tpu.vector_load %arg9[%parallel_loop3A_1082, %parallel_loop3A_1083] {strides = array<i32>} : memref<592x128xf32, #tpu.memory_space<vmem>>, vector<1x16xf32>,
      %parallel_loop3A_1085 = vector.shape_cast %parallel_loop3A_1084 : vector<1x16xf32> to vector<16xf32>
      %parallel_loop3A_1086 = vector.shape_cast %parallel_loop3A_1081 : vector<16xf32> to vector<1x16xf32>
      tpu.vector_store %arg9[%parallel_loop3A_1082, %parallel_loop3A_1083], %parallel_loop3A_1086 {add = true, strides = array<i32>} : memref<592x128xf32, #tpu.memory_space<vmem>>, vector<1x16xf32>,
      %parallel_loop3A_1087 = vector.broadcast %parallel_loop3A_1018 : f32 to vector<16xf32>
      %parallel_loop3A_1088 = arith.mulf %parallel_loop3A_1087, %get3A_29 : vector<16xf32>
      %parallel_loop3A_1089 = arith.addf %parallel_loop3A_1088, %get3A_53 : vector<16xf32>
      %parallel_loop3A_1090 = arith.constant 0.000000e+00 : f32
      %parallel_loop3A_1091 = vector.broadcast %parallel_loop3A_1090 : f32 to vector<16xf32>
      %parallel_loop3A_1092 = arith.maximumf %parallel_loop3A_1089, %parallel_loop3A_1091 : vector<16xf32>
      %parallel_loop3A_1093 = arith.index_cast %parallel_loop3A_1020 : i32 to index
      %parallel_loop3A_1094 = arith.constant 96 : index
      %parallel_loop3A_1095 = tpu.vector_load %arg9[%parallel_loop3A_1093, %parallel_loop3A_1094] {strides = array<i32>} : memref<592x128xf32, #tpu.memory_space<vmem>>, vector<1x16xf32>,
      %parallel_loop3A_1096 = vector.shape_cast %parallel_loop3A_1095 : vector<1x16xf32> to vector<16xf32>
      %parallel_loop3A_1097 = vector.shape_cast %parallel_loop3A_1092 : vector<16xf32> to vector<1x16xf32>
      tpu.vector_store %arg9[%parallel_loop3A_1093, %parallel_loop3A_1094], %parallel_loop3A_1097 {add = true, strides = array<i32>} : memref<592x128xf32, #tpu.memory_space<vmem>>, vector<1x16xf32>,
      %parallel_loop3A_1098 = vector.broadcast %parallel_loop3A_1018 : f32 to vector<16xf32>
      %parallel_loop3A_1099 = arith.mulf %parallel_loop3A_1098, %get3A_32 : vector<16xf32>
      %parallel_loop3A_1100 = arith.addf %parallel_loop3A_1099, %get3A_56 : vector<16xf32>
      %parallel_loop3A_1101 = arith.constant 0.000000e+00 : f32
      %parallel_loop3A_1102 = vector.broadcast %parallel_loop3A_1101 : f32 to vector<16xf32>
      %parallel_loop3A_1103 = arith.maximumf %parallel_loop3A_1100, %parallel_loop3A_1102 : vector<16xf32>
      %parallel_loop3A_1104 = arith.index_cast %parallel_loop3A_1020 : i32 to index
      %parallel_loop3A_1105 = arith.constant 112 : index
      %parallel_loop3A_1106 = tpu.vector_load %arg9[%parallel_loop3A_1104, %parallel_loop3A_1105] {strides = array<i32>} : memref<592x128xf32, #tpu.memory_space<vmem>>, vector<1x16xf32>,
      %parallel_loop3A_1107 = vector.shape_cast %parallel_loop3A_1106 : vector<1x16xf32> to vector<16xf32>
      %parallel_loop3A_1108 = vector.shape_cast %parallel_loop3A_1103 : vector<16xf32> to vector<1x16xf32>
      tpu.vector_store %arg9[%parallel_loop3A_1104, %parallel_loop3A_1105], %parallel_loop3A_1108 {add = true, strides = array<i32>} : memref<592x128xf32, #tpu.memory_space<vmem>>, vector<1x16xf32>,
      %parallel_loop3A_1109 = arith.constant 3 : i32
      %parallel_loop3A_1110 = arith.shrsi %parallel_loop3A_1020, %parallel_loop3A_1109 : i32
      %parallel_loop3A_1111 = arith.constant 512 : i32
      %parallel_loop3A_1112 = arith.addi %parallel_loop3A_1111, %parallel_loop3A_1110 : i32
      %parallel_loop3A_1113 = arith.constant 7 : i32
      %parallel_loop3A_1114 = arith.andi %parallel_loop3A_1020, %parallel_loop3A_1113 : i32
      %parallel_loop3A_1115 = arith.constant 16 : i32
      %parallel_loop3A_1116 = arith.muli %parallel_loop3A_1114, %parallel_loop3A_1115 : i32
      %parallel_loop3A_1117 = arith.index_cast %parallel_loop3A_1112 : i32 to index
      %parallel_loop3A_1118 = arith.index_cast %parallel_loop3A_1116 : i32 to index
      %parallel_loop3A_1119 = tpu.vector_load %arg9[%parallel_loop3A_1117, %parallel_loop3A_1118] {strides = array<i32>} : memref<592x128xf32, #tpu.memory_space<vmem>>, vector<1x16xf32>,
      %parallel_loop3A_1120 = vector.shape_cast %parallel_loop3A_1119 : vector<1x16xf32> to vector<16xf32>
      %parallel_loop3A_1121 = vector.shape_cast %broadcast_in_dim3A_58 : vector<16xf32> to vector<1x16xf32>
      tpu.vector_store %arg9[%parallel_loop3A_1117, %parallel_loop3A_1118], %parallel_loop3A_1121 {add = true, strides = array<i32>} : memref<592x128xf32, #tpu.memory_space<vmem>>, vector<1x16xf32>,
      %parallel_loop3A_1122 = vector.extract_strided_slice %parallel_loop3A_66 {offsets = [10], sizes = [1], strides = [1]} : vector<16xf32> to vector<1xf32>
      %parallel_loop3A_1123 = vector.extract %parallel_loop3A_1122[0] : f32 from vector<1xf32>
      %parallel_loop3A_1124 = vector.extract_strided_slice %parallel_loop3A_71 {offsets = [10], sizes = [1], strides = [1]} : vector<16xi32> to vector<1xi32>
      %parallel_loop3A_1125 = vector.extract %parallel_loop3A_1124[0] : i32 from vector<1xi32>
      %parallel_loop3A_1126 = vector.broadcast %parallel_loop3A_1123 : f32 to vector<16xf32>
      %parallel_loop3A_1127 = arith.mulf %parallel_loop3A_1126, %get3A_11 : vector<16xf32>
      %parallel_loop3A_1128 = arith.addf %parallel_loop3A_1127, %get3A_35 : vector<16xf32>
      %parallel_loop3A_1129 = arith.constant 0.000000e+00 : f32
      %parallel_loop3A_1130 = vector.broadcast %parallel_loop3A_1129 : f32 to vector<16xf32>
      %parallel_loop3A_1131 = arith.maximumf %parallel_loop3A_1128, %parallel_loop3A_1130 : vector<16xf32>
      %parallel_loop3A_1132 = arith.index_cast %parallel_loop3A_1125 : i32 to index
      %parallel_loop3A_1133 = arith.constant 0 : index
      %parallel_loop3A_1134 = tpu.vector_load %arg9[%parallel_loop3A_1132, %parallel_loop3A_1133] {strides = array<i32>} : memref<592x128xf32, #tpu.memory_space<vmem>>, vector<1x16xf32>,
      %parallel_loop3A_1135 = vector.shape_cast %parallel_loop3A_1134 : vector<1x16xf32> to vector<16xf32>
      %parallel_loop3A_1136 = vector.shape_cast %parallel_loop3A_1131 : vector<16xf32> to vector<1x16xf32>
      tpu.vector_store %arg9[%parallel_loop3A_1132, %parallel_loop3A_1133], %parallel_loop3A_1136 {add = true, strides = array<i32>} : memref<592x128xf32, #tpu.memory_space<vmem>>, vector<1x16xf32>,
      %parallel_loop3A_1137 = vector.broadcast %parallel_loop3A_1123 : f32 to vector<16xf32>
      %parallel_loop3A_1138 = arith.mulf %parallel_loop3A_1137, %get3A_14 : vector<16xf32>
      %parallel_loop3A_1139 = arith.addf %parallel_loop3A_1138, %get3A_38 : vector<16xf32>
      %parallel_loop3A_1140 = arith.constant 0.000000e+00 : f32
      %parallel_loop3A_1141 = vector.broadcast %parallel_loop3A_1140 : f32 to vector<16xf32>
      %parallel_loop3A_1142 = arith.maximumf %parallel_loop3A_1139, %parallel_loop3A_1141 : vector<16xf32>
      %parallel_loop3A_1143 = arith.index_cast %parallel_loop3A_1125 : i32 to index
      %parallel_loop3A_1144 = arith.constant 16 : index
      %parallel_loop3A_1145 = tpu.vector_load %arg9[%parallel_loop3A_1143, %parallel_loop3A_1144] {strides = array<i32>} : memref<592x128xf32, #tpu.memory_space<vmem>>, vector<1x16xf32>,
      %parallel_loop3A_1146 = vector.shape_cast %parallel_loop3A_1145 : vector<1x16xf32> to vector<16xf32>
      %parallel_loop3A_1147 = vector.shape_cast %parallel_loop3A_1142 : vector<16xf32> to vector<1x16xf32>
      tpu.vector_store %arg9[%parallel_loop3A_1143, %parallel_loop3A_1144], %parallel_loop3A_1147 {add = true, strides = array<i32>} : memref<592x128xf32, #tpu.memory_space<vmem>>, vector<1x16xf32>,
      %parallel_loop3A_1148 = vector.broadcast %parallel_loop3A_1123 : f32 to vector<16xf32>
      %parallel_loop3A_1149 = arith.mulf %parallel_loop3A_1148, %get3A_17 : vector<16xf32>
      %parallel_loop3A_1150 = arith.addf %parallel_loop3A_1149, %get3A_41 : vector<16xf32>
      %parallel_loop3A_1151 = arith.constant 0.000000e+00 : f32
      %parallel_loop3A_1152 = vector.broadcast %parallel_loop3A_1151 : f32 to vector<16xf32>
      %parallel_loop3A_1153 = arith.maximumf %parallel_loop3A_1150, %parallel_loop3A_1152 : vector<16xf32>
      %parallel_loop3A_1154 = arith.index_cast %parallel_loop3A_1125 : i32 to index
      %parallel_loop3A_1155 = arith.constant 32 : index
      %parallel_loop3A_1156 = tpu.vector_load %arg9[%parallel_loop3A_1154, %parallel_loop3A_1155] {strides = array<i32>} : memref<592x128xf32, #tpu.memory_space<vmem>>, vector<1x16xf32>,
      %parallel_loop3A_1157 = vector.shape_cast %parallel_loop3A_1156 : vector<1x16xf32> to vector<16xf32>
      %parallel_loop3A_1158 = vector.shape_cast %parallel_loop3A_1153 : vector<16xf32> to vector<1x16xf32>
      tpu.vector_store %arg9[%parallel_loop3A_1154, %parallel_loop3A_1155], %parallel_loop3A_1158 {add = true, strides = array<i32>} : memref<592x128xf32, #tpu.memory_space<vmem>>, vector<1x16xf32>,
      %parallel_loop3A_1159 = vector.broadcast %parallel_loop3A_1123 : f32 to vector<16xf32>
      %parallel_loop3A_1160 = arith.mulf %parallel_loop3A_1159, %get3A_20 : vector<16xf32>
      %parallel_loop3A_1161 = arith.addf %parallel_loop3A_1160, %get3A_44 : vector<16xf32>
      %parallel_loop3A_1162 = arith.constant 0.000000e+00 : f32
      %parallel_loop3A_1163 = vector.broadcast %parallel_loop3A_1162 : f32 to vector<16xf32>
      %parallel_loop3A_1164 = arith.maximumf %parallel_loop3A_1161, %parallel_loop3A_1163 : vector<16xf32>
      %parallel_loop3A_1165 = arith.index_cast %parallel_loop3A_1125 : i32 to index
      %parallel_loop3A_1166 = arith.constant 48 : index
      %parallel_loop3A_1167 = tpu.vector_load %arg9[%parallel_loop3A_1165, %parallel_loop3A_1166] {strides = array<i32>} : memref<592x128xf32, #tpu.memory_space<vmem>>, vector<1x16xf32>,
      %parallel_loop3A_1168 = vector.shape_cast %parallel_loop3A_1167 : vector<1x16xf32> to vector<16xf32>
      %parallel_loop3A_1169 = vector.shape_cast %parallel_loop3A_1164 : vector<16xf32> to vector<1x16xf32>
      tpu.vector_store %arg9[%parallel_loop3A_1165, %parallel_loop3A_1166], %parallel_loop3A_1169 {add = true, strides = array<i32>} : memref<592x128xf32, #tpu.memory_space<vmem>>, vector<1x16xf32>,
      %parallel_loop3A_1170 = vector.broadcast %parallel_loop3A_1123 : f32 to vector<16xf32>
      %parallel_loop3A_1171 = arith.mulf %parallel_loop3A_1170, %get3A_23 : vector<16xf32>
      %parallel_loop3A_1172 = arith.addf %parallel_loop3A_1171, %get3A_47 : vector<16xf32>
      %parallel_loop3A_1173 = arith.constant 0.000000e+00 : f32
      %parallel_loop3A_1174 = vector.broadcast %parallel_loop3A_1173 : f32 to vector<16xf32>
      %parallel_loop3A_1175 = arith.maximumf %parallel_loop3A_1172, %parallel_loop3A_1174 : vector<16xf32>
      %parallel_loop3A_1176 = arith.index_cast %parallel_loop3A_1125 : i32 to index
      %parallel_loop3A_1177 = arith.constant 64 : index
      %parallel_loop3A_1178 = tpu.vector_load %arg9[%parallel_loop3A_1176, %parallel_loop3A_1177] {strides = array<i32>} : memref<592x128xf32, #tpu.memory_space<vmem>>, vector<1x16xf32>,
      %parallel_loop3A_1179 = vector.shape_cast %parallel_loop3A_1178 : vector<1x16xf32> to vector<16xf32>
      %parallel_loop3A_1180 = vector.shape_cast %parallel_loop3A_1175 : vector<16xf32> to vector<1x16xf32>
      tpu.vector_store %arg9[%parallel_loop3A_1176, %parallel_loop3A_1177], %parallel_loop3A_1180 {add = true, strides = array<i32>} : memref<592x128xf32, #tpu.memory_space<vmem>>, vector<1x16xf32>,
      %parallel_loop3A_1181 = vector.broadcast %parallel_loop3A_1123 : f32 to vector<16xf32>
      %parallel_loop3A_1182 = arith.mulf %parallel_loop3A_1181, %get3A_26 : vector<16xf32>
      %parallel_loop3A_1183 = arith.addf %parallel_loop3A_1182, %get3A_50 : vector<16xf32>
      %parallel_loop3A_1184 = arith.constant 0.000000e+00 : f32
      %parallel_loop3A_1185 = vector.broadcast %parallel_loop3A_1184 : f32 to vector<16xf32>
      %parallel_loop3A_1186 = arith.maximumf %parallel_loop3A_1183, %parallel_loop3A_1185 : vector<16xf32>
      %parallel_loop3A_1187 = arith.index_cast %parallel_loop3A_1125 : i32 to index
      %parallel_loop3A_1188 = arith.constant 80 : index
      %parallel_loop3A_1189 = tpu.vector_load %arg9[%parallel_loop3A_1187, %parallel_loop3A_1188] {strides = array<i32>} : memref<592x128xf32, #tpu.memory_space<vmem>>, vector<1x16xf32>,
      %parallel_loop3A_1190 = vector.shape_cast %parallel_loop3A_1189 : vector<1x16xf32> to vector<16xf32>
      %parallel_loop3A_1191 = vector.shape_cast %parallel_loop3A_1186 : vector<16xf32> to vector<1x16xf32>
      tpu.vector_store %arg9[%parallel_loop3A_1187, %parallel_loop3A_1188], %parallel_loop3A_1191 {add = true, strides = array<i32>} : memref<592x128xf32, #tpu.memory_space<vmem>>, vector<1x16xf32>,
      %parallel_loop3A_1192 = vector.broadcast %parallel_loop3A_1123 : f32 to vector<16xf32>
      %parallel_loop3A_1193 = arith.mulf %parallel_loop3A_1192, %get3A_29 : vector<16xf32>
      %parallel_loop3A_1194 = arith.addf %parallel_loop3A_1193, %get3A_53 : vector<16xf32>
      %parallel_loop3A_1195 = arith.constant 0.000000e+00 : f32
      %parallel_loop3A_1196 = vector.broadcast %parallel_loop3A_1195 : f32 to vector<16xf32>
      %parallel_loop3A_1197 = arith.maximumf %parallel_loop3A_1194, %parallel_loop3A_1196 : vector<16xf32>
      %parallel_loop3A_1198 = arith.index_cast %parallel_loop3A_1125 : i32 to index
      %parallel_loop3A_1199 = arith.constant 96 : index
      %parallel_loop3A_1200 = tpu.vector_load %arg9[%parallel_loop3A_1198, %parallel_loop3A_1199] {strides = array<i32>} : memref<592x128xf32, #tpu.memory_space<vmem>>, vector<1x16xf32>,
      %parallel_loop3A_1201 = vector.shape_cast %parallel_loop3A_1200 : vector<1x16xf32> to vector<16xf32>
      %parallel_loop3A_1202 = vector.shape_cast %parallel_loop3A_1197 : vector<16xf32> to vector<1x16xf32>
      tpu.vector_store %arg9[%parallel_loop3A_1198, %parallel_loop3A_1199], %parallel_loop3A_1202 {add = true, strides = array<i32>} : memref<592x128xf32, #tpu.memory_space<vmem>>, vector<1x16xf32>,
      %parallel_loop3A_1203 = vector.broadcast %parallel_loop3A_1123 : f32 to vector<16xf32>
      %parallel_loop3A_1204 = arith.mulf %parallel_loop3A_1203, %get3A_32 : vector<16xf32>
      %parallel_loop3A_1205 = arith.addf %parallel_loop3A_1204, %get3A_56 : vector<16xf32>
      %parallel_loop3A_1206 = arith.constant 0.000000e+00 : f32
      %parallel_loop3A_1207 = vector.broadcast %parallel_loop3A_1206 : f32 to vector<16xf32>
      %parallel_loop3A_1208 = arith.maximumf %parallel_loop3A_1205, %parallel_loop3A_1207 : vector<16xf32>
      %parallel_loop3A_1209 = arith.index_cast %parallel_loop3A_1125 : i32 to index
      %parallel_loop3A_1210 = arith.constant 112 : index
      %parallel_loop3A_1211 = tpu.vector_load %arg9[%parallel_loop3A_1209, %parallel_loop3A_1210] {strides = array<i32>} : memref<592x128xf32, #tpu.memory_space<vmem>>, vector<1x16xf32>,
      %parallel_loop3A_1212 = vector.shape_cast %parallel_loop3A_1211 : vector<1x16xf32> to vector<16xf32>
      %parallel_loop3A_1213 = vector.shape_cast %parallel_loop3A_1208 : vector<16xf32> to vector<1x16xf32>
      tpu.vector_store %arg9[%parallel_loop3A_1209, %parallel_loop3A_1210], %parallel_loop3A_1213 {add = true, strides = array<i32>} : memref<592x128xf32, #tpu.memory_space<vmem>>, vector<1x16xf32>,
      %parallel_loop3A_1214 = arith.constant 3 : i32
      %parallel_loop3A_1215 = arith.shrsi %parallel_loop3A_1125, %parallel_loop3A_1214 : i32
      %parallel_loop3A_1216 = arith.constant 512 : i32
      %parallel_loop3A_1217 = arith.addi %parallel_loop3A_1216, %parallel_loop3A_1215 : i32
      %parallel_loop3A_1218 = arith.constant 7 : i32
      %parallel_loop3A_1219 = arith.andi %parallel_loop3A_1125, %parallel_loop3A_1218 : i32
      %parallel_loop3A_1220 = arith.constant 16 : i32
      %parallel_loop3A_1221 = arith.muli %parallel_loop3A_1219, %parallel_loop3A_1220 : i32
      %parallel_loop3A_1222 = arith.index_cast %parallel_loop3A_1217 : i32 to index
      %parallel_loop3A_1223 = arith.index_cast %parallel_loop3A_1221 : i32 to index
      %parallel_loop3A_1224 = tpu.vector_load %arg9[%parallel_loop3A_1222, %parallel_loop3A_1223] {strides = array<i32>} : memref<592x128xf32, #tpu.memory_space<vmem>>, vector<1x16xf32>,
      %parallel_loop3A_1225 = vector.shape_cast %parallel_loop3A_1224 : vector<1x16xf32> to vector<16xf32>
      %parallel_loop3A_1226 = vector.shape_cast %broadcast_in_dim3A_58 : vector<16xf32> to vector<1x16xf32>
      tpu.vector_store %arg9[%parallel_loop3A_1222, %parallel_loop3A_1223], %parallel_loop3A_1226 {add = true, strides = array<i32>} : memref<592x128xf32, #tpu.memory_space<vmem>>, vector<1x16xf32>,
      %parallel_loop3A_1227 = vector.extract_strided_slice %parallel_loop3A_66 {offsets = [11], sizes = [1], strides = [1]} : vector<16xf32> to vector<1xf32>
      %parallel_loop3A_1228 = vector.extract %parallel_loop3A_1227[0] : f32 from vector<1xf32>
      %parallel_loop3A_1229 = vector.extract_strided_slice %parallel_loop3A_71 {offsets = [11], sizes = [1], strides = [1]} : vector<16xi32> to vector<1xi32>
      %parallel_loop3A_1230 = vector.extract %parallel_loop3A_1229[0] : i32 from vector<1xi32>
      %parallel_loop3A_1231 = vector.broadcast %parallel_loop3A_1228 : f32 to vector<16xf32>
      %parallel_loop3A_1232 = arith.mulf %parallel_loop3A_1231, %get3A_11 : vector<16xf32>
      %parallel_loop3A_1233 = arith.addf %parallel_loop3A_1232, %get3A_35 : vector<16xf32>
      %parallel_loop3A_1234 = arith.constant 0.000000e+00 : f32
      %parallel_loop3A_1235 = vector.broadcast %parallel_loop3A_1234 : f32 to vector<16xf32>
      %parallel_loop3A_1236 = arith.maximumf %parallel_loop3A_1233, %parallel_loop3A_1235 : vector<16xf32>
      %parallel_loop3A_1237 = arith.index_cast %parallel_loop3A_1230 : i32 to index
      %parallel_loop3A_1238 = arith.constant 0 : index
      %parallel_loop3A_1239 = tpu.vector_load %arg9[%parallel_loop3A_1237, %parallel_loop3A_1238] {strides = array<i32>} : memref<592x128xf32, #tpu.memory_space<vmem>>, vector<1x16xf32>,
      %parallel_loop3A_1240 = vector.shape_cast %parallel_loop3A_1239 : vector<1x16xf32> to vector<16xf32>
      %parallel_loop3A_1241 = vector.shape_cast %parallel_loop3A_1236 : vector<16xf32> to vector<1x16xf32>
      tpu.vector_store %arg9[%parallel_loop3A_1237, %parallel_loop3A_1238], %parallel_loop3A_1241 {add = true, strides = array<i32>} : memref<592x128xf32, #tpu.memory_space<vmem>>, vector<1x16xf32>,
      %parallel_loop3A_1242 = vector.broadcast %parallel_loop3A_1228 : f32 to vector<16xf32>
      %parallel_loop3A_1243 = arith.mulf %parallel_loop3A_1242, %get3A_14 : vector<16xf32>
      %parallel_loop3A_1244 = arith.addf %parallel_loop3A_1243, %get3A_38 : vector<16xf32>
      %parallel_loop3A_1245 = arith.constant 0.000000e+00 : f32
      %parallel_loop3A_1246 = vector.broadcast %parallel_loop3A_1245 : f32 to vector<16xf32>
      %parallel_loop3A_1247 = arith.maximumf %parallel_loop3A_1244, %parallel_loop3A_1246 : vector<16xf32>
      %parallel_loop3A_1248 = arith.index_cast %parallel_loop3A_1230 : i32 to index
      %parallel_loop3A_1249 = arith.constant 16 : index
      %parallel_loop3A_1250 = tpu.vector_load %arg9[%parallel_loop3A_1248, %parallel_loop3A_1249] {strides = array<i32>} : memref<592x128xf32, #tpu.memory_space<vmem>>, vector<1x16xf32>,
      %parallel_loop3A_1251 = vector.shape_cast %parallel_loop3A_1250 : vector<1x16xf32> to vector<16xf32>
      %parallel_loop3A_1252 = vector.shape_cast %parallel_loop3A_1247 : vector<16xf32> to vector<1x16xf32>
      tpu.vector_store %arg9[%parallel_loop3A_1248, %parallel_loop3A_1249], %parallel_loop3A_1252 {add = true, strides = array<i32>} : memref<592x128xf32, #tpu.memory_space<vmem>>, vector<1x16xf32>,
      %parallel_loop3A_1253 = vector.broadcast %parallel_loop3A_1228 : f32 to vector<16xf32>
      %parallel_loop3A_1254 = arith.mulf %parallel_loop3A_1253, %get3A_17 : vector<16xf32>
      %parallel_loop3A_1255 = arith.addf %parallel_loop3A_1254, %get3A_41 : vector<16xf32>
      %parallel_loop3A_1256 = arith.constant 0.000000e+00 : f32
      %parallel_loop3A_1257 = vector.broadcast %parallel_loop3A_1256 : f32 to vector<16xf32>
      %parallel_loop3A_1258 = arith.maximumf %parallel_loop3A_1255, %parallel_loop3A_1257 : vector<16xf32>
      %parallel_loop3A_1259 = arith.index_cast %parallel_loop3A_1230 : i32 to index
      %parallel_loop3A_1260 = arith.constant 32 : index
      %parallel_loop3A_1261 = tpu.vector_load %arg9[%parallel_loop3A_1259, %parallel_loop3A_1260] {strides = array<i32>} : memref<592x128xf32, #tpu.memory_space<vmem>>, vector<1x16xf32>,
      %parallel_loop3A_1262 = vector.shape_cast %parallel_loop3A_1261 : vector<1x16xf32> to vector<16xf32>
      %parallel_loop3A_1263 = vector.shape_cast %parallel_loop3A_1258 : vector<16xf32> to vector<1x16xf32>
      tpu.vector_store %arg9[%parallel_loop3A_1259, %parallel_loop3A_1260], %parallel_loop3A_1263 {add = true, strides = array<i32>} : memref<592x128xf32, #tpu.memory_space<vmem>>, vector<1x16xf32>,
      %parallel_loop3A_1264 = vector.broadcast %parallel_loop3A_1228 : f32 to vector<16xf32>
      %parallel_loop3A_1265 = arith.mulf %parallel_loop3A_1264, %get3A_20 : vector<16xf32>
      %parallel_loop3A_1266 = arith.addf %parallel_loop3A_1265, %get3A_44 : vector<16xf32>
      %parallel_loop3A_1267 = arith.constant 0.000000e+00 : f32
      %parallel_loop3A_1268 = vector.broadcast %parallel_loop3A_1267 : f32 to vector<16xf32>
      %parallel_loop3A_1269 = arith.maximumf %parallel_loop3A_1266, %parallel_loop3A_1268 : vector<16xf32>
      %parallel_loop3A_1270 = arith.index_cast %parallel_loop3A_1230 : i32 to index
      %parallel_loop3A_1271 = arith.constant 48 : index
      %parallel_loop3A_1272 = tpu.vector_load %arg9[%parallel_loop3A_1270, %parallel_loop3A_1271] {strides = array<i32>} : memref<592x128xf32, #tpu.memory_space<vmem>>, vector<1x16xf32>,
      %parallel_loop3A_1273 = vector.shape_cast %parallel_loop3A_1272 : vector<1x16xf32> to vector<16xf32>
      %parallel_loop3A_1274 = vector.shape_cast %parallel_loop3A_1269 : vector<16xf32> to vector<1x16xf32>
      tpu.vector_store %arg9[%parallel_loop3A_1270, %parallel_loop3A_1271], %parallel_loop3A_1274 {add = true, strides = array<i32>} : memref<592x128xf32, #tpu.memory_space<vmem>>, vector<1x16xf32>,
      %parallel_loop3A_1275 = vector.broadcast %parallel_loop3A_1228 : f32 to vector<16xf32>
      %parallel_loop3A_1276 = arith.mulf %parallel_loop3A_1275, %get3A_23 : vector<16xf32>
      %parallel_loop3A_1277 = arith.addf %parallel_loop3A_1276, %get3A_47 : vector<16xf32>
      %parallel_loop3A_1278 = arith.constant 0.000000e+00 : f32
      %parallel_loop3A_1279 = vector.broadcast %parallel_loop3A_1278 : f32 to vector<16xf32>
      %parallel_loop3A_1280 = arith.maximumf %parallel_loop3A_1277, %parallel_loop3A_1279 : vector<16xf32>
      %parallel_loop3A_1281 = arith.index_cast %parallel_loop3A_1230 : i32 to index
      %parallel_loop3A_1282 = arith.constant 64 : index
      %parallel_loop3A_1283 = tpu.vector_load %arg9[%parallel_loop3A_1281, %parallel_loop3A_1282] {strides = array<i32>} : memref<592x128xf32, #tpu.memory_space<vmem>>, vector<1x16xf32>,
      %parallel_loop3A_1284 = vector.shape_cast %parallel_loop3A_1283 : vector<1x16xf32> to vector<16xf32>
      %parallel_loop3A_1285 = vector.shape_cast %parallel_loop3A_1280 : vector<16xf32> to vector<1x16xf32>
      tpu.vector_store %arg9[%parallel_loop3A_1281, %parallel_loop3A_1282], %parallel_loop3A_1285 {add = true, strides = array<i32>} : memref<592x128xf32, #tpu.memory_space<vmem>>, vector<1x16xf32>,
      %parallel_loop3A_1286 = vector.broadcast %parallel_loop3A_1228 : f32 to vector<16xf32>
      %parallel_loop3A_1287 = arith.mulf %parallel_loop3A_1286, %get3A_26 : vector<16xf32>
      %parallel_loop3A_1288 = arith.addf %parallel_loop3A_1287, %get3A_50 : vector<16xf32>
      %parallel_loop3A_1289 = arith.constant 0.000000e+00 : f32
      %parallel_loop3A_1290 = vector.broadcast %parallel_loop3A_1289 : f32 to vector<16xf32>
      %parallel_loop3A_1291 = arith.maximumf %parallel_loop3A_1288, %parallel_loop3A_1290 : vector<16xf32>
      %parallel_loop3A_1292 = arith.index_cast %parallel_loop3A_1230 : i32 to index
      %parallel_loop3A_1293 = arith.constant 80 : index
      %parallel_loop3A_1294 = tpu.vector_load %arg9[%parallel_loop3A_1292, %parallel_loop3A_1293] {strides = array<i32>} : memref<592x128xf32, #tpu.memory_space<vmem>>, vector<1x16xf32>,
      %parallel_loop3A_1295 = vector.shape_cast %parallel_loop3A_1294 : vector<1x16xf32> to vector<16xf32>
      %parallel_loop3A_1296 = vector.shape_cast %parallel_loop3A_1291 : vector<16xf32> to vector<1x16xf32>
      tpu.vector_store %arg9[%parallel_loop3A_1292, %parallel_loop3A_1293], %parallel_loop3A_1296 {add = true, strides = array<i32>} : memref<592x128xf32, #tpu.memory_space<vmem>>, vector<1x16xf32>,
      %parallel_loop3A_1297 = vector.broadcast %parallel_loop3A_1228 : f32 to vector<16xf32>
      %parallel_loop3A_1298 = arith.mulf %parallel_loop3A_1297, %get3A_29 : vector<16xf32>
      %parallel_loop3A_1299 = arith.addf %parallel_loop3A_1298, %get3A_53 : vector<16xf32>
      %parallel_loop3A_1300 = arith.constant 0.000000e+00 : f32
      %parallel_loop3A_1301 = vector.broadcast %parallel_loop3A_1300 : f32 to vector<16xf32>
      %parallel_loop3A_1302 = arith.maximumf %parallel_loop3A_1299, %parallel_loop3A_1301 : vector<16xf32>
      %parallel_loop3A_1303 = arith.index_cast %parallel_loop3A_1230 : i32 to index
      %parallel_loop3A_1304 = arith.constant 96 : index
      %parallel_loop3A_1305 = tpu.vector_load %arg9[%parallel_loop3A_1303, %parallel_loop3A_1304] {strides = array<i32>} : memref<592x128xf32, #tpu.memory_space<vmem>>, vector<1x16xf32>,
      %parallel_loop3A_1306 = vector.shape_cast %parallel_loop3A_1305 : vector<1x16xf32> to vector<16xf32>
      %parallel_loop3A_1307 = vector.shape_cast %parallel_loop3A_1302 : vector<16xf32> to vector<1x16xf32>
      tpu.vector_store %arg9[%parallel_loop3A_1303, %parallel_loop3A_1304], %parallel_loop3A_1307 {add = true, strides = array<i32>} : memref<592x128xf32, #tpu.memory_space<vmem>>, vector<1x16xf32>,
      %parallel_loop3A_1308 = vector.broadcast %parallel_loop3A_1228 : f32 to vector<16xf32>
      %parallel_loop3A_1309 = arith.mulf %parallel_loop3A_1308, %get3A_32 : vector<16xf32>
      %parallel_loop3A_1310 = arith.addf %parallel_loop3A_1309, %get3A_56 : vector<16xf32>
      %parallel_loop3A_1311 = arith.constant 0.000000e+00 : f32
      %parallel_loop3A_1312 = vector.broadcast %parallel_loop3A_1311 : f32 to vector<16xf32>
      %parallel_loop3A_1313 = arith.maximumf %parallel_loop3A_1310, %parallel_loop3A_1312 : vector<16xf32>
      %parallel_loop3A_1314 = arith.index_cast %parallel_loop3A_1230 : i32 to index
      %parallel_loop3A_1315 = arith.constant 112 : index
      %parallel_loop3A_1316 = tpu.vector_load %arg9[%parallel_loop3A_1314, %parallel_loop3A_1315] {strides = array<i32>} : memref<592x128xf32, #tpu.memory_space<vmem>>, vector<1x16xf32>,
      %parallel_loop3A_1317 = vector.shape_cast %parallel_loop3A_1316 : vector<1x16xf32> to vector<16xf32>
      %parallel_loop3A_1318 = vector.shape_cast %parallel_loop3A_1313 : vector<16xf32> to vector<1x16xf32>
      tpu.vector_store %arg9[%parallel_loop3A_1314, %parallel_loop3A_1315], %parallel_loop3A_1318 {add = true, strides = array<i32>} : memref<592x128xf32, #tpu.memory_space<vmem>>, vector<1x16xf32>,
      %parallel_loop3A_1319 = arith.constant 3 : i32
      %parallel_loop3A_1320 = arith.shrsi %parallel_loop3A_1230, %parallel_loop3A_1319 : i32
      %parallel_loop3A_1321 = arith.constant 512 : i32
      %parallel_loop3A_1322 = arith.addi %parallel_loop3A_1321, %parallel_loop3A_1320 : i32
      %parallel_loop3A_1323 = arith.constant 7 : i32
      %parallel_loop3A_1324 = arith.andi %parallel_loop3A_1230, %parallel_loop3A_1323 : i32
      %parallel_loop3A_1325 = arith.constant 16 : i32
      %parallel_loop3A_1326 = arith.muli %parallel_loop3A_1324, %parallel_loop3A_1325 : i32
      %parallel_loop3A_1327 = arith.index_cast %parallel_loop3A_1322 : i32 to index
      %parallel_loop3A_1328 = arith.index_cast %parallel_loop3A_1326 : i32 to index
      %parallel_loop3A_1329 = tpu.vector_load %arg9[%parallel_loop3A_1327, %parallel_loop3A_1328] {strides = array<i32>} : memref<592x128xf32, #tpu.memory_space<vmem>>, vector<1x16xf32>,
      %parallel_loop3A_1330 = vector.shape_cast %parallel_loop3A_1329 : vector<1x16xf32> to vector<16xf32>
      %parallel_loop3A_1331 = vector.shape_cast %broadcast_in_dim3A_58 : vector<16xf32> to vector<1x16xf32>
      tpu.vector_store %arg9[%parallel_loop3A_1327, %parallel_loop3A_1328], %parallel_loop3A_1331 {add = true, strides = array<i32>} : memref<592x128xf32, #tpu.memory_space<vmem>>, vector<1x16xf32>,
      %parallel_loop3A_1332 = vector.extract_strided_slice %parallel_loop3A_66 {offsets = [12], sizes = [1], strides = [1]} : vector<16xf32> to vector<1xf32>
      %parallel_loop3A_1333 = vector.extract %parallel_loop3A_1332[0] : f32 from vector<1xf32>
      %parallel_loop3A_1334 = vector.extract_strided_slice %parallel_loop3A_71 {offsets = [12], sizes = [1], strides = [1]} : vector<16xi32> to vector<1xi32>
      %parallel_loop3A_1335 = vector.extract %parallel_loop3A_1334[0] : i32 from vector<1xi32>
      %parallel_loop3A_1336 = vector.broadcast %parallel_loop3A_1333 : f32 to vector<16xf32>
      %parallel_loop3A_1337 = arith.mulf %parallel_loop3A_1336, %get3A_11 : vector<16xf32>
      %parallel_loop3A_1338 = arith.addf %parallel_loop3A_1337, %get3A_35 : vector<16xf32>
      %parallel_loop3A_1339 = arith.constant 0.000000e+00 : f32
      %parallel_loop3A_1340 = vector.broadcast %parallel_loop3A_1339 : f32 to vector<16xf32>
      %parallel_loop3A_1341 = arith.maximumf %parallel_loop3A_1338, %parallel_loop3A_1340 : vector<16xf32>
      %parallel_loop3A_1342 = arith.index_cast %parallel_loop3A_1335 : i32 to index
      %parallel_loop3A_1343 = arith.constant 0 : index
      %parallel_loop3A_1344 = tpu.vector_load %arg9[%parallel_loop3A_1342, %parallel_loop3A_1343] {strides = array<i32>} : memref<592x128xf32, #tpu.memory_space<vmem>>, vector<1x16xf32>,
      %parallel_loop3A_1345 = vector.shape_cast %parallel_loop3A_1344 : vector<1x16xf32> to vector<16xf32>
      %parallel_loop3A_1346 = vector.shape_cast %parallel_loop3A_1341 : vector<16xf32> to vector<1x16xf32>
      tpu.vector_store %arg9[%parallel_loop3A_1342, %parallel_loop3A_1343], %parallel_loop3A_1346 {add = true, strides = array<i32>} : memref<592x128xf32, #tpu.memory_space<vmem>>, vector<1x16xf32>,
      %parallel_loop3A_1347 = vector.broadcast %parallel_loop3A_1333 : f32 to vector<16xf32>
      %parallel_loop3A_1348 = arith.mulf %parallel_loop3A_1347, %get3A_14 : vector<16xf32>
      %parallel_loop3A_1349 = arith.addf %parallel_loop3A_1348, %get3A_38 : vector<16xf32>
      %parallel_loop3A_1350 = arith.constant 0.000000e+00 : f32
      %parallel_loop3A_1351 = vector.broadcast %parallel_loop3A_1350 : f32 to vector<16xf32>
      %parallel_loop3A_1352 = arith.maximumf %parallel_loop3A_1349, %parallel_loop3A_1351 : vector<16xf32>
      %parallel_loop3A_1353 = arith.index_cast %parallel_loop3A_1335 : i32 to index
      %parallel_loop3A_1354 = arith.constant 16 : index
      %parallel_loop3A_1355 = tpu.vector_load %arg9[%parallel_loop3A_1353, %parallel_loop3A_1354] {strides = array<i32>} : memref<592x128xf32, #tpu.memory_space<vmem>>, vector<1x16xf32>,
      %parallel_loop3A_1356 = vector.shape_cast %parallel_loop3A_1355 : vector<1x16xf32> to vector<16xf32>
      %parallel_loop3A_1357 = vector.shape_cast %parallel_loop3A_1352 : vector<16xf32> to vector<1x16xf32>
      tpu.vector_store %arg9[%parallel_loop3A_1353, %parallel_loop3A_1354], %parallel_loop3A_1357 {add = true, strides = array<i32>} : memref<592x128xf32, #tpu.memory_space<vmem>>, vector<1x16xf32>,
      %parallel_loop3A_1358 = vector.broadcast %parallel_loop3A_1333 : f32 to vector<16xf32>
      %parallel_loop3A_1359 = arith.mulf %parallel_loop3A_1358, %get3A_17 : vector<16xf32>
      %parallel_loop3A_1360 = arith.addf %parallel_loop3A_1359, %get3A_41 : vector<16xf32>
      %parallel_loop3A_1361 = arith.constant 0.000000e+00 : f32
      %parallel_loop3A_1362 = vector.broadcast %parallel_loop3A_1361 : f32 to vector<16xf32>
      %parallel_loop3A_1363 = arith.maximumf %parallel_loop3A_1360, %parallel_loop3A_1362 : vector<16xf32>
      %parallel_loop3A_1364 = arith.index_cast %parallel_loop3A_1335 : i32 to index
      %parallel_loop3A_1365 = arith.constant 32 : index
      %parallel_loop3A_1366 = tpu.vector_load %arg9[%parallel_loop3A_1364, %parallel_loop3A_1365] {strides = array<i32>} : memref<592x128xf32, #tpu.memory_space<vmem>>, vector<1x16xf32>,
      %parallel_loop3A_1367 = vector.shape_cast %parallel_loop3A_1366 : vector<1x16xf32> to vector<16xf32>
      %parallel_loop3A_1368 = vector.shape_cast %parallel_loop3A_1363 : vector<16xf32> to vector<1x16xf32>
      tpu.vector_store %arg9[%parallel_loop3A_1364, %parallel_loop3A_1365], %parallel_loop3A_1368 {add = true, strides = array<i32>} : memref<592x128xf32, #tpu.memory_space<vmem>>, vector<1x16xf32>,
      %parallel_loop3A_1369 = vector.broadcast %parallel_loop3A_1333 : f32 to vector<16xf32>
      %parallel_loop3A_1370 = arith.mulf %parallel_loop3A_1369, %get3A_20 : vector<16xf32>
      %parallel_loop3A_1371 = arith.addf %parallel_loop3A_1370, %get3A_44 : vector<16xf32>
      %parallel_loop3A_1372 = arith.constant 0.000000e+00 : f32
      %parallel_loop3A_1373 = vector.broadcast %parallel_loop3A_1372 : f32 to vector<16xf32>
      %parallel_loop3A_1374 = arith.maximumf %parallel_loop3A_1371, %parallel_loop3A_1373 : vector<16xf32>
      %parallel_loop3A_1375 = arith.index_cast %parallel_loop3A_1335 : i32 to index
      %parallel_loop3A_1376 = arith.constant 48 : index
      %parallel_loop3A_1377 = tpu.vector_load %arg9[%parallel_loop3A_1375, %parallel_loop3A_1376] {strides = array<i32>} : memref<592x128xf32, #tpu.memory_space<vmem>>, vector<1x16xf32>,
      %parallel_loop3A_1378 = vector.shape_cast %parallel_loop3A_1377 : vector<1x16xf32> to vector<16xf32>
      %parallel_loop3A_1379 = vector.shape_cast %parallel_loop3A_1374 : vector<16xf32> to vector<1x16xf32>
      tpu.vector_store %arg9[%parallel_loop3A_1375, %parallel_loop3A_1376], %parallel_loop3A_1379 {add = true, strides = array<i32>} : memref<592x128xf32, #tpu.memory_space<vmem>>, vector<1x16xf32>,
      %parallel_loop3A_1380 = vector.broadcast %parallel_loop3A_1333 : f32 to vector<16xf32>
      %parallel_loop3A_1381 = arith.mulf %parallel_loop3A_1380, %get3A_23 : vector<16xf32>
      %parallel_loop3A_1382 = arith.addf %parallel_loop3A_1381, %get3A_47 : vector<16xf32>
      %parallel_loop3A_1383 = arith.constant 0.000000e+00 : f32
      %parallel_loop3A_1384 = vector.broadcast %parallel_loop3A_1383 : f32 to vector<16xf32>
      %parallel_loop3A_1385 = arith.maximumf %parallel_loop3A_1382, %parallel_loop3A_1384 : vector<16xf32>
      %parallel_loop3A_1386 = arith.index_cast %parallel_loop3A_1335 : i32 to index
      %parallel_loop3A_1387 = arith.constant 64 : index
      %parallel_loop3A_1388 = tpu.vector_load %arg9[%parallel_loop3A_1386, %parallel_loop3A_1387] {strides = array<i32>} : memref<592x128xf32, #tpu.memory_space<vmem>>, vector<1x16xf32>,
      %parallel_loop3A_1389 = vector.shape_cast %parallel_loop3A_1388 : vector<1x16xf32> to vector<16xf32>
      %parallel_loop3A_1390 = vector.shape_cast %parallel_loop3A_1385 : vector<16xf32> to vector<1x16xf32>
      tpu.vector_store %arg9[%parallel_loop3A_1386, %parallel_loop3A_1387], %parallel_loop3A_1390 {add = true, strides = array<i32>} : memref<592x128xf32, #tpu.memory_space<vmem>>, vector<1x16xf32>,
      %parallel_loop3A_1391 = vector.broadcast %parallel_loop3A_1333 : f32 to vector<16xf32>
      %parallel_loop3A_1392 = arith.mulf %parallel_loop3A_1391, %get3A_26 : vector<16xf32>
      %parallel_loop3A_1393 = arith.addf %parallel_loop3A_1392, %get3A_50 : vector<16xf32>
      %parallel_loop3A_1394 = arith.constant 0.000000e+00 : f32
      %parallel_loop3A_1395 = vector.broadcast %parallel_loop3A_1394 : f32 to vector<16xf32>
      %parallel_loop3A_1396 = arith.maximumf %parallel_loop3A_1393, %parallel_loop3A_1395 : vector<16xf32>
      %parallel_loop3A_1397 = arith.index_cast %parallel_loop3A_1335 : i32 to index
      %parallel_loop3A_1398 = arith.constant 80 : index
      %parallel_loop3A_1399 = tpu.vector_load %arg9[%parallel_loop3A_1397, %parallel_loop3A_1398] {strides = array<i32>} : memref<592x128xf32, #tpu.memory_space<vmem>>, vector<1x16xf32>,
      %parallel_loop3A_1400 = vector.shape_cast %parallel_loop3A_1399 : vector<1x16xf32> to vector<16xf32>
      %parallel_loop3A_1401 = vector.shape_cast %parallel_loop3A_1396 : vector<16xf32> to vector<1x16xf32>
      tpu.vector_store %arg9[%parallel_loop3A_1397, %parallel_loop3A_1398], %parallel_loop3A_1401 {add = true, strides = array<i32>} : memref<592x128xf32, #tpu.memory_space<vmem>>, vector<1x16xf32>,
      %parallel_loop3A_1402 = vector.broadcast %parallel_loop3A_1333 : f32 to vector<16xf32>
      %parallel_loop3A_1403 = arith.mulf %parallel_loop3A_1402, %get3A_29 : vector<16xf32>
      %parallel_loop3A_1404 = arith.addf %parallel_loop3A_1403, %get3A_53 : vector<16xf32>
      %parallel_loop3A_1405 = arith.constant 0.000000e+00 : f32
      %parallel_loop3A_1406 = vector.broadcast %parallel_loop3A_1405 : f32 to vector<16xf32>
      %parallel_loop3A_1407 = arith.maximumf %parallel_loop3A_1404, %parallel_loop3A_1406 : vector<16xf32>
      %parallel_loop3A_1408 = arith.index_cast %parallel_loop3A_1335 : i32 to index
      %parallel_loop3A_1409 = arith.constant 96 : index
      %parallel_loop3A_1410 = tpu.vector_load %arg9[%parallel_loop3A_1408, %parallel_loop3A_1409] {strides = array<i32>} : memref<592x128xf32, #tpu.memory_space<vmem>>, vector<1x16xf32>,
      %parallel_loop3A_1411 = vector.shape_cast %parallel_loop3A_1410 : vector<1x16xf32> to vector<16xf32>
      %parallel_loop3A_1412 = vector.shape_cast %parallel_loop3A_1407 : vector<16xf32> to vector<1x16xf32>
      tpu.vector_store %arg9[%parallel_loop3A_1408, %parallel_loop3A_1409], %parallel_loop3A_1412 {add = true, strides = array<i32>} : memref<592x128xf32, #tpu.memory_space<vmem>>, vector<1x16xf32>,
      %parallel_loop3A_1413 = vector.broadcast %parallel_loop3A_1333 : f32 to vector<16xf32>
      %parallel_loop3A_1414 = arith.mulf %parallel_loop3A_1413, %get3A_32 : vector<16xf32>
      %parallel_loop3A_1415 = arith.addf %parallel_loop3A_1414, %get3A_56 : vector<16xf32>
      %parallel_loop3A_1416 = arith.constant 0.000000e+00 : f32
      %parallel_loop3A_1417 = vector.broadcast %parallel_loop3A_1416 : f32 to vector<16xf32>
      %parallel_loop3A_1418 = arith.maximumf %parallel_loop3A_1415, %parallel_loop3A_1417 : vector<16xf32>
      %parallel_loop3A_1419 = arith.index_cast %parallel_loop3A_1335 : i32 to index
      %parallel_loop3A_1420 = arith.constant 112 : index
      %parallel_loop3A_1421 = tpu.vector_load %arg9[%parallel_loop3A_1419, %parallel_loop3A_1420] {strides = array<i32>} : memref<592x128xf32, #tpu.memory_space<vmem>>, vector<1x16xf32>,
      %parallel_loop3A_1422 = vector.shape_cast %parallel_loop3A_1421 : vector<1x16xf32> to vector<16xf32>
      %parallel_loop3A_1423 = vector.shape_cast %parallel_loop3A_1418 : vector<16xf32> to vector<1x16xf32>
      tpu.vector_store %arg9[%parallel_loop3A_1419, %parallel_loop3A_1420], %parallel_loop3A_1423 {add = true, strides = array<i32>} : memref<592x128xf32, #tpu.memory_space<vmem>>, vector<1x16xf32>,
      %parallel_loop3A_1424 = arith.constant 3 : i32
      %parallel_loop3A_1425 = arith.shrsi %parallel_loop3A_1335, %parallel_loop3A_1424 : i32
      %parallel_loop3A_1426 = arith.constant 512 : i32
      %parallel_loop3A_1427 = arith.addi %parallel_loop3A_1426, %parallel_loop3A_1425 : i32
      %parallel_loop3A_1428 = arith.constant 7 : i32
      %parallel_loop3A_1429 = arith.andi %parallel_loop3A_1335, %parallel_loop3A_1428 : i32
      %parallel_loop3A_1430 = arith.constant 16 : i32
      %parallel_loop3A_1431 = arith.muli %parallel_loop3A_1429, %parallel_loop3A_1430 : i32
      %parallel_loop3A_1432 = arith.index_cast %parallel_loop3A_1427 : i32 to index
      %parallel_loop3A_1433 = arith.index_cast %parallel_loop3A_1431 : i32 to index
      %parallel_loop3A_1434 = tpu.vector_load %arg9[%parallel_loop3A_1432, %parallel_loop3A_1433] {strides = array<i32>} : memref<592x128xf32, #tpu.memory_space<vmem>>, vector<1x16xf32>,
      %parallel_loop3A_1435 = vector.shape_cast %parallel_loop3A_1434 : vector<1x16xf32> to vector<16xf32>
      %parallel_loop3A_1436 = vector.shape_cast %broadcast_in_dim3A_58 : vector<16xf32> to vector<1x16xf32>
      tpu.vector_store %arg9[%parallel_loop3A_1432, %parallel_loop3A_1433], %parallel_loop3A_1436 {add = true, strides = array<i32>} : memref<592x128xf32, #tpu.memory_space<vmem>>, vector<1x16xf32>,
      %parallel_loop3A_1437 = vector.extract_strided_slice %parallel_loop3A_66 {offsets = [13], sizes = [1], strides = [1]} : vector<16xf32> to vector<1xf32>
      %parallel_loop3A_1438 = vector.extract %parallel_loop3A_1437[0] : f32 from vector<1xf32>
      %parallel_loop3A_1439 = vector.extract_strided_slice %parallel_loop3A_71 {offsets = [13], sizes = [1], strides = [1]} : vector<16xi32> to vector<1xi32>
      %parallel_loop3A_1440 = vector.extract %parallel_loop3A_1439[0] : i32 from vector<1xi32>
      %parallel_loop3A_1441 = vector.broadcast %parallel_loop3A_1438 : f32 to vector<16xf32>
      %parallel_loop3A_1442 = arith.mulf %parallel_loop3A_1441, %get3A_11 : vector<16xf32>
      %parallel_loop3A_1443 = arith.addf %parallel_loop3A_1442, %get3A_35 : vector<16xf32>
      %parallel_loop3A_1444 = arith.constant 0.000000e+00 : f32
      %parallel_loop3A_1445 = vector.broadcast %parallel_loop3A_1444 : f32 to vector<16xf32>
      %parallel_loop3A_1446 = arith.maximumf %parallel_loop3A_1443, %parallel_loop3A_1445 : vector<16xf32>
      %parallel_loop3A_1447 = arith.index_cast %parallel_loop3A_1440 : i32 to index
      %parallel_loop3A_1448 = arith.constant 0 : index
      %parallel_loop3A_1449 = tpu.vector_load %arg9[%parallel_loop3A_1447, %parallel_loop3A_1448] {strides = array<i32>} : memref<592x128xf32, #tpu.memory_space<vmem>>, vector<1x16xf32>,
      %parallel_loop3A_1450 = vector.shape_cast %parallel_loop3A_1449 : vector<1x16xf32> to vector<16xf32>
      %parallel_loop3A_1451 = vector.shape_cast %parallel_loop3A_1446 : vector<16xf32> to vector<1x16xf32>
      tpu.vector_store %arg9[%parallel_loop3A_1447, %parallel_loop3A_1448], %parallel_loop3A_1451 {add = true, strides = array<i32>} : memref<592x128xf32, #tpu.memory_space<vmem>>, vector<1x16xf32>,
      %parallel_loop3A_1452 = vector.broadcast %parallel_loop3A_1438 : f32 to vector<16xf32>
      %parallel_loop3A_1453 = arith.mulf %parallel_loop3A_1452, %get3A_14 : vector<16xf32>
      %parallel_loop3A_1454 = arith.addf %parallel_loop3A_1453, %get3A_38 : vector<16xf32>
      %parallel_loop3A_1455 = arith.constant 0.000000e+00 : f32
      %parallel_loop3A_1456 = vector.broadcast %parallel_loop3A_1455 : f32 to vector<16xf32>
      %parallel_loop3A_1457 = arith.maximumf %parallel_loop3A_1454, %parallel_loop3A_1456 : vector<16xf32>
      %parallel_loop3A_1458 = arith.index_cast %parallel_loop3A_1440 : i32 to index
      %parallel_loop3A_1459 = arith.constant 16 : index
      %parallel_loop3A_1460 = tpu.vector_load %arg9[%parallel_loop3A_1458, %parallel_loop3A_1459] {strides = array<i32>} : memref<592x128xf32, #tpu.memory_space<vmem>>, vector<1x16xf32>,
      %parallel_loop3A_1461 = vector.shape_cast %parallel_loop3A_1460 : vector<1x16xf32> to vector<16xf32>
      %parallel_loop3A_1462 = vector.shape_cast %parallel_loop3A_1457 : vector<16xf32> to vector<1x16xf32>
      tpu.vector_store %arg9[%parallel_loop3A_1458, %parallel_loop3A_1459], %parallel_loop3A_1462 {add = true, strides = array<i32>} : memref<592x128xf32, #tpu.memory_space<vmem>>, vector<1x16xf32>,
      %parallel_loop3A_1463 = vector.broadcast %parallel_loop3A_1438 : f32 to vector<16xf32>
      %parallel_loop3A_1464 = arith.mulf %parallel_loop3A_1463, %get3A_17 : vector<16xf32>
      %parallel_loop3A_1465 = arith.addf %parallel_loop3A_1464, %get3A_41 : vector<16xf32>
      %parallel_loop3A_1466 = arith.constant 0.000000e+00 : f32
      %parallel_loop3A_1467 = vector.broadcast %parallel_loop3A_1466 : f32 to vector<16xf32>
      %parallel_loop3A_1468 = arith.maximumf %parallel_loop3A_1465, %parallel_loop3A_1467 : vector<16xf32>
      %parallel_loop3A_1469 = arith.index_cast %parallel_loop3A_1440 : i32 to index
      %parallel_loop3A_1470 = arith.constant 32 : index
      %parallel_loop3A_1471 = tpu.vector_load %arg9[%parallel_loop3A_1469, %parallel_loop3A_1470] {strides = array<i32>} : memref<592x128xf32, #tpu.memory_space<vmem>>, vector<1x16xf32>,
      %parallel_loop3A_1472 = vector.shape_cast %parallel_loop3A_1471 : vector<1x16xf32> to vector<16xf32>
      %parallel_loop3A_1473 = vector.shape_cast %parallel_loop3A_1468 : vector<16xf32> to vector<1x16xf32>
      tpu.vector_store %arg9[%parallel_loop3A_1469, %parallel_loop3A_1470], %parallel_loop3A_1473 {add = true, strides = array<i32>} : memref<592x128xf32, #tpu.memory_space<vmem>>, vector<1x16xf32>,
      %parallel_loop3A_1474 = vector.broadcast %parallel_loop3A_1438 : f32 to vector<16xf32>
      %parallel_loop3A_1475 = arith.mulf %parallel_loop3A_1474, %get3A_20 : vector<16xf32>
      %parallel_loop3A_1476 = arith.addf %parallel_loop3A_1475, %get3A_44 : vector<16xf32>
      %parallel_loop3A_1477 = arith.constant 0.000000e+00 : f32
      %parallel_loop3A_1478 = vector.broadcast %parallel_loop3A_1477 : f32 to vector<16xf32>
      %parallel_loop3A_1479 = arith.maximumf %parallel_loop3A_1476, %parallel_loop3A_1478 : vector<16xf32>
      %parallel_loop3A_1480 = arith.index_cast %parallel_loop3A_1440 : i32 to index
      %parallel_loop3A_1481 = arith.constant 48 : index
      %parallel_loop3A_1482 = tpu.vector_load %arg9[%parallel_loop3A_1480, %parallel_loop3A_1481] {strides = array<i32>} : memref<592x128xf32, #tpu.memory_space<vmem>>, vector<1x16xf32>,
      %parallel_loop3A_1483 = vector.shape_cast %parallel_loop3A_1482 : vector<1x16xf32> to vector<16xf32>
      %parallel_loop3A_1484 = vector.shape_cast %parallel_loop3A_1479 : vector<16xf32> to vector<1x16xf32>
      tpu.vector_store %arg9[%parallel_loop3A_1480, %parallel_loop3A_1481], %parallel_loop3A_1484 {add = true, strides = array<i32>} : memref<592x128xf32, #tpu.memory_space<vmem>>, vector<1x16xf32>,
      %parallel_loop3A_1485 = vector.broadcast %parallel_loop3A_1438 : f32 to vector<16xf32>
      %parallel_loop3A_1486 = arith.mulf %parallel_loop3A_1485, %get3A_23 : vector<16xf32>
      %parallel_loop3A_1487 = arith.addf %parallel_loop3A_1486, %get3A_47 : vector<16xf32>
      %parallel_loop3A_1488 = arith.constant 0.000000e+00 : f32
      %parallel_loop3A_1489 = vector.broadcast %parallel_loop3A_1488 : f32 to vector<16xf32>
      %parallel_loop3A_1490 = arith.maximumf %parallel_loop3A_1487, %parallel_loop3A_1489 : vector<16xf32>
      %parallel_loop3A_1491 = arith.index_cast %parallel_loop3A_1440 : i32 to index
      %parallel_loop3A_1492 = arith.constant 64 : index
      %parallel_loop3A_1493 = tpu.vector_load %arg9[%parallel_loop3A_1491, %parallel_loop3A_1492] {strides = array<i32>} : memref<592x128xf32, #tpu.memory_space<vmem>>, vector<1x16xf32>,
      %parallel_loop3A_1494 = vector.shape_cast %parallel_loop3A_1493 : vector<1x16xf32> to vector<16xf32>
      %parallel_loop3A_1495 = vector.shape_cast %parallel_loop3A_1490 : vector<16xf32> to vector<1x16xf32>
      tpu.vector_store %arg9[%parallel_loop3A_1491, %parallel_loop3A_1492], %parallel_loop3A_1495 {add = true, strides = array<i32>} : memref<592x128xf32, #tpu.memory_space<vmem>>, vector<1x16xf32>,
      %parallel_loop3A_1496 = vector.broadcast %parallel_loop3A_1438 : f32 to vector<16xf32>
      %parallel_loop3A_1497 = arith.mulf %parallel_loop3A_1496, %get3A_26 : vector<16xf32>
      %parallel_loop3A_1498 = arith.addf %parallel_loop3A_1497, %get3A_50 : vector<16xf32>
      %parallel_loop3A_1499 = arith.constant 0.000000e+00 : f32
      %parallel_loop3A_1500 = vector.broadcast %parallel_loop3A_1499 : f32 to vector<16xf32>
      %parallel_loop3A_1501 = arith.maximumf %parallel_loop3A_1498, %parallel_loop3A_1500 : vector<16xf32>
      %parallel_loop3A_1502 = arith.index_cast %parallel_loop3A_1440 : i32 to index
      %parallel_loop3A_1503 = arith.constant 80 : index
      %parallel_loop3A_1504 = tpu.vector_load %arg9[%parallel_loop3A_1502, %parallel_loop3A_1503] {strides = array<i32>} : memref<592x128xf32, #tpu.memory_space<vmem>>, vector<1x16xf32>,
      %parallel_loop3A_1505 = vector.shape_cast %parallel_loop3A_1504 : vector<1x16xf32> to vector<16xf32>
      %parallel_loop3A_1506 = vector.shape_cast %parallel_loop3A_1501 : vector<16xf32> to vector<1x16xf32>
      tpu.vector_store %arg9[%parallel_loop3A_1502, %parallel_loop3A_1503], %parallel_loop3A_1506 {add = true, strides = array<i32>} : memref<592x128xf32, #tpu.memory_space<vmem>>, vector<1x16xf32>,
      %parallel_loop3A_1507 = vector.broadcast %parallel_loop3A_1438 : f32 to vector<16xf32>
      %parallel_loop3A_1508 = arith.mulf %parallel_loop3A_1507, %get3A_29 : vector<16xf32>
      %parallel_loop3A_1509 = arith.addf %parallel_loop3A_1508, %get3A_53 : vector<16xf32>
      %parallel_loop3A_1510 = arith.constant 0.000000e+00 : f32
      %parallel_loop3A_1511 = vector.broadcast %parallel_loop3A_1510 : f32 to vector<16xf32>
      %parallel_loop3A_1512 = arith.maximumf %parallel_loop3A_1509, %parallel_loop3A_1511 : vector<16xf32>
      %parallel_loop3A_1513 = arith.index_cast %parallel_loop3A_1440 : i32 to index
      %parallel_loop3A_1514 = arith.constant 96 : index
      %parallel_loop3A_1515 = tpu.vector_load %arg9[%parallel_loop3A_1513, %parallel_loop3A_1514] {strides = array<i32>} : memref<592x128xf32, #tpu.memory_space<vmem>>, vector<1x16xf32>,
      %parallel_loop3A_1516 = vector.shape_cast %parallel_loop3A_1515 : vector<1x16xf32> to vector<16xf32>
      %parallel_loop3A_1517 = vector.shape_cast %parallel_loop3A_1512 : vector<16xf32> to vector<1x16xf32>
      tpu.vector_store %arg9[%parallel_loop3A_1513, %parallel_loop3A_1514], %parallel_loop3A_1517 {add = true, strides = array<i32>} : memref<592x128xf32, #tpu.memory_space<vmem>>, vector<1x16xf32>,
      %parallel_loop3A_1518 = vector.broadcast %parallel_loop3A_1438 : f32 to vector<16xf32>
      %parallel_loop3A_1519 = arith.mulf %parallel_loop3A_1518, %get3A_32 : vector<16xf32>
      %parallel_loop3A_1520 = arith.addf %parallel_loop3A_1519, %get3A_56 : vector<16xf32>
      %parallel_loop3A_1521 = arith.constant 0.000000e+00 : f32
      %parallel_loop3A_1522 = vector.broadcast %parallel_loop3A_1521 : f32 to vector<16xf32>
      %parallel_loop3A_1523 = arith.maximumf %parallel_loop3A_1520, %parallel_loop3A_1522 : vector<16xf32>
      %parallel_loop3A_1524 = arith.index_cast %parallel_loop3A_1440 : i32 to index
      %parallel_loop3A_1525 = arith.constant 112 : index
      %parallel_loop3A_1526 = tpu.vector_load %arg9[%parallel_loop3A_1524, %parallel_loop3A_1525] {strides = array<i32>} : memref<592x128xf32, #tpu.memory_space<vmem>>, vector<1x16xf32>,
      %parallel_loop3A_1527 = vector.shape_cast %parallel_loop3A_1526 : vector<1x16xf32> to vector<16xf32>
      %parallel_loop3A_1528 = vector.shape_cast %parallel_loop3A_1523 : vector<16xf32> to vector<1x16xf32>
      tpu.vector_store %arg9[%parallel_loop3A_1524, %parallel_loop3A_1525], %parallel_loop3A_1528 {add = true, strides = array<i32>} : memref<592x128xf32, #tpu.memory_space<vmem>>, vector<1x16xf32>,
      %parallel_loop3A_1529 = arith.constant 3 : i32
      %parallel_loop3A_1530 = arith.shrsi %parallel_loop3A_1440, %parallel_loop3A_1529 : i32
      %parallel_loop3A_1531 = arith.constant 512 : i32
      %parallel_loop3A_1532 = arith.addi %parallel_loop3A_1531, %parallel_loop3A_1530 : i32
      %parallel_loop3A_1533 = arith.constant 7 : i32
      %parallel_loop3A_1534 = arith.andi %parallel_loop3A_1440, %parallel_loop3A_1533 : i32
      %parallel_loop3A_1535 = arith.constant 16 : i32
      %parallel_loop3A_1536 = arith.muli %parallel_loop3A_1534, %parallel_loop3A_1535 : i32
      %parallel_loop3A_1537 = arith.index_cast %parallel_loop3A_1532 : i32 to index
      %parallel_loop3A_1538 = arith.index_cast %parallel_loop3A_1536 : i32 to index
      %parallel_loop3A_1539 = tpu.vector_load %arg9[%parallel_loop3A_1537, %parallel_loop3A_1538] {strides = array<i32>} : memref<592x128xf32, #tpu.memory_space<vmem>>, vector<1x16xf32>,
      %parallel_loop3A_1540 = vector.shape_cast %parallel_loop3A_1539 : vector<1x16xf32> to vector<16xf32>
      %parallel_loop3A_1541 = vector.shape_cast %broadcast_in_dim3A_58 : vector<16xf32> to vector<1x16xf32>
      tpu.vector_store %arg9[%parallel_loop3A_1537, %parallel_loop3A_1538], %parallel_loop3A_1541 {add = true, strides = array<i32>} : memref<592x128xf32, #tpu.memory_space<vmem>>, vector<1x16xf32>,
      %parallel_loop3A_1542 = vector.extract_strided_slice %parallel_loop3A_66 {offsets = [14], sizes = [1], strides = [1]} : vector<16xf32> to vector<1xf32>
      %parallel_loop3A_1543 = vector.extract %parallel_loop3A_1542[0] : f32 from vector<1xf32>
      %parallel_loop3A_1544 = vector.extract_strided_slice %parallel_loop3A_71 {offsets = [14], sizes = [1], strides = [1]} : vector<16xi32> to vector<1xi32>
      %parallel_loop3A_1545 = vector.extract %parallel_loop3A_1544[0] : i32 from vector<1xi32>
      %parallel_loop3A_1546 = vector.broadcast %parallel_loop3A_1543 : f32 to vector<16xf32>
      %parallel_loop3A_1547 = arith.mulf %parallel_loop3A_1546, %get3A_11 : vector<16xf32>
      %parallel_loop3A_1548 = arith.addf %parallel_loop3A_1547, %get3A_35 : vector<16xf32>
      %parallel_loop3A_1549 = arith.constant 0.000000e+00 : f32
      %parallel_loop3A_1550 = vector.broadcast %parallel_loop3A_1549 : f32 to vector<16xf32>
      %parallel_loop3A_1551 = arith.maximumf %parallel_loop3A_1548, %parallel_loop3A_1550 : vector<16xf32>
      %parallel_loop3A_1552 = arith.index_cast %parallel_loop3A_1545 : i32 to index
      %parallel_loop3A_1553 = arith.constant 0 : index
      %parallel_loop3A_1554 = tpu.vector_load %arg9[%parallel_loop3A_1552, %parallel_loop3A_1553] {strides = array<i32>} : memref<592x128xf32, #tpu.memory_space<vmem>>, vector<1x16xf32>,
      %parallel_loop3A_1555 = vector.shape_cast %parallel_loop3A_1554 : vector<1x16xf32> to vector<16xf32>
      %parallel_loop3A_1556 = vector.shape_cast %parallel_loop3A_1551 : vector<16xf32> to vector<1x16xf32>
      tpu.vector_store %arg9[%parallel_loop3A_1552, %parallel_loop3A_1553], %parallel_loop3A_1556 {add = true, strides = array<i32>} : memref<592x128xf32, #tpu.memory_space<vmem>>, vector<1x16xf32>,
      %parallel_loop3A_1557 = vector.broadcast %parallel_loop3A_1543 : f32 to vector<16xf32>
      %parallel_loop3A_1558 = arith.mulf %parallel_loop3A_1557, %get3A_14 : vector<16xf32>
      %parallel_loop3A_1559 = arith.addf %parallel_loop3A_1558, %get3A_38 : vector<16xf32>
      %parallel_loop3A_1560 = arith.constant 0.000000e+00 : f32
      %parallel_loop3A_1561 = vector.broadcast %parallel_loop3A_1560 : f32 to vector<16xf32>
      %parallel_loop3A_1562 = arith.maximumf %parallel_loop3A_1559, %parallel_loop3A_1561 : vector<16xf32>
      %parallel_loop3A_1563 = arith.index_cast %parallel_loop3A_1545 : i32 to index
      %parallel_loop3A_1564 = arith.constant 16 : index
      %parallel_loop3A_1565 = tpu.vector_load %arg9[%parallel_loop3A_1563, %parallel_loop3A_1564] {strides = array<i32>} : memref<592x128xf32, #tpu.memory_space<vmem>>, vector<1x16xf32>,
      %parallel_loop3A_1566 = vector.shape_cast %parallel_loop3A_1565 : vector<1x16xf32> to vector<16xf32>
      %parallel_loop3A_1567 = vector.shape_cast %parallel_loop3A_1562 : vector<16xf32> to vector<1x16xf32>
      tpu.vector_store %arg9[%parallel_loop3A_1563, %parallel_loop3A_1564], %parallel_loop3A_1567 {add = true, strides = array<i32>} : memref<592x128xf32, #tpu.memory_space<vmem>>, vector<1x16xf32>,
      %parallel_loop3A_1568 = vector.broadcast %parallel_loop3A_1543 : f32 to vector<16xf32>
      %parallel_loop3A_1569 = arith.mulf %parallel_loop3A_1568, %get3A_17 : vector<16xf32>
      %parallel_loop3A_1570 = arith.addf %parallel_loop3A_1569, %get3A_41 : vector<16xf32>
      %parallel_loop3A_1571 = arith.constant 0.000000e+00 : f32
      %parallel_loop3A_1572 = vector.broadcast %parallel_loop3A_1571 : f32 to vector<16xf32>
      %parallel_loop3A_1573 = arith.maximumf %parallel_loop3A_1570, %parallel_loop3A_1572 : vector<16xf32>
      %parallel_loop3A_1574 = arith.index_cast %parallel_loop3A_1545 : i32 to index
      %parallel_loop3A_1575 = arith.constant 32 : index
      %parallel_loop3A_1576 = tpu.vector_load %arg9[%parallel_loop3A_1574, %parallel_loop3A_1575] {strides = array<i32>} : memref<592x128xf32, #tpu.memory_space<vmem>>, vector<1x16xf32>,
      %parallel_loop3A_1577 = vector.shape_cast %parallel_loop3A_1576 : vector<1x16xf32> to vector<16xf32>
      %parallel_loop3A_1578 = vector.shape_cast %parallel_loop3A_1573 : vector<16xf32> to vector<1x16xf32>
      tpu.vector_store %arg9[%parallel_loop3A_1574, %parallel_loop3A_1575], %parallel_loop3A_1578 {add = true, strides = array<i32>} : memref<592x128xf32, #tpu.memory_space<vmem>>, vector<1x16xf32>,
      %parallel_loop3A_1579 = vector.broadcast %parallel_loop3A_1543 : f32 to vector<16xf32>
      %parallel_loop3A_1580 = arith.mulf %parallel_loop3A_1579, %get3A_20 : vector<16xf32>
      %parallel_loop3A_1581 = arith.addf %parallel_loop3A_1580, %get3A_44 : vector<16xf32>
      %parallel_loop3A_1582 = arith.constant 0.000000e+00 : f32
      %parallel_loop3A_1583 = vector.broadcast %parallel_loop3A_1582 : f32 to vector<16xf32>
      %parallel_loop3A_1584 = arith.maximumf %parallel_loop3A_1581, %parallel_loop3A_1583 : vector<16xf32>
      %parallel_loop3A_1585 = arith.index_cast %parallel_loop3A_1545 : i32 to index
      %parallel_loop3A_1586 = arith.constant 48 : index
      %parallel_loop3A_1587 = tpu.vector_load %arg9[%parallel_loop3A_1585, %parallel_loop3A_1586] {strides = array<i32>} : memref<592x128xf32, #tpu.memory_space<vmem>>, vector<1x16xf32>,
      %parallel_loop3A_1588 = vector.shape_cast %parallel_loop3A_1587 : vector<1x16xf32> to vector<16xf32>
      %parallel_loop3A_1589 = vector.shape_cast %parallel_loop3A_1584 : vector<16xf32> to vector<1x16xf32>
      tpu.vector_store %arg9[%parallel_loop3A_1585, %parallel_loop3A_1586], %parallel_loop3A_1589 {add = true, strides = array<i32>} : memref<592x128xf32, #tpu.memory_space<vmem>>, vector<1x16xf32>,
      %parallel_loop3A_1590 = vector.broadcast %parallel_loop3A_1543 : f32 to vector<16xf32>
      %parallel_loop3A_1591 = arith.mulf %parallel_loop3A_1590, %get3A_23 : vector<16xf32>
      %parallel_loop3A_1592 = arith.addf %parallel_loop3A_1591, %get3A_47 : vector<16xf32>
      %parallel_loop3A_1593 = arith.constant 0.000000e+00 : f32
      %parallel_loop3A_1594 = vector.broadcast %parallel_loop3A_1593 : f32 to vector<16xf32>
      %parallel_loop3A_1595 = arith.maximumf %parallel_loop3A_1592, %parallel_loop3A_1594 : vector<16xf32>
      %parallel_loop3A_1596 = arith.index_cast %parallel_loop3A_1545 : i32 to index
      %parallel_loop3A_1597 = arith.constant 64 : index
      %parallel_loop3A_1598 = tpu.vector_load %arg9[%parallel_loop3A_1596, %parallel_loop3A_1597] {strides = array<i32>} : memref<592x128xf32, #tpu.memory_space<vmem>>, vector<1x16xf32>,
      %parallel_loop3A_1599 = vector.shape_cast %parallel_loop3A_1598 : vector<1x16xf32> to vector<16xf32>
      %parallel_loop3A_1600 = vector.shape_cast %parallel_loop3A_1595 : vector<16xf32> to vector<1x16xf32>
      tpu.vector_store %arg9[%parallel_loop3A_1596, %parallel_loop3A_1597], %parallel_loop3A_1600 {add = true, strides = array<i32>} : memref<592x128xf32, #tpu.memory_space<vmem>>, vector<1x16xf32>,
      %parallel_loop3A_1601 = vector.broadcast %parallel_loop3A_1543 : f32 to vector<16xf32>
      %parallel_loop3A_1602 = arith.mulf %parallel_loop3A_1601, %get3A_26 : vector<16xf32>
      %parallel_loop3A_1603 = arith.addf %parallel_loop3A_1602, %get3A_50 : vector<16xf32>
      %parallel_loop3A_1604 = arith.constant 0.000000e+00 : f32
      %parallel_loop3A_1605 = vector.broadcast %parallel_loop3A_1604 : f32 to vector<16xf32>
      %parallel_loop3A_1606 = arith.maximumf %parallel_loop3A_1603, %parallel_loop3A_1605 : vector<16xf32>
      %parallel_loop3A_1607 = arith.index_cast %parallel_loop3A_1545 : i32 to index
      %parallel_loop3A_1608 = arith.constant 80 : index
      %parallel_loop3A_1609 = tpu.vector_load %arg9[%parallel_loop3A_1607, %parallel_loop3A_1608] {strides = array<i32>} : memref<592x128xf32, #tpu.memory_space<vmem>>, vector<1x16xf32>,
      %parallel_loop3A_1610 = vector.shape_cast %parallel_loop3A_1609 : vector<1x16xf32> to vector<16xf32>
      %parallel_loop3A_1611 = vector.shape_cast %parallel_loop3A_1606 : vector<16xf32> to vector<1x16xf32>
      tpu.vector_store %arg9[%parallel_loop3A_1607, %parallel_loop3A_1608], %parallel_loop3A_1611 {add = true, strides = array<i32>} : memref<592x128xf32, #tpu.memory_space<vmem>>, vector<1x16xf32>,
      %parallel_loop3A_1612 = vector.broadcast %parallel_loop3A_1543 : f32 to vector<16xf32>
      %parallel_loop3A_1613 = arith.mulf %parallel_loop3A_1612, %get3A_29 : vector<16xf32>
      %parallel_loop3A_1614 = arith.addf %parallel_loop3A_1613, %get3A_53 : vector<16xf32>
      %parallel_loop3A_1615 = arith.constant 0.000000e+00 : f32
      %parallel_loop3A_1616 = vector.broadcast %parallel_loop3A_1615 : f32 to vector<16xf32>
      %parallel_loop3A_1617 = arith.maximumf %parallel_loop3A_1614, %parallel_loop3A_1616 : vector<16xf32>
      %parallel_loop3A_1618 = arith.index_cast %parallel_loop3A_1545 : i32 to index
      %parallel_loop3A_1619 = arith.constant 96 : index
      %parallel_loop3A_1620 = tpu.vector_load %arg9[%parallel_loop3A_1618, %parallel_loop3A_1619] {strides = array<i32>} : memref<592x128xf32, #tpu.memory_space<vmem>>, vector<1x16xf32>,
      %parallel_loop3A_1621 = vector.shape_cast %parallel_loop3A_1620 : vector<1x16xf32> to vector<16xf32>
      %parallel_loop3A_1622 = vector.shape_cast %parallel_loop3A_1617 : vector<16xf32> to vector<1x16xf32>
      tpu.vector_store %arg9[%parallel_loop3A_1618, %parallel_loop3A_1619], %parallel_loop3A_1622 {add = true, strides = array<i32>} : memref<592x128xf32, #tpu.memory_space<vmem>>, vector<1x16xf32>,
      %parallel_loop3A_1623 = vector.broadcast %parallel_loop3A_1543 : f32 to vector<16xf32>
      %parallel_loop3A_1624 = arith.mulf %parallel_loop3A_1623, %get3A_32 : vector<16xf32>
      %parallel_loop3A_1625 = arith.addf %parallel_loop3A_1624, %get3A_56 : vector<16xf32>
      %parallel_loop3A_1626 = arith.constant 0.000000e+00 : f32
      %parallel_loop3A_1627 = vector.broadcast %parallel_loop3A_1626 : f32 to vector<16xf32>
      %parallel_loop3A_1628 = arith.maximumf %parallel_loop3A_1625, %parallel_loop3A_1627 : vector<16xf32>
      %parallel_loop3A_1629 = arith.index_cast %parallel_loop3A_1545 : i32 to index
      %parallel_loop3A_1630 = arith.constant 112 : index
      %parallel_loop3A_1631 = tpu.vector_load %arg9[%parallel_loop3A_1629, %parallel_loop3A_1630] {strides = array<i32>} : memref<592x128xf32, #tpu.memory_space<vmem>>, vector<1x16xf32>,
      %parallel_loop3A_1632 = vector.shape_cast %parallel_loop3A_1631 : vector<1x16xf32> to vector<16xf32>
      %parallel_loop3A_1633 = vector.shape_cast %parallel_loop3A_1628 : vector<16xf32> to vector<1x16xf32>
      tpu.vector_store %arg9[%parallel_loop3A_1629, %parallel_loop3A_1630], %parallel_loop3A_1633 {add = true, strides = array<i32>} : memref<592x128xf32, #tpu.memory_space<vmem>>, vector<1x16xf32>,
      %parallel_loop3A_1634 = arith.constant 3 : i32
      %parallel_loop3A_1635 = arith.shrsi %parallel_loop3A_1545, %parallel_loop3A_1634 : i32
      %parallel_loop3A_1636 = arith.constant 512 : i32
      %parallel_loop3A_1637 = arith.addi %parallel_loop3A_1636, %parallel_loop3A_1635 : i32
      %parallel_loop3A_1638 = arith.constant 7 : i32
      %parallel_loop3A_1639 = arith.andi %parallel_loop3A_1545, %parallel_loop3A_1638 : i32
      %parallel_loop3A_1640 = arith.constant 16 : i32
      %parallel_loop3A_1641 = arith.muli %parallel_loop3A_1639, %parallel_loop3A_1640 : i32
      %parallel_loop3A_1642 = arith.index_cast %parallel_loop3A_1637 : i32 to index
      %parallel_loop3A_1643 = arith.index_cast %parallel_loop3A_1641 : i32 to index
      %parallel_loop3A_1644 = tpu.vector_load %arg9[%parallel_loop3A_1642, %parallel_loop3A_1643] {strides = array<i32>} : memref<592x128xf32, #tpu.memory_space<vmem>>, vector<1x16xf32>,
      %parallel_loop3A_1645 = vector.shape_cast %parallel_loop3A_1644 : vector<1x16xf32> to vector<16xf32>
      %parallel_loop3A_1646 = vector.shape_cast %broadcast_in_dim3A_58 : vector<16xf32> to vector<1x16xf32>
      tpu.vector_store %arg9[%parallel_loop3A_1642, %parallel_loop3A_1643], %parallel_loop3A_1646 {add = true, strides = array<i32>} : memref<592x128xf32, #tpu.memory_space<vmem>>, vector<1x16xf32>,
      %parallel_loop3A_1647 = vector.extract_strided_slice %parallel_loop3A_66 {offsets = [15], sizes = [1], strides = [1]} : vector<16xf32> to vector<1xf32>
      %parallel_loop3A_1648 = vector.extract %parallel_loop3A_1647[0] : f32 from vector<1xf32>
      %parallel_loop3A_1649 = vector.extract_strided_slice %parallel_loop3A_71 {offsets = [15], sizes = [1], strides = [1]} : vector<16xi32> to vector<1xi32>
      %parallel_loop3A_1650 = vector.extract %parallel_loop3A_1649[0] : i32 from vector<1xi32>
      %parallel_loop3A_1651 = vector.broadcast %parallel_loop3A_1648 : f32 to vector<16xf32>
      %parallel_loop3A_1652 = arith.mulf %parallel_loop3A_1651, %get3A_11 : vector<16xf32>
      %parallel_loop3A_1653 = arith.addf %parallel_loop3A_1652, %get3A_35 : vector<16xf32>
      %parallel_loop3A_1654 = arith.constant 0.000000e+00 : f32
      %parallel_loop3A_1655 = vector.broadcast %parallel_loop3A_1654 : f32 to vector<16xf32>
      %parallel_loop3A_1656 = arith.maximumf %parallel_loop3A_1653, %parallel_loop3A_1655 : vector<16xf32>
      %parallel_loop3A_1657 = arith.index_cast %parallel_loop3A_1650 : i32 to index
      %parallel_loop3A_1658 = arith.constant 0 : index
      %parallel_loop3A_1659 = tpu.vector_load %arg9[%parallel_loop3A_1657, %parallel_loop3A_1658] {strides = array<i32>} : memref<592x128xf32, #tpu.memory_space<vmem>>, vector<1x16xf32>,
      %parallel_loop3A_1660 = vector.shape_cast %parallel_loop3A_1659 : vector<1x16xf32> to vector<16xf32>
      %parallel_loop3A_1661 = vector.shape_cast %parallel_loop3A_1656 : vector<16xf32> to vector<1x16xf32>
      tpu.vector_store %arg9[%parallel_loop3A_1657, %parallel_loop3A_1658], %parallel_loop3A_1661 {add = true, strides = array<i32>} : memref<592x128xf32, #tpu.memory_space<vmem>>, vector<1x16xf32>,
      %parallel_loop3A_1662 = vector.broadcast %parallel_loop3A_1648 : f32 to vector<16xf32>
      %parallel_loop3A_1663 = arith.mulf %parallel_loop3A_1662, %get3A_14 : vector<16xf32>
      %parallel_loop3A_1664 = arith.addf %parallel_loop3A_1663, %get3A_38 : vector<16xf32>
      %parallel_loop3A_1665 = arith.constant 0.000000e+00 : f32
      %parallel_loop3A_1666 = vector.broadcast %parallel_loop3A_1665 : f32 to vector<16xf32>
      %parallel_loop3A_1667 = arith.maximumf %parallel_loop3A_1664, %parallel_loop3A_1666 : vector<16xf32>
      %parallel_loop3A_1668 = arith.index_cast %parallel_loop3A_1650 : i32 to index
      %parallel_loop3A_1669 = arith.constant 16 : index
      %parallel_loop3A_1670 = tpu.vector_load %arg9[%parallel_loop3A_1668, %parallel_loop3A_1669] {strides = array<i32>} : memref<592x128xf32, #tpu.memory_space<vmem>>, vector<1x16xf32>,
      %parallel_loop3A_1671 = vector.shape_cast %parallel_loop3A_1670 : vector<1x16xf32> to vector<16xf32>
      %parallel_loop3A_1672 = vector.shape_cast %parallel_loop3A_1667 : vector<16xf32> to vector<1x16xf32>
      tpu.vector_store %arg9[%parallel_loop3A_1668, %parallel_loop3A_1669], %parallel_loop3A_1672 {add = true, strides = array<i32>} : memref<592x128xf32, #tpu.memory_space<vmem>>, vector<1x16xf32>,
      %parallel_loop3A_1673 = vector.broadcast %parallel_loop3A_1648 : f32 to vector<16xf32>
      %parallel_loop3A_1674 = arith.mulf %parallel_loop3A_1673, %get3A_17 : vector<16xf32>
      %parallel_loop3A_1675 = arith.addf %parallel_loop3A_1674, %get3A_41 : vector<16xf32>
      %parallel_loop3A_1676 = arith.constant 0.000000e+00 : f32
      %parallel_loop3A_1677 = vector.broadcast %parallel_loop3A_1676 : f32 to vector<16xf32>
      %parallel_loop3A_1678 = arith.maximumf %parallel_loop3A_1675, %parallel_loop3A_1677 : vector<16xf32>
      %parallel_loop3A_1679 = arith.index_cast %parallel_loop3A_1650 : i32 to index
      %parallel_loop3A_1680 = arith.constant 32 : index
      %parallel_loop3A_1681 = tpu.vector_load %arg9[%parallel_loop3A_1679, %parallel_loop3A_1680] {strides = array<i32>} : memref<592x128xf32, #tpu.memory_space<vmem>>, vector<1x16xf32>,
      %parallel_loop3A_1682 = vector.shape_cast %parallel_loop3A_1681 : vector<1x16xf32> to vector<16xf32>
      %parallel_loop3A_1683 = vector.shape_cast %parallel_loop3A_1678 : vector<16xf32> to vector<1x16xf32>
      tpu.vector_store %arg9[%parallel_loop3A_1679, %parallel_loop3A_1680], %parallel_loop3A_1683 {add = true, strides = array<i32>} : memref<592x128xf32, #tpu.memory_space<vmem>>, vector<1x16xf32>,
      %parallel_loop3A_1684 = vector.broadcast %parallel_loop3A_1648 : f32 to vector<16xf32>
      %parallel_loop3A_1685 = arith.mulf %parallel_loop3A_1684, %get3A_20 : vector<16xf32>
      %parallel_loop3A_1686 = arith.addf %parallel_loop3A_1685, %get3A_44 : vector<16xf32>
      %parallel_loop3A_1687 = arith.constant 0.000000e+00 : f32
      %parallel_loop3A_1688 = vector.broadcast %parallel_loop3A_1687 : f32 to vector<16xf32>
      %parallel_loop3A_1689 = arith.maximumf %parallel_loop3A_1686, %parallel_loop3A_1688 : vector<16xf32>
      %parallel_loop3A_1690 = arith.index_cast %parallel_loop3A_1650 : i32 to index
      %parallel_loop3A_1691 = arith.constant 48 : index
      %parallel_loop3A_1692 = tpu.vector_load %arg9[%parallel_loop3A_1690, %parallel_loop3A_1691] {strides = array<i32>} : memref<592x128xf32, #tpu.memory_space<vmem>>, vector<1x16xf32>,
      %parallel_loop3A_1693 = vector.shape_cast %parallel_loop3A_1692 : vector<1x16xf32> to vector<16xf32>
      %parallel_loop3A_1694 = vector.shape_cast %parallel_loop3A_1689 : vector<16xf32> to vector<1x16xf32>
      tpu.vector_store %arg9[%parallel_loop3A_1690, %parallel_loop3A_1691], %parallel_loop3A_1694 {add = true, strides = array<i32>} : memref<592x128xf32, #tpu.memory_space<vmem>>, vector<1x16xf32>,
      %parallel_loop3A_1695 = vector.broadcast %parallel_loop3A_1648 : f32 to vector<16xf32>
      %parallel_loop3A_1696 = arith.mulf %parallel_loop3A_1695, %get3A_23 : vector<16xf32>
      %parallel_loop3A_1697 = arith.addf %parallel_loop3A_1696, %get3A_47 : vector<16xf32>
      %parallel_loop3A_1698 = arith.constant 0.000000e+00 : f32
      %parallel_loop3A_1699 = vector.broadcast %parallel_loop3A_1698 : f32 to vector<16xf32>
      %parallel_loop3A_1700 = arith.maximumf %parallel_loop3A_1697, %parallel_loop3A_1699 : vector<16xf32>
      %parallel_loop3A_1701 = arith.index_cast %parallel_loop3A_1650 : i32 to index
      %parallel_loop3A_1702 = arith.constant 64 : index
      %parallel_loop3A_1703 = tpu.vector_load %arg9[%parallel_loop3A_1701, %parallel_loop3A_1702] {strides = array<i32>} : memref<592x128xf32, #tpu.memory_space<vmem>>, vector<1x16xf32>,
      %parallel_loop3A_1704 = vector.shape_cast %parallel_loop3A_1703 : vector<1x16xf32> to vector<16xf32>
      %parallel_loop3A_1705 = vector.shape_cast %parallel_loop3A_1700 : vector<16xf32> to vector<1x16xf32>
      tpu.vector_store %arg9[%parallel_loop3A_1701, %parallel_loop3A_1702], %parallel_loop3A_1705 {add = true, strides = array<i32>} : memref<592x128xf32, #tpu.memory_space<vmem>>, vector<1x16xf32>,
      %parallel_loop3A_1706 = vector.broadcast %parallel_loop3A_1648 : f32 to vector<16xf32>
      %parallel_loop3A_1707 = arith.mulf %parallel_loop3A_1706, %get3A_26 : vector<16xf32>
      %parallel_loop3A_1708 = arith.addf %parallel_loop3A_1707, %get3A_50 : vector<16xf32>
      %parallel_loop3A_1709 = arith.constant 0.000000e+00 : f32
      %parallel_loop3A_1710 = vector.broadcast %parallel_loop3A_1709 : f32 to vector<16xf32>
      %parallel_loop3A_1711 = arith.maximumf %parallel_loop3A_1708, %parallel_loop3A_1710 : vector<16xf32>
      %parallel_loop3A_1712 = arith.index_cast %parallel_loop3A_1650 : i32 to index
      %parallel_loop3A_1713 = arith.constant 80 : index
      %parallel_loop3A_1714 = tpu.vector_load %arg9[%parallel_loop3A_1712, %parallel_loop3A_1713] {strides = array<i32>} : memref<592x128xf32, #tpu.memory_space<vmem>>, vector<1x16xf32>,
      %parallel_loop3A_1715 = vector.shape_cast %parallel_loop3A_1714 : vector<1x16xf32> to vector<16xf32>
      %parallel_loop3A_1716 = vector.shape_cast %parallel_loop3A_1711 : vector<16xf32> to vector<1x16xf32>
      tpu.vector_store %arg9[%parallel_loop3A_1712, %parallel_loop3A_1713], %parallel_loop3A_1716 {add = true, strides = array<i32>} : memref<592x128xf32, #tpu.memory_space<vmem>>, vector<1x16xf32>,
      %parallel_loop3A_1717 = vector.broadcast %parallel_loop3A_1648 : f32 to vector<16xf32>
      %parallel_loop3A_1718 = arith.mulf %parallel_loop3A_1717, %get3A_29 : vector<16xf32>
      %parallel_loop3A_1719 = arith.addf %parallel_loop3A_1718, %get3A_53 : vector<16xf32>
      %parallel_loop3A_1720 = arith.constant 0.000000e+00 : f32
      %parallel_loop3A_1721 = vector.broadcast %parallel_loop3A_1720 : f32 to vector<16xf32>
      %parallel_loop3A_1722 = arith.maximumf %parallel_loop3A_1719, %parallel_loop3A_1721 : vector<16xf32>
      %parallel_loop3A_1723 = arith.index_cast %parallel_loop3A_1650 : i32 to index
      %parallel_loop3A_1724 = arith.constant 96 : index
      %parallel_loop3A_1725 = tpu.vector_load %arg9[%parallel_loop3A_1723, %parallel_loop3A_1724] {strides = array<i32>} : memref<592x128xf32, #tpu.memory_space<vmem>>, vector<1x16xf32>,
      %parallel_loop3A_1726 = vector.shape_cast %parallel_loop3A_1725 : vector<1x16xf32> to vector<16xf32>
      %parallel_loop3A_1727 = vector.shape_cast %parallel_loop3A_1722 : vector<16xf32> to vector<1x16xf32>
      tpu.vector_store %arg9[%parallel_loop3A_1723, %parallel_loop3A_1724], %parallel_loop3A_1727 {add = true, strides = array<i32>} : memref<592x128xf32, #tpu.memory_space<vmem>>, vector<1x16xf32>,
      %parallel_loop3A_1728 = vector.broadcast %parallel_loop3A_1648 : f32 to vector<16xf32>
      %parallel_loop3A_1729 = arith.mulf %parallel_loop3A_1728, %get3A_32 : vector<16xf32>
      %parallel_loop3A_1730 = arith.addf %parallel_loop3A_1729, %get3A_56 : vector<16xf32>
      %parallel_loop3A_1731 = arith.constant 0.000000e+00 : f32
      %parallel_loop3A_1732 = vector.broadcast %parallel_loop3A_1731 : f32 to vector<16xf32>
      %parallel_loop3A_1733 = arith.maximumf %parallel_loop3A_1730, %parallel_loop3A_1732 : vector<16xf32>
      %parallel_loop3A_1734 = arith.index_cast %parallel_loop3A_1650 : i32 to index
      %parallel_loop3A_1735 = arith.constant 112 : index
      %parallel_loop3A_1736 = tpu.vector_load %arg9[%parallel_loop3A_1734, %parallel_loop3A_1735] {strides = array<i32>} : memref<592x128xf32, #tpu.memory_space<vmem>>, vector<1x16xf32>,
      %parallel_loop3A_1737 = vector.shape_cast %parallel_loop3A_1736 : vector<1x16xf32> to vector<16xf32>
      %parallel_loop3A_1738 = vector.shape_cast %parallel_loop3A_1733 : vector<16xf32> to vector<1x16xf32>
      tpu.vector_store %arg9[%parallel_loop3A_1734, %parallel_loop3A_1735], %parallel_loop3A_1738 {add = true, strides = array<i32>} : memref<592x128xf32, #tpu.memory_space<vmem>>, vector<1x16xf32>,
      %parallel_loop3A_1739 = arith.constant 3 : i32
      %parallel_loop3A_1740 = arith.shrsi %parallel_loop3A_1650, %parallel_loop3A_1739 : i32
      %parallel_loop3A_1741 = arith.constant 512 : i32
      %parallel_loop3A_1742 = arith.addi %parallel_loop3A_1741, %parallel_loop3A_1740 : i32
      %parallel_loop3A_1743 = arith.constant 7 : i32
      %parallel_loop3A_1744 = arith.andi %parallel_loop3A_1650, %parallel_loop3A_1743 : i32
      %parallel_loop3A_1745 = arith.constant 16 : i32
      %parallel_loop3A_1746 = arith.muli %parallel_loop3A_1744, %parallel_loop3A_1745 : i32
      %parallel_loop3A_1747 = arith.index_cast %parallel_loop3A_1742 : i32 to index
      %parallel_loop3A_1748 = arith.index_cast %parallel_loop3A_1746 : i32 to index
      %parallel_loop3A_1749 = tpu.vector_load %arg9[%parallel_loop3A_1747, %parallel_loop3A_1748] {strides = array<i32>} : memref<592x128xf32, #tpu.memory_space<vmem>>, vector<1x16xf32>,
      %parallel_loop3A_1750 = vector.shape_cast %parallel_loop3A_1749 : vector<1x16xf32> to vector<16xf32>
      %parallel_loop3A_1751 = vector.shape_cast %broadcast_in_dim3A_58 : vector<16xf32> to vector<1x16xf32>
      tpu.vector_store %arg9[%parallel_loop3A_1747, %parallel_loop3A_1748], %parallel_loop3A_1751 {add = true, strides = array<i32>} : memref<592x128xf32, #tpu.memory_space<vmem>>, vector<1x16xf32>,
    } {sc.loop_unroll_factor = 4 : i64, sc.parallel_access}
    "tpu.region"() ({
      %run_scoped3A = tpu.sem_alloc : memref<!tpu.dma_semaphore, #tpu.memory_space<semaphore_mem>>
      %dma_start3A = arith.constant 0 : i32
      %dma_start3A_61 = arith.constant 0 : i32
      %dma_start3A_62 = tpu.memref_slice %arg6[%add3A, %dma_start3A, %dma_start3A_61] : memref<32x592x128xf32, #tpu.memory_space<hbm>> -> memref<1x592x128xf32, #tpu.memory_space<hbm>>
      %dma_start3A_63 = tpu.memref_squeeze %dma_start3A_62 : memref<1x592x128xf32, #tpu.memory_space<hbm>> -> memref<592x128xf32, #tpu.memory_space<hbm>>
      %dma_start3A_64 = arith.constant 0 : i32
      %dma_start3A_65 = arith.constant 0 : i32
      %dma_start3A_66 = tpu.memref_slice %arg6[%add3A, %dma_start3A_64, %dma_start3A_65] : memref<32x592x128xf32, #tpu.memory_space<hbm>> -> memref<1x592x128xf32, #tpu.memory_space<hbm>>
      %dma_start3A_67 = tpu.memref_squeeze %dma_start3A_66 : memref<1x592x128xf32, #tpu.memory_space<hbm>> -> memref<592x128xf32, #tpu.memory_space<hbm>>
      tpu.enqueue_dma source(%arg9 : memref<592x128xf32, #tpu.memory_space<vmem>>) target(%dma_start3A_67 : memref<592x128xf32, #tpu.memory_space<hbm>>) target_semaphore(%run_scoped3A : memref<!tpu.dma_semaphore, #tpu.memory_space<semaphore_mem>>)
      %dma_wait3A = arith.constant 0 : i32
      %dma_wait3A_68 = arith.constant 0 : i32
      %dma_wait3A_69 = tpu.memref_slice %arg6[%add3A, %dma_wait3A, %dma_wait3A_68] : memref<32x592x128xf32, #tpu.memory_space<hbm>> -> memref<1x592x128xf32, #tpu.memory_space<hbm>>
      %dma_wait3A_70 = tpu.memref_squeeze %dma_wait3A_69 : memref<1x592x128xf32, #tpu.memory_space<hbm>> -> memref<592x128xf32, #tpu.memory_space<hbm>>
      %dma_wait3A_71 = arith.constant 0 : i32
      %dma_wait3A_72 = arith.constant 0 : i32
      %dma_wait3A_73 = tpu.memref_slice %arg6[%add3A, %dma_wait3A_71, %dma_wait3A_72] : memref<32x592x128xf32, #tpu.memory_space<hbm>> -> memref<1x592x128xf32, #tpu.memory_space<hbm>>
      %dma_wait3A_74 = tpu.memref_squeeze %dma_wait3A_73 : memref<1x592x128xf32, #tpu.memory_space<hbm>> -> memref<592x128xf32, #tpu.memory_space<hbm>>
      tpu.wait_dma2 semaphore(%run_scoped3A : memref<!tpu.dma_semaphore, #tpu.memory_space<semaphore_mem>>) src(%arg9 : memref<592x128xf32, #tpu.memory_space<vmem>>) dst(%dma_wait3A_74 : memref<592x128xf32, #tpu.memory_space<hbm>>)
      tpu.yield
    }) : () -> ()
    return
  }
}

module attributes {stable_mosaic.version = 14 : i64} {
  func.func @body(%arg0: i32, %arg1: memref<1x592x128xf32, #tpu.memory_space<vmem>>, %arg2: memref<512x128xf32, #tpu.memory_space<vmem>>, %arg3: memref<592x128xf32, #tpu.memory_space<vmem>>) attributes {dimension_semantics = [#tpu.dimension_semantics<arbitrary>], iteration_bounds = array<i64: 32>, scalar_prefetch = 0 : i64, scratch_operands = 1 : i64, tpu.core_type = #tpu.core_type<tc>, window_params = [{transform_indices = @transform_0, window_bounds = array<i64: 1, 592, 128>}, {pipeline_mode = #tpu.pipeline_mode<synchronous>, transform_indices = @transform_1, window_bounds = array<i64: 512, 128>}]} {
    %eq3A = arith.constant 0 : i32
    %eq3A_0 = arith.cmpi eq, %arg0, %eq3A : i32
    %convert_element_type3A = arith.extui %eq3A_0 : i1 to i32
    %cond3A = arith.constant 0 : i32
    %cond3A_1 = arith.cmpi ne, %convert_element_type3A, %cond3A : i32
    scf.if %cond3A_1 {
      %get3A = arith.constant 0 : index
      %get3A_11 = arith.constant 0 : index
      %get3A_12 = arith.constant 0 : index
      %get3A_13 = vector.load %arg1[%get3A, %get3A_11, %get3A_12] : memref<1x592x128xf32, #tpu.memory_space<vmem>>, vector<1x592x128xf32>
      %get3A_14 = vector.shape_cast %get3A_13 : vector<1x592x128xf32> to vector<592x128xf32>
      %swap3A = arith.constant 0 : index
      %swap3A_15 = arith.constant 0 : index
      %swap3A_16 = vector.load %arg3[%swap3A, %swap3A_15] : memref<592x128xf32, #tpu.memory_space<vmem>>, vector<592x128xf32>
      tpu.vector_store %arg3[%swap3A, %swap3A_15], %get3A_14 {strides = array<i32>} : memref<592x128xf32, #tpu.memory_space<vmem>>, vector<592x128xf32>,
    } else {
    }
    %gt3A = arith.constant 0 : i32
    %gt3A_2 = arith.cmpi sgt, %arg0, %gt3A : i32
    %convert_element_type3A_3 = arith.extui %gt3A_2 : i1 to i32
    %cond3A_4 = arith.constant 0 : i32
    %cond3A_5 = arith.cmpi ne, %convert_element_type3A_3, %cond3A_4 : i32
    scf.if %cond3A_5 {
      %get3A = arith.constant 0 : index
      %get3A_11 = arith.constant 0 : index
      %get3A_12 = vector.load %arg3[%get3A, %get3A_11] : memref<592x128xf32, #tpu.memory_space<vmem>>, vector<592x128xf32>
      %get3A_13 = arith.constant 0 : index
      %get3A_14 = arith.constant 0 : index
      %get3A_15 = arith.constant 0 : index
      %get3A_16 = vector.load %arg1[%get3A_13, %get3A_14, %get3A_15] : memref<1x592x128xf32, #tpu.memory_space<vmem>>, vector<1x592x128xf32>
      %get3A_17 = vector.shape_cast %get3A_16 : vector<1x592x128xf32> to vector<592x128xf32>
      %add3A = arith.addf %get3A_12, %get3A_17 : vector<592x128xf32>
      %swap3A = arith.constant 0 : index
      %swap3A_18 = arith.constant 0 : index
      %swap3A_19 = vector.load %arg3[%swap3A, %swap3A_18] : memref<592x128xf32, #tpu.memory_space<vmem>>, vector<592x128xf32>
      tpu.vector_store %arg3[%swap3A, %swap3A_18], %add3A {strides = array<i32>} : memref<592x128xf32, #tpu.memory_space<vmem>>, vector<592x128xf32>,
    } else {
    }
    %eq3A_6 = arith.constant 31 : i32
    %eq3A_7 = arith.cmpi eq, %arg0, %eq3A_6 : i32
    %convert_element_type3A_8 = arith.extui %eq3A_7 : i1 to i32
    %cond3A_9 = arith.constant 0 : i32
    %cond3A_10 = arith.cmpi ne, %convert_element_type3A_8, %cond3A_9 : i32
    scf.if %cond3A_10 {
      %get3A = arith.constant 0 : index
      %get3A_11 = arith.constant 0 : index
      %get3A_12 = vector.load %arg3[%get3A, %get3A_11] : memref<592x128xf32, #tpu.memory_space<vmem>>, vector<592x128xf32>
      %slice3A = vector.extract_strided_slice %get3A_12 {offsets = [0, 0], sizes = [512, 128], strides = [1, 1]} : vector<592x128xf32> to vector<512x128xf32>
      %slice3A_13 = vector.extract_strided_slice %get3A_12 {offsets = [512, 0], sizes = [64, 128], strides = [1, 1]} : vector<592x128xf32> to vector<64x128xf32>
      %broadcast_in_dim3A = vector.shape_cast %slice3A_13 : vector<64x128xf32> to vector<64x1x128xf32>
      %broadcast_in_dim3A_14 = vector.shape_cast %broadcast_in_dim3A : vector<64x1x128xf32> to vector<64x1x128xf32>
      %broadcast_in_dim3A_15 = vector.broadcast %broadcast_in_dim3A_14 : vector<64x1x128xf32> to vector<64x8x128xf32>
      %reshape3A = vector.shape_cast %broadcast_in_dim3A_15 : vector<64x8x128xf32> to vector<512x128xf32>
      %iota3A = tpu.iota {dimensions = array<i32: 1>} : vector<512x128xi32>
      %jit3A = arith.constant 16 : i32
      %div3A = vector.broadcast %jit3A : i32 to vector<512x128xi32>
      %div3A_16 = arith.divsi %iota3A, %div3A : vector<512x128xi32>
      %sign3A = arith.constant 0 : i32
      %sign3A_17 = vector.broadcast %sign3A : i32 to vector<512x128xi32>
      %sign3A_18 = arith.cmpi sgt, %iota3A, %sign3A_17 : vector<512x128xi32>
      %sign3A_19 = arith.extui %sign3A_18 : vector<512x128xi1> to vector<512x128xi32>
      %sign3A_20 = arith.constant 0 : i32
      %sign3A_21 = vector.broadcast %sign3A_20 : i32 to vector<512x128xi32>
      %sign3A_22 = arith.cmpi slt, %iota3A, %sign3A_21 : vector<512x128xi32>
      %sign3A_23 = arith.extui %sign3A_22 : vector<512x128xi1> to vector<512x128xi32>
      %sign3A_24 = arith.subi %sign3A_19, %sign3A_23 : vector<512x128xi32>
      %sign3A_25 = arith.constant 0 : i32
      %sign3A_26 = arith.cmpi sgt, %jit3A, %sign3A_25 : i32
      %sign3A_27 = arith.extui %sign3A_26 : i1 to i32
      %sign3A_28 = arith.constant 0 : i32
      %sign3A_29 = arith.cmpi slt, %jit3A, %sign3A_28 : i32
      %sign3A_30 = arith.extui %sign3A_29 : i1 to i32
      %sign3A_31 = arith.subi %sign3A_27, %sign3A_30 : i32
      %ne3A = vector.broadcast %sign3A_31 : i32 to vector<512x128xi32>
      %ne3A_32 = arith.cmpi ne, %sign3A_24, %ne3A : vector<512x128xi32>
      %rem3A = vector.broadcast %jit3A : i32 to vector<512x128xi32>
      %rem3A_33 = arith.remsi %iota3A, %rem3A : vector<512x128xi32>
      %ne3A_34 = arith.constant 0 : i32
      %ne3A_35 = vector.broadcast %ne3A_34 : i32 to vector<512x128xi32>
      %ne3A_36 = arith.cmpi ne, %rem3A_33, %ne3A_35 : vector<512x128xi32>
      %and3A = arith.andi %ne3A_32, %ne3A_36 : vector<512x128xi1>
      %sub3A = arith.constant 1 : i32
      %sub3A_37 = vector.broadcast %sub3A : i32 to vector<512x128xi32>
      %sub3A_38 = arith.subi %div3A_16, %sub3A_37 : vector<512x128xi32>
      %select_n3A = arith.select %and3A, %sub3A_38, %div3A_16 : vector<512x128xi1>, vector<512x128xi32>
      %iota3A_39 = tpu.iota {dimensions = array<i32: 0>} : vector<512x128xi32>
      %jit3A_40 = arith.constant 8 : i32
      %eq3A_41 = arith.constant 0 : i32
      %eq3A_42 = arith.cmpi eq, %jit3A_40, %eq3A_41 : i32
      %jit3A_43 = arith.constant 1 : i32
      %select_n3A_44 = arith.select %eq3A_42, %jit3A_43, %jit3A_40 : i32
      %rem3A_45 = vector.broadcast %select_n3A_44 : i32 to vector<512x128xi32>
      %rem3A_46 = arith.remsi %iota3A_39, %rem3A_45 : vector<512x128xi32>
      %ne3A_47 = arith.constant 0 : i32
      %ne3A_48 = vector.broadcast %ne3A_47 : i32 to vector<512x128xi32>
      %ne3A_49 = arith.cmpi ne, %rem3A_46, %ne3A_48 : vector<512x128xi32>
      %lt3A = arith.constant 0 : i32
      %lt3A_50 = vector.broadcast %lt3A : i32 to vector<512x128xi32>
      %lt3A_51 = arith.cmpi slt, %rem3A_46, %lt3A_50 : vector<512x128xi32>
      %lt3A_52 = arith.constant 0 : i32
      %lt3A_53 = arith.cmpi slt, %select_n3A_44, %lt3A_52 : i32
      %ne3A_54 = vector.broadcast %lt3A_53 : i1 to vector<512x128xi1>
      %ne3A_55 = vector.broadcast %ne3A_54 : vector<512x128xi1> to vector<512x128xi1>
      %ne3A_56 = arith.xori %lt3A_51, %ne3A_55 : vector<512x128xi1>
      %and3A_57 = arith.andi %ne3A_56, %ne3A_49 : vector<512x128xi1>
      %add3A = vector.broadcast %select_n3A_44 : i32 to vector<512x128xi32>
      %add3A_58 = arith.addi %rem3A_46, %add3A : vector<512x128xi32>
      %select_n3A_59 = arith.select %and3A_57, %add3A_58, %rem3A_46 : vector<512x128xi1>, vector<512x128xi32>
      %eq3A_60 = arith.cmpi eq, %select_n3A, %select_n3A_59 : vector<512x128xi32>
      %jit3A_61 = arith.constant 0.000000e+00 : f32
      %broadcast_in_dim3A_62 = vector.broadcast %jit3A_61 : f32 to vector<512x128xf32>
      %select_n3A_63 = arith.select %eq3A_60, %reshape3A, %broadcast_in_dim3A_62 : vector<512x128xi1>, vector<512x128xf32>
      %reduce_sum3A = arith.constant dense<0.000000e+00> : vector<512xf32>
      %reduce_sum3A_64 = vector.multi_reduction <add>, %select_n3A_63, %reduce_sum3A [1] : vector<512x128xf32> to vector<512xf32>
      %broadcast_in_dim3A_65 = vector.shape_cast %reduce_sum3A_64 : vector<512xf32> to vector<512x1xf32>
      %max3A = arith.constant 1.000000e+00 : f32
      %max3A_66 = vector.broadcast %max3A : f32 to vector<512x1xf32>
      %max3A_67 = arith.maximumf %broadcast_in_dim3A_65, %max3A_66 : vector<512x1xf32>
      %div3A_68 = vector.broadcast %max3A_67 : vector<512x1xf32> to vector<512x128xf32>
      %div3A_69 = arith.divf %slice3A, %div3A_68 : vector<512x128xf32>
      %swap3A = arith.constant 0 : index
      %swap3A_70 = arith.constant 0 : index
      %swap3A_71 = vector.load %arg2[%swap3A, %swap3A_70] : memref<512x128xf32, #tpu.memory_space<vmem>>, vector<512x128xf32>
      tpu.vector_store %arg2[%swap3A, %swap3A_70], %div3A_69 {strides = array<i32>} : memref<512x128xf32, #tpu.memory_space<vmem>>, vector<512x128xf32>,
    } else {
    }
    return
  }
  func.func @transform_0(%arg0: i32) -> (i32, i32, i32) {
    %c0_i32 = arith.constant 0 : i32
    %c0_i32_0 = arith.constant 0 : i32
    %c0_i32_1 = arith.constant 0 : i32
    return %arg0, %c0_i32, %c0_i32_0 : i32, i32, i32
  }
  func.func @transform_1(%arg0: i32) -> (i32, i32) {
    %c0_i32 = arith.constant 0 : i32
    %c0_i32_0 = arith.constant 0 : i32
    %c0_i32_1 = arith.constant 0 : i32
    return %c0_i32, %c0_i32_0 : i32, i32
  }
}

</mosaic_0001>

<sc_bundles>
// kernel: kernel.4.cloned.1.call-start
scs
__scs_entry_jumppad:
0x0: {  	(pc) =	sbr.rel $0x88, $3  }
0x1: {  	(tag) =	ssettag $0x0;
	lr =	simm.s32 $0x1  }
0x2: {  	[smem:$0x3F9D] =	sst lr;
	_ =	strace $0xD0000000  }
0x3: {  	_ = 	snop  }
0x4: {  	_ = 	snop  }
0x5: {  	_ = 	snop  }
0x6: {  	_ = 	snop  }
0x7: {  	_ = 	snop  }
__scs_overlays_trampoline_lowered:
0x8: {  	[smem:$0x3FAC] =	sst s0  }
0x9: {  	[smem:$0x3FAD] =	sst s1  }
0xa: {  	[smem:$0x3FAE] =	sst s2  }
0xb: {  	[smem:$0x3FAF] =	sst s3  }
0xc: {  	[smem:$0x3FB0] =	sst s4  }
0xd: {  	[smem:$0x3FB1] =	sst s5  }
0xe: {  	[smem:$0x3FB2] =	sst s6  }
0xf: {  	[smem:$0x3FB3] =	sst s7  }
0x10: {  	[smem:$0x3FB4] =	sst s8  }
0x11: {  	[smem:$0x3FB5] =	sst s9;
	s0 =	simm.s32 @!p0 $0x0  }
0x12: {  	s1 =	sld [smem:$0x3F9B];
	s0 =	simm.s32 @p0 $0x1  }
0x13: {  	[smem:$0x3FB6] =	sst s0;
	s0 =	simm.s32 @!p1 $0x0  }
0x14: {  	s2 =	sld [smem:$0x3F9A];
	s0 =	simm.s32 @p1 $0x1  }
0x15: {  	[smem:$0x3FB7] =	sst s0;
	s0 =	simm.s32 @!p2 $0x0  }
0x16: {  	s3 =	sld [smem:$0x3FDB];
	s0 =	simm.s32 @p2 $0x1  }
0x17: {  	s4 =	simm.s32 $0x1BF5;
	[smem:$0x3FB9] =	sst s0  }
0x18: {  	s0 =	sld [smem:$0x3F9C];
	_ =	swait.ge [sflag:s4], $0x0  }
0x19: {  	s7 =	sld [smem:$0x3F9D]  }
0x1a: {  	s8 =	sadd.s32 $0xFFFFE003, lr  }
0x1b: {  	s9 =	sadd.s32 $0xFFFFFEF7, lr;
	s5 =	simm.s32 $0xFFFFFFFF;
	p2 =	slt.u32 s8, $0xFFFFF086  }
0x1c: {  	p1 =	slt.u32 s9, $0xF7A;
	s5 =	simm.s32 @!p2 $0x0  }
0x1d: {  	s5 =	simm.s32 @p1 $0x1;
	p0 =	seq.s32 s7, s2  }
0x1e: {  	s7 =	smul.u32 @!p0 $0xF7A, s2;
	p2 =	seq.s32 @!p0 s5, $0x0  }
0x1f: {  	s9 =	smul.u32 $0xF7A, s1;
	s8 =	simm.s32 @!p0 $0x1BF5;
	p2 =	por !p2, p0  }
0x20: {  	[sflag:s8] =	ssyncset.s32 @!p0 $0xFFFFF086;
	s6 =	sadd.s32 @!p0 s3, s7;
	s7 =	simm.s32 @!p0 $0x108  }
0x21: {  	s3 =	sadd.s32 s3, s9;
	s6 =	sadd.s32 @!p0 $0x88, s6;
	s7 =	simm.s32 @p2 $0x1082  }
0x22: {  	[simem:s7], [sflag:s8] =	dma.local @!p0 [hbm:s6], $0xF7A  }
0x23: {  	s9 =	sor.u32 $0xD0000000, s2;
	s6 =	simm.s32 $0x108;
	_ =	swait.ge @!p0 [sflag:s8], $0x0  }
0x24: {  	s3 =	sadd.s32 $0x88, s3;
	s6 =	simm.s32 @!p1 $0x1082;
	[sflag:s4] =	ssyncset.s32 $0xFFFFF086  }
0x25: {  	[simem:s6], [sflag:s4] =	dma.local [hbm:s3], $0xF7A  }
0x26: {  	[smem:$0x3F9D] =	sst s1;
	(tag) =	ssettag s2;
	_ =	strace s9  }
0x27: {  	s1 =	sld [smem:$0x3FAD]  }
0x28: {  	s2 =	sld [smem:$0x3FAE]  }
0x29: {  	s4 =	sld [smem:$0x3FB0]  }
0x2a: {  	p0 =	seq.s32 s5, $0x0;
	s5 =	sld [smem:$0x3FB1]  }
0x2b: {  	s6 =	sld [smem:$0x3FB2]  }
0x2c: {  	s7 =	sld [smem:$0x3FB3]  }
0x2d: {  	s3 =	simm.s32 $0x108;
	s8 =	sld [smem:$0x3FB4]  }
0x2e: {  	s3 =	simm.s32 @!p0 $0x1082;
	s9 =	sld [smem:$0x3FB5]  }
0x2f: {  	lr =	sadd.s32 s0, s3;
	s0 =	sld [smem:$0x3FAC]  }
0x30: {  	s3 =	sld [smem:$0x3FAF]  }
0x31: {  	[smem:$0x3FB8] =	sst s10  }
0x32: {  	s10 =	sld [smem:$0x3FB6];
	_ =	sdelay $0x3  }
0x33: {  	p0 =	seq.s32 s10, $0x1;
	s10 =	sld [smem:$0x3FB8];
	_ =	sdelay $0x3  }
0x34: {  	[smem:$0x3FB8] =	sst s10  }
0x35: {  	s10 =	sld [smem:$0x3FB7];
	_ =	sdelay $0x3  }
0x36: {  	p1 =	seq.s32 s10, $0x1;
	s10 =	sld [smem:$0x3FB8];
	_ =	sdelay $0x3  }
0x37: {  	[smem:$0x3FB8] =	sst s10  }
0x38: {  	s10 =	sld [smem:$0x3FB9]  }
0x39: {  	_ = 	snop;
	(pc) =	sbr.ind lr, $3  }
0x3a: {  	_ = 	snop  }
0x3b: {  	_ = 	snop  }
0x3c: {  	p2 =	seq.s32 s10, $0x1;
	s10 =	sld [smem:$0x3FB8]  }
0x3d: {  	_ =	shalt  }
0x3e: {  	_ =	shalt  }
0x3f: {  	_ =	shalt  }
0x40: {  	_ =	shalt  }
0x41: {  	_ =	shalt  }
0x42: {  	_ =	shalt  }
0x43: {  	_ =	shalt  }
0x44: {  	_ =	shalt  }
0x45: {  	_ =	shalt  }
0x46: {  	_ =	shalt  }
0x47: {  	_ =	shalt  }
0x48: {  	_ =	shalt  }
0x49: {  	_ =	shalt  }
0x4a: {  	_ =	shalt  }
0x4b: {  	_ =	shalt  }
0x4c: {  	_ =	shalt  }
0x4d: {  	_ =	shalt  }
0x4e: {  	_ =	shalt  }
0x4f: {  	_ =	shalt  }
0x50: {  	_ =	shalt  }
0x51: {  	_ =	shalt  }
0x52: {  	_ =	shalt  }
0x53: {  	_ =	shalt  }
0x54: {  	_ =	shalt  }
0x55: {  	_ =	shalt  }
0x56: {  	_ =	shalt  }
0x57: {  	_ =	shalt  }
0x58: {  	_ =	shalt  }
0x59: {  	_ =	shalt  }
0x5a: {  	_ =	shalt  }
0x5b: {  	_ =	shalt  }
0x5c: {  	_ =	shalt  }
0x5d: {  	_ =	shalt  }
0x5e: {  	_ =	shalt  }
0x5f: {  	_ =	shalt  }
0x60: {  	_ =	shalt  }
0x61: {  	_ =	shalt  }
0x62: {  	_ =	shalt  }
0x63: {  	_ =	shalt  }
0x64: {  	_ =	shalt  }
0x65: {  	_ =	shalt  }
0x66: {  	_ =	shalt  }
0x67: {  	_ =	shalt  }
0x68: {  	_ =	shalt  }
0x69: {  	_ =	shalt  }
0x6a: {  	_ =	shalt  }
0x6b: {  	_ =	shalt  }
0x6c: {  	_ =	shalt  }
0x6d: {  	_ =	shalt  }
0x6e: {  	_ =	shalt  }
0x6f: {  	_ =	shalt  }
0x70: {  	_ =	shalt  }
0x71: {  	_ =	shalt  }
0x72: {  	_ =	shalt  }
0x73: {  	_ =	shalt  }
0x74: {  	_ =	shalt  }
0x75: {  	_ =	shalt  }
0x76: {  	_ =	shalt  }
0x77: {  	_ =	shalt  }
0x78: {  	_ =	shalt  }
0x79: {  	_ =	shalt  }
0x7a: {  	_ =	shalt  }
0x7b: {  	_ =	shalt  }
0x7c: {  	_ =	shalt  }
0x7d: {  	_ =	shalt  }
0x7e: {  	_ =	shalt  }
0x7f: {  	_ =	shalt  }
0x80: {  	_ =	shalt  }
0x81: {  	_ =	shalt  }
0x82: {  	_ =	shalt  }
0x83: {  	_ =	shalt  }
0x84: {  	_ =	shalt  }
0x85: {  	_ =	shalt  }
0x86: {  	_ =	shalt  }
0x87: {  	_ =	shalt  }
.Lfunc_end0:
.L_simem_size_0:
called_computation_lowered:
.L_overlay_start_0:
0x88: {  	s2 =	sld [smem:$0x3FD9]  }
0x89: {  	s3 =	sld [smem:$0x3FFE];
	_ =	sdelay $0x1  }
0x8a: {  	s1 =	srdreg.scid  }
0x8b: {  	s0 =	sand.u32 $0x1, s1  }
0x8c: {  	s17 =	sshll.u32 s0, $0xA;
	s2 =	sadd.s32 s3, s2  }
0x8d: {  	s2 =	sadd.s32 s2, s17  }
0x8e: {  	[smem:$0x3FC4] =	sst s2  }
0x8f: {  	_ = 	snop  }
0x90: {  	s2 =	sld [smem:$0x3FC8]  }
0x91: {  	s18 =	sld [smem:$0x3FC7]  }
0x92: {  	s4 =	sld [smem:$0x3FC6];
	(tm) =	ssettm $0x1  }
0x93: {  	s5 =	sld [smem:$0x3FFB];
	_ =	sdelay $0x3  }
0x94: {  	_ =	strace s5  }
0x95: {  	s5 =	sld [smem:$0x3FFC];
	_ =	sdelay $0x3  }
0x96: {  	_ =	strace s5  }
0x97: {  	s5 =	sld [smem:$0x3FFD];
	_ =	sdelay $0x3  }
0x98: {  	_ =	strace s5  }
0x99: {  	_ =	strace $0x8FFFFFFF  }
0x9a: {  	s19 =	sld [smem:$0x3FDB];
	_ =	sdelay $0x1  }
0x9b: {  	s6 =	simm.s32 $_scs_section_size  }
0x9c: {  	s7 =	simm.s32 $_size__tile_overlayer_lowered;
	s8 =	simm.s32 $_tile_overlayer_lowered  }
0x9d: {  	s22 =	simm.s32 $0x1BFF;
	s21 =	sshll.u32 s8, $0x1;
	s5 =	sadd.s32 s6, s19  }
0x9e: {  	s9 =	simm.s32 $0x0;
	s20 =	sshll.u32 s7, $0x1;
	s7 =	sadd.s32 s21, s5  }
0x9f: {  	[timem:s9], [sflag:s22] =	dma.local [hbm:s7], s20  }
0xa0: {  	_ =	swait.ge [sflag:s22], s20  }
0xa1: {  	s6 =	ssub.s32 $0x0, s20;
	[sflag:s22] =	ssyncset.done $0x0  }
0xa2: {  	[sflag:s22] =	ssyncadd.s32 s6;
	_ =	sdelay $0x1  }
0xa3: {  	s23 =	simm.s32 $0x1B8B  }
0xa4: {  	_ =	swait.ge [sflag:s23], $0x1  }
0xa5: {  	[sflag:s23] =	ssyncset.done $0x0  }
0xa6: {  	s25 =	simm.s32 $0x1B8E;
	s24 =	sld [smem:$0x3FFE];
	[sflag:s23] =	ssyncadd.s32 $0xFFFFFFFF  }
0xa7: {  	s26 =	simm.s32 $execute0_lowered;
	[smem:$0x3FD2] =	sst s25  }
0xa8: {  	s7 =	sshll.u32 s26, $0x1;
	_ =	strace $0x80000046;
	[dreg:$0x1] =	wrdreg $0xFFFFFFFF  }
0xa9: {  	s28 =	simm.s32 $_size_execute0_lowered;
	s5 =	sadd.s32 s5, s7;
	[dreg:$0x0] =	wrdreg $0x0  }
0xaa: {  	s7 =	sshll.u32 s28, $0x1;
	[dreg:$0x2] =	wrdreg s5  }
0xab: {  	[dreg:$0x3] =	wrdreg s7  }
0xac: {  	[dreg:$0x4] =	wrdreg $0xC0  }
0xad: {  	_ =	task [dreg:s9], $0x5FFFF  }
0xae: {  	[dreg:$0x1] =	wrdreg $0xFFFFFFFF  }
0xaf: {  	[dreg:$0x0] =	wrdreg $0x60  }
0xb0: {  	[dreg:$0x2] =	wrdreg s24  }
0xb1: {  	[dreg:$0x3] =	wrdreg s2  }
0xb2: {  	[dreg:$0x4] =	wrdreg s18  }
0xb3: {  	[dreg:$0x5] =	wrdreg s4  }
0xb4: {  	[dreg:$0x6] =	wrdreg $0x9  }
0xb5: {  	_ =	task.clear_ibuf [dreg:s9], $0x7FFFF;
	_ =	strace $0x90000046  }
0xb6: {  	s29 =	simm.s32 $0x9;
	_ =	strace $0x80000048  }
0xb7: {  	_ =	swait.ge [sflag:s29], $0x1  }
0xb8: {  	[sflag:s29] =	ssyncadd.s32 $0xFFFFFFFF  }
0xb9: {  	_ =	strace $0x90000048  }
0xba: {  	_ =	sfence  }
0xbb: {  	s30 =	sld [smem:$0x0];
	_ =	sdelay $0x2  }
0xbc: {  	s31 =	sshll.u32 s1, $0xD;
	s1 =	sshrl.u32 s1, $0x2  }
0xbd: {  	s3 =	sand.u32 $0x4000, s31;
	s1 =	sadd.s32 s1, s30  }
0xbe: {  	s0 =	sor.u32 s3, s0;
	s1 =	sshll.u32 s1, $0x11  }
0xbf: {  	s0 =	sor.u32 s1, s0  }
0xc0: {  	s0 =	sadd.s32 $0x8F2B, s0  }
0xc1: {  	[sflag:s0] =	ssyncadd.remote.s32 $0x1  }
0xc2: {  	_ =	sfence.sel $0xFFFF  }
0xc3: {  	[dreg:$0x0] =	wrdreg $0xFFFFFFFF;
	(pc) =	sbr.abs _section_cstart, $3  }
0xc4: {  	[dreg:$0x1] =	wrdreg $0xFFFFFFFF  }
0xc5: {  	_ =	task.clear_ibuf [dreg:s9], $0x2FFFF;
	_ =	strace $0x9FFFFFFF  }
0xc6: {  	(tm) =	ssettm $0x7FFFFFFF  }
0xc7: {  	_ =	shalt  }
tec
execute0_lowered:
.L_overlay_start_1:
0x0: {  	(tag) =	ssettag $0x1  }
0x1: {  	s7 =	rddreg [dreg:$0x0]  }
0x2: {  	s8 =	rddreg [dreg:$0x1];
	s1 =	srdreg.scid  }
0x3: {  	s0 =	stileid.u32;
	s2 =	rddreg [dreg:$0x2]  }
0x4: {  	s3 =	rddreg [dreg:$0x3];
	s4 =	simm.s32 $0x0;
	s13 =	simm.s32 $0x2  }
0x5: {  	s14 =	simm.s32 $0x14100;
	s15 =	simm.s32 $0x3;
	s16 =	simm.s32 $0x14180  }
0x6: {  	s17 =	simm.s32 $0x1900;
	s5 =	sand.u32 $0x1, s1;
	s31 =	sshll.u32 s0, $0x1  }
0x7: {  	s18 =	simm.s32 $0x0;
	s1 =	rddreg [dreg:$0x4];
	s11 =	sor.u32 s5, s31  }
0x8: {  	[smem:$0x7FF] =	sst s4;
	s5 =	ssub.s32 $0x2, s5;
	s6 =	smul.u32 $0x188, s11  }
0x9: {  	_ =	strace $0x80000047;
	s9 =	smul.u32 $0x2500, s11;
	s10 =	sshrl.u32 s5, $0x1  }
0xa: {  	p0 =	seq.s32 s11, $0x1F;
	s11 =	simm.s32 $0xC80;
	s10 =	ssub.s32 s5, s10  }
0xb: {  	s12 =	sadd.s32 s6, s7;
	s9 =	sadd.s32 s9, s7;
	s6 =	sadd.s32 s8, s6  }
0xc: {  	s7 =	sadd.s32 $0x3178, s7;
	s8 =	sadd.s32 $0x2F78, s8;
	s10 =	smax.u32 s10, $0x1  }
0xd: {  	v0 =	vimm.f32 $0.0e+00;
	v1 =	vimm.s32 $0x240;
	v2 =	vimm.f32 $6.250000000e-02;
	s5 =	sadd.s32 $0x200, s12;
	s9 =	sadd.s32 $0x3400, s9;
	s12 =	simm.s32 $0x1  }
.LBB2_1:
.Ltmp0:
0xe: {  	(pc) =	sbr.rel @!p0 .LBB2_2-.Ltmp0, $2  }
0xf: {  	_ =	sdelay $0x2  }
0x10: {  	s19 =	simm.s32 $0x0  }
0x11: {  	[tilespmem:s19], [sflag:$0x1] =	stream.linear.gather [hbm4b:s7+s19], $0xAE0, $0x38;
	[tilespmem:$0x14200] =	vst v63  }
0x12: {  	_ = 	snop  }
0x13: {  	[tilespmem:s11], [sflag:$0x2] =	stream.linear.gather [hbm4b:s8+s19], $0xAE0, $0x38;
	[tilespmem:$0x14200] =	vst v63  }
0x14: {  	s20 =	simm.s32 $0x200;
	s19 =	simm.s32 $0x0  }
.LBB2_6:
0x15: {  	p1 =	sne.s32 s20, $0x49E00;
	[tilespmem:s19+$0x1970] =	vst v0  }
0x16: {  	[tilespmem:s19+$0x1900] =	vst v0  }
0x17: {  	[tilespmem:s19+$0x1910] =	vst v0  }
.Ltmp1:
0x18: {  	[tilespmem:s19+$0x1920] =	vst v0;
	(pc) =	sbr.rel @p1 .LBB2_6-.Ltmp1, $4  }
0x19: {  	[tilespmem:s19+$0x1930] =	vst v0  }
0x1a: {  	[tilespmem:s19+$0x1940] =	vst v0  }
0x1b: {  	[tilespmem:s19+$0x1950] =	vst v0  }
0x1c: {  	[tilespmem:s19+$0x1960] =	vst v0;
	s19 =	sshra.s32 s20, $0x2;
	s20 =	sadd.s32 $0x200, s20  }
0x1d: {  	[tilespmem:s19+$0x1970] =	vst v0  }
0x1e: {  	[tilespmem:s19+$0x1900] =	vst v0  }
0x1f: {  	[tilespmem:s19+$0x1910] =	vst v0  }
0x20: {  	[tilespmem:s19+$0x1920] =	vst v0  }
0x21: {  	[tilespmem:s19+$0x1930] =	vst v0  }
0x22: {  	[tilespmem:s19+$0x1940] =	vst v0  }
0x23: {  	[tilespmem:s19+$0x1950] =	vst v0  }
0x24: {  	[tilespmem:s19+$0x1960] =	vst v0  }
0x25: {  	_ =	swait.ge [sflag:s12], $0xAE0  }
0x26: {  	[sflag:s12] =	ssyncset.done $0x0  }
0x27: {  	[sflag:s12] =	ssyncadd.s32 $0xFFFFF520  }
0x28: {  	_ =	swait.ge [sflag:s13], $0xAE0  }
0x29: {  	[sflag:s13] =	ssyncset.done $0x0  }
0x2a: {  	[sflag:s13] =	ssyncadd.s32 $0xFFFFF520  }
0x2b: {  	[tilespmem:$0xAE0] =	vst v0  }
0x2c: {  	[tilespmem:$0x1760] =	vst v1  }
0x2d: {  	[tilespmem:$0xAF0] =	vst v0  }
0x2e: {  	[tilespmem:$0x1770] =	vst v1  }
0x2f: {  	[tilespmem:$0xB00] =	vst v0  }
0x30: {  	[tilespmem:$0x1780] =	vst v1  }
0x31: {  	[tilespmem:$0xB10] =	vst v0  }
0x32: {  	[tilespmem:$0x1790] =	vst v1  }
0x33: {  	[tilespmem:$0xB20] =	vst v0  }
0x34: {  	[tilespmem:$0x17A0] =	vst v1  }
0x35: {  	[tilespmem:$0xB30] =	vst v0  }
0x36: {  	[tilespmem:$0x17B0] =	vst v1  }
0x37: {  	[tilespmem:$0xB40] =	vst v0  }
0x38: {  	[tilespmem:$0x17C0] =	vst v1  }
0x39: {  	[tilespmem:$0xB50] =	vst v0  }
0x3a: {  	[tilespmem:$0x17D0] =	vst v1  }
0x3b: {  	[tilespmem:$0xB60] =	vst v0  }
0x3c: {  	[tilespmem:$0x17E0] =	vst v1  }
0x3d: {  	[tilespmem:$0xB70] =	vst v0  }
0x3e: {  	[tilespmem:$0x17F0] =	vst v1  }
0x3f: {  	[tilespmem:$0xB80] =	vst v0  }
0x40: {  	[tilespmem:$0x1800] =	vst v1  }
0x41: {  	[tilespmem:$0xB90] =	vst v0  }
0x42: {  	[tilespmem:$0x1810] =	vst v1  }
0x43: {  	[tilespmem:$0xBA0] =	vst v0  }
0x44: {  	[tilespmem:$0x1820] =	vst v1  }
0x45: {  	[tilespmem:$0xBB0] =	vst v0  }
0x46: {  	[tilespmem:$0x1830] =	vst v1  }
0x47: {  	[tilespmem:$0xBC0] =	vst v0  }
0x48: {  	[tilespmem:$0x1840] =	vst v1  }
0x49: {  	[tilespmem:$0xBD0] =	vst v0  }
0x4a: {  	[tilespmem:$0x1850] =	vst v1  }
0x4b: {  	[tilespmem:$0xBE0] =	vst v0  }
0x4c: {  	[tilespmem:$0x1860] =	vst v1  }
0x4d: {  	[tilespmem:$0xBF0] =	vst v0  }
0x4e: {  	[tilespmem:$0x1870] =	vst v1  }
0x4f: {  	[tilespmem:$0xC00] =	vst v0  }
0x50: {  	[tilespmem:$0x1880] =	vst v1  }
0x51: {  	[tilespmem:$0xC10] =	vst v0  }
.Ltmp2:
0x52: {  	[tilespmem:$0x1890] =	vst v1;
	(pc) =	sbr.rel .LBB2_8-.Ltmp2, $4  }
0x53: {  	[tilespmem:$0xC20] =	vst v0  }
0x54: {  	[tilespmem:$0x18A0] =	vst v1  }
0x55: {  	[tilespmem:$0xC30] =	vst v0  }
0x56: {  	[tilespmem:$0x18B0] =	vst v1  }
.LBB2_2:
0x57: {  	[tilespmem:s19], [sflag:$0x1] =	stream.linear.gather [hbm4b:s5+s19], $0xC40, $0x38;
	[tilespmem:$0x14200] =	vst v63  }
0x58: {  	_ = 	snop  }
0x59: {  	[tilespmem:s11], [sflag:$0x2] =	stream.linear.gather [hbm4b:s6+s19], $0xC40, $0x38;
	[tilespmem:$0x14200] =	vst v63  }
0x5a: {  	s20 =	simm.s32 $0x200;
	s19 =	simm.s32 $0x0  }
.LBB2_3:
0x5b: {  	p1 =	sne.s32 s20, $0x49E00;
	[tilespmem:s19+$0x1970] =	vst v0  }
0x5c: {  	[tilespmem:s19+$0x1900] =	vst v0  }
0x5d: {  	[tilespmem:s19+$0x1910] =	vst v0  }
.Ltmp3:
0x5e: {  	[tilespmem:s19+$0x1920] =	vst v0;
	(pc) =	sbr.rel @p1 .LBB2_3-.Ltmp3, $4  }
0x5f: {  	[tilespmem:s19+$0x1930] =	vst v0  }
0x60: {  	[tilespmem:s19+$0x1940] =	vst v0  }
0x61: {  	[tilespmem:s19+$0x1950] =	vst v0  }
0x62: {  	[tilespmem:s19+$0x1960] =	vst v0;
	s19 =	sshra.s32 s20, $0x2;
	s20 =	sadd.s32 $0x200, s20  }
0x63: {  	[tilespmem:s19+$0x1970] =	vst v0  }
0x64: {  	[tilespmem:s19+$0x1900] =	vst v0  }
0x65: {  	[tilespmem:s19+$0x1910] =	vst v0  }
0x66: {  	[tilespmem:s19+$0x1920] =	vst v0  }
0x67: {  	[tilespmem:s19+$0x1930] =	vst v0  }
0x68: {  	[tilespmem:s19+$0x1940] =	vst v0  }
0x69: {  	[tilespmem:s19+$0x1950] =	vst v0  }
0x6a: {  	[tilespmem:s19+$0x1960] =	vst v0  }
0x6b: {  	_ =	swait.ge [sflag:s12], $0xC40  }
0x6c: {  	[sflag:s12] =	ssyncset.done $0x0  }
0x6d: {  	[sflag:s12] =	ssyncadd.s32 $0xFFFFF3C0  }
0x6e: {  	_ =	swait.ge [sflag:s13], $0xC40  }
0x6f: {  	[sflag:s13] =	ssyncset.done $0x0  }
0x70: {  	[sflag:s13] =	ssyncadd.s32 $0xFFFFF3C0  }
.LBB2_8:
0x71: {  	[tilespmem:s14], [sflag:$0x3] =	stream.linear.gather [hbm4b:s2+s4], $0x80, $0x38;
	[tilespmem:$0x14200] =	vst v63  }
0x72: {  	_ =	swait.ge [sflag:s15], $0x80  }
0x73: {  	[sflag:s15] =	ssyncset.done $0x0  }
0x74: {  	[sflag:s15] =	ssyncadd.s32 $0xFFFFFF80  }
0x75: {  	[tilespmem:s16], [sflag:$0x3] =	stream.linear.gather [hbm4b:s3+s4], $0x80, $0x38;
	[tilespmem:$0x14200] =	vst v63  }
0x76: {  	_ =	swait.ge [sflag:s15], $0x80  }
0x77: {  	[sflag:s15] =	ssyncset.done $0x0  }
0x78: {  	[sflag:s15] =	ssyncadd.s32 $0xFFFFFF80  }
0x79: {  	v3 =	vld [tilespmem:$0x14100]  }
0x7a: {  	v4 =	vld [tilespmem:$0x14110]  }
0x7b: {  	v5 =	vld [tilespmem:$0x14120]  }
0x7c: {  	v6 =	vld [tilespmem:$0x14130]  }
0x7d: {  	v7 =	vld [tilespmem:$0x14140]  }
0x7e: {  	v8 =	vld [tilespmem:$0x14150]  }
0x7f: {  	v9 =	vld [tilespmem:$0x14160]  }
0x80: {  	v10 =	vld [tilespmem:$0x14170]  }
0x81: {  	v11 =	vld [tilespmem:$0x14180]  }
0x82: {  	v12 =	vld [tilespmem:$0x14190]  }
0x83: {  	v13 =	vld [tilespmem:$0x141A0]  }
0x84: {  	v14 =	vld [tilespmem:$0x141B0]  }
0x85: {  	v15 =	vld [tilespmem:$0x141C0]  }
0x86: {  	v16 =	vld [tilespmem:$0x141D0]  }
0x87: {  	v17 =	vld [tilespmem:$0x141E0]  }
0x88: {  	s19 =	simm.s32 $0xFFFFFFFC;
	s20 =	simm.s32 $0xCA0;
	s21 =	simm.s32 $0x20;
	v18 =	vld [tilespmem:$0x141F0]  }
.LBB2_9:
0x89: {  	v20 =	vld [tilespmem:s20+$0xFFFFFFE0];
	_ =	sdelay $0x4  }
0x8a: {  	(v2sf) =	vpush v20, $0x0;
	_ =	sdelay $0x5  }
0x8b: {  	v19 =	vld [tilespmem:s21+$0xFFFFFFE0];
	_ =	sdelay $0x2  }
0x8c: {  	(v2sf) =	vpush v20, $0x1;
	_ =	sdelay $0x1  }
0x8d: {  	v21 =	vbroadcast v19, $0x0;
	_ =	sdelay $0x1  }
0x8e: {  	v22 =	vmul.f32 v21, v3  }
0x8f: {  	v23 =	vmul.f32 v21, v4  }
0x90: {  	v24 =	vmul.f32 v21, v5;
	v25 =	vmul.f32 v21, v6;
	v22 =	vadd.f32 v22, v11;
	s22 =	spop (v2sf)  }
0x91: {  	v26 =	vmul.f32 v21, v7;
	v33 =	vmul.f32 v21, v8;
	v23 =	vadd.f32 v23, v12;
	s23 =	sshll.u32 s22, $0x9  }
0x92: {  	v35 =	vmul.f32 v21, v9;
	v24 =	vadd.f32 v24, v13;
	v22 =	vmax.f32 v22, $0.0e+00;
	s23 =	sshra.s32 s23, $0x2  }
0x93: {  	v34 =	vadd.f32 v26, v15;
	v23 =	vmax.f32 v23, $0.0e+00;
	(v2sf) =	vpush v20, $0x2;
	[tilespmem:s23+$0x1900] =	vst.add.f32.msk $0xffff, v22  }
0x94: {  	v21 =	vmul.f32 v21, v10;
	v36 =	vadd.f32 v33, v16;
	v24 =	vmax.f32 v24, $0.0e+00;
	[tilespmem:s23+$0x1910] =	vst.add.f32.msk $0xffff, v23  }
0x95: {  	v27 =	vbroadcast v19, $0x1;
	v38 =	vadd.f32 v35, v17;
	v37 =	vmax.f32 v34, $0.0e+00;
	[tilespmem:s23+$0x1920] =	vst.add.f32.msk $0xffff, v24  }
0x96: {  	v21 =	vadd.f32 v21, v18;
	v40 =	vmax.f32 v36, $0.0e+00;
	[tilespmem:s23+$0x1940] =	vst.add.f32.msk $0xffff, v37  }
0x97: {  	v39 =	vmul.f32 v27, v3;
	v32 =	vadd.f32 v25, v14;
	v42 =	vmax.f32 v38, $0.0e+00;
	[tilespmem:s23+$0x1950] =	vst.add.f32.msk $0xffff, v40  }
0x98: {  	v55 =	vbroadcast v19, $0x2;
	v41 =	vmul.f32 v27, v4;
	v21 =	vmax.f32 v21, $0.0e+00;
	[tilespmem:s23+$0x1960] =	vst.add.f32.msk $0xffff, v42  }
0x99: {  	v44 =	vmul.f32 v27, v5;
	v43 =	vadd.f32 v39, v11;
	s24 =	spop (v2sf);
	v22 =	vmax.f32 v32, $0.0e+00;
	[tilespmem:s23+$0x1970] =	vst.add.f32.msk $0xffff, v21  }
0x9a: {  	v46 =	vmul.f32 v27, v6;
	v49 =	vmul.f32 v27, v7;
	v45 =	vadd.f32 v41, v12;
	s22 =	sshll.u32 s22, $0x4;
	s29 =	sshll.u32 s24, $0x9;
	[tilespmem:s23+$0x1930] =	vst.add.f32.msk $0xffff, v22  }
0x9b: {  	v50 =	vmul.f32 v27, v8;
	v48 =	vadd.f32 v44, v13;
	v47 =	vmax.f32 v43, $0.0e+00;
	s30 =	sshra.s32 s29, $0x2;
	[tilespmem:s22+$0x11900] =	vst.add.f32.msk $0xffff, v2  }
0x9c: {  	(v2sf) =	vpush v20, $0x3;
	v24 =	vadd.f32 v46, v14;
	v22 =	vmax.f32 v45, $0.0e+00;
	[tilespmem:s30+$0x1900] =	vst.add.f32.msk $0xffff, v47  }
0x9d: {  	v54 =	vmul.f32 v27, v9;
	v52 =	vadd.f32 v49, v15;
	v51 =	vmax.f32 v48, $0.0e+00;
	[tilespmem:s30+$0x1910] =	vst.add.f32.msk $0xffff, v22  }
0x9e: {  	v57 =	vmul.f32 v27, v10;
	v53 =	vadd.f32 v50, v16;
	v56 =	vmax.f32 v24, $0.0e+00;
	[tilespmem:s30+$0x1920] =	vst.add.f32.msk $0xffff, v51  }
0x9f: {  	v60 =	vmul.f32 v55, v3;
	v59 =	vadd.f32 v54, v17;
	v23 =	vmax.f32 v52, $0.0e+00;
	[tilespmem:s30+$0x1930] =	vst.add.f32.msk $0xffff, v56  }
0xa0: {  	v63 =	vmul.f32 v55, v5;
	v61 =	vadd.f32 v57, v18;
	v58 =	vmax.f32 v53, $0.0e+00;
	[tilespmem:s30+$0x1940] =	vst.add.f32.msk $0xffff, v23  }
0xa1: {  	v62 =	vmul.f32 v55, v4;
	v29 =	vmax.f32 v59, $0.0e+00;
	[tilespmem:s30+$0x1950] =	vst.add.f32.msk $0xffff, v58  }
0xa2: {  	v30 =	vadd.f32 v60, v11;
	v33 =	vadd.f32 v63, v13;
	v31 =	vmax.f32 v61, $0.0e+00;
	[tilespmem:s30+$0x1960] =	vst.add.f32.msk $0xffff, v29;
	s31 =	spop (v2sf)  }
0xa3: {  	v35 =	vmul.f32 v55, v6;
	v41 =	vbroadcast v19, $0x3;
	s25 =	sshll.u32 s24, $0x4;
	v32 =	vadd.f32 v62, v12;
	[tilespmem:s30+$0x1970] =	vst.add.f32.msk $0xffff, v31;
	s26 =	sshll.u32 s31, $0x9  }
0xa4: {  	v34 =	vmax.f32 v30, $0.0e+00;
	v36 =	vmul.f32 v55, v7;
	v38 =	vmul.f32 v55, v8;
	[tilespmem:s25+$0x11900] =	vst.add.f32.msk $0xffff, v2;
	s28 =	sshra.s32 s26, $0x2  }
0xa5: {  	v37 =	vadd.f32 v35, v14;
	v23 =	vmax.f32 v32, $0.0e+00;
	(v2sf) =	vpush v20, $0x4;
	[tilespmem:s28+$0x1900] =	vst.add.f32.msk $0xffff, v34  }
0xa6: {  	v39 =	vadd.f32 v36, v15;
	v40 =	vmul.f32 v55, v9;
	v24 =	vmax.f32 v33, $0.0e+00;
	[tilespmem:s28+$0x1910] =	vst.add.f32.msk $0xffff, v23  }
0xa7: {  	v42 =	vmul.f32 v55, v10;
	v21 =	vmax.f32 v37, $0.0e+00;
	v22 =	vadd.f32 v38, v16;
	[tilespmem:s28+$0x1920] =	vst.add.f32.msk $0xffff, v24  }
0xa8: {  	v43 =	vmax.f32 v39, $0.0e+00;
	v44 =	vadd.f32 v40, v17;
	[tilespmem:s28+$0x1930] =	vst.add.f32.msk $0xffff, v21  }
0xa9: {  	v45 =	vmul.f32 v41, v3;
	v47 =	vadd.f32 v42, v18;
	v46 =	vmax.f32 v22, $0.0e+00;
	[tilespmem:s28+$0x1940] =	vst.add.f32.msk $0xffff, v43  }
0xaa: {  	v48 =	vmul.f32 v41, v4;
	v57 =	vmul.f32 v41, v7;
	v49 =	vmax.f32 v44, $0.0e+00;
	[tilespmem:s28+$0x1950] =	vst.add.f32.msk $0xffff, v46  }
0xab: {  	v50 =	vadd.f32 v45, v11;
	v51 =	vmul.f32 v41, v5;
	v52 =	vmax.f32 v47, $0.0e+00;
	s29 =	spop (v2sf);
	[tilespmem:s28+$0x1960] =	vst.add.f32.msk $0xffff, v49  }
0xac: {  	v63 =	vbroadcast v19, $0x4;
	v53 =	vadd.f32 v48, v12;
	v60 =	vadd.f32 v57, v15;
	s30 =	sshll.u32 s31, $0x4;
	s31 =	sshll.u32 s29, $0x9;
	[tilespmem:s28+$0x1970] =	vst.add.f32.msk $0xffff, v52  }
0xad: {  	v58 =	vmul.f32 v41, v8;
	v55 =	vmax.f32 v50, $0.0e+00;
	v56 =	vadd.f32 v51, v13;
	s25 =	sshra.s32 s31, $0x2;
	[tilespmem:s30+$0x11900] =	vst.add.f32.msk $0xffff, v2  }
0xae: {  	v62 =	vmul.f32 v41, v9;
	v22 =	vmax.f32 v53, $0.0e+00;
	(v2sf) =	vpush v20, $0x5;
	[tilespmem:s25+$0x1900] =	vst.add.f32.msk $0xffff, v55  }
0xaf: {  	v54 =	vmul.f32 v41, v6;
	v61 =	vadd.f32 v58, v16;
	v59 =	vmax.f32 v56, $0.0e+00;
	[tilespmem:s25+$0x1910] =	vst.add.f32.msk $0xffff, v22  }
0xb0: {  	v30 =	vmul.f32 v41, v10;
	v32 =	vadd.f32 v62, v17;
	v23 =	vmax.f32 v60, $0.0e+00;
	[tilespmem:s25+$0x1920] =	vst.add.f32.msk $0xffff, v59  }
0xb1: {  	v31 =	vmax.f32 v61, $0.0e+00;
	v24 =	vadd.f32 v54, v14;
	[tilespmem:s25+$0x1940] =	vst.add.f32.msk $0xffff, v23  }
0xb2: {  	v33 =	vmul.f32 v63, v3;
	v37 =	vmax.f32 v32, $0.0e+00;
	v34 =	vadd.f32 v30, v18;
	[tilespmem:s25+$0x1950] =	vst.add.f32.msk $0xffff, v31  }
0xb3: {  	v36 =	vmul.f32 v63, v5;
	v35 =	vmul.f32 v63, v4;
	v29 =	vmax.f32 v24, $0.0e+00;
	[tilespmem:s25+$0x1960] =	vst.add.f32.msk $0xffff, v37  }
0xb4: {  	v48 =	vmul.f32 v63, v9;
	v38 =	vadd.f32 v33, v11;
	v39 =	vmax.f32 v34, $0.0e+00;
	[tilespmem:s25+$0x1930] =	vst.add.f32.msk $0xffff, v29;
	s26 =	spop (v2sf)  }
0xb5: {  	v40 =	vadd.f32 v35, v12;
	v41 =	vadd.f32 v36, v13;
	s28 =	sshll.u32 s29, $0x4;
	v43 =	vmul.f32 v63, v6;
	[tilespmem:s25+$0x1970] =	vst.add.f32.msk $0xffff, v39;
	s29 =	sshll.u32 s26, $0x9  }
0xb6: {  	v44 =	vmul.f32 v63, v7;
	v42 =	vmax.f32 v38, $0.0e+00;
	v46 =	vmul.f32 v63, v8;
	[tilespmem:s28+$0x11900] =	vst.add.f32.msk $0xffff, v2;
	s30 =	sshra.s32 s29, $0x2  }
0xb7: {  	v23 =	vmax.f32 v40, $0.0e+00;
	v45 =	vadd.f32 v43, v14;
	(v2sf) =	vpush v20, $0x6;
	[tilespmem:s30+$0x1900] =	vst.add.f32.msk $0xffff, v42  }
0xb8: {  	v50 =	vmul.f32 v63, v10;
	v47 =	vadd.f32 v44, v15;
	v24 =	vmax.f32 v41, $0.0e+00;
	[tilespmem:s30+$0x1910] =	vst.add.f32.msk $0xffff, v23  }
0xb9: {  	v49 =	vbroadcast v19, $0x5;
	v22 =	vadd.f32 v46, v16;
	v21 =	vmax.f32 v45, $0.0e+00;
	[tilespmem:s30+$0x1920] =	vst.add.f32.msk $0xffff, v24  }
0xba: {  	v51 =	vmax.f32 v47, $0.0e+00;
	v52 =	vadd.f32 v48, v17;
	[tilespmem:s30+$0x1930] =	vst.add.f32.msk $0xffff, v21  }
0xbb: {  	v53 =	vmul.f32 v49, v3;
	v55 =	vadd.f32 v50, v18;
	v54 =	vmax.f32 v22, $0.0e+00;
	[tilespmem:s30+$0x1940] =	vst.add.f32.msk $0xffff, v51  }
0xbc: {  	v35 =	vbroadcast v19, $0x6;
	v56 =	vmul.f32 v49, v4;
	v57 =	vmax.f32 v52, $0.0e+00;
	[tilespmem:s30+$0x1950] =	vst.add.f32.msk $0xffff, v54  }
0xbd: {  	v59 =	vmul.f32 v49, v5;
	v58 =	vadd.f32 v53, v11;
	v60 =	vmax.f32 v55, $0.0e+00;
	s31 =	spop (v2sf);
	[tilespmem:s30+$0x1960] =	vst.add.f32.msk $0xffff, v57  }
0xbe: {  	v30 =	vmul.f32 v49, v8;
	v29 =	vmul.f32 v49, v7;
	v61 =	vadd.f32 v56, v12;
	s25 =	sshll.u32 s26, $0x4;
	s26 =	sshll.u32 s31, $0x9;
	[tilespmem:s30+$0x1970] =	vst.add.f32.msk $0xffff, v60  }
0xbf: {  	v34 =	vmul.f32 v49, v9;
	v28 =	vadd.f32 v59, v13;
	v63 =	vmax.f32 v58, $0.0e+00;
	s28 =	sshra.s32 s26, $0x2;
	[tilespmem:s25+$0x11900] =	vst.add.f32.msk $0xffff, v2  }
0xc0: {  	v32 =	vadd.f32 v29, v15;
	v22 =	vmax.f32 v61, $0.0e+00;
	(v2sf) =	vpush v20, $0x7;
	[tilespmem:s28+$0x1900] =	vst.add.f32.msk $0xffff, v63  }
0xc1: {  	v37 =	vmul.f32 v49, v10;
	v33 =	vadd.f32 v30, v16;
	v31 =	vmax.f32 v28, $0.0e+00;
	[tilespmem:s28+$0x1910] =	vst.add.f32.msk $0xffff, v22  }
0xc2: {  	v62 =	vmul.f32 v49, v6;
	v39 =	vadd.f32 v34, v17;
	v23 =	vmax.f32 v32, $0.0e+00;
	[tilespmem:s28+$0x1920] =	vst.add.f32.msk $0xffff, v31  }
0xc3: {  	v40 =	vmul.f32 v35, v3;
	v41 =	vadd.f32 v37, v18;
	v38 =	vmax.f32 v33, $0.0e+00;
	[tilespmem:s28+$0x1940] =	vst.add.f32.msk $0xffff, v23  }
0xc4: {  	v43 =	vmul.f32 v35, v5;
	v44 =	vmax.f32 v39, $0.0e+00;
	v24 =	vadd.f32 v62, v14;
	[tilespmem:s28+$0x1950] =	vst.add.f32.msk $0xffff, v38  }
0xc5: {  	v50 =	vmul.f32 v35, v6;
	v46 =	vmax.f32 v41, $0.0e+00;
	v42 =	vmul.f32 v35, v4;
	[tilespmem:s28+$0x1960] =	vst.add.f32.msk $0xffff, v44  }
0xc6: {  	v45 =	vadd.f32 v40, v11;
	v48 =	vadd.f32 v43, v13;
	v36 =	vmax.f32 v24, $0.0e+00;
	[tilespmem:s28+$0x1970] =	vst.add.f32.msk $0xffff, v46;
	s29 =	spop (v2sf)  }
0xc7: {  	v52 =	vadd.f32 v50, v14;
	s30 =	sshll.u32 s31, $0x4;
	v47 =	vadd.f32 v42, v12;
	[tilespmem:s28+$0x1930] =	vst.add.f32.msk $0xffff, v36;
	s31 =	sshll.u32 s29, $0x9  }
0xc8: {  	v53 =	vmul.f32 v35, v8;
	v49 =	vmax.f32 v45, $0.0e+00;
	v51 =	vmul.f32 v35, v7;
	[tilespmem:s30+$0x11900] =	vst.add.f32.msk $0xffff, v2;
	s25 =	sshra.s32 s31, $0x2  }
0xc9: {  	v55 =	vmul.f32 v35, v9;
	v23 =	vmax.f32 v47, $0.0e+00;
	(v2sf) =	vpush v20, $0x8;
	[tilespmem:s25+$0x1900] =	vst.add.f32.msk $0xffff, v49  }
0xca: {  	v56 =	vbroadcast v19, $0x7;
	v24 =	vmax.f32 v48, $0.0e+00;
	v54 =	vadd.f32 v51, v15;
	[tilespmem:s25+$0x1910] =	vst.add.f32.msk $0xffff, v23  }
0xcb: {  	v21 =	vmax.f32 v52, $0.0e+00;
	v57 =	vmul.f32 v35, v10;
	v22 =	vadd.f32 v53, v16;
	[tilespmem:s25+$0x1920] =	vst.add.f32.msk $0xffff, v24  }
0xcc: {  	v59 =	vadd.f32 v55, v17;
	v58 =	vmax.f32 v54, $0.0e+00;
	[tilespmem:s25+$0x1930] =	vst.add.f32.msk $0xffff, v21  }
0xcd: {  	v60 =	vmul.f32 v56, v3;
	v62 =	vadd.f32 v57, v18;
	v61 =	vmax.f32 v22, $0.0e+00;
	[tilespmem:s25+$0x1940] =	vst.add.f32.msk $0xffff, v58  }
0xce: {  	v30 =	vmul.f32 v56, v5;
	v28 =	vmax.f32 v59, $0.0e+00;
	v63 =	vmul.f32 v56, v4;
	[tilespmem:s25+$0x1950] =	vst.add.f32.msk $0xffff, v61  }
0xcf: {  	v33 =	vmul.f32 v56, v6;
	v29 =	vadd.f32 v60, v11;
	v31 =	vmax.f32 v62, $0.0e+00;
	s26 =	spop (v2sf);
	[tilespmem:s25+$0x1960] =	vst.add.f32.msk $0xffff, v28  }
0xd0: {  	v37 =	vmul.f32 v56, v8;
	v36 =	vmul.f32 v56, v7;
	v32 =	vadd.f32 v63, v12;
	s28 =	sshll.u32 s29, $0x4;
	s29 =	sshll.u32 s26, $0x9;
	[tilespmem:s25+$0x1970] =	vst.add.f32.msk $0xffff, v31  }
0xd1: {  	v41 =	vmul.f32 v56, v9;
	v35 =	vadd.f32 v30, v13;
	v34 =	vmax.f32 v29, $0.0e+00;
	s30 =	sshra.s32 s29, $0x2;
	[tilespmem:s28+$0x11900] =	vst.add.f32.msk $0xffff, v2  }
0xd2: {  	v39 =	vadd.f32 v36, v15;
	v22 =	vmax.f32 v32, $0.0e+00;
	(v2sf) =	vpush v20, $0x9;
	[tilespmem:s30+$0x1900] =	vst.add.f32.msk $0xffff, v34  }
0xd3: {  	v40 =	vadd.f32 v37, v16;
	v38 =	vmax.f32 v35, $0.0e+00;
	v44 =	vmul.f32 v56, v10;
	[tilespmem:s30+$0x1910] =	vst.add.f32.msk $0xffff, v22  }
0xd4: {  	v42 =	vbroadcast v19, $0x8;
	v46 =	vadd.f32 v41, v17;
	v23 =	vmax.f32 v39, $0.0e+00;
	[tilespmem:s30+$0x1920] =	vst.add.f32.msk $0xffff, v38  }
0xd5: {  	v45 =	vmax.f32 v40, $0.0e+00;
	v48 =	vadd.f32 v44, v18;
	[tilespmem:s30+$0x1940] =	vst.add.f32.msk $0xffff, v23  }
0xd6: {  	v47 =	vmul.f32 v42, v3;
	v51 =	vmax.f32 v46, $0.0e+00;
	v24 =	vadd.f32 v33, v14;
	[tilespmem:s30+$0x1950] =	vst.add.f32.msk $0xffff, v45  }
0xd7: {  	v50 =	vmul.f32 v42, v5;
	v53 =	vmax.f32 v48, $0.0e+00;
	v49 =	vmul.f32 v42, v4;
	[tilespmem:s30+$0x1960] =	vst.add.f32.msk $0xffff, v51  }
0xd8: {  	v57 =	vmul.f32 v42, v6;
	v52 =	vadd.f32 v47, v11;
	v43 =	vmax.f32 v24, $0.0e+00;
	[tilespmem:s30+$0x1970] =	vst.add.f32.msk $0xffff, v53;
	s31 =	spop (v2sf)  }
0xd9: {  	v60 =	vmul.f32 v42, v8;
	v62 =	vmul.f32 v42, v9;
	s25 =	sshll.u32 s26, $0x4;
	v54 =	vadd.f32 v49, v12;
	[tilespmem:s30+$0x1930] =	vst.add.f32.msk $0xffff, v43;
	s26 =	sshll.u32 s31, $0x9  }
0xda: {  	v55 =	vadd.f32 v50, v13;
	v56 =	vmax.f32 v52, $0.0e+00;
	v58 =	vmul.f32 v42, v7;
	[tilespmem:s25+$0x11900] =	vst.add.f32.msk $0xffff, v2;
	s28 =	sshra.s32 s26, $0x2  }
0xdb: {  	v59 =	vadd.f32 v57, v14;
	v23 =	vmax.f32 v54, $0.0e+00;
	(v2sf) =	vpush v20, $0xA;
	[tilespmem:s28+$0x1900] =	vst.add.f32.msk $0xffff, v56  }
0xdc: {  	v63 =	vbroadcast v19, $0x9;
	v24 =	vmax.f32 v55, $0.0e+00;
	v61 =	vadd.f32 v58, v15;
	[tilespmem:s28+$0x1910] =	vst.add.f32.msk $0xffff, v23  }
0xdd: {  	v30 =	vmul.f32 v42, v10;
	v21 =	vmax.f32 v59, $0.0e+00;
	v22 =	vadd.f32 v60, v16;
	[tilespmem:s28+$0x1920] =	vst.add.f32.msk $0xffff, v24  }
0xde: {  	v32 =	vadd.f32 v62, v17;
	v31 =	vmax.f32 v61, $0.0e+00;
	[tilespmem:s28+$0x1930] =	vst.add.f32.msk $0xffff, v21  }
0xdf: {  	v35 =	vadd.f32 v30, v18;
	v33 =	vmul.f32 v63, v3;
	v34 =	vmax.f32 v22, $0.0e+00;
	[tilespmem:s28+$0x1940] =	vst.add.f32.msk $0xffff, v31  }
0xe0: {  	v36 =	vmul.f32 v63, v4;
	v46 =	vmul.f32 v63, v8;
	v37 =	vmax.f32 v32, $0.0e+00;
	[tilespmem:s28+$0x1950] =	vst.add.f32.msk $0xffff, v34  }
0xe1: {  	v40 =	vmax.f32 v35, $0.0e+00;
	v39 =	vmul.f32 v63, v5;
	v38 =	vadd.f32 v33, v11;
	s29 =	spop (v2sf);
	[tilespmem:s28+$0x1960] =	vst.add.f32.msk $0xffff, v37  }
0xe2: {  	v50 =	vmul.f32 v63, v9;
	v41 =	vadd.f32 v36, v12;
	v45 =	vmul.f32 v63, v7;
	s30 =	sshll.u32 s31, $0x4;
	s31 =	sshll.u32 s29, $0x9;
	[tilespmem:s28+$0x1970] =	vst.add.f32.msk $0xffff, v40  }
0xe3: {  	v42 =	vmul.f32 v63, v6;
	v44 =	vadd.f32 v39, v13;
	v43 =	vmax.f32 v38, $0.0e+00;
	s25 =	sshra.s32 s31, $0x2;
	[tilespmem:s30+$0x11900] =	vst.add.f32.msk $0xffff, v2  }
0xe4: {  	v22 =	vmax.f32 v41, $0.0e+00;
	v48 =	vadd.f32 v45, v15;
	(v2sf) =	vpush v20, $0xB;
	[tilespmem:s25+$0x1900] =	vst.add.f32.msk $0xffff, v43  }
0xe5: {  	v49 =	vadd.f32 v46, v16;
	v53 =	vmul.f32 v63, v10;
	v47 =	vmax.f32 v44, $0.0e+00;
	[tilespmem:s25+$0x1910] =	vst.add.f32.msk $0xffff, v22  }
0xe6: {  	v51 =	vbroadcast v19, $0xA;
	v55 =	vadd.f32 v50, v17;
	v23 =	vmax.f32 v48, $0.0e+00;
	[tilespmem:s25+$0x1920] =	vst.add.f32.msk $0xffff, v47  }
0xe7: {  	v54 =	vmax.f32 v49, $0.0e+00;
	v57 =	vadd.f32 v53, v18;
	[tilespmem:s25+$0x1940] =	vst.add.f32.msk $0xffff, v23  }
0xe8: {  	v60 =	vmax.f32 v55, $0.0e+00;
	v24 =	vadd.f32 v42, v14;
	v56 =	vmul.f32 v51, v3;
	[tilespmem:s25+$0x1950] =	vst.add.f32.msk $0xffff, v54  }
0xe9: {  	v36 =	vbroadcast v19, $0xB;
	v58 =	vmul.f32 v51, v4;
	v62 =	vmax.f32 v57, $0.0e+00;
	[tilespmem:s25+$0x1960] =	vst.add.f32.msk $0xffff, v60  }
0xea: {  	v59 =	vmul.f32 v51, v5;
	v52 =	vmax.f32 v24, $0.0e+00;
	v61 =	vadd.f32 v56, v11;
	[tilespmem:s25+$0x1970] =	vst.add.f32.msk $0xffff, v62;
	s26 =	spop (v2sf)  }
0xeb: {  	v30 =	vmul.f32 v51, v6;
	v33 =	vmul.f32 v51, v8;
	v63 =	vadd.f32 v58, v12;
	s28 =	sshll.u32 s29, $0x4;
	[tilespmem:s25+$0x1930] =	vst.add.f32.msk $0xffff, v52;
	s29 =	sshll.u32 s26, $0x9  }
0xec: {  	v28 =	vadd.f32 v59, v13;
	v31 =	vmul.f32 v51, v7;
	v29 =	vmax.f32 v61, $0.0e+00;
	[tilespmem:s28+$0x11900] =	vst.add.f32.msk $0xffff, v2;
	s30 =	sshra.s32 s29, $0x2  }
0xed: {  	v32 =	vadd.f32 v30, v14;
	v23 =	vmax.f32 v63, $0.0e+00;
	(v2sf) =	vpush v20, $0xC;
	[tilespmem:s30+$0x1900] =	vst.add.f32.msk $0xffff, v29  }
0xee: {  	v35 =	vmul.f32 v51, v9;
	v24 =	vmax.f32 v28, $0.0e+00;
	v34 =	vadd.f32 v31, v15;
	[tilespmem:s30+$0x1910] =	vst.add.f32.msk $0xffff, v23  }
0xef: {  	v21 =	vmax.f32 v32, $0.0e+00;
	v37 =	vmul.f32 v51, v10;
	v22 =	vadd.f32 v33, v16;
	[tilespmem:s30+$0x1920] =	vst.add.f32.msk $0xffff, v24  }
0xf0: {  	v39 =	vadd.f32 v35, v17;
	v38 =	vmax.f32 v34, $0.0e+00;
	[tilespmem:s30+$0x1930] =	vst.add.f32.msk $0xffff, v21  }
0xf1: {  	v40 =	vmul.f32 v36, v3;
	v42 =	vadd.f32 v37, v18;
	v41 =	vmax.f32 v22, $0.0e+00;
	[tilespmem:s30+$0x1940] =	vst.add.f32.msk $0xffff, v38  }
0xf2: {  	v46 =	vmul.f32 v36, v5;
	v44 =	vmax.f32 v39, $0.0e+00;
	v43 =	vmul.f32 v36, v4;
	[tilespmem:s30+$0x1950] =	vst.add.f32.msk $0xffff, v41  }
0xf3: {  	v49 =	vmul.f32 v36, v6;
	v45 =	vadd.f32 v40, v11;
	v47 =	vmax.f32 v42, $0.0e+00;
	s31 =	spop (v2sf);
	[tilespmem:s30+$0x1960] =	vst.add.f32.msk $0xffff, v44  }
0xf4: {  	v53 =	vmul.f32 v36, v8;
	v52 =	vmul.f32 v36, v7;
	v48 =	vadd.f32 v43, v12;
	s25 =	sshll.u32 s26, $0x4;
	s26 =	sshll.u32 s31, $0x9;
	[tilespmem:s30+$0x1970] =	vst.add.f32.msk $0xffff, v47  }
0xf5: {  	v57 =	vmul.f32 v36, v9;
	v51 =	vadd.f32 v46, v13;
	v50 =	vmax.f32 v45, $0.0e+00;
	s28 =	sshra.s32 s26, $0x2;
	[tilespmem:s25+$0x11900] =	vst.add.f32.msk $0xffff, v2  }
0xf6: {  	v55 =	vadd.f32 v52, v15;
	v22 =	vmax.f32 v48, $0.0e+00;
	(v2sf) =	vpush v20, $0xD;
	[tilespmem:s28+$0x1900] =	vst.add.f32.msk $0xffff, v50  }
0xf7: {  	v54 =	vmax.f32 v51, $0.0e+00;
	v56 =	vadd.f32 v53, v16;
	v60 =	vmul.f32 v36, v10;
	[tilespmem:s28+$0x1910] =	vst.add.f32.msk $0xffff, v22  }
0xf8: {  	v58 =	vbroadcast v19, $0xC;
	v62 =	vadd.f32 v57, v17;
	v23 =	vmax.f32 v55, $0.0e+00;
	[tilespmem:s28+$0x1920] =	vst.add.f32.msk $0xffff, v54  }
0xf9: {  	v61 =	vmax.f32 v56, $0.0e+00;
	v30 =	vadd.f32 v60, v18;
	[tilespmem:s28+$0x1940] =	vst.add.f32.msk $0xffff, v23  }
0xfa: {  	v63 =	vmul.f32 v58, v3;
	v33 =	vmax.f32 v62, $0.0e+00;
	v24 =	vadd.f32 v49, v14;
	[tilespmem:s28+$0x1950] =	vst.add.f32.msk $0xffff, v61  }
0xfb: {  	v32 =	vmul.f32 v58, v5;
	v31 =	vmul.f32 v58, v4;
	v35 =	vmax.f32 v30, $0.0e+00;
	[tilespmem:s28+$0x1960] =	vst.add.f32.msk $0xffff, v33  }
0xfc: {  	v39 =	vmul.f32 v58, v7;
	v34 =	vadd.f32 v63, v11;
	v59 =	vmax.f32 v24, $0.0e+00;
	[tilespmem:s28+$0x1970] =	vst.add.f32.msk $0xffff, v35;
	s29 =	spop (v2sf)  }
0xfd: {  	v37 =	vadd.f32 v32, v13;
	v36 =	vadd.f32 v31, v12;
	s30 =	sshll.u32 s31, $0x4;
	v38 =	vmul.f32 v58, v6;
	[tilespmem:s28+$0x1930] =	vst.add.f32.msk $0xffff, v59;
	s31 =	sshll.u32 s29, $0x9  }
0xfe: {  	v40 =	vadd.f32 v39, v15;
	v42 =	vmul.f32 v58, v9;
	v22 =	vmax.f32 v34, $0.0e+00;
	[tilespmem:s30+$0x11900] =	vst.add.f32.msk $0xffff, v2;
	s25 =	sshra.s32 s31, $0x2  }
0xff: {  	v41 =	vmul.f32 v58, v8;
	v23 =	vmax.f32 v36, $0.0e+00;
	v21 =	vadd.f32 v38, v14;
	[tilespmem:s25+$0x1900] =	vst.add.f32.msk $0xffff, v22  }
0x100: {  	v43 =	vbroadcast v19, $0xD;
	v24 =	vmax.f32 v37, $0.0e+00;
	(v2sf) =	vpush v20, $0xE;
	[tilespmem:s25+$0x1910] =	vst.add.f32.msk $0xffff, v23  }
0x101: {  	v45 =	vmul.f32 v58, v10;
	v44 =	vadd.f32 v41, v16;
	v21 =	vmax.f32 v21, $0.0e+00;
	[tilespmem:s25+$0x1920] =	vst.add.f32.msk $0xffff, v24  }
0x102: {  	v46 =	vmax.f32 v40, $0.0e+00;
	v47 =	vadd.f32 v42, v17;
	[tilespmem:s25+$0x1930] =	vst.add.f32.msk $0xffff, v21  }
0x103: {  	v48 =	vmul.f32 v43, v3;
	v50 =	vadd.f32 v45, v18;
	v49 =	vmax.f32 v44, $0.0e+00;
	[tilespmem:s25+$0x1940] =	vst.add.f32.msk $0xffff, v46  }
0x104: {  	v53 =	vmul.f32 v43, v4;
	v51 =	vmax.f32 v47, $0.0e+00;
	[tilespmem:s25+$0x1950] =	vst.add.f32.msk $0xffff, v49  }
0x105: {  	v52 =	vadd.f32 v48, v11;
	v55 =	vmul.f32 v43, v5;
	v54 =	vmax.f32 v50, $0.0e+00;
	s26 =	spop (v2sf);
	[tilespmem:s25+$0x1960] =	vst.add.f32.msk $0xffff, v51  }
0x106: {  	v56 =	vmul.f32 v43, v6;
	v58 =	vadd.f32 v53, v12;
	s28 =	sshll.u32 s29, $0x4;
	s29 =	sshll.u32 s26, $0x9;
	[tilespmem:s25+$0x1970] =	vst.add.f32.msk $0xffff, v54  }
0x107: {  	v57 =	vmax.f32 v52, $0.0e+00;
	v61 =	vmul.f32 v43, v7;
	v59 =	vadd.f32 v55, v13;
	s30 =	sshra.s32 s29, $0x2;
	[tilespmem:s28+$0x11900] =	vst.add.f32.msk $0xffff, v2  }
0x108: {  	v63 =	vmul.f32 v43, v8;
	v60 =	vadd.f32 v56, v14;
	v62 =	vmax.f32 v58, $0.0e+00;
	[tilespmem:s30+$0x1900] =	vst.add.f32.msk $0xffff, v57  }
0x109: {  	v32 =	vmul.f32 v43, v9;
	v30 =	vadd.f32 v61, v15;
	v28 =	vmax.f32 v59, $0.0e+00;
	[tilespmem:s30+$0x1910] =	vst.add.f32.msk $0xffff, v62  }
0x10a: {  	v31 =	vadd.f32 v63, v16;
	v29 =	vmax.f32 v60, $0.0e+00;
	(v2sf) =	vpush v20, $0xF;
	[tilespmem:s30+$0x1920] =	vst.add.f32.msk $0xffff, v28  }
0x10b: {  	v33 =	vmul.f32 v43, v10;
	v34 =	vbroadcast v19, $0xE;
	v20 =	vmax.f32 v30, $0.0e+00;
	[tilespmem:s30+$0x1930] =	vst.add.f32.msk $0xffff, v29  }
0x10c: {  	v35 =	vadd.f32 v32, v17;
	[tilespmem:s30+$0x1940] =	vst.add.f32.msk $0xffff, v20;
	v20 =	vmax.f32 v31, $0.0e+00  }
0x10d: {  	v36 =	vadd.f32 v33, v18;
	v37 =	vmul.f32 v34, v3;
	[tilespmem:s30+$0x1950] =	vst.add.f32.msk $0xffff, v20  }
0x10e: {  	v38 =	vmul.f32 v34, v4;
	v21 =	vmax.f32 v35, $0.0e+00;
	v20 =	vld [tilespmem:s20+$0xFFFFFFF0]  }
0x10f: {  	v39 =	vmul.f32 v34, v5;
	v40 =	vmax.f32 v36, $0.0e+00;
	v41 =	vadd.f32 v37, v11;
	[tilespmem:s30+$0x1960] =	vst.add.f32.msk $0xffff, v21;
	s31 =	spop (v2sf)  }
0x110: {  	v42 =	vmul.f32 v34, v6;
	v43 =	vadd.f32 v38, v12;
	s25 =	sshll.u32 s26, $0x4;
	[tilespmem:s30+$0x1970] =	vst.add.f32.msk $0xffff, v40;
	s26 =	sshll.u32 s31, $0x9  }
0x111: {  	v45 =	vmul.f32 v34, v7;
	v44 =	vadd.f32 v39, v13;
	v22 =	vmax.f32 v41, $0.0e+00;
	[tilespmem:s25+$0x11900] =	vst.add.f32.msk $0xffff, v2;
	s28 =	sshra.s32 s26, $0x2  }
0x112: {  	v47 =	vmul.f32 v34, v8;
	v23 =	vadd.f32 v42, v14;
	v21 =	vmax.f32 v43, $0.0e+00;
	[tilespmem:s28+$0x1900] =	vst.add.f32.msk $0xffff, v22  }
0x113: {  	v46 =	vmax.f32 v44, $0.0e+00;
	v49 =	vadd.f32 v45, v15;
	(v2sf) =	vpush v20, $0x0;
	[tilespmem:s28+$0x1910] =	vst.add.f32.msk $0xffff, v21  }
0x114: {  	v50 =	vadd.f32 v47, v16;
	v51 =	vmul.f32 v34, v9;
	v48 =	vmax.f32 v23, $0.0e+00;
	[tilespmem:s28+$0x1920] =	vst.add.f32.msk $0xffff, v46  }
0x115: {  	v52 =	vbroadcast v19, $0xF;
	v53 =	vmul.f32 v34, v10;
	v19 =	vmax.f32 v49, $0.0e+00;
	[tilespmem:s28+$0x1930] =	vst.add.f32.msk $0xffff, v48  }
0x116: {  	v54 =	vadd.f32 v51, v17;
	[tilespmem:s28+$0x1940] =	vst.add.f32.msk $0xffff, v19;
	v19 =	vmax.f32 v50, $0.0e+00  }
0x117: {  	v55 =	vmul.f32 v52, v3;
	v21 =	vadd.f32 v53, v18;
	[tilespmem:s28+$0x1950] =	vst.add.f32.msk $0xffff, v19  }
0x118: {  	v56 =	vmul.f32 v52, v4;
	v61 =	vmul.f32 v52, v6;
	v22 =	vmax.f32 v54, $0.0e+00;
	v19 =	vld [tilespmem:s21+$0xFFFFFFF0]  }
0x119: {  	v57 =	vmul.f32 v52, v5;
	v23 =	vadd.f32 v55, v11;
	s29 =	spop (v2sf);
	[tilespmem:s28+$0x1960] =	vst.add.f32.msk $0xffff, v22;
	v21 =	vmax.f32 v21, $0.0e+00  }
0x11a: {  	v58 =	vadd.f32 v56, v12;
	v32 =	vmul.f32 v52, v9;
	v63 =	vadd.f32 v61, v14;
	s30 =	sshll.u32 s31, $0x4;
	s31 =	sshll.u32 s29, $0x9;
	[tilespmem:s28+$0x1970] =	vst.add.f32.msk $0xffff, v21  }
0x11b: {  	v62 =	vmul.f32 v52, v7;
	v59 =	vadd.f32 v57, v13;
	v60 =	vmax.f32 v23, $0.0e+00;
	s25 =	sshra.s32 s31, $0x2;
	[tilespmem:s30+$0x11900] =	vst.add.f32.msk $0xffff, v2  }
0x11c: {  	v30 =	vmul.f32 v52, v8;
	(v2sf) =	vpush v20, $0x1;
	v22 =	vmax.f32 v58, $0.0e+00;
	[tilespmem:s25+$0x1900] =	vst.add.f32.msk $0xffff, v60  }
0x11d: {  	v34 =	vmul.f32 v52, v10;
	v31 =	vadd.f32 v62, v15;
	v24 =	vmax.f32 v59, $0.0e+00;
	[tilespmem:s25+$0x1910] =	vst.add.f32.msk $0xffff, v22  }
0x11e: {  	v23 =	vadd.f32 v30, v16;
	v21 =	vmax.f32 v63, $0.0e+00;
	[tilespmem:s25+$0x1920] =	vst.add.f32.msk $0xffff, v24;
	v33 =	vbroadcast v19, $0x0  }
0x11f: {  	v36 =	vadd.f32 v32, v17;
	v39 =	vadd.f32 v34, v18;
	v35 =	vmax.f32 v31, $0.0e+00;
	[tilespmem:s25+$0x1930] =	vst.add.f32.msk $0xffff, v21  }
0x120: {  	v38 =	vmax.f32 v23, $0.0e+00;
	[tilespmem:s25+$0x1940] =	vst.add.f32.msk $0xffff, v35;
	v37 =	vmul.f32 v33, v3  }
0x121: {  	v41 =	vmax.f32 v36, $0.0e+00;
	v44 =	vmax.f32 v39, $0.0e+00;
	[tilespmem:s25+$0x1950] =	vst.add.f32.msk $0xffff, v38;
	v40 =	vmul.f32 v33, v4  }
0x122: {  	[tilespmem:s25+$0x1960] =	vst.add.f32.msk $0xffff, v41;
	v57 =	vbroadcast v19, $0x1;
	v43 =	vmul.f32 v33, v5;
	v42 =	vadd.f32 v37, v11;
	s26 =	spop (v2sf)  }
0x123: {  	s28 =	sshll.u32 s29, $0x4;
	[tilespmem:s25+$0x1970] =	vst.add.f32.msk $0xffff, v44;
	v46 =	vmul.f32 v33, v6;
	v49 =	vmul.f32 v33, v7;
	v45 =	vadd.f32 v40, v12;
	s29 =	sshll.u32 s26, $0x9  }
0x124: {  	[tilespmem:s28+$0x11900] =	vst.add.f32.msk $0xffff, v2;
	v51 =	vmul.f32 v33, v8;
	v48 =	vadd.f32 v43, v13;
	v47 =	vmax.f32 v42, $0.0e+00;
	s30 =	sshra.s32 s29, $0x2  }
0x125: {  	v24 =	vadd.f32 v46, v14;
	v23 =	vmax.f32 v45, $0.0e+00;
	(v2sf) =	vpush v20, $0x2;
	[tilespmem:s30+$0x1900] =	vst.add.f32.msk $0xffff, v47  }
0x126: {  	v54 =	vmul.f32 v33, v9;
	v53 =	vadd.f32 v49, v15;
	v50 =	vmax.f32 v48, $0.0e+00;
	[tilespmem:s30+$0x1910] =	vst.add.f32.msk $0xffff, v23  }
0x127: {  	v56 =	vmul.f32 v33, v10;
	v55 =	vadd.f32 v51, v16;
	v52 =	vmax.f32 v24, $0.0e+00;
	[tilespmem:s30+$0x1920] =	vst.add.f32.msk $0xffff, v50  }
0x128: {  	v59 =	vadd.f32 v54, v17;
	v58 =	vmax.f32 v53, $0.0e+00;
	[tilespmem:s30+$0x1930] =	vst.add.f32.msk $0xffff, v52  }
0x129: {  	v60 =	vmul.f32 v57, v3;
	v22 =	vadd.f32 v56, v18;
	v21 =	vmax.f32 v55, $0.0e+00;
	[tilespmem:s30+$0x1940] =	vst.add.f32.msk $0xffff, v58  }
0x12a: {  	v62 =	vmul.f32 v57, v4;
	v61 =	vmax.f32 v59, $0.0e+00;
	[tilespmem:s30+$0x1950] =	vst.add.f32.msk $0xffff, v21  }
0x12b: {  	v63 =	vmul.f32 v57, v5;
	v29 =	vadd.f32 v60, v11;
	v28 =	vmax.f32 v22, $0.0e+00;
	s31 =	spop (v2sf);
	[tilespmem:s30+$0x1960] =	vst.add.f32.msk $0xffff, v61  }
0x12c: {  	v41 =	vbroadcast v19, $0x2;
	v33 =	vmul.f32 v57, v7;
	v31 =	vadd.f32 v62, v12;
	s25 =	sshll.u32 s26, $0x4;
	s26 =	sshll.u32 s31, $0x9;
	[tilespmem:s30+$0x1970] =	vst.add.f32.msk $0xffff, v28  }
0x12d: {  	v35 =	vmul.f32 v57, v8;
	v32 =	vadd.f32 v63, v13;
	v22 =	vmax.f32 v29, $0.0e+00;
	s28 =	sshra.s32 s26, $0x2;
	[tilespmem:s25+$0x11900] =	vst.add.f32.msk $0xffff, v2  }
0x12e: {  	v38 =	vmul.f32 v57, v9;
	v37 =	vadd.f32 v33, v15;
	v21 =	vmax.f32 v31, $0.0e+00;
	[tilespmem:s28+$0x1900] =	vst.add.f32.msk $0xffff, v22  }
0x12f: {  	v39 =	vadd.f32 v35, v16;
	v40 =	vmul.f32 v57, v10;
	v34 =	vmax.f32 v32, $0.0e+00;
	[tilespmem:s28+$0x1910] =	vst.add.f32.msk $0xffff, v21  }
0x130: {  	v30 =	vmul.f32 v57, v6;
	v43 =	vadd.f32 v38, v17;
	v42 =	vmax.f32 v37, $0.0e+00;
	[tilespmem:s28+$0x1920] =	vst.add.f32.msk $0xffff, v34  }
0x131: {  	v44 =	vmax.f32 v39, $0.0e+00;
	v45 =	vadd.f32 v40, v18;
	[tilespmem:s28+$0x1940] =	vst.add.f32.msk $0xffff, v42  }
0x132: {  	v46 =	vmul.f32 v41, v3;
	v23 =	vadd.f32 v30, v14;
	v47 =	vmax.f32 v43, $0.0e+00;
	[tilespmem:s28+$0x1950] =	vst.add.f32.msk $0xffff, v44  }
0x133: {  	v48 =	vmul.f32 v41, v4;
	v49 =	vmax.f32 v45, $0.0e+00;
	[tilespmem:s28+$0x1960] =	vst.add.f32.msk $0xffff, v47  }
0x134: {  	v51 =	vmul.f32 v41, v5;
	v50 =	vadd.f32 v46, v11;
	v36 =	vmax.f32 v23, $0.0e+00;
	[tilespmem:s28+$0x1970] =	vst.add.f32.msk $0xffff, v49;
	s29 =	spop (v2sf)  }
0x135: {  	v53 =	vmul.f32 v41, v6;
	s30 =	sshll.u32 s31, $0x4;
	v52 =	vadd.f32 v48, v12;
	[tilespmem:s28+$0x1930] =	vst.add.f32.msk $0xffff, v36;
	s31 =	sshll.u32 s29, $0x9  }
0x136: {  	v54 =	vmul.f32 v41, v7;
	v24 =	vadd.f32 v51, v13;
	v22 =	vmax.f32 v50, $0.0e+00;
	[tilespmem:s30+$0x11900] =	vst.add.f32.msk $0xffff, v2;
	s24 =	sshra.s32 s31, $0x2  }
0x137: {  	v56 =	vmul.f32 v41, v8;
	v55 =	vadd.f32 v53, v14;
	v21 =	vmax.f32 v52, $0.0e+00;
	[tilespmem:s24+$0x1900] =	vst.add.f32.msk $0xffff, v22  }
0x138: {  	v59 =	vmul.f32 v41, v9;
	v57 =	vmax.f32 v24, $0.0e+00;
	v58 =	vadd.f32 v54, v15;
	[tilespmem:s24+$0x1910] =	vst.add.f32.msk $0xffff, v21  }
0x139: {  	v62 =	vmul.f32 v41, v10;
	v61 =	vadd.f32 v56, v16;
	v60 =	vmax.f32 v55, $0.0e+00;
	[tilespmem:s24+$0x1920] =	vst.add.f32.msk $0xffff, v57  }
0x13a: {  	v28 =	vadd.f32 v59, v17;
	v63 =	vmax.f32 v58, $0.0e+00;
	[tilespmem:s24+$0x1930] =	vst.add.f32.msk $0xffff, v60  }
0x13b: {  	v30 =	vadd.f32 v62, v18;
	v29 =	vmax.f32 v61, $0.0e+00;
	[tilespmem:s24+$0x1940] =	vst.add.f32.msk $0xffff, v63  }
0x13c: {  	v31 =	vmax.f32 v28, $0.0e+00;
	[tilespmem:s24+$0x1950] =	vst.add.f32.msk $0xffff, v29  }
0x13d: {  	v32 =	vmax.f32 v30, $0.0e+00;
	[tilespmem:s24+$0x1960] =	vst.add.f32.msk $0xffff, v31  }
0x13e: {  	s25 =	sshll.u32 s29, $0x4;
	[tilespmem:s24+$0x1970] =	vst.add.f32.msk $0xffff, v32  }
0x13f: {  	[tilespmem:s25+$0x11900] =	vst.add.f32.msk $0xffff, v2  }
0x140: {  	(v2sf) =	vpush v20, $0x3;
	_ =	sdelay $0x8  }
0x141: {  	(v2sf) =	vpush v20, $0x4;
	_ =	sdelay $0x1  }
0x142: {  	v33 =	vbroadcast v19, $0x3;
	_ =	sdelay $0x1  }
0x143: {  	v34 =	vmul.f32 v33, v3  }
0x144: {  	v35 =	vmul.f32 v33, v4  }
0x145: {  	v37 =	vmul.f32 v33, v6;
	v36 =	vmul.f32 v33, v5;
	v22 =	vadd.f32 v34, v11;
	s22 =	spop (v2sf)  }
0x146: {  	v38 =	vmul.f32 v33, v7;
	v39 =	vmul.f32 v33, v8;
	v23 =	vadd.f32 v35, v12;
	s26 =	sshll.u32 s22, $0x9  }
0x147: {  	v25 =	vadd.f32 v37, v14;
	v24 =	vadd.f32 v36, v13;
	v22 =	vmax.f32 v22, $0.0e+00;
	s23 =	sshra.s32 s26, $0x2  }
0x148: {  	v41 =	vadd.f32 v38, v15;
	v23 =	vmax.f32 v23, $0.0e+00;
	(v2sf) =	vpush v20, $0x5;
	[tilespmem:s23+$0x1900] =	vst.add.f32.msk $0xffff, v22  }
0x149: {  	v43 =	vmul.f32 v33, v9;
	v45 =	vmax.f32 v25, $0.0e+00;
	v40 =	vmax.f32 v24, $0.0e+00;
	[tilespmem:s23+$0x1910] =	vst.add.f32.msk $0xffff, v23  }
0x14a: {  	v42 =	vadd.f32 v39, v16;
	v44 =	vbroadcast v19, $0x4;
	v21 =	vmul.f32 v33, v10;
	[tilespmem:s23+$0x1920] =	vst.add.f32.msk $0xffff, v40  }
0x14b: {  	v47 =	vadd.f32 v43, v17;
	v24 =	vmax.f32 v41, $0.0e+00;
	[tilespmem:s23+$0x1930] =	vst.add.f32.msk $0xffff, v45  }
0x14c: {  	v46 =	vmax.f32 v42, $0.0e+00;
	v48 =	vmul.f32 v44, v3;
	v21 =	vadd.f32 v21, v18;
	[tilespmem:s23+$0x1940] =	vst.add.f32.msk $0xffff, v24  }
0x14d: {  	v62 =	vbroadcast v19, $0x5;
	v49 =	vmul.f32 v44, v4;
	v51 =	vmax.f32 v47, $0.0e+00;
	[tilespmem:s23+$0x1950] =	vst.add.f32.msk $0xffff, v46  }
0x14e: {  	v50 =	vmul.f32 v44, v5;
	v52 =	vadd.f32 v48, v11;
	v21 =	vmax.f32 v21, $0.0e+00;
	s28 =	spop (v2sf);
	[tilespmem:s23+$0x1960] =	vst.add.f32.msk $0xffff, v51  }
0x14f: {  	v56 =	vmul.f32 v44, v6;
	v61 =	vmul.f32 v44, v9;
	v53 =	vadd.f32 v49, v12;
	s22 =	sshll.u32 s22, $0x4;
	s29 =	sshll.u32 s28, $0x9;
	[tilespmem:s23+$0x1970] =	vst.add.f32.msk $0xffff, v21  }
0x150: {  	v54 =	vadd.f32 v50, v13;
	v55 =	vmax.f32 v52, $0.0e+00;
	v57 =	vmul.f32 v44, v7;
	s30 =	sshra.s32 s29, $0x2;
	[tilespmem:s22+$0x11900] =	vst.add.f32.msk $0xffff, v2  }
0x151: {  	v58 =	vadd.f32 v56, v14;
	(v2sf) =	vpush v20, $0x6;
	v22 =	vmax.f32 v53, $0.0e+00;
	[tilespmem:s30+$0x1900] =	vst.add.f32.msk $0xffff, v55  }
0x152: {  	v63 =	vmul.f32 v44, v10;
	v60 =	vadd.f32 v57, v15;
	v24 =	vmax.f32 v54, $0.0e+00;
	[tilespmem:s30+$0x1910] =	vst.add.f32.msk $0xffff, v22  }
0x153: {  	v59 =	vmul.f32 v44, v8;
	v29 =	vadd.f32 v61, v17;
	v21 =	vmax.f32 v58, $0.0e+00;
	[tilespmem:s30+$0x1920] =	vst.add.f32.msk $0xffff, v24  }
0x154: {  	v32 =	vadd.f32 v63, v18;
	v28 =	vmax.f32 v60, $0.0e+00;
	[tilespmem:s30+$0x1930] =	vst.add.f32.msk $0xffff, v21  }
0x155: {  	v30 =	vmul.f32 v62, v3;
	v34 =	vmax.f32 v29, $0.0e+00;
	v23 =	vadd.f32 v59, v16;
	[tilespmem:s30+$0x1940] =	vst.add.f32.msk $0xffff, v28  }
0x156: {  	v39 =	vmul.f32 v62, v6;
	v33 =	vmul.f32 v62, v4;
	v37 =	vmax.f32 v32, $0.0e+00;
	[tilespmem:s30+$0x1960] =	vst.add.f32.msk $0xffff, v34  }
0x157: {  	v35 =	vadd.f32 v30, v11;
	v36 =	vmul.f32 v62, v5;
	v31 =	vmax.f32 v23, $0.0e+00;
	[tilespmem:s30+$0x1970] =	vst.add.f32.msk $0xffff, v37;
	s31 =	spop (v2sf)  }
0x158: {  	v43 =	vmul.f32 v62, v8;
	v42 =	vmul.f32 v62, v7;
	v38 =	vadd.f32 v33, v12;
	s25 =	sshll.u32 s28, $0x4;
	[tilespmem:s30+$0x1950] =	vst.add.f32.msk $0xffff, v31;
	s26 =	sshll.u32 s31, $0x9  }
0x159: {  	v47 =	vmul.f32 v62, v9;
	v41 =	vadd.f32 v36, v13;
	v40 =	vmax.f32 v35, $0.0e+00;
	[tilespmem:s25+$0x11900] =	vst.add.f32.msk $0xffff, v2;
	s28 =	sshra.s32 s26, $0x2  }
0x15a: {  	v23 =	vmax.f32 v38, $0.0e+00;
	v24 =	vadd.f32 v39, v14;
	(v2sf) =	vpush v20, $0x7;
	[tilespmem:s28+$0x1900] =	vst.add.f32.msk $0xffff, v40  }
0x15b: {  	v48 =	vbroadcast v19, $0x6;
	v44 =	vmax.f32 v41, $0.0e+00;
	v45 =	vadd.f32 v42, v15;
	[tilespmem:s28+$0x1910] =	vst.add.f32.msk $0xffff, v23  }
0x15c: {  	v50 =	vmul.f32 v62, v10;
	v46 =	vadd.f32 v43, v16;
	v49 =	vmax.f32 v24, $0.0e+00;
	[tilespmem:s28+$0x1920] =	vst.add.f32.msk $0xffff, v44  }
0x15d: {  	v52 =	vadd.f32 v47, v17;
	v22 =	vmax.f32 v45, $0.0e+00;
	[tilespmem:s28+$0x1930] =	vst.add.f32.msk $0xffff, v49  }
0x15e: {  	v53 =	vmul.f32 v48, v3;
	v54 =	vadd.f32 v50, v18;
	v51 =	vmax.f32 v46, $0.0e+00;
	[tilespmem:s28+$0x1940] =	vst.add.f32.msk $0xffff, v22  }
0x15f: {  	v56 =	vmul.f32 v48, v5;
	v57 =	vmax.f32 v52, $0.0e+00;
	v55 =	vmul.f32 v48, v4;
	[tilespmem:s28+$0x1950] =	vst.add.f32.msk $0xffff, v51  }
0x160: {  	v63 =	vmul.f32 v48, v6;
	v58 =	vadd.f32 v53, v11;
	v59 =	vmax.f32 v54, $0.0e+00;
	s29 =	spop (v2sf);
	[tilespmem:s28+$0x1960] =	vst.add.f32.msk $0xffff, v57  }
0x161: {  	v30 =	vmul.f32 v48, v8;
	v61 =	vadd.f32 v56, v13;
	v60 =	vadd.f32 v55, v12;
	s30 =	sshll.u32 s31, $0x4;
	s31 =	sshll.u32 s29, $0x9;
	[tilespmem:s28+$0x1970] =	vst.add.f32.msk $0xffff, v59  }
0x162: {  	v29 =	vadd.f32 v63, v14;
	v28 =	vmul.f32 v48, v7;
	v62 =	vmax.f32 v58, $0.0e+00;
	s25 =	sshra.s32 s31, $0x2;
	[tilespmem:s30+$0x11900] =	vst.add.f32.msk $0xffff, v2  }
0x163: {  	v32 =	vmul.f32 v48, v9;
	(v2sf) =	vpush v20, $0x8;
	v22 =	vmax.f32 v60, $0.0e+00;
	[tilespmem:s25+$0x1900] =	vst.add.f32.msk $0xffff, v62  }
0x164: {  	v34 =	vmul.f32 v48, v10;
	v24 =	vmax.f32 v61, $0.0e+00;
	v31 =	vadd.f32 v28, v15;
	[tilespmem:s25+$0x1910] =	vst.add.f32.msk $0xffff, v22  }
0x165: {  	v33 =	vbroadcast v19, $0x7;
	v36 =	vadd.f32 v32, v17;
	v21 =	vmax.f32 v29, $0.0e+00;
	[tilespmem:s25+$0x1920] =	vst.add.f32.msk $0xffff, v24  }
0x166: {  	v39 =	vadd.f32 v34, v18;
	v35 =	vmax.f32 v31, $0.0e+00;
	[tilespmem:s25+$0x1930] =	vst.add.f32.msk $0xffff, v21  }
0x167: {  	v41 =	vmax.f32 v36, $0.0e+00;
	v37 =	vmul.f32 v33, v3;
	v23 =	vadd.f32 v30, v16;
	[tilespmem:s25+$0x1940] =	vst.add.f32.msk $0xffff, v35  }
0x168: {  	v43 =	vmul.f32 v33, v5;
	v40 =	vmul.f32 v33, v4;
	v44 =	vmax.f32 v39, $0.0e+00;
	[tilespmem:s25+$0x1960] =	vst.add.f32.msk $0xffff, v41  }
0x169: {  	v50 =	vmul.f32 v33, v8;
	v42 =	vadd.f32 v37, v11;
	v38 =	vmax.f32 v23, $0.0e+00;
	[tilespmem:s25+$0x1970] =	vst.add.f32.msk $0xffff, v44;
	s26 =	spop (v2sf)  }
0x16a: {  	v46 =	vmul.f32 v33, v6;
	v48 =	vadd.f32 v43, v13;
	s28 =	sshll.u32 s29, $0x4;
	v45 =	vadd.f32 v40, v12;
	[tilespmem:s25+$0x1950] =	vst.add.f32.msk $0xffff, v38;
	s29 =	sshll.u32 s26, $0x9  }
0x16b: {  	v53 =	vadd.f32 v50, v16;
	v47 =	vmax.f32 v42, $0.0e+00;
	v49 =	vmul.f32 v33, v7;
	[tilespmem:s28+$0x11900] =	vst.add.f32.msk $0xffff, v2;
	s30 =	sshra.s32 s29, $0x2  }
0x16c: {  	v24 =	vadd.f32 v46, v14;
	v23 =	vmax.f32 v45, $0.0e+00;
	(v2sf) =	vpush v20, $0x9;
	[tilespmem:s30+$0x1900] =	vst.add.f32.msk $0xffff, v47  }
0x16d: {  	v54 =	vmul.f32 v33, v9;
	v51 =	vmax.f32 v48, $0.0e+00;
	v52 =	vadd.f32 v49, v15;
	[tilespmem:s30+$0x1910] =	vst.add.f32.msk $0xffff, v23  }
0x16e: {  	v55 =	vbroadcast v19, $0x8;
	v57 =	vmul.f32 v33, v10;
	v56 =	vmax.f32 v24, $0.0e+00;
	[tilespmem:s30+$0x1920] =	vst.add.f32.msk $0xffff, v51  }
0x16f: {  	v59 =	vadd.f32 v54, v17;
	v22 =	vmax.f32 v52, $0.0e+00;
	[tilespmem:s30+$0x1930] =	vst.add.f32.msk $0xffff, v56  }
0x170: {  	v58 =	vmax.f32 v53, $0.0e+00;
	v60 =	vmul.f32 v55, v3;
	v61 =	vadd.f32 v57, v18;
	[tilespmem:s30+$0x1940] =	vst.add.f32.msk $0xffff, v22  }
0x171: {  	v63 =	vmul.f32 v55, v5;
	v62 =	vmul.f32 v55, v4;
	v28 =	vmax.f32 v59, $0.0e+00;
	[tilespmem:s30+$0x1950] =	vst.add.f32.msk $0xffff, v58  }
0x172: {  	v34 =	vmul.f32 v55, v6;
	v29 =	vadd.f32 v60, v11;
	v30 =	vmax.f32 v61, $0.0e+00;
	s31 =	spop (v2sf);
	[tilespmem:s30+$0x1960] =	vst.add.f32.msk $0xffff, v28  }
0x173: {  	v37 =	vmul.f32 v55, v8;
	v32 =	vadd.f32 v63, v13;
	v31 =	vadd.f32 v62, v12;
	s25 =	sshll.u32 s26, $0x4;
	s26 =	sshll.u32 s31, $0x9;
	[tilespmem:s30+$0x1970] =	vst.add.f32.msk $0xffff, v30  }
0x174: {  	v36 =	vadd.f32 v34, v14;
	v35 =	vmul.f32 v55, v7;
	v33 =	vmax.f32 v29, $0.0e+00;
	s28 =	sshra.s32 s26, $0x2;
	[tilespmem:s25+$0x11900] =	vst.add.f32.msk $0xffff, v2  }
0x175: {  	v39 =	vmul.f32 v55, v9;
	(v2sf) =	vpush v20, $0xA;
	v22 =	vmax.f32 v31, $0.0e+00;
	[tilespmem:s28+$0x1900] =	vst.add.f32.msk $0xffff, v33  }
0x176: {  	v41 =	vmul.f32 v55, v10;
	v24 =	vmax.f32 v32, $0.0e+00;
	v38 =	vadd.f32 v35, v15;
	[tilespmem:s28+$0x1910] =	vst.add.f32.msk $0xffff, v22  }
0x177: {  	v40 =	vbroadcast v19, $0x9;
	v21 =	vmax.f32 v36, $0.0e+00;
	v43 =	vadd.f32 v39, v17;
	[tilespmem:s28+$0x1920] =	vst.add.f32.msk $0xffff, v24  }
0x178: {  	v46 =	vadd.f32 v41, v18;
	v42 =	vmax.f32 v38, $0.0e+00;
	[tilespmem:s28+$0x1930] =	vst.add.f32.msk $0xffff, v21  }
0x179: {  	v44 =	vmul.f32 v40, v3;
	v48 =	vmax.f32 v43, $0.0e+00;
	v23 =	vadd.f32 v37, v16;
	[tilespmem:s28+$0x1940] =	vst.add.f32.msk $0xffff, v42  }
0x17a: {  	v50 =	vmul.f32 v40, v5;
	v47 =	vmul.f32 v40, v4;
	v51 =	vmax.f32 v46, $0.0e+00;
	[tilespmem:s28+$0x1960] =	vst.add.f32.msk $0xffff, v48  }
0x17b: {  	v53 =	vmul.f32 v40, v6;
	v49 =	vadd.f32 v44, v11;
	v45 =	vmax.f32 v23, $0.0e+00;
	[tilespmem:s28+$0x1970] =	vst.add.f32.msk $0xffff, v51;
	s29 =	spop (v2sf)  }
0x17c: {  	v57 =	vmul.f32 v40, v8;
	v61 =	vmul.f32 v40, v9;
	s30 =	sshll.u32 s31, $0x4;
	v52 =	vadd.f32 v47, v12;
	[tilespmem:s28+$0x1950] =	vst.add.f32.msk $0xffff, v45;
	s31 =	sshll.u32 s29, $0x9  }
0x17d: {  	v55 =	vadd.f32 v50, v13;
	v54 =	vmax.f32 v49, $0.0e+00;
	v56 =	vmul.f32 v40, v7;
	[tilespmem:s30+$0x11900] =	vst.add.f32.msk $0xffff, v2;
	s25 =	sshra.s32 s31, $0x2  }
0x17e: {  	v24 =	vadd.f32 v53, v14;
	v23 =	vmax.f32 v52, $0.0e+00;
	(v2sf) =	vpush v20, $0xB;
	[tilespmem:s25+$0x1900] =	vst.add.f32.msk $0xffff, v54  }
0x17f: {  	v62 =	vbroadcast v19, $0xA;
	v58 =	vmax.f32 v55, $0.0e+00;
	v59 =	vadd.f32 v56, v15;
	[tilespmem:s25+$0x1910] =	vst.add.f32.msk $0xffff, v23  }
0x180: {  	v60 =	vadd.f32 v57, v16;
	v28 =	vmul.f32 v40, v10;
	v63 =	vmax.f32 v24, $0.0e+00;
	[tilespmem:s25+$0x1920] =	vst.add.f32.msk $0xffff, v58  }
0x181: {  	v30 =	vadd.f32 v61, v17;
	v22 =	vmax.f32 v59, $0.0e+00;
	[tilespmem:s25+$0x1930] =	vst.add.f32.msk $0xffff, v63  }
0x182: {  	v29 =	vmax.f32 v60, $0.0e+00;
	v31 =	vmul.f32 v62, v3;
	v32 =	vadd.f32 v28, v18;
	[tilespmem:s25+$0x1940] =	vst.add.f32.msk $0xffff, v22  }
0x183: {  	v34 =	vmul.f32 v62, v5;
	v33 =	vmul.f32 v62, v4;
	v35 =	vmax.f32 v30, $0.0e+00;
	[tilespmem:s25+$0x1950] =	vst.add.f32.msk $0xffff, v29  }
0x184: {  	v41 =	vmul.f32 v62, v6;
	v36 =	vadd.f32 v31, v11;
	v37 =	vmax.f32 v32, $0.0e+00;
	s26 =	spop (v2sf);
	[tilespmem:s25+$0x1960] =	vst.add.f32.msk $0xffff, v35  }
0x185: {  	v44 =	vmul.f32 v62, v8;
	v39 =	vadd.f32 v34, v13;
	v38 =	vadd.f32 v33, v12;
	s28 =	sshll.u32 s29, $0x4;
	s29 =	sshll.u32 s26, $0x9;
	[tilespmem:s25+$0x1970] =	vst.add.f32.msk $0xffff, v37  }
0x186: {  	v43 =	vadd.f32 v41, v14;
	v42 =	vmul.f32 v62, v7;
	v40 =	vmax.f32 v36, $0.0e+00;
	s30 =	sshra.s32 s29, $0x2;
	[tilespmem:s28+$0x11900] =	vst.add.f32.msk $0xffff, v2  }
0x187: {  	v46 =	vmul.f32 v62, v9;
	(v2sf) =	vpush v20, $0xC;
	v22 =	vmax.f32 v38, $0.0e+00;
	[tilespmem:s30+$0x1900] =	vst.add.f32.msk $0xffff, v40  }
0x188: {  	v48 =	vmul.f32 v62, v10;
	v24 =	vmax.f32 v39, $0.0e+00;
	v45 =	vadd.f32 v42, v15;
	[tilespmem:s30+$0x1910] =	vst.add.f32.msk $0xffff, v22  }
0x189: {  	v47 =	vbroadcast v19, $0xB;
	v21 =	vmax.f32 v43, $0.0e+00;
	v50 =	vadd.f32 v46, v17;
	[tilespmem:s30+$0x1920] =	vst.add.f32.msk $0xffff, v24  }
0x18a: {  	v53 =	vadd.f32 v48, v18;
	v49 =	vmax.f32 v45, $0.0e+00;
	[tilespmem:s30+$0x1930] =	vst.add.f32.msk $0xffff, v21  }
0x18b: {  	v51 =	vmul.f32 v47, v3;
	v55 =	vmax.f32 v50, $0.0e+00;
	v23 =	vadd.f32 v44, v16;
	[tilespmem:s30+$0x1940] =	vst.add.f32.msk $0xffff, v49  }
0x18c: {  	v57 =	vmul.f32 v47, v5;
	v54 =	vmul.f32 v47, v4;
	v58 =	vmax.f32 v53, $0.0e+00;
	[tilespmem:s30+$0x1960] =	vst.add.f32.msk $0xffff, v55  }
0x18d: {  	v62 =	vmul.f32 v47, v6;
	v56 =	vadd.f32 v51, v11;
	v52 =	vmax.f32 v23, $0.0e+00;
	[tilespmem:s30+$0x1970] =	vst.add.f32.msk $0xffff, v58;
	s31 =	spop (v2sf)  }
0x18e: {  	v30 =	vmul.f32 v47, v8;
	v61 =	vadd.f32 v57, v13;
	s25 =	sshll.u32 s26, $0x4;
	v59 =	vadd.f32 v54, v12;
	[tilespmem:s30+$0x1950] =	vst.add.f32.msk $0xffff, v52;
	s26 =	sshll.u32 s31, $0x9  }
0x18f: {  	v32 =	vadd.f32 v62, v14;
	v60 =	vmax.f32 v56, $0.0e+00;
	v63 =	vmul.f32 v47, v7;
	[tilespmem:s25+$0x11900] =	vst.add.f32.msk $0xffff, v2;
	s28 =	sshra.s32 s26, $0x2  }
0x190: {  	v34 =	vadd.f32 v30, v16;
	v23 =	vmax.f32 v59, $0.0e+00;
	(v2sf) =	vpush v20, $0xD;
	[tilespmem:s28+$0x1900] =	vst.add.f32.msk $0xffff, v60  }
0x191: {  	v31 =	vmax.f32 v61, $0.0e+00;
	v35 =	vmul.f32 v47, v9;
	v33 =	vadd.f32 v63, v15;
	[tilespmem:s28+$0x1910] =	vst.add.f32.msk $0xffff, v23  }
0x192: {  	v36 =	vmax.f32 v32, $0.0e+00;
	v37 =	vmul.f32 v47, v10;
	v38 =	vbroadcast v19, $0xC;
	[tilespmem:s28+$0x1920] =	vst.add.f32.msk $0xffff, v31  }
0x193: {  	v41 =	vadd.f32 v35, v17;
	v39 =	vmax.f32 v33, $0.0e+00;
	[tilespmem:s28+$0x1930] =	vst.add.f32.msk $0xffff, v36  }
0x194: {  	v40 =	vmax.f32 v34, $0.0e+00;
	v42 =	vadd.f32 v37, v18;
	v43 =	vmul.f32 v38, v3;
	[tilespmem:s28+$0x1940] =	vst.add.f32.msk $0xffff, v39  }
0x195: {  	v44 =	vmul.f32 v38, v4;
	v46 =	vmul.f32 v38, v5;
	v45 =	vmax.f32 v41, $0.0e+00;
	[tilespmem:s28+$0x1950] =	vst.add.f32.msk $0xffff, v40  }
0x196: {  	v47 =	vmul.f32 v38, v6;
	v21 =	vmax.f32 v42, $0.0e+00;
	v22 =	vadd.f32 v43, v11;
	s29 =	spop (v2sf);
	[tilespmem:s28+$0x1960] =	vst.add.f32.msk $0xffff, v45  }
0x197: {  	v51 =	vmul.f32 v38, v7;
	v53 =	vmul.f32 v38, v8;
	v48 =	vadd.f32 v44, v12;
	s30 =	sshll.u32 s31, $0x4;
	s31 =	sshll.u32 s29, $0x9;
	[tilespmem:s28+$0x1970] =	vst.add.f32.msk $0xffff, v21  }
0x198: {  	v55 =	vmul.f32 v38, v9;
	v49 =	vadd.f32 v46, v13;
	v22 =	vmax.f32 v22, $0.0e+00;
	s25 =	sshra.s32 s31, $0x2;
	[tilespmem:s30+$0x11900] =	vst.add.f32.msk $0xffff, v2  }
0x199: {  	v57 =	vmul.f32 v38, v10;
	v50 =	vadd.f32 v47, v14;
	v23 =	vmax.f32 v48, $0.0e+00;
	[tilespmem:s25+$0x1900] =	vst.add.f32.msk $0xffff, v22  }
0x19a: {  	v54 =	vadd.f32 v51, v15;
	(v2sf) =	vpush v20, $0xE;
	v21 =	vmax.f32 v49, $0.0e+00;
	[tilespmem:s25+$0x1910] =	vst.add.f32.msk $0xffff, v23  }
0x19b: {  	v58 =	vbroadcast v19, $0xD;
	v61 =	vadd.f32 v57, v18;
	v52 =	vmax.f32 v50, $0.0e+00;
	[tilespmem:s25+$0x1920] =	vst.add.f32.msk $0xffff, v21  }
0x19c: {  	v56 =	vadd.f32 v53, v16;
	v59 =	vmax.f32 v54, $0.0e+00;
	[tilespmem:s25+$0x1930] =	vst.add.f32.msk $0xffff, v52  }
0x19d: {  	v62 =	vmul.f32 v58, v3;
	v30 =	vmax.f32 v61, $0.0e+00;
	v60 =	vadd.f32 v55, v17;
	[tilespmem:s25+$0x1940] =	vst.add.f32.msk $0xffff, v59  }
0x19e: {  	v28 =	vmul.f32 v58, v4;
	v21 =	vmax.f32 v56, $0.0e+00;
	[tilespmem:s25+$0x1970] =	vst.add.f32.msk $0xffff, v30  }
0x19f: {  	v29 =	vmul.f32 v58, v5;
	v31 =	vadd.f32 v62, v11;
	v63 =	vmax.f32 v60, $0.0e+00;
	[tilespmem:s25+$0x1950] =	vst.add.f32.msk $0xffff, v21;
	s26 =	spop (v2sf)  }
0x1a0: {  	v32 =	vmul.f32 v58, v6;
	v33 =	vadd.f32 v28, v12;
	s28 =	sshll.u32 s29, $0x4;
	[tilespmem:s25+$0x1960] =	vst.add.f32.msk $0xffff, v63;
	s29 =	sshll.u32 s26, $0x9  }
0x1a1: {  	v35 =	vmul.f32 v58, v7;
	v34 =	vadd.f32 v29, v13;
	v22 =	vmax.f32 v31, $0.0e+00;
	[tilespmem:s28+$0x11900] =	vst.add.f32.msk $0xffff, v2;
	s30 =	sshra.s32 s29, $0x2  }
0x1a2: {  	v41 =	vbroadcast v19, $0xE;
	v24 =	vadd.f32 v32, v14;
	v21 =	vmax.f32 v33, $0.0e+00;
	[tilespmem:s30+$0x1900] =	vst.add.f32.msk $0xffff, v22  }
0x1a3: {  	v43 =	vmul.f32 v58, v10;
	v38 =	vadd.f32 v35, v15;
	v36 =	vmax.f32 v34, $0.0e+00;
	[tilespmem:s30+$0x1910] =	vst.add.f32.msk $0xffff, v21  }
0x1a4: {  	v37 =	vmax.f32 v24, $0.0e+00;
	v39 =	vmul.f32 v58, v8;
	(v2sf) =	vpush v20, $0xF;
	[tilespmem:s30+$0x1920] =	vst.add.f32.msk $0xffff, v36  }
0x1a5: {  	v40 =	vmul.f32 v58, v9;
	v23 =	vadd.f32 v43, v18;
	v20 =	vmax.f32 v38, $0.0e+00;
	[tilespmem:s30+$0x1930] =	vst.add.f32.msk $0xffff, v37  }
0x1a6: {  	v42 =	vadd.f32 v39, v16;
	[tilespmem:s30+$0x1940] =	vst.add.f32.msk $0xffff, v20  }
0x1a7: {  	v44 =	vmul.f32 v41, v3;
	v48 =	vmax.f32 v23, $0.0e+00;
	v22 =	vadd.f32 v40, v17;
	v20 =	vld [tilespmem:s20+$0x0]  }
0x1a8: {  	v45 =	vmul.f32 v41, v4;
	v21 =	vmax.f32 v42, $0.0e+00;
	[tilespmem:s30+$0x1970] =	vst.add.f32.msk $0xffff, v48  }
0x1a9: {  	v50 =	vmul.f32 v41, v5;
	v47 =	vadd.f32 v44, v11;
	s31 =	spop (v2sf);
	[tilespmem:s30+$0x1950] =	vst.add.f32.msk $0xffff, v21;
	v46 =	vmax.f32 v22, $0.0e+00  }
0x1aa: {  	v53 =	vmul.f32 v41, v7;
	v49 =	vadd.f32 v45, v12;
	v52 =	vmul.f32 v41, v6;
	s25 =	sshll.u32 s26, $0x4;
	s26 =	sshll.u32 s31, $0x9;
	[tilespmem:s30+$0x1960] =	vst.add.f32.msk $0xffff, v46  }
0x1ab: {  	v24 =	vadd.f32 v50, v13;
	v51 =	vmax.f32 v47, $0.0e+00;
	s23 =	sshra.s32 s26, $0x2;
	[tilespmem:s25+$0x11900] =	vst.add.f32.msk $0xffff, v2  }
0x1ac: {  	v57 =	vadd.f32 v53, v15;
	v23 =	vmax.f32 v49, $0.0e+00;
	v54 =	vadd.f32 v52, v14;
	[tilespmem:s23+$0x1900] =	vst.add.f32.msk $0xffff, v51  }
0x1ad: {  	v55 =	vmul.f32 v41, v8;
	v56 =	vmax.f32 v24, $0.0e+00;
	(v2sf) =	vpush v20, $0x0;
	[tilespmem:s23+$0x1910] =	vst.add.f32.msk $0xffff, v23  }
0x1ae: {  	v61 =	vmul.f32 v41, v10;
	v58 =	vmul.f32 v41, v9;
	v21 =	vmax.f32 v54, $0.0e+00;
	[tilespmem:s23+$0x1920] =	vst.add.f32.msk $0xffff, v56  }
0x1af: {  	v59 =	vbroadcast v19, $0xF;
	v19 =	vmax.f32 v57, $0.0e+00;
	v22 =	vadd.f32 v55, v16;
	[tilespmem:s23+$0x1930] =	vst.add.f32.msk $0xffff, v21  }
0x1b0: {  	v60 =	vadd.f32 v58, v17;
	v24 =	vadd.f32 v61, v18;
	[tilespmem:s23+$0x1940] =	vst.add.f32.msk $0xffff, v19  }
0x1b1: {  	v62 =	vmul.f32 v59, v3;
	v63 =	vmul.f32 v59, v4;
	v22 =	vmax.f32 v22, $0.0e+00;
	v19 =	vld [tilespmem:s21+$0x0]  }
0x1b2: {  	v31 =	vmul.f32 v59, v5;
	v32 =	vmul.f32 v59, v6;
	v33 =	vmax.f32 v24, $0.0e+00;
	[tilespmem:s23+$0x1950] =	vst.add.f32.msk $0xffff, v22  }
0x1b3: {  	v30 =	vadd.f32 v62, v11;
	v34 =	vadd.f32 v63, v12;
	v21 =	vmax.f32 v60, $0.0e+00;
	[tilespmem:s23+$0x1970] =	vst.add.f32.msk $0xffff, v33;
	s22 =	spop (v2sf)  }
0x1b4: {  	v35 =	vmul.f32 v59, v7;
	v44 =	vmul.f32 v59, v9;
	s28 =	sshll.u32 s31, $0x4;
	[tilespmem:s23+$0x1960] =	vst.add.f32.msk $0xffff, v21;
	s29 =	sshll.u32 s22, $0x9  }
0x1b5: {  	v24 =	vmax.f32 v34, $0.0e+00;
	v36 =	vmax.f32 v30, $0.0e+00;
	v37 =	vadd.f32 v31, v13;
	[tilespmem:s28+$0x11900] =	vst.add.f32.msk $0xffff, v2;
	s30 =	sshra.s32 s29, $0x2  }
0x1b6: {  	v38 =	vadd.f32 v32, v14;
	v40 =	vmul.f32 v59, v8;
	(v2sf) =	vpush v20, $0x1;
	[tilespmem:s30+$0x1900] =	vst.add.f32.msk $0xffff, v36  }
0x1b7: {  	v26 =	vadd.f32 v35, v15;
	v39 =	vmax.f32 v37, $0.0e+00;
	v46 =	vmul.f32 v59, v10;
	[tilespmem:s30+$0x1910] =	vst.add.f32.msk $0xffff, v24  }
0x1b8: {  	v42 =	vmax.f32 v38, $0.0e+00;
	v45 =	vadd.f32 v40, v16;
	v41 =	vbroadcast v19, $0x0;
	[tilespmem:s30+$0x1920] =	vst.add.f32.msk $0xffff, v39  }
0x1b9: {  	v43 =	vmax.f32 v26, $0.0e+00;
	v48 =	vadd.f32 v44, v17;
	v22 =	vadd.f32 v46, v18;
	[tilespmem:s30+$0x1930] =	vst.add.f32.msk $0xffff, v42  }
0x1ba: {  	v21 =	vmax.f32 v45, $0.0e+00;
	v47 =	vmul.f32 v41, v3;
	[tilespmem:s30+$0x1940] =	vst.add.f32.msk $0xffff, v43  }
0x1bb: {  	v50 =	vmax.f32 v48, $0.0e+00;
	v53 =	vmax.f32 v22, $0.0e+00;
	v49 =	vmul.f32 v41, v4;
	[tilespmem:s30+$0x1950] =	vst.add.f32.msk $0xffff, v21  }
0x1bc: {  	v63 =	vbroadcast v19, $0x1;
	v28 =	vmul.f32 v41, v5;
	v23 =	vadd.f32 v47, v11;
	[tilespmem:s30+$0x1960] =	vst.add.f32.msk $0xffff, v50;
	s31 =	spop (v2sf)  }
0x1bd: {  	v55 =	vmul.f32 v41, v6;
	v58 =	vmul.f32 v41, v7;
	s22 =	sshll.u32 s22, $0x4;
	v51 =	vadd.f32 v49, v12;
	[tilespmem:s30+$0x1970] =	vst.add.f32.msk $0xffff, v53;
	s25 =	sshll.u32 s31, $0x9  }
0x1be: {  	v60 =	vmul.f32 v41, v8;
	v52 =	vadd.f32 v28, v13;
	v54 =	vmax.f32 v23, $0.0e+00;
	[tilespmem:s22+$0x11900] =	vst.add.f32.msk $0xffff, v2;
	s25 =	sshra.s32 s25, $0x2  }
0x1bf: {  	v59 =	vadd.f32 v55, v14;
	v56 =	vmax.f32 v51, $0.0e+00;
	(v2sf) =	vpush v20, $0x2;
	[tilespmem:s25+$0x1900] =	vst.add.f32.msk $0xffff, v54  }
0x1c0: {  	v62 =	vmul.f32 v41, v9;
	v61 =	vadd.f32 v58, v15;
	v57 =	vmax.f32 v52, $0.0e+00;
	[tilespmem:s25+$0x1910] =	vst.add.f32.msk $0xffff, v56  }
0x1c1: {  	v28 =	vmul.f32 v41, v10;
	v22 =	vmax.f32 v59, $0.0e+00;
	v23 =	vadd.f32 v60, v16;
	[tilespmem:s25+$0x1920] =	vst.add.f32.msk $0xffff, v57  }
0x1c2: {  	v29 =	vadd.f32 v62, v17;
	v21 =	vmax.f32 v61, $0.0e+00;
	[tilespmem:s25+$0x1930] =	vst.add.f32.msk $0xffff, v22  }
0x1c3: {  	v30 =	vmul.f32 v63, v3;
	v32 =	vadd.f32 v28, v18;
	v31 =	vmax.f32 v23, $0.0e+00;
	[tilespmem:s25+$0x1940] =	vst.add.f32.msk $0xffff, v21  }
0x1c4: {  	v48 =	vbroadcast v19, $0x2;
	v33 =	vmul.f32 v63, v4;
	v34 =	vmax.f32 v29, $0.0e+00;
	[tilespmem:s25+$0x1950] =	vst.add.f32.msk $0xffff, v31  }
0x1c5: {  	v35 =	vadd.f32 v30, v11;
	v36 =	vmul.f32 v63, v5;
	v37 =	vmax.f32 v32, $0.0e+00;
	[tilespmem:s25+$0x1960] =	vst.add.f32.msk $0xffff, v34;
	s26 =	spop (v2sf)  }
0x1c6: {  	v38 =	vadd.f32 v33, v12;
	v39 =	vmul.f32 v63, v6;
	v42 =	vmul.f32 v63, v7;
	s28 =	sshll.u32 s31, $0x4;
	[tilespmem:s25+$0x1970] =	vst.add.f32.msk $0xffff, v37;
	s29 =	sshll.u32 s26, $0x9  }
0x1c7: {  	v43 =	vmul.f32 v63, v8;
	v40 =	vmax.f32 v35, $0.0e+00;
	v41 =	vadd.f32 v36, v13;
	[tilespmem:s28+$0x11900] =	vst.add.f32.msk $0xffff, v2;
	s30 =	sshra.s32 s29, $0x2  }
0x1c8: {  	v24 =	vadd.f32 v39, v14;
	v23 =	vmax.f32 v38, $0.0e+00;
	(v2sf) =	vpush v20, $0x3;
	[tilespmem:s30+$0x1900] =	vst.add.f32.msk $0xffff, v40  }
0x1c9: {  	v47 =	vmul.f32 v63, v9;
	v45 =	vadd.f32 v42, v15;
	v44 =	vmax.f32 v41, $0.0e+00;
	[tilespmem:s30+$0x1910] =	vst.add.f32.msk $0xffff, v23  }
0x1ca: {  	v50 =	vmul.f32 v63, v10;
	v46 =	vadd.f32 v43, v16;
	v49 =	vmax.f32 v24, $0.0e+00;
	[tilespmem:s30+$0x1920] =	vst.add.f32.msk $0xffff, v44  }
0x1cb: {  	v52 =	vadd.f32 v47, v17;
	v22 =	vmax.f32 v45, $0.0e+00;
	[tilespmem:s30+$0x1930] =	vst.add.f32.msk $0xffff, v49  }
0x1cc: {  	v53 =	vmul.f32 v48, v3;
	v51 =	vmax.f32 v46, $0.0e+00;
	v54 =	vadd.f32 v50, v18;
	[tilespmem:s30+$0x1940] =	vst.add.f32.msk $0xffff, v22  }
0x1cd: {  	v55 =	vmul.f32 v48, v4;
	v30 =	vmul.f32 v48, v8;
	v57 =	vmax.f32 v52, $0.0e+00;
	[tilespmem:s30+$0x1950] =	vst.add.f32.msk $0xffff, v51  }
0x1ce: {  	v58 =	vadd.f32 v53, v11;
	v56 =	vmul.f32 v48, v5;
	v59 =	vmax.f32 v54, $0.0e+00;
	[tilespmem:s30+$0x1960] =	vst.add.f32.msk $0xffff, v57;
	s31 =	spop (v2sf)  }
0x1cf: {  	v33 =	vbroadcast v19, $0x3;
	v63 =	vmul.f32 v48, v6;
	v60 =	vadd.f32 v55, v12;
	s25 =	sshll.u32 s26, $0x4;
	[tilespmem:s30+$0x1970] =	vst.add.f32.msk $0xffff, v59;
	s26 =	sshll.u32 s31, $0x9  }
0x1d0: {  	v28 =	vmul.f32 v48, v7;
	v62 =	vmax.f32 v58, $0.0e+00;
	v61 =	vadd.f32 v56, v13;
	[tilespmem:s25+$0x11900] =	vst.add.f32.msk $0xffff, v2;
	s28 =	sshra.s32 s26, $0x2  }
0x1d1: {  	v29 =	vadd.f32 v63, v14;
	v22 =	vmax.f32 v60, $0.0e+00;
	(v2sf) =	vpush v20, $0x4;
	[tilespmem:s28+$0x1900] =	vst.add.f32.msk $0xffff, v62  }
0x1d2: {  	v32 =	vmul.f32 v48, v9;
	v31 =	vadd.f32 v28, v15;
	v24 =	vmax.f32 v61, $0.0e+00;
	[tilespmem:s28+$0x1910] =	vst.add.f32.msk $0xffff, v22  }
0x1d3: {  	v21 =	vmax.f32 v29, $0.0e+00;
	v34 =	vmul.f32 v48, v10;
	v23 =	vadd.f32 v30, v16;
	[tilespmem:s28+$0x1920] =	vst.add.f32.msk $0xffff, v24  }
0x1d4: {  	v36 =	vadd.f32 v32, v17;
	v35 =	vmax.f32 v31, $0.0e+00;
	[tilespmem:s28+$0x1930] =	vst.add.f32.msk $0xffff, v21  }
0x1d5: {  	v37 =	vmul.f32 v33, v3;
	v39 =	vadd.f32 v34, v18;
	v38 =	vmax.f32 v23, $0.0e+00;
	[tilespmem:s28+$0x1940] =	vst.add.f32.msk $0xffff, v35  }
0x1d6: {  	v43 =	vmul.f32 v33, v5;
	v41 =	vmax.f32 v36, $0.0e+00;
	v40 =	vmul.f32 v33, v4;
	[tilespmem:s28+$0x1950] =	vst.add.f32.msk $0xffff, v38  }
0x1d7: {  	v55 =	vbroadcast v19, $0x4;
	v42 =	vadd.f32 v37, v11;
	v44 =	vmax.f32 v39, $0.0e+00;
	[tilespmem:s28+$0x1960] =	vst.add.f32.msk $0xffff, v41;
	s29 =	spop (v2sf)  }
0x1d8: {  	v46 =	vmul.f32 v33, v6;
	v48 =	vadd.f32 v43, v13;
	v45 =	vadd.f32 v40, v12;
	s30 =	sshll.u32 s31, $0x4;
	[tilespmem:s28+$0x1970] =	vst.add.f32.msk $0xffff, v44;
	s31 =	sshll.u32 s29, $0x9  }
0x1d9: {  	v50 =	vmul.f32 v33, v8;
	v47 =	vmax.f32 v42, $0.0e+00;
	v49 =	vmul.f32 v33, v7;
	[tilespmem:s30+$0x11900] =	vst.add.f32.msk $0xffff, v2;
	s24 =	sshra.s32 s31, $0x2  }
0x1da: {  	v23 =	vmax.f32 v45, $0.0e+00;
	v24 =	vadd.f32 v46, v14;
	(v2sf) =	vpush v20, $0x5;
	[tilespmem:s24+$0x1900] =	vst.add.f32.msk $0xffff, v47  }
0x1db: {  	v54 =	vmul.f32 v33, v9;
	v51 =	vmax.f32 v48, $0.0e+00;
	v52 =	vadd.f32 v49, v15;
	[tilespmem:s24+$0x1910] =	vst.add.f32.msk $0xffff, v23  }
0x1dc: {  	v53 =	vadd.f32 v50, v16;
	v57 =	vmul.f32 v33, v10;
	v56 =	vmax.f32 v24, $0.0e+00;
	[tilespmem:s24+$0x1920] =	vst.add.f32.msk $0xffff, v51  }
0x1dd: {  	v59 =	vadd.f32 v54, v17;
	v22 =	vmax.f32 v52, $0.0e+00;
	[tilespmem:s24+$0x1930] =	vst.add.f32.msk $0xffff, v56  }
0x1de: {  	v58 =	vmax.f32 v53, $0.0e+00;
	v60 =	vmul.f32 v55, v3;
	v61 =	vadd.f32 v57, v18;
	[tilespmem:s24+$0x1940] =	vst.add.f32.msk $0xffff, v22  }
0x1df: {  	v63 =	vmul.f32 v55, v5;
	v28 =	vmax.f32 v59, $0.0e+00;
	v62 =	vmul.f32 v55, v4;
	[tilespmem:s24+$0x1950] =	vst.add.f32.msk $0xffff, v58  }
0x1e0: {  	v34 =	vmul.f32 v55, v6;
	v29 =	vadd.f32 v60, v11;
	v30 =	vmax.f32 v61, $0.0e+00;
	[tilespmem:s24+$0x1960] =	vst.add.f32.msk $0xffff, v28;
	s26 =	spop (v2sf)  }
0x1e1: {  	v32 =	vadd.f32 v63, v13;
	v37 =	vmul.f32 v55, v8;
	v31 =	vadd.f32 v62, v12;
	s28 =	sshll.u32 s29, $0x4;
	[tilespmem:s24+$0x1970] =	vst.add.f32.msk $0xffff, v30;
	s29 =	sshll.u32 s26, $0x9  }
0x1e2: {  	v36 =	vadd.f32 v34, v14;
	v33 =	vmax.f32 v29, $0.0e+00;
	v35 =	vmul.f32 v55, v7;
	[tilespmem:s28+$0x11900] =	vst.add.f32.msk $0xffff, v2;
	s30 =	sshra.s32 s29, $0x2  }
0x1e3: {  	v39 =	vmul.f32 v55, v9;
	v22 =	vmax.f32 v31, $0.0e+00;
	(v2sf) =	vpush v20, $0x6;
	[tilespmem:s30+$0x1900] =	vst.add.f32.msk $0xffff, v33  }
0x1e4: {  	v40 =	vbroadcast v19, $0x5;
	v24 =	vmax.f32 v32, $0.0e+00;
	v38 =	vadd.f32 v35, v15;
	[tilespmem:s30+$0x1910] =	vst.add.f32.msk $0xffff, v22  }
0x1e5: {  	v21 =	vmax.f32 v36, $0.0e+00;
	v41 =	vmul.f32 v55, v10;
	v23 =	vadd.f32 v37, v16;
	[tilespmem:s30+$0x1920] =	vst.add.f32.msk $0xffff, v24  }
0x1e6: {  	v43 =	vadd.f32 v39, v17;
	v42 =	vmax.f32 v38, $0.0e+00;
	[tilespmem:s30+$0x1930] =	vst.add.f32.msk $0xffff, v21  }
0x1e7: {  	v44 =	vmul.f32 v40, v3;
	v46 =	vadd.f32 v41, v18;
	v45 =	vmax.f32 v23, $0.0e+00;
	[tilespmem:s30+$0x1940] =	vst.add.f32.msk $0xffff, v42  }
0x1e8: {  	v48 =	vmax.f32 v43, $0.0e+00;
	v50 =	vmul.f32 v40, v5;
	v47 =	vmul.f32 v40, v4;
	[tilespmem:s30+$0x1950] =	vst.add.f32.msk $0xffff, v45  }
0x1e9: {  	v53 =	vmul.f32 v40, v6;
	v49 =	vadd.f32 v44, v11;
	v51 =	vmax.f32 v46, $0.0e+00;
	[tilespmem:s30+$0x1960] =	vst.add.f32.msk $0xffff, v48;
	s31 =	spop (v2sf)  }
0x1ea: {  	v57 =	vmul.f32 v40, v8;
	v61 =	vmul.f32 v40, v9;
	v52 =	vadd.f32 v47, v12;
	s24 =	sshll.u32 s26, $0x4;
	[tilespmem:s30+$0x1970] =	vst.add.f32.msk $0xffff, v51;
	s26 =	sshll.u32 s31, $0x9  }
0x1eb: {  	v55 =	vadd.f32 v50, v13;
	v54 =	vmax.f32 v49, $0.0e+00;
	v56 =	vmul.f32 v40, v7;
	[tilespmem:s24+$0x11900] =	vst.add.f32.msk $0xffff, v2;
	s28 =	sshra.s32 s26, $0x2  }
0x1ec: {  	v23 =	vmax.f32 v52, $0.0e+00;
	v24 =	vadd.f32 v53, v14;
	(v2sf) =	vpush v20, $0x7;
	[tilespmem:s28+$0x1900] =	vst.add.f32.msk $0xffff, v54  }
0x1ed: {  	v60 =	vadd.f32 v57, v16;
	v58 =	vmax.f32 v55, $0.0e+00;
	v59 =	vadd.f32 v56, v15;
	[tilespmem:s28+$0x1910] =	vst.add.f32.msk $0xffff, v23  }
0x1ee: {  	v62 =	vbroadcast v19, $0x6;
	v28 =	vmul.f32 v40, v10;
	v63 =	vmax.f32 v24, $0.0e+00;
	[tilespmem:s28+$0x1920] =	vst.add.f32.msk $0xffff, v58  }
0x1ef: {  	v30 =	vadd.f32 v61, v17;
	v22 =	vmax.f32 v59, $0.0e+00;
	[tilespmem:s28+$0x1930] =	vst.add.f32.msk $0xffff, v63  }
0x1f0: {  	v29 =	vmax.f32 v60, $0.0e+00;
	v31 =	vmul.f32 v62, v3;
	v32 =	vadd.f32 v28, v18;
	[tilespmem:s28+$0x1940] =	vst.add.f32.msk $0xffff, v22  }
0x1f1: {  	v34 =	vmul.f32 v62, v5;
	v35 =	vmax.f32 v30, $0.0e+00;
	v33 =	vmul.f32 v62, v4;
	[tilespmem:s28+$0x1950] =	vst.add.f32.msk $0xffff, v29  }
0x1f2: {  	v41 =	vmul.f32 v62, v6;
	v36 =	vadd.f32 v31, v11;
	v37 =	vmax.f32 v32, $0.0e+00;
	[tilespmem:s28+$0x1960] =	vst.add.f32.msk $0xffff, v35;
	s29 =	spop (v2sf)  }
0x1f3: {  	v44 =	vmul.f32 v62, v8;
	v39 =	vadd.f32 v34, v13;
	v38 =	vadd.f32 v33, v12;
	s30 =	sshll.u32 s31, $0x4;
	[tilespmem:s28+$0x1970] =	vst.add.f32.msk $0xffff, v37;
	s31 =	sshll.u32 s29, $0x9  }
0x1f4: {  	v43 =	vadd.f32 v41, v14;
	v40 =	vmax.f32 v36, $0.0e+00;
	v42 =	vmul.f32 v62, v7;
	[tilespmem:s30+$0x11900] =	vst.add.f32.msk $0xffff, v2;
	s25 =	sshra.s32 s31, $0x2  }
0x1f5: {  	v46 =	vmul.f32 v62, v9;
	v22 =	vmax.f32 v38, $0.0e+00;
	(v2sf) =	vpush v20, $0x8;
	[tilespmem:s25+$0x1900] =	vst.add.f32.msk $0xffff, v40  }
0x1f6: {  	v47 =	vbroadcast v19, $0x7;
	v24 =	vmax.f32 v39, $0.0e+00;
	v45 =	vadd.f32 v42, v15;
	[tilespmem:s25+$0x1910] =	vst.add.f32.msk $0xffff, v22  }
0x1f7: {  	v21 =	vmax.f32 v43, $0.0e+00;
	v48 =	vmul.f32 v62, v10;
	v23 =	vadd.f32 v44, v16;
	[tilespmem:s25+$0x1920] =	vst.add.f32.msk $0xffff, v24  }
0x1f8: {  	v50 =	vadd.f32 v46, v17;
	v49 =	vmax.f32 v45, $0.0e+00;
	[tilespmem:s25+$0x1930] =	vst.add.f32.msk $0xffff, v21  }
0x1f9: {  	v51 =	vmul.f32 v47, v3;
	v53 =	vadd.f32 v48, v18;
	v52 =	vmax.f32 v23, $0.0e+00;
	[tilespmem:s25+$0x1940] =	vst.add.f32.msk $0xffff, v49  }
0x1fa: {  	v55 =	vmax.f32 v50, $0.0e+00;
	v57 =	vmul.f32 v47, v5;
	v54 =	vmul.f32 v47, v4;
	[tilespmem:s25+$0x1950] =	vst.add.f32.msk $0xffff, v52  }
0x1fb: {  	v60 =	vmul.f32 v47, v6;
	v56 =	vadd.f32 v51, v11;
	v58 =	vmax.f32 v53, $0.0e+00;
	[tilespmem:s25+$0x1960] =	vst.add.f32.msk $0xffff, v55;
	s26 =	spop (v2sf)  }
0x1fc: {  	v30 =	vmul.f32 v47, v8;
	v34 =	vmul.f32 v47, v9;
	v59 =	vadd.f32 v54, v12;
	s28 =	sshll.u32 s29, $0x4;
	[tilespmem:s25+$0x1970] =	vst.add.f32.msk $0xffff, v58;
	s29 =	sshll.u32 s26, $0x9  }
0x1fd: {  	v62 =	vadd.f32 v57, v13;
	v61 =	vmax.f32 v56, $0.0e+00;
	v63 =	vmul.f32 v47, v7;
	[tilespmem:s28+$0x11900] =	vst.add.f32.msk $0xffff, v2;
	s30 =	sshra.s32 s29, $0x2  }
0x1fe: {  	v23 =	vmax.f32 v59, $0.0e+00;
	v24 =	vadd.f32 v60, v14;
	(v2sf) =	vpush v20, $0x9;
	[tilespmem:s30+$0x1900] =	vst.add.f32.msk $0xffff, v61  }
0x1ff: {  	v31 =	vmax.f32 v62, $0.0e+00;
	v33 =	vadd.f32 v30, v16;
	v32 =	vadd.f32 v63, v15;
	[tilespmem:s30+$0x1910] =	vst.add.f32.msk $0xffff, v23  }
0x200: {  	v35 =	vbroadcast v19, $0x8;
	v37 =	vmul.f32 v47, v10;
	v36 =	vmax.f32 v24, $0.0e+00;
	[tilespmem:s30+$0x1920] =	vst.add.f32.msk $0xffff, v31  }
0x201: {  	v39 =	vadd.f32 v34, v17;
	v22 =	vmax.f32 v32, $0.0e+00;
	[tilespmem:s30+$0x1930] =	vst.add.f32.msk $0xffff, v36  }
0x202: {  	v38 =	vmax.f32 v33, $0.0e+00;
	v41 =	vadd.f32 v37, v18;
	v40 =	vmul.f32 v35, v3;
	[tilespmem:s30+$0x1940] =	vst.add.f32.msk $0xffff, v22  }
0x203: {  	v56 =	vbroadcast v19, $0x9;
	v44 =	vmax.f32 v39, $0.0e+00;
	v42 =	vmul.f32 v35, v4;
	[tilespmem:s30+$0x1950] =	vst.add.f32.msk $0xffff, v38  }
0x204: {  	v43 =	vmul.f32 v35, v5;
	v46 =	vmax.f32 v41, $0.0e+00;
	v45 =	vadd.f32 v40, v11;
	[tilespmem:s30+$0x1960] =	vst.add.f32.msk $0xffff, v44;
	s31 =	spop (v2sf)  }
0x205: {  	v50 =	vmul.f32 v35, v6;
	v51 =	vmul.f32 v35, v7;
	v47 =	vadd.f32 v42, v12;
	s25 =	sshll.u32 s26, $0x4;
	[tilespmem:s30+$0x1970] =	vst.add.f32.msk $0xffff, v46;
	s26 =	sshll.u32 s31, $0x9  }
0x206: {  	v53 =	vmul.f32 v35, v8;
	v48 =	vadd.f32 v43, v13;
	v49 =	vmax.f32 v45, $0.0e+00;
	[tilespmem:s25+$0x11900] =	vst.add.f32.msk $0xffff, v2;
	s28 =	sshra.s32 s26, $0x2  }
0x207: {  	v52 =	vadd.f32 v50, v14;
	v22 =	vmax.f32 v47, $0.0e+00;
	(v2sf) =	vpush v20, $0xA;
	[tilespmem:s28+$0x1900] =	vst.add.f32.msk $0xffff, v49  }
0x208: {  	v54 =	vadd.f32 v51, v15;
	v55 =	vmul.f32 v35, v9;
	v24 =	vmax.f32 v48, $0.0e+00;
	[tilespmem:s28+$0x1910] =	vst.add.f32.msk $0xffff, v22  }
0x209: {  	v57 =	vmul.f32 v35, v10;
	v21 =	vmax.f32 v52, $0.0e+00;
	v23 =	vadd.f32 v53, v16;
	[tilespmem:s28+$0x1920] =	vst.add.f32.msk $0xffff, v24  }
0x20a: {  	v58 =	vmax.f32 v54, $0.0e+00;
	v59 =	vadd.f32 v55, v17;
	[tilespmem:s28+$0x1930] =	vst.add.f32.msk $0xffff, v21  }
0x20b: {  	v62 =	vadd.f32 v57, v18;
	v60 =	vmul.f32 v56, v3;
	v61 =	vmax.f32 v23, $0.0e+00;
	[tilespmem:s28+$0x1940] =	vst.add.f32.msk $0xffff, v58  }
0x20c: {  	v30 =	vmul.f32 v56, v5;
	v63 =	vmul.f32 v56, v4;
	v28 =	vmax.f32 v59, $0.0e+00;
	[tilespmem:s28+$0x1950] =	vst.add.f32.msk $0xffff, v61  }
0x20d: {  	v33 =	vmul.f32 v56, v6;
	v29 =	vadd.f32 v60, v11;
	v31 =	vmax.f32 v62, $0.0e+00;
	[tilespmem:s28+$0x1960] =	vst.add.f32.msk $0xffff, v28;
	s29 =	spop (v2sf)  }
0x20e: {  	v37 =	vmul.f32 v56, v8;
	v41 =	vmul.f32 v56, v9;
	v32 =	vadd.f32 v63, v12;
	s30 =	sshll.u32 s31, $0x4;
	[tilespmem:s28+$0x1970] =	vst.add.f32.msk $0xffff, v31;
	s31 =	sshll.u32 s29, $0x9  }
0x20f: {  	v35 =	vadd.f32 v30, v13;
	v34 =	vmax.f32 v29, $0.0e+00;
	v36 =	vmul.f32 v56, v7;
	[tilespmem:s30+$0x11900] =	vst.add.f32.msk $0xffff, v2;
	s24 =	sshra.s32 s31, $0x2  }
0x210: {  	v23 =	vmax.f32 v32, $0.0e+00;
	v24 =	vadd.f32 v33, v14;
	(v2sf) =	vpush v20, $0xB;
	[tilespmem:s24+$0x1900] =	vst.add.f32.msk $0xffff, v34  }
0x211: {  	v42 =	vbroadcast v19, $0xA;
	v38 =	vmax.f32 v35, $0.0e+00;
	v39 =	vadd.f32 v36, v15;
	[tilespmem:s24+$0x1910] =	vst.add.f32.msk $0xffff, v23  }
0x212: {  	v40 =	vadd.f32 v37, v16;
	v44 =	vmul.f32 v56, v10;
	v43 =	vmax.f32 v24, $0.0e+00;
	[tilespmem:s24+$0x1920] =	vst.add.f32.msk $0xffff, v38  }
0x213: {  	v46 =	vadd.f32 v41, v17;
	v22 =	vmax.f32 v39, $0.0e+00;
	[tilespmem:s24+$0x1930] =	vst.add.f32.msk $0xffff, v43  }
0x214: {  	v45 =	vmax.f32 v40, $0.0e+00;
	v47 =	vmul.f32 v42, v3;
	v48 =	vadd.f32 v44, v18;
	[tilespmem:s24+$0x1940] =	vst.add.f32.msk $0xffff, v22  }
0x215: {  	v50 =	vmul.f32 v42, v5;
	v51 =	vmax.f32 v46, $0.0e+00;
	v49 =	vmul.f32 v42, v4;
	[tilespmem:s24+$0x1950] =	vst.add.f32.msk $0xffff, v45  }
0x216: {  	v57 =	vmul.f32 v42, v6;
	v52 =	vadd.f32 v47, v11;
	v53 =	vmax.f32 v48, $0.0e+00;
	[tilespmem:s24+$0x1960] =	vst.add.f32.msk $0xffff, v51;
	s26 =	spop (v2sf)  }
0x217: {  	v63 =	vbroadcast v19, $0xB;
	v55 =	vadd.f32 v50, v13;
	v54 =	vadd.f32 v49, v12;
	s28 =	sshll.u32 s29, $0x4;
	[tilespmem:s24+$0x1970] =	vst.add.f32.msk $0xffff, v53;
	s29 =	sshll.u32 s26, $0x9  }
0x218: {  	v60 =	vmul.f32 v42, v8;
	v56 =	vmax.f32 v52, $0.0e+00;
	v58 =	vmul.f32 v42, v7;
	[tilespmem:s28+$0x11900] =	vst.add.f32.msk $0xffff, v2;
	s30 =	sshra.s32 s29, $0x2  }
0x219: {  	v59 =	vadd.f32 v57, v14;
	v22 =	vmax.f32 v54, $0.0e+00;
	(v2sf) =	vpush v20, $0xC;
	[tilespmem:s30+$0x1900] =	vst.add.f32.msk $0xffff, v56  }
0x21a: {  	v62 =	vmul.f32 v42, v9;
	v24 =	vmax.f32 v55, $0.0e+00;
	v61 =	vadd.f32 v58, v15;
	[tilespmem:s30+$0x1910] =	vst.add.f32.msk $0xffff, v22  }
0x21b: {  	v29 =	vmul.f32 v42, v10;
	v21 =	vmax.f32 v59, $0.0e+00;
	v23 =	vadd.f32 v60, v16;
	[tilespmem:s30+$0x1920] =	vst.add.f32.msk $0xffff, v24  }
0x21c: {  	v31 =	vadd.f32 v62, v17;
	v30 =	vmax.f32 v61, $0.0e+00;
	[tilespmem:s30+$0x1930] =	vst.add.f32.msk $0xffff, v21  }
0x21d: {  	v32 =	vmul.f32 v63, v3;
	v34 =	vadd.f32 v29, v18;
	v33 =	vmax.f32 v23, $0.0e+00;
	[tilespmem:s30+$0x1940] =	vst.add.f32.msk $0xffff, v30  }
0x21e: {  	v50 =	vmul.f32 v63, v9;
	v35 =	vmul.f32 v63, v4;
	v36 =	vmax.f32 v31, $0.0e+00;
	[tilespmem:s30+$0x1950] =	vst.add.f32.msk $0xffff, v33  }
0x21f: {  	v37 =	vadd.f32 v32, v11;
	v38 =	vmul.f32 v63, v5;
	v39 =	vmax.f32 v34, $0.0e+00;
	[tilespmem:s30+$0x1960] =	vst.add.f32.msk $0xffff, v36;
	s31 =	spop (v2sf)  }
0x220: {  	v40 =	vadd.f32 v35, v12;
	v44 =	vmul.f32 v63, v7;
	v43 =	vmul.f32 v63, v6;
	s24 =	sshll.u32 s26, $0x4;
	[tilespmem:s30+$0x1970] =	vst.add.f32.msk $0xffff, v39;
	s26 =	sshll.u32 s31, $0x9  }
0x221: {  	v41 =	vmax.f32 v37, $0.0e+00;
	v45 =	vmul.f32 v63, v8;
	v42 =	vadd.f32 v38, v13;
	[tilespmem:s24+$0x11900] =	vst.add.f32.msk $0xffff, v2;
	s28 =	sshra.s32 s26, $0x2  }
0x222: {  	v23 =	vmax.f32 v40, $0.0e+00;
	v47 =	vadd.f32 v43, v14;
	(v2sf) =	vpush v20, $0xD;
	[tilespmem:s28+$0x1900] =	vst.add.f32.msk $0xffff, v41  }
0x223: {  	v48 =	vadd.f32 v44, v15;
	v52 =	vmul.f32 v63, v10;
	v46 =	vmax.f32 v42, $0.0e+00;
	[tilespmem:s28+$0x1910] =	vst.add.f32.msk $0xffff, v23  }
0x224: {  	v53 =	vbroadcast v19, $0xC;
	v49 =	vadd.f32 v45, v16;
	v51 =	vmax.f32 v47, $0.0e+00;
	[tilespmem:s28+$0x1920] =	vst.add.f32.msk $0xffff, v46  }
0x225: {  	v54 =	vmax.f32 v48, $0.0e+00;
	v56 =	vadd.f32 v50, v17;
	[tilespmem:s28+$0x1930] =	vst.add.f32.msk $0xffff, v51  }
0x226: {  	v57 =	vadd.f32 v52, v18;
	v58 =	vmul.f32 v53, v3;
	v55 =	vmax.f32 v49, $0.0e+00;
	[tilespmem:s28+$0x1940] =	vst.add.f32.msk $0xffff, v54  }
0x227: {  	v37 =	vbroadcast v19, $0xD;
	v59 =	vmul.f32 v53, v4;
	v60 =	vmax.f32 v56, $0.0e+00;
	[tilespmem:s28+$0x1950] =	vst.add.f32.msk $0xffff, v55  }
0x228: {  	v61 =	vmul.f32 v53, v5;
	v21 =	vmax.f32 v57, $0.0e+00;
	v22 =	vadd.f32 v58, v11;
	[tilespmem:s28+$0x1960] =	vst.add.f32.msk $0xffff, v60;
	s29 =	spop (v2sf)  }
0x229: {  	v62 =	vmul.f32 v53, v6;
	v34 =	vmul.f32 v53, v9;
	v63 =	vadd.f32 v59, v12;
	s30 =	sshll.u32 s31, $0x4;
	[tilespmem:s28+$0x1970] =	vst.add.f32.msk $0xffff, v21;
	s31 =	sshll.u32 s29, $0x9  }
0x22a: {  	v28 =	vadd.f32 v61, v13;
	v30 =	vmul.f32 v53, v7;
	v22 =	vmax.f32 v22, $0.0e+00;
	[tilespmem:s30+$0x11900] =	vst.add.f32.msk $0xffff, v2;
	s25 =	sshra.s32 s31, $0x2  }
0x22b: {  	v29 =	vadd.f32 v62, v14;
	v36 =	vmul.f32 v53, v10;
	v23 =	vmax.f32 v63, $0.0e+00;
	[tilespmem:s25+$0x1900] =	vst.add.f32.msk $0xffff, v22  }
0x22c: {  	v33 =	vadd.f32 v30, v15;
	v21 =	vmax.f32 v28, $0.0e+00;
	(v2sf) =	vpush v20, $0xE;
	[tilespmem:s25+$0x1910] =	vst.add.f32.msk $0xffff, v23  }
0x22d: {  	v32 =	vmul.f32 v53, v8;
	v31 =	vmax.f32 v29, $0.0e+00;
	v39 =	vadd.f32 v34, v17;
	[tilespmem:s25+$0x1920] =	vst.add.f32.msk $0xffff, v21  }
0x22e: {  	v40 =	vadd.f32 v36, v18;
	v38 =	vmax.f32 v33, $0.0e+00;
	[tilespmem:s25+$0x1930] =	vst.add.f32.msk $0xffff, v31  }
0x22f: {  	v35 =	vadd.f32 v32, v16;
	v42 =	vmax.f32 v39, $0.0e+00;
	v41 =	vmul.f32 v37, v3;
	[tilespmem:s25+$0x1940] =	vst.add.f32.msk $0xffff, v38  }
0x230: {  	v44 =	vmul.f32 v37, v5;
	v43 =	vmul.f32 v37, v4;
	v45 =	vmax.f32 v40, $0.0e+00;
	[tilespmem:s25+$0x1960] =	vst.add.f32.msk $0xffff, v42  }
0x231: {  	v47 =	vmul.f32 v37, v6;
	v46 =	vadd.f32 v41, v11;
	v21 =	vmax.f32 v35, $0.0e+00;
	[tilespmem:s25+$0x1970] =	vst.add.f32.msk $0xffff, v45;
	s26 =	spop (v2sf)  }
0x232: {  	v48 =	vadd.f32 v43, v12;
	v49 =	vadd.f32 v44, v13;
	s28 =	sshll.u32 s29, $0x4;
	[tilespmem:s25+$0x1950] =	vst.add.f32.msk $0xffff, v21;
	s29 =	sshll.u32 s26, $0x9  }
0x233: {  	v24 =	vadd.f32 v47, v14;
	v50 =	vmul.f32 v37, v7;
	v22 =	vmax.f32 v46, $0.0e+00;
	[tilespmem:s28+$0x11900] =	vst.add.f32.msk $0xffff, v2;
	s30 =	sshra.s32 s29, $0x2  }
0x234: {  	v58 =	vmul.f32 v37, v10;
	v21 =	vmax.f32 v48, $0.0e+00;
	[tilespmem:s30+$0x1900] =	vst.add.f32.msk $0xffff, v22  }
0x235: {  	v52 =	vmax.f32 v24, $0.0e+00;
	v53 =	vadd.f32 v50, v15;
	v51 =	vmax.f32 v49, $0.0e+00;
	[tilespmem:s30+$0x1910] =	vst.add.f32.msk $0xffff, v21  }
0x236: {  	v56 =	vbroadcast v19, $0xE;
	v54 =	vmul.f32 v37, v8;
	(v2sf) =	vpush v20, $0xF;
	[tilespmem:s30+$0x1920] =	vst.add.f32.msk $0xffff, v51  }
0x237: {  	v55 =	vmul.f32 v37, v9;
	v23 =	vadd.f32 v58, v18;
	v20 =	vmax.f32 v53, $0.0e+00;
	[tilespmem:s30+$0x1930] =	vst.add.f32.msk $0xffff, v52  }
0x238: {  	v57 =	vadd.f32 v54, v16;
	[tilespmem:s30+$0x1940] =	vst.add.f32.msk $0xffff, v20  }
0x239: {  	v59 =	vmul.f32 v56, v3;
	v63 =	vmax.f32 v23, $0.0e+00;
	v22 =	vadd.f32 v55, v17;
	v20 =	vld [tilespmem:s20+$0x10]  }
0x23a: {  	v60 =	vmul.f32 v56, v4;
	v21 =	vmax.f32 v57, $0.0e+00;
	[tilespmem:s30+$0x1970] =	vst.add.f32.msk $0xffff, v63  }
0x23b: {  	v29 =	vmul.f32 v56, v5;
	v62 =	vadd.f32 v59, v11;
	[tilespmem:s30+$0x1950] =	vst.add.f32.msk $0xffff, v21;
	v61 =	vmax.f32 v22, $0.0e+00;
	s31 =	spop (v2sf)  }
0x23c: {  	v28 =	vadd.f32 v60, v12;
	v31 =	vmul.f32 v56, v6;
	s25 =	sshll.u32 s26, $0x4;
	[tilespmem:s30+$0x1960] =	vst.add.f32.msk $0xffff, v61;
	s26 =	sshll.u32 s31, $0x9  }
0x23d: {  	v32 =	vmul.f32 v56, v7;
	v24 =	vadd.f32 v29, v13;
	v30 =	vmax.f32 v62, $0.0e+00;
	[tilespmem:s25+$0x11900] =	vst.add.f32.msk $0xffff, v2;
	s25 =	sshra.s32 s26, $0x2  }
0x23e: {  	v34 =	vmul.f32 v56, v8;
	v23 =	vmax.f32 v28, $0.0e+00;
	v33 =	vadd.f32 v31, v14;
	[tilespmem:s25+$0x1900] =	vst.add.f32.msk $0xffff, v30  }
0x23f: {  	v36 =	vadd.f32 v32, v15;
	v35 =	vmax.f32 v24, $0.0e+00;
	(v2sf) =	vpush v20, $0x0;
	[tilespmem:s25+$0x1910] =	vst.add.f32.msk $0xffff, v23  }
0x240: {  	v40 =	vmul.f32 v56, v10;
	v37 =	vmul.f32 v56, v9;
	v21 =	vmax.f32 v33, $0.0e+00;
	[tilespmem:s25+$0x1920] =	vst.add.f32.msk $0xffff, v35  }
0x241: {  	v38 =	vbroadcast v19, $0xF;
	v19 =	vmax.f32 v36, $0.0e+00;
	v22 =	vadd.f32 v34, v16;
	[tilespmem:s25+$0x1930] =	vst.add.f32.msk $0xffff, v21  }
0x242: {  	v24 =	vadd.f32 v40, v18;
	[tilespmem:s25+$0x1940] =	vst.add.f32.msk $0xffff, v19  }
0x243: {  	v39 =	vadd.f32 v37, v17;
	v41 =	vmul.f32 v38, v3;
	v22 =	vmax.f32 v22, $0.0e+00;
	v19 =	vld [tilespmem:s21+$0x10]  }
0x244: {  	v42 =	vmul.f32 v38, v4;
	v44 =	vmul.f32 v38, v5;
	v46 =	vmax.f32 v24, $0.0e+00;
	[tilespmem:s25+$0x1950] =	vst.add.f32.msk $0xffff, v22  }
0x245: {  	v45 =	vmul.f32 v38, v6;
	v43 =	vadd.f32 v41, v11;
	v21 =	vmax.f32 v39, $0.0e+00;
	[tilespmem:s25+$0x1970] =	vst.add.f32.msk $0xffff, v46;
	s23 =	spop (v2sf)  }
0x246: {  	v48 =	vmul.f32 v38, v7;
	v59 =	vmul.f32 v38, v10;
	v47 =	vadd.f32 v42, v12;
	s24 =	sshll.u32 s31, $0x4;
	[tilespmem:s25+$0x1960] =	vst.add.f32.msk $0xffff, v21;
	s28 =	sshll.u32 s23, $0x9  }
0x247: {  	v50 =	vadd.f32 v44, v13;
	v53 =	vmul.f32 v38, v8;
	v49 =	vmax.f32 v43, $0.0e+00;
	[tilespmem:s24+$0x11900] =	vst.add.f32.msk $0xffff, v2;
	s29 =	sshra.s32 s28, $0x2  }
0x248: {  	v24 =	vmax.f32 v47, $0.0e+00;
	v51 =	vadd.f32 v45, v14;
	(v2sf) =	vpush v20, $0x1;
	[tilespmem:s29+$0x1900] =	vst.add.f32.msk $0xffff, v49  }
0x249: {  	v26 =	vadd.f32 v48, v15;
	v52 =	vmax.f32 v50, $0.0e+00;
	v57 =	vmul.f32 v38, v9;
	[tilespmem:s29+$0x1910] =	vst.add.f32.msk $0xffff, v24  }
0x24a: {  	v58 =	vadd.f32 v53, v16;
	v55 =	vmax.f32 v51, $0.0e+00;
	v54 =	vbroadcast v19, $0x0;
	[tilespmem:s29+$0x1920] =	vst.add.f32.msk $0xffff, v52  }
0x24b: {  	v56 =	vmax.f32 v26, $0.0e+00;
	v61 =	vadd.f32 v57, v17;
	v22 =	vadd.f32 v59, v18;
	[tilespmem:s29+$0x1930] =	vst.add.f32.msk $0xffff, v55  }
0x24c: {  	v21 =	vmax.f32 v58, $0.0e+00;
	v60 =	vmul.f32 v54, v3;
	[tilespmem:s29+$0x1940] =	vst.add.f32.msk $0xffff, v56  }
0x24d: {  	v31 =	vmax.f32 v61, $0.0e+00;
	v34 =	vmax.f32 v22, $0.0e+00;
	v62 =	vmul.f32 v54, v4;
	[tilespmem:s29+$0x1950] =	vst.add.f32.msk $0xffff, v21  }
0x24e: {  	v44 =	vbroadcast v19, $0x1;
	v63 =	vmul.f32 v54, v5;
	[tilespmem:s29+$0x1960] =	vst.add.f32.msk $0xffff, v31;
	v23 =	vadd.f32 v60, v11;
	s30 =	spop (v2sf)  }
0x24f: {  	s23 =	sshll.u32 s23, $0x4;
	v36 =	vmul.f32 v54, v6;
	[tilespmem:s29+$0x1970] =	vst.add.f32.msk $0xffff, v34;
	v39 =	vmul.f32 v54, v7;
	v32 =	vadd.f32 v62, v12;
	s26 =	sshll.u32 s30, $0x9  }
0x250: {  	v41 =	vmul.f32 v54, v8;
	[tilespmem:s23+$0x11900] =	vst.add.f32.msk $0xffff, v2;
	v33 =	vadd.f32 v63, v13;
	v35 =	vmax.f32 v23, $0.0e+00;
	s31 =	sshra.s32 s26, $0x2  }
0x251: {  	v40 =	vadd.f32 v36, v14;
	v37 =	vmax.f32 v32, $0.0e+00;
	(v2sf) =	vpush v20, $0x2;
	[tilespmem:s31+$0x1900] =	vst.add.f32.msk $0xffff, v35  }
0x252: {  	v43 =	vmul.f32 v54, v9;
	v42 =	vadd.f32 v39, v15;
	v38 =	vmax.f32 v33, $0.0e+00;
	[tilespmem:s31+$0x1910] =	vst.add.f32.msk $0xffff, v37  }
0x253: {  	v45 =	vmul.f32 v54, v10;
	v22 =	vmax.f32 v40, $0.0e+00;
	v23 =	vadd.f32 v41, v16;
	[tilespmem:s31+$0x1920] =	vst.add.f32.msk $0xffff, v38  }
0x254: {  	v46 =	vadd.f32 v43, v17;
	v21 =	vmax.f32 v42, $0.0e+00;
	[tilespmem:s31+$0x1930] =	vst.add.f32.msk $0xffff, v22  }
0x255: {  	v47 =	vmul.f32 v44, v3;
	v49 =	vadd.f32 v45, v18;
	v48 =	vmax.f32 v23, $0.0e+00;
	[tilespmem:s31+$0x1940] =	vst.add.f32.msk $0xffff, v21  }
0x256: {  	v50 =	vmul.f32 v44, v4;
	v53 =	vmul.f32 v44, v5;
	v51 =	vmax.f32 v46, $0.0e+00;
	[tilespmem:s31+$0x1950] =	vst.add.f32.msk $0xffff, v48  }
0x257: {  	v56 =	vmul.f32 v44, v6;
	v52 =	vadd.f32 v47, v11;
	v54 =	vmax.f32 v49, $0.0e+00;
	[tilespmem:s31+$0x1960] =	vst.add.f32.msk $0xffff, v51;
	s26 =	spop (v2sf)  }
0x258: {  	v59 =	vmul.f32 v44, v7;
	v30 =	vmul.f32 v44, v9;
	v55 =	vadd.f32 v50, v12;
	s28 =	sshll.u32 s30, $0x4;
	[tilespmem:s31+$0x1970] =	vst.add.f32.msk $0xffff, v54;
	s29 =	sshll.u32 s26, $0x9  }
0x259: {  	v58 =	vadd.f32 v53, v13;
	v24 =	vadd.f32 v56, v14;
	v57 =	vmax.f32 v52, $0.0e+00;
	[tilespmem:s28+$0x11900] =	vst.add.f32.msk $0xffff, v2;
	s30 =	sshra.s32 s29, $0x2  }
0x25a: {  	v60 =	vmul.f32 v44, v8;
	v23 =	vmax.f32 v55, $0.0e+00;
	(v2sf) =	vpush v20, $0x3;
	[tilespmem:s30+$0x1900] =	vst.add.f32.msk $0xffff, v57  }
0x25b: {  	v31 =	vbroadcast v19, $0x2;
	v62 =	vadd.f32 v59, v15;
	v61 =	vmax.f32 v58, $0.0e+00;
	[tilespmem:s30+$0x1910] =	vst.add.f32.msk $0xffff, v23  }
0x25c: {  	v63 =	vadd.f32 v60, v16;
	v32 =	vmax.f32 v24, $0.0e+00;
	v33 =	vmul.f32 v44, v10;
	[tilespmem:s30+$0x1920] =	vst.add.f32.msk $0xffff, v61  }
0x25d: {  	v22 =	vmax.f32 v62, $0.0e+00;
	v35 =	vadd.f32 v30, v17;
	[tilespmem:s30+$0x1930] =	vst.add.f32.msk $0xffff, v32  }
0x25e: {  	v36 =	vmul.f32 v31, v3;
	v34 =	vmax.f32 v63, $0.0e+00;
	v37 =	vadd.f32 v33, v18;
	[tilespmem:s30+$0x1940] =	vst.add.f32.msk $0xffff, v22  }
0x25f: {  	v39 =	vmul.f32 v31, v5;
	v38 =	vmul.f32 v31, v4;
	v40 =	vmax.f32 v35, $0.0e+00;
	[tilespmem:s30+$0x1950] =	vst.add.f32.msk $0xffff, v34  }
0x260: {  	v47 =	vmul.f32 v31, v7;
	v41 =	vadd.f32 v36, v11;
	v42 =	vmax.f32 v37, $0.0e+00;
	[tilespmem:s30+$0x1960] =	vst.add.f32.msk $0xffff, v40;
	s31 =	spop (v2sf)  }
0x261: {  	v53 =	vmul.f32 v31, v10;
	v46 =	vmul.f32 v31, v6;
	v43 =	vadd.f32 v38, v12;
	s26 =	sshll.u32 s26, $0x4;
	[tilespmem:s30+$0x1970] =	vst.add.f32.msk $0xffff, v42;
	s28 =	sshll.u32 s31, $0x9  }
0x262: {  	v44 =	vadd.f32 v39, v13;
	v49 =	vmul.f32 v31, v8;
	v45 =	vmax.f32 v41, $0.0e+00;
	[tilespmem:s26+$0x11900] =	vst.add.f32.msk $0xffff, v2;
	s29 =	sshra.s32 s28, $0x2  }
0x263: {  	v48 =	vadd.f32 v46, v14;
	v22 =	vmax.f32 v43, $0.0e+00;
	(v2sf) =	vpush v20, $0x4;
	[tilespmem:s29+$0x1900] =	vst.add.f32.msk $0xffff, v45  }
0x264: {  	v50 =	vadd.f32 v47, v15;
	v24 =	vmax.f32 v44, $0.0e+00;
	v51 =	vmul.f32 v31, v9;
	[tilespmem:s29+$0x1910] =	vst.add.f32.msk $0xffff, v22  }
0x265: {  	v52 =	vbroadcast v19, $0x3;
	v21 =	vmax.f32 v48, $0.0e+00;
	v23 =	vadd.f32 v49, v16;
	[tilespmem:s29+$0x1920] =	vst.add.f32.msk $0xffff, v24  }
0x266: {  	v54 =	vmax.f32 v50, $0.0e+00;
	v55 =	vadd.f32 v51, v17;
	[tilespmem:s29+$0x1930] =	vst.add.f32.msk $0xffff, v21  }
0x267: {  	v58 =	vadd.f32 v53, v18;
	v56 =	vmul.f32 v52, v3;
	v57 =	vmax.f32 v23, $0.0e+00;
	[tilespmem:s29+$0x1940] =	vst.add.f32.msk $0xffff, v54  }
0x268: {  	v59 =	vmul.f32 v52, v4;
	v62 =	vmul.f32 v52, v5;
	v60 =	vmax.f32 v55, $0.0e+00;
	[tilespmem:s29+$0x1950] =	vst.add.f32.msk $0xffff, v57  }
0x269: {  	v63 =	vmax.f32 v58, $0.0e+00;
	v33 =	vmul.f32 v52, v8;
	v61 =	vadd.f32 v56, v11;
	[tilespmem:s29+$0x1960] =	vst.add.f32.msk $0xffff, v60;
	s26 =	spop (v2sf)  }
0x26a: {  	v29 =	vmul.f32 v52, v6;
	v28 =	vadd.f32 v59, v12;
	v31 =	vadd.f32 v62, v13;
	s30 =	sshll.u32 s31, $0x4;
	[tilespmem:s29+$0x1970] =	vst.add.f32.msk $0xffff, v63;
	s31 =	sshll.u32 s26, $0x9  }
0x26b: {  	v36 =	vadd.f32 v33, v16;
	v32 =	vmul.f32 v52, v7;
	v30 =	vmax.f32 v61, $0.0e+00;
	[tilespmem:s30+$0x11900] =	vst.add.f32.msk $0xffff, v2;
	s28 =	sshra.s32 s31, $0x2  }
0x26c: {  	v23 =	vmax.f32 v28, $0.0e+00;
	v24 =	vadd.f32 v29, v14;
	(v2sf) =	vpush v20, $0x5;
	[tilespmem:s28+$0x1900] =	vst.add.f32.msk $0xffff, v30  }
0x26d: {  	v37 =	vmul.f32 v52, v9;
	v34 =	vmax.f32 v31, $0.0e+00;
	v35 =	vadd.f32 v32, v15;
	[tilespmem:s28+$0x1910] =	vst.add.f32.msk $0xffff, v23  }
0x26e: {  	v38 =	vbroadcast v19, $0x4;
	v40 =	vmul.f32 v52, v10;
	v39 =	vmax.f32 v24, $0.0e+00;
	[tilespmem:s28+$0x1920] =	vst.add.f32.msk $0xffff, v34  }
0x26f: {  	v42 =	vadd.f32 v37, v17;
	v22 =	vmax.f32 v35, $0.0e+00;
	[tilespmem:s28+$0x1930] =	vst.add.f32.msk $0xffff, v39  }
0x270: {  	v41 =	vmax.f32 v36, $0.0e+00;
	v43 =	vmul.f32 v38, v3;
	v44 =	vadd.f32 v40, v18;
	[tilespmem:s28+$0x1940] =	vst.add.f32.msk $0xffff, v22  }
0x271: {  	v46 =	vmul.f32 v38, v5;
	v47 =	vmax.f32 v42, $0.0e+00;
	v45 =	vmul.f32 v38, v4;
	[tilespmem:s28+$0x1950] =	vst.add.f32.msk $0xffff, v41  }
0x272: {  	v53 =	vmul.f32 v38, v6;
	v48 =	vadd.f32 v43, v11;
	v49 =	vmax.f32 v44, $0.0e+00;
	[tilespmem:s28+$0x1960] =	vst.add.f32.msk $0xffff, v47;
	s29 =	spop (v2sf)  }
0x273: {  	v59 =	vbroadcast v19, $0x5;
	v51 =	vadd.f32 v46, v13;
	v50 =	vadd.f32 v45, v12;
	s30 =	sshll.u32 s26, $0x4;
	[tilespmem:s28+$0x1970] =	vst.add.f32.msk $0xffff, v49;
	s31 =	sshll.u32 s29, $0x9  }
0x274: {  	v55 =	vadd.f32 v53, v14;
	v52 =	vmax.f32 v48, $0.0e+00;
	v54 =	vmul.f32 v38, v7;
	[tilespmem:s30+$0x11900] =	vst.add.f32.msk $0xffff, v2;
	s26 =	sshra.s32 s31, $0x2  }
0x275: {  	v56 =	vmul.f32 v38, v8;
	v22 =	vmax.f32 v50, $0.0e+00;
	(v2sf) =	vpush v20, $0x6;
	[tilespmem:s26+$0x1900] =	vst.add.f32.msk $0xffff, v52  }
0x276: {  	v58 =	vmul.f32 v38, v9;
	v24 =	vmax.f32 v51, $0.0e+00;
	v57 =	vadd.f32 v54, v15;
	[tilespmem:s26+$0x1910] =	vst.add.f32.msk $0xffff, v22  }
0x277: {  	v21 =	vmax.f32 v55, $0.0e+00;
	v60 =	vmul.f32 v38, v10;
	v23 =	vadd.f32 v56, v16;
	[tilespmem:s26+$0x1920] =	vst.add.f32.msk $0xffff, v24  }
0x278: {  	v62 =	vadd.f32 v58, v17;
	v61 =	vmax.f32 v57, $0.0e+00;
	[tilespmem:s26+$0x1930] =	vst.add.f32.msk $0xffff, v21  }
0x279: {  	v63 =	vmul.f32 v59, v3;
	v29 =	vadd.f32 v60, v18;
	v28 =	vmax.f32 v23, $0.0e+00;
	[tilespmem:s26+$0x1940] =	vst.add.f32.msk $0xffff, v61  }
0x27a: {  	v31 =	vmax.f32 v62, $0.0e+00;
	v40 =	vmul.f32 v59, v8;
	v30 =	vmul.f32 v59, v4;
	[tilespmem:s26+$0x1950] =	vst.add.f32.msk $0xffff, v28  }
0x27b: {  	v33 =	vmul.f32 v59, v5;
	v32 =	vadd.f32 v63, v11;
	v34 =	vmax.f32 v29, $0.0e+00;
	[tilespmem:s26+$0x1960] =	vst.add.f32.msk $0xffff, v31;
	s28 =	spop (v2sf)  }
0x27c: {  	v36 =	vmul.f32 v59, v6;
	v43 =	vadd.f32 v40, v16;
	v35 =	vadd.f32 v30, v12;
	s29 =	sshll.u32 s29, $0x4;
	[tilespmem:s26+$0x1970] =	vst.add.f32.msk $0xffff, v34;
	s30 =	sshll.u32 s28, $0x9  }
0x27d: {  	v38 =	vadd.f32 v33, v13;
	v37 =	vmax.f32 v32, $0.0e+00;
	v39 =	vmul.f32 v59, v7;
	[tilespmem:s29+$0x11900] =	vst.add.f32.msk $0xffff, v2;
	s31 =	sshra.s32 s30, $0x2  }
0x27e: {  	v23 =	vmax.f32 v35, $0.0e+00;
	v24 =	vadd.f32 v36, v14;
	(v2sf) =	vpush v20, $0x7;
	[tilespmem:s31+$0x1900] =	vst.add.f32.msk $0xffff, v37  }
0x27f: {  	v44 =	vmul.f32 v59, v9;
	v41 =	vmax.f32 v38, $0.0e+00;
	v42 =	vadd.f32 v39, v15;
	[tilespmem:s31+$0x1910] =	vst.add.f32.msk $0xffff, v23  }
0x280: {  	v45 =	vbroadcast v19, $0x6;
	v47 =	vmul.f32 v59, v10;
	v46 =	vmax.f32 v24, $0.0e+00;
	[tilespmem:s31+$0x1920] =	vst.add.f32.msk $0xffff, v41  }
0x281: {  	v49 =	vadd.f32 v44, v17;
	v22 =	vmax.f32 v42, $0.0e+00;
	[tilespmem:s31+$0x1930] =	vst.add.f32.msk $0xffff, v46  }
0x282: {  	v48 =	vmax.f32 v43, $0.0e+00;
	v50 =	vmul.f32 v45, v3;
	v51 =	vadd.f32 v47, v18;
	[tilespmem:s31+$0x1940] =	vst.add.f32.msk $0xffff, v22  }
0x283: {  	v53 =	vmul.f32 v45, v5;
	v54 =	vmax.f32 v49, $0.0e+00;
	v52 =	vmul.f32 v45, v4;
	[tilespmem:s31+$0x1950] =	vst.add.f32.msk $0xffff, v48  }
0x284: {  	v60 =	vmul.f32 v45, v6;
	v55 =	vadd.f32 v50, v11;
	v56 =	vmax.f32 v51, $0.0e+00;
	[tilespmem:s31+$0x1960] =	vst.add.f32.msk $0xffff, v54;
	s25 =	spop (v2sf)  }
0x285: {  	v63 =	vmul.f32 v45, v8;
	v58 =	vadd.f32 v53, v13;
	v57 =	vadd.f32 v52, v12;
	s28 =	sshll.u32 s28, $0x4;
	[tilespmem:s31+$0x1970] =	vst.add.f32.msk $0xffff, v56;
	s29 =	sshll.u32 s25, $0x9  }
0x286: {  	v62 =	vadd.f32 v60, v14;
	v59 =	vmax.f32 v55, $0.0e+00;
	v61 =	vmul.f32 v45, v7;
	[tilespmem:s28+$0x11900] =	vst.add.f32.msk $0xffff, v2;
	s30 =	sshra.s32 s29, $0x2  }
0x287: {  	v29 =	vmul.f32 v45, v9;
	v22 =	vmax.f32 v57, $0.0e+00;
	(v2sf) =	vpush v20, $0x8;
	[tilespmem:s30+$0x1900] =	vst.add.f32.msk $0xffff, v59  }
0x288: {  	v30 =	vbroadcast v19, $0x7;
	v24 =	vmax.f32 v58, $0.0e+00;
	v28 =	vadd.f32 v61, v15;
	[tilespmem:s30+$0x1910] =	vst.add.f32.msk $0xffff, v22  }
0x289: {  	v21 =	vmax.f32 v62, $0.0e+00;
	v31 =	vmul.f32 v45, v10;
	v23 =	vadd.f32 v63, v16;
	[tilespmem:s30+$0x1920] =	vst.add.f32.msk $0xffff, v24  }
0x28a: {  	v33 =	vadd.f32 v29, v17;
	v32 =	vmax.f32 v28, $0.0e+00;
	[tilespmem:s30+$0x1930] =	vst.add.f32.msk $0xffff, v21  }
0x28b: {  	v34 =	vmul.f32 v30, v3;
	v36 =	vadd.f32 v31, v18;
	v35 =	vmax.f32 v23, $0.0e+00;
	[tilespmem:s30+$0x1940] =	vst.add.f32.msk $0xffff, v32  }
0x28c: {  	v38 =	vmax.f32 v33, $0.0e+00;
	v40 =	vmul.f32 v30, v5;
	v37 =	vmul.f32 v30, v4;
	[tilespmem:s30+$0x1950] =	vst.add.f32.msk $0xffff, v35  }
0x28d: {  	v43 =	vmul.f32 v30, v6;
	v39 =	vadd.f32 v34, v11;
	v41 =	vmax.f32 v36, $0.0e+00;
	[tilespmem:s30+$0x1960] =	vst.add.f32.msk $0xffff, v38;
	s31 =	spop (v2sf)  }
0x28e: {  	v47 =	vmul.f32 v30, v8;
	v51 =	vmul.f32 v30, v9;
	v42 =	vadd.f32 v37, v12;
	s25 =	sshll.u32 s25, $0x4;
	[tilespmem:s30+$0x1970] =	vst.add.f32.msk $0xffff, v41;
	s28 =	sshll.u32 s31, $0x9  }
0x28f: {  	v45 =	vadd.f32 v40, v13;
	v44 =	vmax.f32 v39, $0.0e+00;
	v46 =	vmul.f32 v30, v7;
	[tilespmem:s25+$0x11900] =	vst.add.f32.msk $0xffff, v2;
	s29 =	sshra.s32 s28, $0x2  }
0x290: {  	v23 =	vmax.f32 v42, $0.0e+00;
	v24 =	vadd.f32 v43, v14;
	(v2sf) =	vpush v20, $0x9;
	[tilespmem:s29+$0x1900] =	vst.add.f32.msk $0xffff, v44  }
0x291: {  	v50 =	vadd.f32 v47, v16;
	v48 =	vmax.f32 v45, $0.0e+00;
	v49 =	vadd.f32 v46, v15;
	[tilespmem:s29+$0x1910] =	vst.add.f32.msk $0xffff, v23  }
0x292: {  	v52 =	vbroadcast v19, $0x8;
	v54 =	vmul.f32 v30, v10;
	v53 =	vmax.f32 v24, $0.0e+00;
	[tilespmem:s29+$0x1920] =	vst.add.f32.msk $0xffff, v48  }
0x293: {  	v56 =	vadd.f32 v51, v17;
	v22 =	vmax.f32 v49, $0.0e+00;
	[tilespmem:s29+$0x1930] =	vst.add.f32.msk $0xffff, v53  }
0x294: {  	v55 =	vmax.f32 v50, $0.0e+00;
	v57 =	vmul.f32 v52, v3;
	v58 =	vadd.f32 v54, v18;
	[tilespmem:s29+$0x1940] =	vst.add.f32.msk $0xffff, v22  }
0x295: {  	v60 =	vmul.f32 v52, v5;
	v61 =	vmax.f32 v56, $0.0e+00;
	v59 =	vmul.f32 v52, v4;
	[tilespmem:s29+$0x1950] =	vst.add.f32.msk $0xffff, v55  }
0x296: {  	v31 =	vmul.f32 v52, v6;
	v62 =	vadd.f32 v57, v11;
	v63 =	vmax.f32 v58, $0.0e+00;
	[tilespmem:s29+$0x1960] =	vst.add.f32.msk $0xffff, v61;
	s25 =	spop (v2sf)  }
0x297: {  	v34 =	vmul.f32 v52, v8;
	v29 =	vadd.f32 v60, v13;
	v28 =	vadd.f32 v59, v12;
	s30 =	sshll.u32 s31, $0x4;
	[tilespmem:s29+$0x1970] =	vst.add.f32.msk $0xffff, v63;
	s31 =	sshll.u32 s25, $0x9  }
0x298: {  	v33 =	vadd.f32 v31, v14;
	v30 =	vmax.f32 v62, $0.0e+00;
	v32 =	vmul.f32 v52, v7;
	[tilespmem:s30+$0x11900] =	vst.add.f32.msk $0xffff, v2;
	s28 =	sshra.s32 s31, $0x2  }
0x299: {  	v36 =	vmul.f32 v52, v9;
	v22 =	vmax.f32 v28, $0.0e+00;
	(v2sf) =	vpush v20, $0xA;
	[tilespmem:s28+$0x1900] =	vst.add.f32.msk $0xffff, v30  }
0x29a: {  	v37 =	vbroadcast v19, $0x9;
	v24 =	vmax.f32 v29, $0.0e+00;
	v35 =	vadd.f32 v32, v15;
	[tilespmem:s28+$0x1910] =	vst.add.f32.msk $0xffff, v22  }
0x29b: {  	v21 =	vmax.f32 v33, $0.0e+00;
	v38 =	vmul.f32 v52, v10;
	v23 =	vadd.f32 v34, v16;
	[tilespmem:s28+$0x1920] =	vst.add.f32.msk $0xffff, v24  }
0x29c: {  	v40 =	vadd.f32 v36, v17;
	v39 =	vmax.f32 v35, $0.0e+00;
	[tilespmem:s28+$0x1930] =	vst.add.f32.msk $0xffff, v21  }
0x29d: {  	v41 =	vmul.f32 v37, v3;
	v43 =	vadd.f32 v38, v18;
	v42 =	vmax.f32 v23, $0.0e+00;
	[tilespmem:s28+$0x1940] =	vst.add.f32.msk $0xffff, v39  }
0x29e: {  	v45 =	vmax.f32 v40, $0.0e+00;
	v47 =	vmul.f32 v37, v5;
	v44 =	vmul.f32 v37, v4;
	[tilespmem:s28+$0x1950] =	vst.add.f32.msk $0xffff, v42  }
0x29f: {  	v50 =	vmul.f32 v37, v6;
	v46 =	vadd.f32 v41, v11;
	v48 =	vmax.f32 v43, $0.0e+00;
	[tilespmem:s28+$0x1960] =	vst.add.f32.msk $0xffff, v45;
	s29 =	spop (v2sf)  }
0x2a0: {  	v54 =	vmul.f32 v37, v8;
	v58 =	vmul.f32 v37, v9;
	v49 =	vadd.f32 v44, v12;
	s30 =	sshll.u32 s25, $0x4;
	[tilespmem:s28+$0x1970] =	vst.add.f32.msk $0xffff, v48;
	s31 =	sshll.u32 s29, $0x9  }
0x2a1: {  	v52 =	vadd.f32 v47, v13;
	v51 =	vmax.f32 v46, $0.0e+00;
	v53 =	vmul.f32 v37, v7;
	[tilespmem:s30+$0x11900] =	vst.add.f32.msk $0xffff, v2;
	s25 =	sshra.s32 s31, $0x2  }
0x2a2: {  	v23 =	vmax.f32 v49, $0.0e+00;
	v24 =	vadd.f32 v50, v14;
	(v2sf) =	vpush v20, $0xB;
	[tilespmem:s25+$0x1900] =	vst.add.f32.msk $0xffff, v51  }
0x2a3: {  	v57 =	vadd.f32 v54, v16;
	v55 =	vmax.f32 v52, $0.0e+00;
	v56 =	vadd.f32 v53, v15;
	[tilespmem:s25+$0x1910] =	vst.add.f32.msk $0xffff, v23  }
0x2a4: {  	v59 =	vbroadcast v19, $0xA;
	v61 =	vmul.f32 v37, v10;
	v60 =	vmax.f32 v24, $0.0e+00;
	[tilespmem:s25+$0x1920] =	vst.add.f32.msk $0xffff, v55  }
0x2a5: {  	v63 =	vadd.f32 v58, v17;
	v22 =	vmax.f32 v56, $0.0e+00;
	[tilespmem:s25+$0x1930] =	vst.add.f32.msk $0xffff, v60  }
0x2a6: {  	v62 =	vmax.f32 v57, $0.0e+00;
	v28 =	vmul.f32 v59, v3;
	v29 =	vadd.f32 v61, v18;
	[tilespmem:s25+$0x1940] =	vst.add.f32.msk $0xffff, v22  }
0x2a7: {  	v31 =	vmul.f32 v59, v5;
	v32 =	vmax.f32 v63, $0.0e+00;
	v30 =	vmul.f32 v59, v4;
	[tilespmem:s25+$0x1950] =	vst.add.f32.msk $0xffff, v62  }
0x2a8: {  	v38 =	vmul.f32 v59, v6;
	v33 =	vadd.f32 v28, v11;
	v34 =	vmax.f32 v29, $0.0e+00;
	[tilespmem:s25+$0x1960] =	vst.add.f32.msk $0xffff, v32;
	s28 =	spop (v2sf)  }
0x2a9: {  	v41 =	vmul.f32 v59, v8;
	v36 =	vadd.f32 v31, v13;
	v35 =	vadd.f32 v30, v12;
	s29 =	sshll.u32 s29, $0x4;
	[tilespmem:s25+$0x1970] =	vst.add.f32.msk $0xffff, v34;
	s30 =	sshll.u32 s28, $0x9  }
0x2aa: {  	v40 =	vadd.f32 v38, v14;
	v37 =	vmax.f32 v33, $0.0e+00;
	v39 =	vmul.f32 v59, v7;
	[tilespmem:s29+$0x11900] =	vst.add.f32.msk $0xffff, v2;
	s31 =	sshra.s32 s30, $0x2  }
0x2ab: {  	v43 =	vmul.f32 v59, v9;
	v22 =	vmax.f32 v35, $0.0e+00;
	(v2sf) =	vpush v20, $0xC;
	[tilespmem:s31+$0x1900] =	vst.add.f32.msk $0xffff, v37  }
0x2ac: {  	v44 =	vbroadcast v19, $0xB;
	v24 =	vmax.f32 v36, $0.0e+00;
	v42 =	vadd.f32 v39, v15;
	[tilespmem:s31+$0x1910] =	vst.add.f32.msk $0xffff, v22  }
0x2ad: {  	v21 =	vmax.f32 v40, $0.0e+00;
	v45 =	vmul.f32 v59, v10;
	v23 =	vadd.f32 v41, v16;
	[tilespmem:s31+$0x1920] =	vst.add.f32.msk $0xffff, v24  }
0x2ae: {  	v47 =	vadd.f32 v43, v17;
	v46 =	vmax.f32 v42, $0.0e+00;
	[tilespmem:s31+$0x1930] =	vst.add.f32.msk $0xffff, v21  }
0x2af: {  	v48 =	vmul.f32 v44, v3;
	v50 =	vadd.f32 v45, v18;
	v49 =	vmax.f32 v23, $0.0e+00;
	[tilespmem:s31+$0x1940] =	vst.add.f32.msk $0xffff, v46  }
0x2b0: {  	v52 =	vmax.f32 v47, $0.0e+00;
	v54 =	vmul.f32 v44, v5;
	v51 =	vmul.f32 v44, v4;
	[tilespmem:s31+$0x1950] =	vst.add.f32.msk $0xffff, v49  }
0x2b1: {  	v57 =	vmul.f32 v44, v6;
	v53 =	vadd.f32 v48, v11;
	v55 =	vmax.f32 v50, $0.0e+00;
	[tilespmem:s31+$0x1960] =	vst.add.f32.msk $0xffff, v52;
	s26 =	spop (v2sf)  }
0x2b2: {  	v61 =	vmul.f32 v44, v8;
	v31 =	vmul.f32 v44, v9;
	v56 =	vadd.f32 v51, v12;
	s28 =	sshll.u32 s28, $0x4;
	[tilespmem:s31+$0x1970] =	vst.add.f32.msk $0xffff, v55;
	s29 =	sshll.u32 s26, $0x9  }
0x2b3: {  	v59 =	vadd.f32 v54, v13;
	v58 =	vmax.f32 v53, $0.0e+00;
	v60 =	vmul.f32 v44, v7;
	[tilespmem:s28+$0x11900] =	vst.add.f32.msk $0xffff, v2;
	s30 =	sshra.s32 s29, $0x2  }
0x2b4: {  	v23 =	vmax.f32 v56, $0.0e+00;
	v24 =	vadd.f32 v57, v14;
	(v2sf) =	vpush v20, $0xD;
	[tilespmem:s30+$0x1900] =	vst.add.f32.msk $0xffff, v58  }
0x2b5: {  	v30 =	vadd.f32 v61, v16;
	v62 =	vmax.f32 v59, $0.0e+00;
	v63 =	vadd.f32 v60, v15;
	[tilespmem:s30+$0x1910] =	vst.add.f32.msk $0xffff, v23  }
0x2b6: {  	v32 =	vbroadcast v19, $0xC;
	v34 =	vmul.f32 v44, v10;
	v33 =	vmax.f32 v24, $0.0e+00;
	[tilespmem:s30+$0x1920] =	vst.add.f32.msk $0xffff, v62  }
0x2b7: {  	v36 =	vadd.f32 v31, v17;
	v53 =	vbroadcast v19, $0xD;
	v22 =	vmax.f32 v63, $0.0e+00;
	[tilespmem:s30+$0x1930] =	vst.add.f32.msk $0xffff, v33  }
0x2b8: {  	v35 =	vmax.f32 v30, $0.0e+00;
	v38 =	vadd.f32 v34, v18;
	v37 =	vmul.f32 v32, v3;
	[tilespmem:s30+$0x1940] =	vst.add.f32.msk $0xffff, v22  }
0x2b9: {  	v41 =	vmax.f32 v36, $0.0e+00;
	v39 =	vmul.f32 v32, v4;
	v40 =	vmul.f32 v32, v5;
	[tilespmem:s30+$0x1950] =	vst.add.f32.msk $0xffff, v35  }
0x2ba: {  	v47 =	vmul.f32 v32, v7;
	v43 =	vmax.f32 v38, $0.0e+00;
	v42 =	vadd.f32 v37, v11;
	[tilespmem:s30+$0x1960] =	vst.add.f32.msk $0xffff, v41;
	s31 =	spop (v2sf)  }
0x2bb: {  	v51 =	vmul.f32 v32, v10;
	v44 =	vadd.f32 v39, v12;
	v46 =	vmul.f32 v32, v6;
	s26 =	sshll.u32 s26, $0x4;
	[tilespmem:s30+$0x1970] =	vst.add.f32.msk $0xffff, v43;
	s28 =	sshll.u32 s31, $0x9  }
0x2bc: {  	v45 =	vadd.f32 v40, v13;
	v49 =	vmul.f32 v32, v8;
	v23 =	vmax.f32 v42, $0.0e+00;
	[tilespmem:s26+$0x11900] =	vst.add.f32.msk $0xffff, v2;
	s29 =	sshra.s32 s28, $0x2  }
0x2bd: {  	v21 =	vadd.f32 v46, v14;
	v22 =	vmax.f32 v44, $0.0e+00;
	(v2sf) =	vpush v20, $0xE;
	[tilespmem:s29+$0x1900] =	vst.add.f32.msk $0xffff, v23  }
0x2be: {  	v60 =	vmul.f32 v53, v4;
	v48 =	vadd.f32 v47, v15;
	v24 =	vmax.f32 v45, $0.0e+00;
	[tilespmem:s29+$0x1910] =	vst.add.f32.msk $0xffff, v22  }
0x2bf: {  	v50 =	vmul.f32 v32, v9;
	v52 =	vadd.f32 v49, v16;
	v21 =	vmax.f32 v21, $0.0e+00;
	[tilespmem:s29+$0x1920] =	vst.add.f32.msk $0xffff, v24  }
0x2c0: {  	v28 =	vadd.f32 v60, v12;
	v54 =	vmax.f32 v48, $0.0e+00;
	v55 =	vadd.f32 v51, v18;
	[tilespmem:s29+$0x1930] =	vst.add.f32.msk $0xffff, v21  }
0x2c1: {  	v57 =	vmul.f32 v53, v3;
	v56 =	vmax.f32 v52, $0.0e+00;
	v22 =	vadd.f32 v50, v17;
	[tilespmem:s29+$0x1940] =	vst.add.f32.msk $0xffff, v54  }
0x2c2: {  	v38 =	vmul.f32 v53, v10;
	v39 =	vbroadcast v19, $0xE;
	v59 =	vmax.f32 v55, $0.0e+00;
	[tilespmem:s29+$0x1950] =	vst.add.f32.msk $0xffff, v56  }
0x2c3: {  	v61 =	vadd.f32 v57, v11;
	v62 =	vmul.f32 v53, v5;
	[tilespmem:s29+$0x1970] =	vst.add.f32.msk $0xffff, v59;
	v58 =	vmax.f32 v22, $0.0e+00;
	s26 =	spop (v2sf)  }
0x2c4: {  	v19 =	vbroadcast v19, $0xF;
	v31 =	vmax.f32 v28, $0.0e+00;
	v63 =	vmul.f32 v53, v6;
	s30 =	sshll.u32 s31, $0x4;
	[tilespmem:s29+$0x1960] =	vst.add.f32.msk $0xffff, v58;
	s31 =	sshll.u32 s26, $0x9  }
0x2c5: {  	v35 =	vmul.f32 v53, v8;
	v29 =	vadd.f32 v62, v13;
	v21 =	vmax.f32 v61, $0.0e+00;
	[tilespmem:s30+$0x11900] =	vst.add.f32.msk $0xffff, v2;
	s28 =	sshra.s32 s31, $0x2  }
0x2c6: {  	v32 =	vmul.f32 v53, v7;
	v30 =	vadd.f32 v63, v14;
	(v2sf) =	vpush v20, $0xF;
	[tilespmem:s28+$0x1900] =	vst.add.f32.msk $0xffff, v21  }
0x2c7: {  	v37 =	vadd.f32 v35, v16;
	v33 =	vmax.f32 v29, $0.0e+00;
	v20 =	vmul.f32 v53, v9;
	[tilespmem:s28+$0x1910] =	vst.add.f32.msk $0xffff, v31  }
0x2c8: {  	v47 =	vmul.f32 v39, v7;
	v36 =	vadd.f32 v32, v15;
	v34 =	vmax.f32 v30, $0.0e+00;
	[tilespmem:s28+$0x1920] =	vst.add.f32.msk $0xffff, v33  }
0x2c9: {  	v48 =	vmul.f32 v39, v8;
	v40 =	vmax.f32 v37, $0.0e+00;
	v20 =	vadd.f32 v20, v17;
	[tilespmem:s28+$0x1930] =	vst.add.f32.msk $0xffff, v34  }
0x2ca: {  	v41 =	vadd.f32 v38, v18;
	v42 =	vmul.f32 v39, v3;
	v21 =	vmax.f32 v36, $0.0e+00;
	[tilespmem:s28+$0x1950] =	vst.add.f32.msk $0xffff, v40  }
0x2cb: {  	v45 =	vmul.f32 v39, v5;
	v43 =	vmul.f32 v39, v4;
	[tilespmem:s28+$0x1940] =	vst.add.f32.msk $0xffff, v21;
	v20 =	vmax.f32 v20, $0.0e+00  }
0x2cc: {  	v46 =	vmul.f32 v39, v6;
	v44 =	vadd.f32 v42, v11;
	[tilespmem:s28+$0x1960] =	vst.add.f32.msk $0xffff, v20;
	v20 =	vmax.f32 v41, $0.0e+00;
	s29 =	spop (v2sf)  }
0x2cd: {  	v49 =	vadd.f32 v47, v15;
	v57 =	vmul.f32 v19, v6;
	s30 =	sshll.u32 s26, $0x4;
	[tilespmem:s28+$0x1970] =	vst.add.f32.msk $0xffff, v20;
	v20 =	vadd.f32 v43, v12;
	s31 =	sshll.u32 s29, $0x9  }
0x2ce: {  	v23 =	vadd.f32 v45, v13;
	v50 =	vmul.f32 v39, v9;
	v22 =	vmax.f32 v44, $0.0e+00;
	[tilespmem:s30+$0x11900] =	vst.add.f32.msk $0xffff, v2;
	s26 =	sshra.s32 s31, $0x2  }
0x2cf: {  	v24 =	vmul.f32 v39, v10;
	v21 =	vadd.f32 v46, v14;
	v20 =	vmax.f32 v20, $0.0e+00;
	[tilespmem:s26+$0x1900] =	vst.add.f32.msk $0xffff, v22  }
0x2d0: {  	v54 =	vmul.f32 v19, v4;
	v56 =	vmul.f32 v19, v5;
	[tilespmem:s26+$0x1910] =	vst.add.f32.msk $0xffff, v20;
	v20 =	vmax.f32 v23, $0.0e+00  }
0x2d1: {  	v59 =	vmul.f32 v19, v8;
	v23 =	vadd.f32 v48, v16;
	[tilespmem:s26+$0x1920] =	vst.add.f32.msk $0xffff, v20;
	v20 =	vmax.f32 v21, $0.0e+00  }
0x2d2: {  	v61 =	vmul.f32 v19, v9;
	v51 =	vadd.f32 v50, v17;
	[tilespmem:s26+$0x1930] =	vst.add.f32.msk $0xffff, v20;
	v20 =	vmax.f32 v49, $0.0e+00  }
0x2d3: {  	v52 =	vadd.f32 v24, v18;
	v53 =	vmul.f32 v19, v3;
	[tilespmem:s26+$0x1940] =	vst.add.f32.msk $0xffff, v20;
	v20 =	vmax.f32 v23, $0.0e+00  }
0x2d4: {  	v58 =	vmul.f32 v19, v7;
	v19 =	vmul.f32 v19, v10;
	[tilespmem:s26+$0x1950] =	vst.add.f32.msk $0xffff, v20;
	v20 =	vmax.f32 v51, $0.0e+00  }
0x2d5: {  	v55 =	vadd.f32 v53, v11;
	s28 =	spop (v2sf);
	[tilespmem:s26+$0x1960] =	vst.add.f32.msk $0xffff, v20;
	v20 =	vmax.f32 v52, $0.0e+00  }
0x2d6: {  	v19 =	vadd.f32 v19, v18;
	s22 =	sshll.u32 s29, $0x4;
	s29 =	sshll.u32 s28, $0x9;
	[tilespmem:s26+$0x1970] =	vst.add.f32.msk $0xffff, v20  }
0x2d7: {  	v22 =	vmax.f32 v55, $0.0e+00;
	v20 =	vadd.f32 v54, v12;
	s30 =	sshra.s32 s29, $0x2;
	[tilespmem:s22+$0x11900] =	vst.add.f32.msk $0xffff, v2  }
0x2d8: {  	v19 =	vmax.f32 v19, $0.0e+00;
	v23 =	vadd.f32 v56, v13;
	[tilespmem:s30+$0x1900] =	vst.add.f32.msk $0xffff, v22  }
0x2d9: {  	v21 =	vadd.f32 v57, v14;
	v20 =	vmax.f32 v20, $0.0e+00;
	[tilespmem:s30+$0x1970] =	vst.add.f32.msk $0xffff, v19  }
0x2da: {  	s19 =	sadd.s32 $0x4, s19;
	v60 =	vadd.f32 v58, v15;
	[tilespmem:s30+$0x1910] =	vst.add.f32.msk $0xffff, v20;
	v20 =	vmax.f32 v23, $0.0e+00  }
0x2db: {  	p1 =	slt.u32 s19, $0xC0;
	v62 =	vadd.f32 v59, v16;
	[tilespmem:s30+$0x1920] =	vst.add.f32.msk $0xffff, v20;
	v20 =	vmax.f32 v21, $0.0e+00  }
.Ltmp4:
0x2dc: {  	v63 =	vadd.f32 v61, v17;
	[tilespmem:s30+$0x1930] =	vst.add.f32.msk $0xffff, v20;
	v20 =	vmax.f32 v60, $0.0e+00;
	(pc) =	sbr.rel @p1 .LBB2_9-.Ltmp4, $4  }
0x2dd: {  	[tilespmem:s30+$0x1940] =	vst.add.f32.msk $0xffff, v20;
	v20 =	vmax.f32 v62, $0.0e+00  }
0x2de: {  	[tilespmem:s30+$0x1950] =	vst.add.f32.msk $0xffff, v20;
	v20 =	vmax.f32 v63, $0.0e+00  }
0x2df: {  	s31 =	sshll.u32 s28, $0x4;
	[tilespmem:s30+$0x1960] =	vst.add.f32.msk $0xffff, v20  }
0x2e0: {  	s20 =	sadd.s32 $0x40, s20;
	s21 =	sadd.s32 $0x40, s21;
	[tilespmem:s31+$0x11900] =	vst.add.f32.msk $0xffff, v2  }
0x2e1: {  	s18 =	sadd.s32 $0x1, s18  }
0x2e2: {  	p1 =	sne.s32 s18, s10  }
.Ltmp5:
0x2e3: {  	_ = 	snop;
	(pc) =	sbr.rel @p1 .LBB2_1-.Ltmp5, $4  }
0x2e4: {  	[hbm4b:s9+s4] =	stream.linear.scatter [tilespmem:s17], [sflag:$0x3], $0x12800, $0x38;
	[tilespmem:$0x14200] =	vst v63  }
0x2e5: {  	_ =	swait.ge [sflag:s15], $0x12800  }
0x2e6: {  	[sflag:s15] =	ssyncset.done $0x0  }
0x2e7: {  	[sflag:s15] =	ssyncadd.s32 $0xFFFED800  }
0x2e8: {  	_ =	sfence.sel $0x180000  }
0x2e9: {  	[bflag:$0x0] =	sbarrier.arrive $0xFFFF  }
0x2ea: {  	p0 =	sne.s32 s0, $0x0;
	_ =	strace $0x90000047  }
0x2eb: {  	s0 =	sadd.s32 @!p0 $0x100000, s1;
	[bflag:$0x2] =	sbarrier.arrive $0xFFFF  }
0x2ec: {  	[sflag:s0] =	ssyncadd.tile.s32 @!p0 $0x1;
	_ =	shalt  }
.Lfunc_end2:
_tile_overlayer_lowered:
.L_overlay_start_2:
0x2ed: {  	(tag) =	ssettag $0x2  }
0x2ee: {  	s0 =	rddreg [dreg:$0x0];
	s2 =	stileid.u32  }
0x2ef: {  	s1 =	rddreg [dreg:$0x1];
	p0 =	sne.s32 s2, $0x0  }
0x2f0: {  	s3 =	rddreg [dreg:$0x2];
	[bflag:$0x3] =	sbarrier.arrive $0xFFFF;
	s2 =	simm.s32 @!p0 $0x1C03  }
0x2f1: {  	[timem:s3], [sflag:s2] =	dma.local @!p0 [hbm:s0], s1  }
0x2f2: {  	s0 =	simm.s32 @!p0 $0x3  }
0x2f3: {  	_ =	swait.ge @!p0 [sflag:s0], s1  }
0x2f4: {  	s1 =	ssub.s32 @!p0 $0x0, s1;
	[sflag:s0] =	ssyncset.done @!p0 $0x0  }
0x2f5: {  	[sflag:s0] =	ssyncadd.s32 @!p0 s1  }
0x2f6: {  	[bflag:$0x3] =	sbarrier.arrive $0xFFFF  }
0x2f7: {  	_ =	shalt  }

</sc_bundles>
